<compile_context>
chip_gen: v7x
topology: tpu7x:2x2x1
jax: 0.10.2.dev20260603
libtpu: 0.0.44.dev20260713+nightly
codegen_flags: <defaults>
</compile_context>

<pallas_src>
import functools

import jax
import jax.numpy as jnp
from jax import lax
from jax.experimental import pallas as pl
from jax.experimental.pallas import tpu as pltpu
from jax.experimental.pallas import tpu_sc as plsc


def _make_lookup(B, L, V, D, interpret=False):
    NC, NS = 2, 16
    NW = NC * NS
    assert B % NW == 0
    seq_per_w = B // NW
    mesh = plsc.VectorSubcoreMesh(core_axis_name="c", subcore_axis_name="s",
                                  num_cores=NC, num_subcores=NS)

    @functools.partial(
        pl.kernel,
        out_type=jax.ShapeDtypeStruct((B * L, D), jnp.float32),
        mesh=mesh,
        scratch_types=[
            pltpu.VMEM((L,), jnp.int32),
            pltpu.VMEM((L,), jnp.int32),
            pltpu.VMEM((L, D), jnp.float32),
            pltpu.VMEM((L, D), jnp.float32),
            pltpu.VMEM((L, D), jnp.float32),
            pltpu.SemaphoreType.DMA,
            pltpu.SemaphoreType.DMA,
        ],
        interpret=interpret,
        name="wte_wpe_lookup",
        compiler_params=pltpu.CompilerParams(use_tc_tiling_on_sc=False),
    )
    def lookup(ids_hbm, wte_hbm, wpe_hbm, out_hbm,
               idx_0, idx_1, rows_0, rows_1, wpe_v, sem_0, sem_1):
        wid = lax.axis_index("s") * NC + lax.axis_index("c")
        base_seq = wid * seq_per_w

        pltpu.sync_copy(wpe_hbm, wpe_v)

        idx_bufs = (idx_0, idx_1)
        row_bufs = (rows_0, rows_1)
        sems = (sem_0, sem_1)

        def fire(i, slot):
            base = (base_seq + i) * L
            pltpu.sync_copy(ids_hbm.at[pl.ds(base, L)], idx_bufs[slot])
            return pltpu.async_copy(wte_hbm.at[idx_bufs[slot]],
                                    row_bufs[slot], sems[slot])

        pending = fire(0, 0)
        for i in range(seq_per_w):
            slot = i % 2
            nxt = fire(i + 1, 1 - slot) if i + 1 < seq_per_w else None
            pending.wait()
            rows_v = row_bufs[slot]

            def row_body(r, c2):
                for j in range(D // 16):
                    sl = pl.ds(j * 16, 16)
                    rows_v[r, sl] = rows_v[r, sl] + wpe_v[r, sl]
                return c2

            lax.fori_loop(0, L, row_body, 0)
            base = (base_seq + i) * L
            pltpu.sync_copy(rows_v, out_hbm.at[pl.ds(base, L)])
            pending = nxt

    return lookup


def kernel(input_ids, wte_table, wpe_table):
    B, L = input_ids.shape
    V, D = wte_table.shape
    ids_flat = input_ids.reshape(B * L).astype(jnp.int32)
    wpe = wpe_table[:L]
    out = _make_lookup(B, L, V, D)(ids_flat, wte_table, wpe)
    return out.reshape(B, L, D)

# --- scband reference (transcript-rebuilt; emitter-appended) ---
"""Pipeline reference for scband-imeembedding-16647293239318 (READ-ONLY COPY).

The authoritative reference and input builder live on the scoring server;
editing this copy changes nothing except your own understanding.
"""

import jax, jax.numpy as jnp
import numpy as np

VOCAB = 1000000
MAX_POS = 512
DIM = 64
B = 1024
L = 200

def setup_inputs(seed: int = 0) -> dict:
    key = jax.random.key(seed)
    k1, k2, k3 = jax.random.split(key, 3)
    input_ids = jax.random.randint(k1, (B, L), 0, VOCAB, dtype=jnp.int64 if jax.config.jax_enable_x64 else jnp.int32)
    wte_table = jax.random.normal(k2, (VOCAB, DIM), dtype=jnp.float32) * 0.02
    wpe_table = jax.random.normal(k3, (MAX_POS, DIM), dtype=jnp.float32) * 0.02
    return {"input_ids": input_ids, "wte_table": wte_table, "wpe_table": wpe_table}

def reference(input_ids, wte_table, wpe_table):
    # input_ids: [B, L] -> view(-1, L) is identity for 2D input
    input_shape = input_ids.shape
    ids = input_ids.reshape(-1, input_shape[-1])
    position_ids = jnp.arange(0, input_shape[-1], dtype=ids.dtype)[None, :]  # [1, L]
    inputs_embeds = jnp.take(wte_table, ids, axis=0)          # [B, L, D] gather
    position_embeds = jnp.take(wpe_table, position_ids, axis=0)  # [1, L, D] gather
    hidden_states = inputs_embeds + position_embeds
    return hidden_states

if __name__ == "__main__":
    import jax
    _d = setup_inputs()
    print(jax.jit(kernel)(*tuple(_d.values())))

</pallas_src>

<mosaic_0001>
#map = affine_map<(d0, d1) -> (0)>
#map1 = affine_map<(d0, d1) -> (0, 0)>
module attributes {stable_mosaic.version = 14 : i64} {
  func.func @wte_wpe_lookup(%arg0: i32, %arg1: i32, %arg2: memref<204800xi32, #tpu.memory_space<hbm>>, %arg3: memref<1000000x64xf32, #tpu.memory_space<hbm>>, %arg4: memref<200x64xf32, #tpu.memory_space<hbm>>, %arg5: memref<204800x64xf32, #tpu.memory_space<hbm>>, %arg6: memref<200xi32, #tpu.memory_space<vmem>>, %arg7: memref<200xi32, #tpu.memory_space<vmem>>, %arg8: memref<200x64xf32, #tpu.memory_space<vmem>>, %arg9: memref<200x64xf32, #tpu.memory_space<vmem>>, %arg10: memref<200x64xf32, #tpu.memory_space<vmem>>, %arg11: memref<!tpu.dma_semaphore, #tpu.memory_space<semaphore_mem>>, %arg12: memref<!tpu.dma_semaphore, #tpu.memory_space<semaphore_mem>>) attributes {dimension_semantics = [#tpu.dimension_semantics<core_parallel>, #tpu.dimension_semantics<subcore_parallel>], iteration_bounds = array<i64: 2, 16>, scalar_prefetch = 0 : i64, scratch_operands = 7 : i64, tpu.core_type = #tpu.core_type<sc_vector_subcore>, window_params = [{transform_indices = #map}, {transform_indices = #map1}, {transform_indices = #map1}, {transform_indices = #map1}]} {
    %mul3A = arith.constant 2 : i32
    %mul3A_0 = arith.muli %arg1, %mul3A : i32
    %add3A = arith.addi %mul3A_0, %arg0 : i32
    %mul3A_1 = arith.constant 32 : i32
    %mul3A_2 = arith.muli %add3A, %mul3A_1 : i32
    "tpu.region"() ({
      %run_scoped3A = tpu.sem_alloc : memref<!tpu.dma_semaphore, #tpu.memory_space<semaphore_mem>>
      tpu.enqueue_dma source(%arg4 : memref<200x64xf32, #tpu.memory_space<hbm>>) target(%arg10 : memref<200x64xf32, #tpu.memory_space<vmem>>) target_semaphore(%run_scoped3A : memref<!tpu.dma_semaphore, #tpu.memory_space<semaphore_mem>>)
      tpu.wait_dma2 semaphore(%run_scoped3A : memref<!tpu.dma_semaphore, #tpu.memory_space<semaphore_mem>>) src(%arg4 : memref<200x64xf32, #tpu.memory_space<hbm>>) dst(%arg10 : memref<200x64xf32, #tpu.memory_space<vmem>>)
      tpu.yield
    }) : () -> ()
    %add3A_3 = arith.constant 0 : i32
    %add3A_4 = arith.addi %mul3A_2, %add3A_3 : i32
    %mul3A_5 = arith.constant 200 : i32
    %mul3A_6 = arith.muli %add3A_4, %mul3A_5 : i32
    "tpu.region"() ({
      %run_scoped3A = tpu.sem_alloc : memref<!tpu.dma_semaphore, #tpu.memory_space<semaphore_mem>>
      %dma_start3A_640 = tpu.memref_slice %arg2[%mul3A_6] : memref<204800xi32, #tpu.memory_space<hbm>> -> memref<200xi32, #tpu.memory_space<hbm>>
      %dma_start3A_641 = tpu.memref_slice %arg2[%mul3A_6] : memref<204800xi32, #tpu.memory_space<hbm>> -> memref<200xi32, #tpu.memory_space<hbm>>
      tpu.enqueue_dma source(%dma_start3A_641 : memref<200xi32, #tpu.memory_space<hbm>>) target(%arg6 : memref<200xi32, #tpu.memory_space<vmem>>) target_semaphore(%run_scoped3A : memref<!tpu.dma_semaphore, #tpu.memory_space<semaphore_mem>>)
      %dma_wait3A_642 = tpu.memref_slice %arg2[%mul3A_6] : memref<204800xi32, #tpu.memory_space<hbm>> -> memref<200xi32, #tpu.memory_space<hbm>>
      %dma_wait3A_643 = tpu.memref_slice %arg2[%mul3A_6] : memref<204800xi32, #tpu.memory_space<hbm>> -> memref<200xi32, #tpu.memory_space<hbm>>
      tpu.wait_dma2 semaphore(%run_scoped3A : memref<!tpu.dma_semaphore, #tpu.memory_space<semaphore_mem>>) src(%dma_wait3A_643 : memref<200xi32, #tpu.memory_space<hbm>>) dst(%arg6 : memref<200xi32, #tpu.memory_space<vmem>>)
      tpu.yield
    }) : () -> ()
    %dma_start3A = arith.constant 0 : i32
    %dma_start3A_7 = arith.constant 0 : i32
    %dma_start3A_8 = tpu.memref_slice %arg3[%dma_start3A, %dma_start3A_7] : memref<1000000x64xf32, #tpu.memory_space<hbm>> -> memref<1000000x64xf32, #tpu.memory_space<hbm>>
    tpu.enqueue_indirect_dma source(%dma_start3A_8 : memref<1000000x64xf32, #tpu.memory_space<hbm>>) target(%arg8 : memref<200x64xf32, #tpu.memory_space<vmem>>) offsets(%arg6 : memref<200xi32, #tpu.memory_space<vmem>>) semaphore(%arg11 : memref<!tpu.dma_semaphore, #tpu.memory_space<semaphore_mem>>)
    %add3A_9 = arith.constant 1 : i32
    %add3A_10 = arith.addi %mul3A_2, %add3A_9 : i32
    %mul3A_11 = arith.constant 200 : i32
    %mul3A_12 = arith.muli %add3A_10, %mul3A_11 : i32
    "tpu.region"() ({
      %run_scoped3A = tpu.sem_alloc : memref<!tpu.dma_semaphore, #tpu.memory_space<semaphore_mem>>
      %dma_start3A_640 = tpu.memref_slice %arg2[%mul3A_12] : memref<204800xi32, #tpu.memory_space<hbm>> -> memref<200xi32, #tpu.memory_space<hbm>>
      %dma_start3A_641 = tpu.memref_slice %arg2[%mul3A_12] : memref<204800xi32, #tpu.memory_space<hbm>> -> memref<200xi32, #tpu.memory_space<hbm>>
      tpu.enqueue_dma source(%dma_start3A_641 : memref<200xi32, #tpu.memory_space<hbm>>) target(%arg7 : memref<200xi32, #tpu.memory_space<vmem>>) target_semaphore(%run_scoped3A : memref<!tpu.dma_semaphore, #tpu.memory_space<semaphore_mem>>)
      %dma_wait3A_642 = tpu.memref_slice %arg2[%mul3A_12] : memref<204800xi32, #tpu.memory_space<hbm>> -> memref<200xi32, #tpu.memory_space<hbm>>
      %dma_wait3A_643 = tpu.memref_slice %arg2[%mul3A_12] : memref<204800xi32, #tpu.memory_space<hbm>> -> memref<200xi32, #tpu.memory_space<hbm>>
      tpu.wait_dma2 semaphore(%run_scoped3A : memref<!tpu.dma_semaphore, #tpu.memory_space<semaphore_mem>>) src(%dma_wait3A_643 : memref<200xi32, #tpu.memory_space<hbm>>) dst(%arg7 : memref<200xi32, #tpu.memory_space<vmem>>)
      tpu.yield
    }) : () -> ()
    %dma_start3A_13 = arith.constant 0 : i32
    %dma_start3A_14 = arith.constant 0 : i32
    %dma_start3A_15 = tpu.memref_slice %arg3[%dma_start3A_13, %dma_start3A_14] : memref<1000000x64xf32, #tpu.memory_space<hbm>> -> memref<1000000x64xf32, #tpu.memory_space<hbm>>
    tpu.enqueue_indirect_dma source(%dma_start3A_15 : memref<1000000x64xf32, #tpu.memory_space<hbm>>) target(%arg9 : memref<200x64xf32, #tpu.memory_space<vmem>>) offsets(%arg7 : memref<200xi32, #tpu.memory_space<vmem>>) semaphore(%arg12 : memref<!tpu.dma_semaphore, #tpu.memory_space<semaphore_mem>>)
    %dma_wait3A = arith.constant 0 : i32
    %dma_wait3A_16 = arith.constant 0 : i32
    %dma_wait3A_17 = tpu.memref_slice %arg3[%dma_wait3A, %dma_wait3A_16] : memref<1000000x64xf32, #tpu.memory_space<hbm>> -> memref<1000000x64xf32, #tpu.memory_space<hbm>>
    tpu.wait_indirect_dma semaphore(%arg11 : memref<!tpu.dma_semaphore, #tpu.memory_space<semaphore_mem>>) src(%dma_wait3A_17 : memref<1000000x64xf32, #tpu.memory_space<hbm>>) dst(%arg8 : memref<200x64xf32, #tpu.memory_space<vmem>>)
    %scan3A = arith.constant 0 : i32
    %scan3A_18 = arith.constant 0 : i32
    %scan3A_19 = arith.constant 200 : i32
    %scan3A_20 = arith.addi %scan3A_18, %scan3A_19 : i32
    %scan3A_21 = arith.constant 1 : i32
    scf.for %scan3A_640 = %scan3A_18 to %scan3A_20 step %scan3A_21  : i32 {
      %get3A = arith.index_cast %scan3A_640 : i32 to index
      %get3A_641 = arith.constant 0 : index
      %get3A_642 = tpu.vector_load %arg8[%get3A, %get3A_641] {strides = array<i32>} : memref<200x64xf32, #tpu.memory_space<vmem>>, vector<1x16xf32>,
      %get3A_643 = vector.shape_cast %get3A_642 : vector<1x16xf32> to vector<16xf32>
      %get3A_644 = arith.index_cast %scan3A_640 : i32 to index
      %get3A_645 = arith.constant 0 : index
      %get3A_646 = tpu.vector_load %arg10[%get3A_644, %get3A_645] {strides = array<i32>} : memref<200x64xf32, #tpu.memory_space<vmem>>, vector<1x16xf32>,
      %get3A_647 = vector.shape_cast %get3A_646 : vector<1x16xf32> to vector<16xf32>
      %add3A_648 = arith.addf %get3A_643, %get3A_647 : vector<16xf32>
      %swap3A = arith.index_cast %scan3A_640 : i32 to index
      %swap3A_649 = arith.constant 0 : index
      %swap3A_650 = tpu.vector_load %arg8[%swap3A, %swap3A_649] {strides = array<i32>} : memref<200x64xf32, #tpu.memory_space<vmem>>, vector<1x16xf32>,
      %swap3A_651 = vector.shape_cast %swap3A_650 : vector<1x16xf32> to vector<16xf32>
      %swap3A_652 = vector.shape_cast %add3A_648 : vector<16xf32> to vector<1x16xf32>
      tpu.vector_store %arg8[%swap3A, %swap3A_649], %swap3A_652 {strides = array<i32>} : memref<200x64xf32, #tpu.memory_space<vmem>>, vector<1x16xf32>,
      %get3A_653 = arith.index_cast %scan3A_640 : i32 to index
      %get3A_654 = arith.constant 16 : index
      %get3A_655 = tpu.vector_load %arg8[%get3A_653, %get3A_654] {strides = array<i32>} : memref<200x64xf32, #tpu.memory_space<vmem>>, vector<1x16xf32>,
      %get3A_656 = vector.shape_cast %get3A_655 : vector<1x16xf32> to vector<16xf32>
      %get3A_657 = arith.index_cast %scan3A_640 : i32 to index
      %get3A_658 = arith.constant 16 : index
      %get3A_659 = tpu.vector_load %arg10[%get3A_657, %get3A_658] {strides = array<i32>} : memref<200x64xf32, #tpu.memory_space<vmem>>, vector<1x16xf32>,
      %get3A_660 = vector.shape_cast %get3A_659 : vector<1x16xf32> to vector<16xf32>
      %add3A_661 = arith.addf %get3A_656, %get3A_660 : vector<16xf32>
      %swap3A_662 = arith.index_cast %scan3A_640 : i32 to index
      %swap3A_663 = arith.constant 16 : index
      %swap3A_664 = tpu.vector_load %arg8[%swap3A_662, %swap3A_663] {strides = array<i32>} : memref<200x64xf32, #tpu.memory_space<vmem>>, vector<1x16xf32>,
      %swap3A_665 = vector.shape_cast %swap3A_664 : vector<1x16xf32> to vector<16xf32>
      %swap3A_666 = vector.shape_cast %add3A_661 : vector<16xf32> to vector<1x16xf32>
      tpu.vector_store %arg8[%swap3A_662, %swap3A_663], %swap3A_666 {strides = array<i32>} : memref<200x64xf32, #tpu.memory_space<vmem>>, vector<1x16xf32>,
      %get3A_667 = arith.index_cast %scan3A_640 : i32 to index
      %get3A_668 = arith.constant 32 : index
      %get3A_669 = tpu.vector_load %arg8[%get3A_667, %get3A_668] {strides = array<i32>} : memref<200x64xf32, #tpu.memory_space<vmem>>, vector<1x16xf32>,
      %get3A_670 = vector.shape_cast %get3A_669 : vector<1x16xf32> to vector<16xf32>
      %get3A_671 = arith.index_cast %scan3A_640 : i32 to index
      %get3A_672 = arith.constant 32 : index
      %get3A_673 = tpu.vector_load %arg10[%get3A_671, %get3A_672] {strides = array<i32>} : memref<200x64xf32, #tpu.memory_space<vmem>>, vector<1x16xf32>,
      %get3A_674 = vector.shape_cast %get3A_673 : vector<1x16xf32> to vector<16xf32>
      %add3A_675 = arith.addf %get3A_670, %get3A_674 : vector<16xf32>
      %swap3A_676 = arith.index_cast %scan3A_640 : i32 to index
      %swap3A_677 = arith.constant 32 : index
      %swap3A_678 = tpu.vector_load %arg8[%swap3A_676, %swap3A_677] {strides = array<i32>} : memref<200x64xf32, #tpu.memory_space<vmem>>, vector<1x16xf32>,
      %swap3A_679 = vector.shape_cast %swap3A_678 : vector<1x16xf32> to vector<16xf32>
      %swap3A_680 = vector.shape_cast %add3A_675 : vector<16xf32> to vector<1x16xf32>
      tpu.vector_store %arg8[%swap3A_676, %swap3A_677], %swap3A_680 {strides = array<i32>} : memref<200x64xf32, #tpu.memory_space<vmem>>, vector<1x16xf32>,
      %get3A_681 = arith.index_cast %scan3A_640 : i32 to index
      %get3A_682 = arith.constant 48 : index
      %get3A_683 = tpu.vector_load %arg8[%get3A_681, %get3A_682] {strides = array<i32>} : memref<200x64xf32, #tpu.memory_space<vmem>>, vector<1x16xf32>,
      %get3A_684 = vector.shape_cast %get3A_683 : vector<1x16xf32> to vector<16xf32>
      %get3A_685 = arith.index_cast %scan3A_640 : i32 to index
      %get3A_686 = arith.constant 48 : index
      %get3A_687 = tpu.vector_load %arg10[%get3A_685, %get3A_686] {strides = array<i32>} : memref<200x64xf32, #tpu.memory_space<vmem>>, vector<1x16xf32>,
      %get3A_688 = vector.shape_cast %get3A_687 : vector<1x16xf32> to vector<16xf32>
      %add3A_689 = arith.addf %get3A_684, %get3A_688 : vector<16xf32>
      %swap3A_690 = arith.index_cast %scan3A_640 : i32 to index
      %swap3A_691 = arith.constant 48 : index
      %swap3A_692 = tpu.vector_load %arg8[%swap3A_690, %swap3A_691] {strides = array<i32>} : memref<200x64xf32, #tpu.memory_space<vmem>>, vector<1x16xf32>,
      %swap3A_693 = vector.shape_cast %swap3A_692 : vector<1x16xf32> to vector<16xf32>
      %swap3A_694 = vector.shape_cast %add3A_689 : vector<16xf32> to vector<1x16xf32>
      tpu.vector_store %arg8[%swap3A_690, %swap3A_691], %swap3A_694 {strides = array<i32>} : memref<200x64xf32, #tpu.memory_space<vmem>>, vector<1x16xf32>,
    }
    %scan3A_22 = arith.constant 200 : i32
    %add3A_23 = arith.constant 0 : i32
    %add3A_24 = arith.addi %mul3A_2, %add3A_23 : i32
    %mul3A_25 = arith.constant 200 : i32
    %mul3A_26 = arith.muli %add3A_24, %mul3A_25 : i32
    "tpu.region"() ({
      %run_scoped3A = tpu.sem_alloc : memref<!tpu.dma_semaphore, #tpu.memory_space<semaphore_mem>>
      %dma_start3A_640 = arith.constant 0 : i32
      %dma_start3A_641 = tpu.memref_slice %arg5[%mul3A_26, %dma_start3A_640] : memref<204800x64xf32, #tpu.memory_space<hbm>> -> memref<200x64xf32, #tpu.memory_space<hbm>>
      %dma_start3A_642 = arith.constant 0 : i32
      %dma_start3A_643 = tpu.memref_slice %arg5[%mul3A_26, %dma_start3A_642] : memref<204800x64xf32, #tpu.memory_space<hbm>> -> memref<200x64xf32, #tpu.memory_space<hbm>>
      tpu.enqueue_dma source(%arg8 : memref<200x64xf32, #tpu.memory_space<vmem>>) target(%dma_start3A_643 : memref<200x64xf32, #tpu.memory_space<hbm>>) target_semaphore(%run_scoped3A : memref<!tpu.dma_semaphore, #tpu.memory_space<semaphore_mem>>)
      %dma_wait3A_644 = arith.constant 0 : i32
      %dma_wait3A_645 = tpu.memref_slice %arg5[%mul3A_26, %dma_wait3A_644] : memref<204800x64xf32, #tpu.memory_space<hbm>> -> memref<200x64xf32, #tpu.memory_space<hbm>>
      %dma_wait3A_646 = arith.constant 0 : i32
      %dma_wait3A_647 = tpu.memref_slice %arg5[%mul3A_26, %dma_wait3A_646] : memref<204800x64xf32, #tpu.memory_space<hbm>> -> memref<200x64xf32, #tpu.memory_space<hbm>>
      tpu.wait_dma2 semaphore(%run_scoped3A : memref<!tpu.dma_semaphore, #tpu.memory_space<semaphore_mem>>) src(%arg8 : memref<200x64xf32, #tpu.memory_space<vmem>>) dst(%dma_wait3A_647 : memref<200x64xf32, #tpu.memory_space<hbm>>)
      tpu.yield
    }) : () -> ()
    %add3A_27 = arith.constant 2 : i32
    %add3A_28 = arith.addi %mul3A_2, %add3A_27 : i32
    %mul3A_29 = arith.constant 200 : i32
    %mul3A_30 = arith.muli %add3A_28, %mul3A_29 : i32
    "tpu.region"() ({
      %run_scoped3A = tpu.sem_alloc : memref<!tpu.dma_semaphore, #tpu.memory_space<semaphore_mem>>
      %dma_start3A_640 = tpu.memref_slice %arg2[%mul3A_30] : memref<204800xi32, #tpu.memory_space<hbm>> -> memref<200xi32, #tpu.memory_space<hbm>>
      %dma_start3A_641 = tpu.memref_slice %arg2[%mul3A_30] : memref<204800xi32, #tpu.memory_space<hbm>> -> memref<200xi32, #tpu.memory_space<hbm>>
      tpu.enqueue_dma source(%dma_start3A_641 : memref<200xi32, #tpu.memory_space<hbm>>) target(%arg6 : memref<200xi32, #tpu.memory_space<vmem>>) target_semaphore(%run_scoped3A : memref<!tpu.dma_semaphore, #tpu.memory_space<semaphore_mem>>)
      %dma_wait3A_642 = tpu.memref_slice %arg2[%mul3A_30] : memref<204800xi32, #tpu.memory_space<hbm>> -> memref<200xi32, #tpu.memory_space<hbm>>
      %dma_wait3A_643 = tpu.memref_slice %arg2[%mul3A_30] : memref<204800xi32, #tpu.memory_space<hbm>> -> memref<200xi32, #tpu.memory_space<hbm>>
      tpu.wait_dma2 semaphore(%run_scoped3A : memref<!tpu.dma_semaphore, #tpu.memory_space<semaphore_mem>>) src(%dma_wait3A_643 : memref<200xi32, #tpu.memory_space<hbm>>) dst(%arg6 : memref<200xi32, #tpu.memory_space<vmem>>)
      tpu.yield
    }) : () -> ()
    %dma_start3A_31 = arith.constant 0 : i32
    %dma_start3A_32 = arith.constant 0 : i32
    %dma_start3A_33 = tpu.memref_slice %arg3[%dma_start3A_31, %dma_start3A_32] : memref<1000000x64xf32, #tpu.memory_space<hbm>> -> memref<1000000x64xf32, #tpu.memory_space<hbm>>
    tpu.enqueue_indirect_dma source(%dma_start3A_33 : memref<1000000x64xf32, #tpu.memory_space<hbm>>) target(%arg8 : memref<200x64xf32, #tpu.memory_space<vmem>>) offsets(%arg6 : memref<200xi32, #tpu.memory_space<vmem>>) semaphore(%arg11 : memref<!tpu.dma_semaphore, #tpu.memory_space<semaphore_mem>>)
    %dma_wait3A_34 = arith.constant 0 : i32
    %dma_wait3A_35 = arith.constant 0 : i32
    %dma_wait3A_36 = tpu.memref_slice %arg3[%dma_wait3A_34, %dma_wait3A_35] : memref<1000000x64xf32, #tpu.memory_space<hbm>> -> memref<1000000x64xf32, #tpu.memory_space<hbm>>
    tpu.wait_indirect_dma semaphore(%arg12 : memref<!tpu.dma_semaphore, #tpu.memory_space<semaphore_mem>>) src(%dma_wait3A_36 : memref<1000000x64xf32, #tpu.memory_space<hbm>>) dst(%arg9 : memref<200x64xf32, #tpu.memory_space<vmem>>)
    %scan3A_37 = arith.constant 0 : i32
    %scan3A_38 = arith.constant 0 : i32
    %scan3A_39 = arith.constant 200 : i32
    %scan3A_40 = arith.addi %scan3A_38, %scan3A_39 : i32
    %scan3A_41 = arith.constant 1 : i32
    scf.for %scan3A_640 = %scan3A_38 to %scan3A_40 step %scan3A_41  : i32 {
      %get3A = arith.index_cast %scan3A_640 : i32 to index
      %get3A_641 = arith.constant 0 : index
      %get3A_642 = tpu.vector_load %arg9[%get3A, %get3A_641] {strides = array<i32>} : memref<200x64xf32, #tpu.memory_space<vmem>>, vector<1x16xf32>,
      %get3A_643 = vector.shape_cast %get3A_642 : vector<1x16xf32> to vector<16xf32>
      %get3A_644 = arith.index_cast %scan3A_640 : i32 to index
      %get3A_645 = arith.constant 0 : index
      %get3A_646 = tpu.vector_load %arg10[%get3A_644, %get3A_645] {strides = array<i32>} : memref<200x64xf32, #tpu.memory_space<vmem>>, vector<1x16xf32>,
      %get3A_647 = vector.shape_cast %get3A_646 : vector<1x16xf32> to vector<16xf32>
      %add3A_648 = arith.addf %get3A_643, %get3A_647 : vector<16xf32>
      %swap3A = arith.index_cast %scan3A_640 : i32 to index
      %swap3A_649 = arith.constant 0 : index
      %swap3A_650 = tpu.vector_load %arg9[%swap3A, %swap3A_649] {strides = array<i32>} : memref<200x64xf32, #tpu.memory_space<vmem>>, vector<1x16xf32>,
      %swap3A_651 = vector.shape_cast %swap3A_650 : vector<1x16xf32> to vector<16xf32>
      %swap3A_652 = vector.shape_cast %add3A_648 : vector<16xf32> to vector<1x16xf32>
      tpu.vector_store %arg9[%swap3A, %swap3A_649], %swap3A_652 {strides = array<i32>} : memref<200x64xf32, #tpu.memory_space<vmem>>, vector<1x16xf32>,
      %get3A_653 = arith.index_cast %scan3A_640 : i32 to index
      %get3A_654 = arith.constant 16 : index
      %get3A_655 = tpu.vector_load %arg9[%get3A_653, %get3A_654] {strides = array<i32>} : memref<200x64xf32, #tpu.memory_space<vmem>>, vector<1x16xf32>,
      %get3A_656 = vector.shape_cast %get3A_655 : vector<1x16xf32> to vector<16xf32>
      %get3A_657 = arith.index_cast %scan3A_640 : i32 to index
      %get3A_658 = arith.constant 16 : index
      %get3A_659 = tpu.vector_load %arg10[%get3A_657, %get3A_658] {strides = array<i32>} : memref<200x64xf32, #tpu.memory_space<vmem>>, vector<1x16xf32>,
      %get3A_660 = vector.shape_cast %get3A_659 : vector<1x16xf32> to vector<16xf32>
      %add3A_661 = arith.addf %get3A_656, %get3A_660 : vector<16xf32>
      %swap3A_662 = arith.index_cast %scan3A_640 : i32 to index
      %swap3A_663 = arith.constant 16 : index
      %swap3A_664 = tpu.vector_load %arg9[%swap3A_662, %swap3A_663] {strides = array<i32>} : memref<200x64xf32, #tpu.memory_space<vmem>>, vector<1x16xf32>,
      %swap3A_665 = vector.shape_cast %swap3A_664 : vector<1x16xf32> to vector<16xf32>
      %swap3A_666 = vector.shape_cast %add3A_661 : vector<16xf32> to vector<1x16xf32>
      tpu.vector_store %arg9[%swap3A_662, %swap3A_663], %swap3A_666 {strides = array<i32>} : memref<200x64xf32, #tpu.memory_space<vmem>>, vector<1x16xf32>,
      %get3A_667 = arith.index_cast %scan3A_640 : i32 to index
      %get3A_668 = arith.constant 32 : index
      %get3A_669 = tpu.vector_load %arg9[%get3A_667, %get3A_668] {strides = array<i32>} : memref<200x64xf32, #tpu.memory_space<vmem>>, vector<1x16xf32>,
      %get3A_670 = vector.shape_cast %get3A_669 : vector<1x16xf32> to vector<16xf32>
      %get3A_671 = arith.index_cast %scan3A_640 : i32 to index
      %get3A_672 = arith.constant 32 : index
      %get3A_673 = tpu.vector_load %arg10[%get3A_671, %get3A_672] {strides = array<i32>} : memref<200x64xf32, #tpu.memory_space<vmem>>, vector<1x16xf32>,
      %get3A_674 = vector.shape_cast %get3A_673 : vector<1x16xf32> to vector<16xf32>
      %add3A_675 = arith.addf %get3A_670, %get3A_674 : vector<16xf32>
      %swap3A_676 = arith.index_cast %scan3A_640 : i32 to index
      %swap3A_677 = arith.constant 32 : index
      %swap3A_678 = tpu.vector_load %arg9[%swap3A_676, %swap3A_677] {strides = array<i32>} : memref<200x64xf32, #tpu.memory_space<vmem>>, vector<1x16xf32>,
      %swap3A_679 = vector.shape_cast %swap3A_678 : vector<1x16xf32> to vector<16xf32>
      %swap3A_680 = vector.shape_cast %add3A_675 : vector<16xf32> to vector<1x16xf32>
      tpu.vector_store %arg9[%swap3A_676, %swap3A_677], %swap3A_680 {strides = array<i32>} : memref<200x64xf32, #tpu.memory_space<vmem>>, vector<1x16xf32>,
      %get3A_681 = arith.index_cast %scan3A_640 : i32 to index
      %get3A_682 = arith.constant 48 : index
      %get3A_683 = tpu.vector_load %arg9[%get3A_681, %get3A_682] {strides = array<i32>} : memref<200x64xf32, #tpu.memory_space<vmem>>, vector<1x16xf32>,
      %get3A_684 = vector.shape_cast %get3A_683 : vector<1x16xf32> to vector<16xf32>
      %get3A_685 = arith.index_cast %scan3A_640 : i32 to index
      %get3A_686 = arith.constant 48 : index
      %get3A_687 = tpu.vector_load %arg10[%get3A_685, %get3A_686] {strides = array<i32>} : memref<200x64xf32, #tpu.memory_space<vmem>>, vector<1x16xf32>,
      %get3A_688 = vector.shape_cast %get3A_687 : vector<1x16xf32> to vector<16xf32>
      %add3A_689 = arith.addf %get3A_684, %get3A_688 : vector<16xf32>
      %swap3A_690 = arith.index_cast %scan3A_640 : i32 to index
      %swap3A_691 = arith.constant 48 : index
      %swap3A_692 = tpu.vector_load %arg9[%swap3A_690, %swap3A_691] {strides = array<i32>} : memref<200x64xf32, #tpu.memory_space<vmem>>, vector<1x16xf32>,
      %swap3A_693 = vector.shape_cast %swap3A_692 : vector<1x16xf32> to vector<16xf32>
      %swap3A_694 = vector.shape_cast %add3A_689 : vector<16xf32> to vector<1x16xf32>
      tpu.vector_store %arg9[%swap3A_690, %swap3A_691], %swap3A_694 {strides = array<i32>} : memref<200x64xf32, #tpu.memory_space<vmem>>, vector<1x16xf32>,
    }
    %scan3A_42 = arith.constant 200 : i32
    %add3A_43 = arith.constant 1 : i32
    %add3A_44 = arith.addi %mul3A_2, %add3A_43 : i32
    %mul3A_45 = arith.constant 200 : i32
    %mul3A_46 = arith.muli %add3A_44, %mul3A_45 : i32
    "tpu.region"() ({
      %run_scoped3A = tpu.sem_alloc : memref<!tpu.dma_semaphore, #tpu.memory_space<semaphore_mem>>
      %dma_start3A_640 = arith.constant 0 : i32
      %dma_start3A_641 = tpu.memref_slice %arg5[%mul3A_46, %dma_start3A_640] : memref<204800x64xf32, #tpu.memory_space<hbm>> -> memref<200x64xf32, #tpu.memory_space<hbm>>
      %dma_start3A_642 = arith.constant 0 : i32
      %dma_start3A_643 = tpu.memref_slice %arg5[%mul3A_46, %dma_start3A_642] : memref<204800x64xf32, #tpu.memory_space<hbm>> -> memref<200x64xf32, #tpu.memory_space<hbm>>
      tpu.enqueue_dma source(%arg9 : memref<200x64xf32, #tpu.memory_space<vmem>>) target(%dma_start3A_643 : memref<200x64xf32, #tpu.memory_space<hbm>>) target_semaphore(%run_scoped3A : memref<!tpu.dma_semaphore, #tpu.memory_space<semaphore_mem>>)
      %dma_wait3A_644 = arith.constant 0 : i32
      %dma_wait3A_645 = tpu.memref_slice %arg5[%mul3A_46, %dma_wait3A_644] : memref<204800x64xf32, #tpu.memory_space<hbm>> -> memref<200x64xf32, #tpu.memory_space<hbm>>
      %dma_wait3A_646 = arith.constant 0 : i32
      %dma_wait3A_647 = tpu.memref_slice %arg5[%mul3A_46, %dma_wait3A_646] : memref<204800x64xf32, #tpu.memory_space<hbm>> -> memref<200x64xf32, #tpu.memory_space<hbm>>
      tpu.wait_dma2 semaphore(%run_scoped3A : memref<!tpu.dma_semaphore, #tpu.memory_space<semaphore_mem>>) src(%arg9 : memref<200x64xf32, #tpu.memory_space<vmem>>) dst(%dma_wait3A_647 : memref<200x64xf32, #tpu.memory_space<hbm>>)
      tpu.yield
    }) : () -> ()
    %add3A_47 = arith.constant 3 : i32
    %add3A_48 = arith.addi %mul3A_2, %add3A_47 : i32
    %mul3A_49 = arith.constant 200 : i32
    %mul3A_50 = arith.muli %add3A_48, %mul3A_49 : i32
    "tpu.region"() ({
      %run_scoped3A = tpu.sem_alloc : memref<!tpu.dma_semaphore, #tpu.memory_space<semaphore_mem>>
      %dma_start3A_640 = tpu.memref_slice %arg2[%mul3A_50] : memref<204800xi32, #tpu.memory_space<hbm>> -> memref<200xi32, #tpu.memory_space<hbm>>
      %dma_start3A_641 = tpu.memref_slice %arg2[%mul3A_50] : memref<204800xi32, #tpu.memory_space<hbm>> -> memref<200xi32, #tpu.memory_space<hbm>>
      tpu.enqueue_dma source(%dma_start3A_641 : memref<200xi32, #tpu.memory_space<hbm>>) target(%arg7 : memref<200xi32, #tpu.memory_space<vmem>>) target_semaphore(%run_scoped3A : memref<!tpu.dma_semaphore, #tpu.memory_space<semaphore_mem>>)
      %dma_wait3A_642 = tpu.memref_slice %arg2[%mul3A_50] : memref<204800xi32, #tpu.memory_space<hbm>> -> memref<200xi32, #tpu.memory_space<hbm>>
      %dma_wait3A_643 = tpu.memref_slice %arg2[%mul3A_50] : memref<204800xi32, #tpu.memory_space<hbm>> -> memref<200xi32, #tpu.memory_space<hbm>>
      tpu.wait_dma2 semaphore(%run_scoped3A : memref<!tpu.dma_semaphore, #tpu.memory_space<semaphore_mem>>) src(%dma_wait3A_643 : memref<200xi32, #tpu.memory_space<hbm>>) dst(%arg7 : memref<200xi32, #tpu.memory_space<vmem>>)
      tpu.yield
    }) : () -> ()
    %dma_start3A_51 = arith.constant 0 : i32
    %dma_start3A_52 = arith.constant 0 : i32
    %dma_start3A_53 = tpu.memref_slice %arg3[%dma_start3A_51, %dma_start3A_52] : memref<1000000x64xf32, #tpu.memory_space<hbm>> -> memref<1000000x64xf32, #tpu.memory_space<hbm>>
    tpu.enqueue_indirect_dma source(%dma_start3A_53 : memref<1000000x64xf32, #tpu.memory_space<hbm>>) target(%arg9 : memref<200x64xf32, #tpu.memory_space<vmem>>) offsets(%arg7 : memref<200xi32, #tpu.memory_space<vmem>>) semaphore(%arg12 : memref<!tpu.dma_semaphore, #tpu.memory_space<semaphore_mem>>)
    %dma_wait3A_54 = arith.constant 0 : i32
    %dma_wait3A_55 = arith.constant 0 : i32
    %dma_wait3A_56 = tpu.memref_slice %arg3[%dma_wait3A_54, %dma_wait3A_55] : memref<1000000x64xf32, #tpu.memory_space<hbm>> -> memref<1000000x64xf32, #tpu.memory_space<hbm>>
    tpu.wait_indirect_dma semaphore(%arg11 : memref<!tpu.dma_semaphore, #tpu.memory_space<semaphore_mem>>) src(%dma_wait3A_56 : memref<1000000x64xf32, #tpu.memory_space<hbm>>) dst(%arg8 : memref<200x64xf32, #tpu.memory_space<vmem>>)
    %scan3A_57 = arith.constant 0 : i32
    %scan3A_58 = arith.constant 0 : i32
    %scan3A_59 = arith.constant 200 : i32
    %scan3A_60 = arith.addi %scan3A_58, %scan3A_59 : i32
    %scan3A_61 = arith.constant 1 : i32
    scf.for %scan3A_640 = %scan3A_58 to %scan3A_60 step %scan3A_61  : i32 {
      %get3A = arith.index_cast %scan3A_640 : i32 to index
      %get3A_641 = arith.constant 0 : index
      %get3A_642 = tpu.vector_load %arg8[%get3A, %get3A_641] {strides = array<i32>} : memref<200x64xf32, #tpu.memory_space<vmem>>, vector<1x16xf32>,
      %get3A_643 = vector.shape_cast %get3A_642 : vector<1x16xf32> to vector<16xf32>
      %get3A_644 = arith.index_cast %scan3A_640 : i32 to index
      %get3A_645 = arith.constant 0 : index
      %get3A_646 = tpu.vector_load %arg10[%get3A_644, %get3A_645] {strides = array<i32>} : memref<200x64xf32, #tpu.memory_space<vmem>>, vector<1x16xf32>,
      %get3A_647 = vector.shape_cast %get3A_646 : vector<1x16xf32> to vector<16xf32>
      %add3A_648 = arith.addf %get3A_643, %get3A_647 : vector<16xf32>
      %swap3A = arith.index_cast %scan3A_640 : i32 to index
      %swap3A_649 = arith.constant 0 : index
      %swap3A_650 = tpu.vector_load %arg8[%swap3A, %swap3A_649] {strides = array<i32>} : memref<200x64xf32, #tpu.memory_space<vmem>>, vector<1x16xf32>,
      %swap3A_651 = vector.shape_cast %swap3A_650 : vector<1x16xf32> to vector<16xf32>
      %swap3A_652 = vector.shape_cast %add3A_648 : vector<16xf32> to vector<1x16xf32>
      tpu.vector_store %arg8[%swap3A, %swap3A_649], %swap3A_652 {strides = array<i32>} : memref<200x64xf32, #tpu.memory_space<vmem>>, vector<1x16xf32>,
      %get3A_653 = arith.index_cast %scan3A_640 : i32 to index
      %get3A_654 = arith.constant 16 : index
      %get3A_655 = tpu.vector_load %arg8[%get3A_653, %get3A_654] {strides = array<i32>} : memref<200x64xf32, #tpu.memory_space<vmem>>, vector<1x16xf32>,
      %get3A_656 = vector.shape_cast %get3A_655 : vector<1x16xf32> to vector<16xf32>
      %get3A_657 = arith.index_cast %scan3A_640 : i32 to index
      %get3A_658 = arith.constant 16 : index
      %get3A_659 = tpu.vector_load %arg10[%get3A_657, %get3A_658] {strides = array<i32>} : memref<200x64xf32, #tpu.memory_space<vmem>>, vector<1x16xf32>,
      %get3A_660 = vector.shape_cast %get3A_659 : vector<1x16xf32> to vector<16xf32>
      %add3A_661 = arith.addf %get3A_656, %get3A_660 : vector<16xf32>
      %swap3A_662 = arith.index_cast %scan3A_640 : i32 to index
      %swap3A_663 = arith.constant 16 : index
      %swap3A_664 = tpu.vector_load %arg8[%swap3A_662, %swap3A_663] {strides = array<i32>} : memref<200x64xf32, #tpu.memory_space<vmem>>, vector<1x16xf32>,
      %swap3A_665 = vector.shape_cast %swap3A_664 : vector<1x16xf32> to vector<16xf32>
      %swap3A_666 = vector.shape_cast %add3A_661 : vector<16xf32> to vector<1x16xf32>
      tpu.vector_store %arg8[%swap3A_662, %swap3A_663], %swap3A_666 {strides = array<i32>} : memref<200x64xf32, #tpu.memory_space<vmem>>, vector<1x16xf32>,
      %get3A_667 = arith.index_cast %scan3A_640 : i32 to index
      %get3A_668 = arith.constant 32 : index
      %get3A_669 = tpu.vector_load %arg8[%get3A_667, %get3A_668] {strides = array<i32>} : memref<200x64xf32, #tpu.memory_space<vmem>>, vector<1x16xf32>,
      %get3A_670 = vector.shape_cast %get3A_669 : vector<1x16xf32> to vector<16xf32>
      %get3A_671 = arith.index_cast %scan3A_640 : i32 to index
      %get3A_672 = arith.constant 32 : index
      %get3A_673 = tpu.vector_load %arg10[%get3A_671, %get3A_672] {strides = array<i32>} : memref<200x64xf32, #tpu.memory_space<vmem>>, vector<1x16xf32>,
      %get3A_674 = vector.shape_cast %get3A_673 : vector<1x16xf32> to vector<16xf32>
      %add3A_675 = arith.addf %get3A_670, %get3A_674 : vector<16xf32>
      %swap3A_676 = arith.index_cast %scan3A_640 : i32 to index
      %swap3A_677 = arith.constant 32 : index
      %swap3A_678 = tpu.vector_load %arg8[%swap3A_676, %swap3A_677] {strides = array<i32>} : memref<200x64xf32, #tpu.memory_space<vmem>>, vector<1x16xf32>,
      %swap3A_679 = vector.shape_cast %swap3A_678 : vector<1x16xf32> to vector<16xf32>
      %swap3A_680 = vector.shape_cast %add3A_675 : vector<16xf32> to vector<1x16xf32>
      tpu.vector_store %arg8[%swap3A_676, %swap3A_677], %swap3A_680 {strides = array<i32>} : memref<200x64xf32, #tpu.memory_space<vmem>>, vector<1x16xf32>,
      %get3A_681 = arith.index_cast %scan3A_640 : i32 to index
      %get3A_682 = arith.constant 48 : index
      %get3A_683 = tpu.vector_load %arg8[%get3A_681, %get3A_682] {strides = array<i32>} : memref<200x64xf32, #tpu.memory_space<vmem>>, vector<1x16xf32>,
      %get3A_684 = vector.shape_cast %get3A_683 : vector<1x16xf32> to vector<16xf32>
      %get3A_685 = arith.index_cast %scan3A_640 : i32 to index
      %get3A_686 = arith.constant 48 : index
      %get3A_687 = tpu.vector_load %arg10[%get3A_685, %get3A_686] {strides = array<i32>} : memref<200x64xf32, #tpu.memory_space<vmem>>, vector<1x16xf32>,
      %get3A_688 = vector.shape_cast %get3A_687 : vector<1x16xf32> to vector<16xf32>
      %add3A_689 = arith.addf %get3A_684, %get3A_688 : vector<16xf32>
      %swap3A_690 = arith.index_cast %scan3A_640 : i32 to index
      %swap3A_691 = arith.constant 48 : index
      %swap3A_692 = tpu.vector_load %arg8[%swap3A_690, %swap3A_691] {strides = array<i32>} : memref<200x64xf32, #tpu.memory_space<vmem>>, vector<1x16xf32>,
      %swap3A_693 = vector.shape_cast %swap3A_692 : vector<1x16xf32> to vector<16xf32>
      %swap3A_694 = vector.shape_cast %add3A_689 : vector<16xf32> to vector<1x16xf32>
      tpu.vector_store %arg8[%swap3A_690, %swap3A_691], %swap3A_694 {strides = array<i32>} : memref<200x64xf32, #tpu.memory_space<vmem>>, vector<1x16xf32>,
    }
    %scan3A_62 = arith.constant 200 : i32
    %add3A_63 = arith.constant 2 : i32
    %add3A_64 = arith.addi %mul3A_2, %add3A_63 : i32
    %mul3A_65 = arith.constant 200 : i32
    %mul3A_66 = arith.muli %add3A_64, %mul3A_65 : i32
    "tpu.region"() ({
      %run_scoped3A = tpu.sem_alloc : memref<!tpu.dma_semaphore, #tpu.memory_space<semaphore_mem>>
      %dma_start3A_640 = arith.constant 0 : i32
      %dma_start3A_641 = tpu.memref_slice %arg5[%mul3A_66, %dma_start3A_640] : memref<204800x64xf32, #tpu.memory_space<hbm>> -> memref<200x64xf32, #tpu.memory_space<hbm>>
      %dma_start3A_642 = arith.constant 0 : i32
      %dma_start3A_643 = tpu.memref_slice %arg5[%mul3A_66, %dma_start3A_642] : memref<204800x64xf32, #tpu.memory_space<hbm>> -> memref<200x64xf32, #tpu.memory_space<hbm>>
      tpu.enqueue_dma source(%arg8 : memref<200x64xf32, #tpu.memory_space<vmem>>) target(%dma_start3A_643 : memref<200x64xf32, #tpu.memory_space<hbm>>) target_semaphore(%run_scoped3A : memref<!tpu.dma_semaphore, #tpu.memory_space<semaphore_mem>>)
      %dma_wait3A_644 = arith.constant 0 : i32
      %dma_wait3A_645 = tpu.memref_slice %arg5[%mul3A_66, %dma_wait3A_644] : memref<204800x64xf32, #tpu.memory_space<hbm>> -> memref<200x64xf32, #tpu.memory_space<hbm>>
      %dma_wait3A_646 = arith.constant 0 : i32
      %dma_wait3A_647 = tpu.memref_slice %arg5[%mul3A_66, %dma_wait3A_646] : memref<204800x64xf32, #tpu.memory_space<hbm>> -> memref<200x64xf32, #tpu.memory_space<hbm>>
      tpu.wait_dma2 semaphore(%run_scoped3A : memref<!tpu.dma_semaphore, #tpu.memory_space<semaphore_mem>>) src(%arg8 : memref<200x64xf32, #tpu.memory_space<vmem>>) dst(%dma_wait3A_647 : memref<200x64xf32, #tpu.memory_space<hbm>>)
      tpu.yield
    }) : () -> ()
    %add3A_67 = arith.constant 4 : i32
    %add3A_68 = arith.addi %mul3A_2, %add3A_67 : i32
    %mul3A_69 = arith.constant 200 : i32
    %mul3A_70 = arith.muli %add3A_68, %mul3A_69 : i32
    "tpu.region"() ({
      %run_scoped3A = tpu.sem_alloc : memref<!tpu.dma_semaphore, #tpu.memory_space<semaphore_mem>>
      %dma_start3A_640 = tpu.memref_slice %arg2[%mul3A_70] : memref<204800xi32, #tpu.memory_space<hbm>> -> memref<200xi32, #tpu.memory_space<hbm>>
      %dma_start3A_641 = tpu.memref_slice %arg2[%mul3A_70] : memref<204800xi32, #tpu.memory_space<hbm>> -> memref<200xi32, #tpu.memory_space<hbm>>
      tpu.enqueue_dma source(%dma_start3A_641 : memref<200xi32, #tpu.memory_space<hbm>>) target(%arg6 : memref<200xi32, #tpu.memory_space<vmem>>) target_semaphore(%run_scoped3A : memref<!tpu.dma_semaphore, #tpu.memory_space<semaphore_mem>>)
      %dma_wait3A_642 = tpu.memref_slice %arg2[%mul3A_70] : memref<204800xi32, #tpu.memory_space<hbm>> -> memref<200xi32, #tpu.memory_space<hbm>>
      %dma_wait3A_643 = tpu.memref_slice %arg2[%mul3A_70] : memref<204800xi32, #tpu.memory_space<hbm>> -> memref<200xi32, #tpu.memory_space<hbm>>
      tpu.wait_dma2 semaphore(%run_scoped3A : memref<!tpu.dma_semaphore, #tpu.memory_space<semaphore_mem>>) src(%dma_wait3A_643 : memref<200xi32, #tpu.memory_space<hbm>>) dst(%arg6 : memref<200xi32, #tpu.memory_space<vmem>>)
      tpu.yield
    }) : () -> ()
    %dma_start3A_71 = arith.constant 0 : i32
    %dma_start3A_72 = arith.constant 0 : i32
    %dma_start3A_73 = tpu.memref_slice %arg3[%dma_start3A_71, %dma_start3A_72] : memref<1000000x64xf32, #tpu.memory_space<hbm>> -> memref<1000000x64xf32, #tpu.memory_space<hbm>>
    tpu.enqueue_indirect_dma source(%dma_start3A_73 : memref<1000000x64xf32, #tpu.memory_space<hbm>>) target(%arg8 : memref<200x64xf32, #tpu.memory_space<vmem>>) offsets(%arg6 : memref<200xi32, #tpu.memory_space<vmem>>) semaphore(%arg11 : memref<!tpu.dma_semaphore, #tpu.memory_space<semaphore_mem>>)
    %dma_wait3A_74 = arith.constant 0 : i32
    %dma_wait3A_75 = arith.constant 0 : i32
    %dma_wait3A_76 = tpu.memref_slice %arg3[%dma_wait3A_74, %dma_wait3A_75] : memref<1000000x64xf32, #tpu.memory_space<hbm>> -> memref<1000000x64xf32, #tpu.memory_space<hbm>>
    tpu.wait_indirect_dma semaphore(%arg12 : memref<!tpu.dma_semaphore, #tpu.memory_space<semaphore_mem>>) src(%dma_wait3A_76 : memref<1000000x64xf32, #tpu.memory_space<hbm>>) dst(%arg9 : memref<200x64xf32, #tpu.memory_space<vmem>>)
    %scan3A_77 = arith.constant 0 : i32
    %scan3A_78 = arith.constant 0 : i32
    %scan3A_79 = arith.constant 200 : i32
    %scan3A_80 = arith.addi %scan3A_78, %scan3A_79 : i32
    %scan3A_81 = arith.constant 1 : i32
    scf.for %scan3A_640 = %scan3A_78 to %scan3A_80 step %scan3A_81  : i32 {
      %get3A = arith.index_cast %scan3A_640 : i32 to index
      %get3A_641 = arith.constant 0 : index
      %get3A_642 = tpu.vector_load %arg9[%get3A, %get3A_641] {strides = array<i32>} : memref<200x64xf32, #tpu.memory_space<vmem>>, vector<1x16xf32>,
      %get3A_643 = vector.shape_cast %get3A_642 : vector<1x16xf32> to vector<16xf32>
      %get3A_644 = arith.index_cast %scan3A_640 : i32 to index
      %get3A_645 = arith.constant 0 : index
      %get3A_646 = tpu.vector_load %arg10[%get3A_644, %get3A_645] {strides = array<i32>} : memref<200x64xf32, #tpu.memory_space<vmem>>, vector<1x16xf32>,
      %get3A_647 = vector.shape_cast %get3A_646 : vector<1x16xf32> to vector<16xf32>
      %add3A_648 = arith.addf %get3A_643, %get3A_647 : vector<16xf32>
      %swap3A = arith.index_cast %scan3A_640 : i32 to index
      %swap3A_649 = arith.constant 0 : index
      %swap3A_650 = tpu.vector_load %arg9[%swap3A, %swap3A_649] {strides = array<i32>} : memref<200x64xf32, #tpu.memory_space<vmem>>, vector<1x16xf32>,
      %swap3A_651 = vector.shape_cast %swap3A_650 : vector<1x16xf32> to vector<16xf32>
      %swap3A_652 = vector.shape_cast %add3A_648 : vector<16xf32> to vector<1x16xf32>
      tpu.vector_store %arg9[%swap3A, %swap3A_649], %swap3A_652 {strides = array<i32>} : memref<200x64xf32, #tpu.memory_space<vmem>>, vector<1x16xf32>,
      %get3A_653 = arith.index_cast %scan3A_640 : i32 to index
      %get3A_654 = arith.constant 16 : index
      %get3A_655 = tpu.vector_load %arg9[%get3A_653, %get3A_654] {strides = array<i32>} : memref<200x64xf32, #tpu.memory_space<vmem>>, vector<1x16xf32>,
      %get3A_656 = vector.shape_cast %get3A_655 : vector<1x16xf32> to vector<16xf32>
      %get3A_657 = arith.index_cast %scan3A_640 : i32 to index
      %get3A_658 = arith.constant 16 : index
      %get3A_659 = tpu.vector_load %arg10[%get3A_657, %get3A_658] {strides = array<i32>} : memref<200x64xf32, #tpu.memory_space<vmem>>, vector<1x16xf32>,
      %get3A_660 = vector.shape_cast %get3A_659 : vector<1x16xf32> to vector<16xf32>
      %add3A_661 = arith.addf %get3A_656, %get3A_660 : vector<16xf32>
      %swap3A_662 = arith.index_cast %scan3A_640 : i32 to index
      %swap3A_663 = arith.constant 16 : index
      %swap3A_664 = tpu.vector_load %arg9[%swap3A_662, %swap3A_663] {strides = array<i32>} : memref<200x64xf32, #tpu.memory_space<vmem>>, vector<1x16xf32>,
      %swap3A_665 = vector.shape_cast %swap3A_664 : vector<1x16xf32> to vector<16xf32>
      %swap3A_666 = vector.shape_cast %add3A_661 : vector<16xf32> to vector<1x16xf32>
      tpu.vector_store %arg9[%swap3A_662, %swap3A_663], %swap3A_666 {strides = array<i32>} : memref<200x64xf32, #tpu.memory_space<vmem>>, vector<1x16xf32>,
      %get3A_667 = arith.index_cast %scan3A_640 : i32 to index
      %get3A_668 = arith.constant 32 : index
      %get3A_669 = tpu.vector_load %arg9[%get3A_667, %get3A_668] {strides = array<i32>} : memref<200x64xf32, #tpu.memory_space<vmem>>, vector<1x16xf32>,
      %get3A_670 = vector.shape_cast %get3A_669 : vector<1x16xf32> to vector<16xf32>
      %get3A_671 = arith.index_cast %scan3A_640 : i32 to index
      %get3A_672 = arith.constant 32 : index
      %get3A_673 = tpu.vector_load %arg10[%get3A_671, %get3A_672] {strides = array<i32>} : memref<200x64xf32, #tpu.memory_space<vmem>>, vector<1x16xf32>,
      %get3A_674 = vector.shape_cast %get3A_673 : vector<1x16xf32> to vector<16xf32>
      %add3A_675 = arith.addf %get3A_670, %get3A_674 : vector<16xf32>
      %swap3A_676 = arith.index_cast %scan3A_640 : i32 to index
      %swap3A_677 = arith.constant 32 : index
      %swap3A_678 = tpu.vector_load %arg9[%swap3A_676, %swap3A_677] {strides = array<i32>} : memref<200x64xf32, #tpu.memory_space<vmem>>, vector<1x16xf32>,
      %swap3A_679 = vector.shape_cast %swap3A_678 : vector<1x16xf32> to vector<16xf32>
      %swap3A_680 = vector.shape_cast %add3A_675 : vector<16xf32> to vector<1x16xf32>
      tpu.vector_store %arg9[%swap3A_676, %swap3A_677], %swap3A_680 {strides = array<i32>} : memref<200x64xf32, #tpu.memory_space<vmem>>, vector<1x16xf32>,
      %get3A_681 = arith.index_cast %scan3A_640 : i32 to index
      %get3A_682 = arith.constant 48 : index
      %get3A_683 = tpu.vector_load %arg9[%get3A_681, %get3A_682] {strides = array<i32>} : memref<200x64xf32, #tpu.memory_space<vmem>>, vector<1x16xf32>,
      %get3A_684 = vector.shape_cast %get3A_683 : vector<1x16xf32> to vector<16xf32>
      %get3A_685 = arith.index_cast %scan3A_640 : i32 to index
      %get3A_686 = arith.constant 48 : index
      %get3A_687 = tpu.vector_load %arg10[%get3A_685, %get3A_686] {strides = array<i32>} : memref<200x64xf32, #tpu.memory_space<vmem>>, vector<1x16xf32>,
      %get3A_688 = vector.shape_cast %get3A_687 : vector<1x16xf32> to vector<16xf32>
      %add3A_689 = arith.addf %get3A_684, %get3A_688 : vector<16xf32>
      %swap3A_690 = arith.index_cast %scan3A_640 : i32 to index
      %swap3A_691 = arith.constant 48 : index
      %swap3A_692 = tpu.vector_load %arg9[%swap3A_690, %swap3A_691] {strides = array<i32>} : memref<200x64xf32, #tpu.memory_space<vmem>>, vector<1x16xf32>,
      %swap3A_693 = vector.shape_cast %swap3A_692 : vector<1x16xf32> to vector<16xf32>
      %swap3A_694 = vector.shape_cast %add3A_689 : vector<16xf32> to vector<1x16xf32>
      tpu.vector_store %arg9[%swap3A_690, %swap3A_691], %swap3A_694 {strides = array<i32>} : memref<200x64xf32, #tpu.memory_space<vmem>>, vector<1x16xf32>,
    }
    %scan3A_82 = arith.constant 200 : i32
    %add3A_83 = arith.constant 3 : i32
    %add3A_84 = arith.addi %mul3A_2, %add3A_83 : i32
    %mul3A_85 = arith.constant 200 : i32
    %mul3A_86 = arith.muli %add3A_84, %mul3A_85 : i32
    "tpu.region"() ({
      %run_scoped3A = tpu.sem_alloc : memref<!tpu.dma_semaphore, #tpu.memory_space<semaphore_mem>>
      %dma_start3A_640 = arith.constant 0 : i32
      %dma_start3A_641 = tpu.memref_slice %arg5[%mul3A_86, %dma_start3A_640] : memref<204800x64xf32, #tpu.memory_space<hbm>> -> memref<200x64xf32, #tpu.memory_space<hbm>>
      %dma_start3A_642 = arith.constant 0 : i32
      %dma_start3A_643 = tpu.memref_slice %arg5[%mul3A_86, %dma_start3A_642] : memref<204800x64xf32, #tpu.memory_space<hbm>> -> memref<200x64xf32, #tpu.memory_space<hbm>>
      tpu.enqueue_dma source(%arg9 : memref<200x64xf32, #tpu.memory_space<vmem>>) target(%dma_start3A_643 : memref<200x64xf32, #tpu.memory_space<hbm>>) target_semaphore(%run_scoped3A : memref<!tpu.dma_semaphore, #tpu.memory_space<semaphore_mem>>)
      %dma_wait3A_644 = arith.constant 0 : i32
      %dma_wait3A_645 = tpu.memref_slice %arg5[%mul3A_86, %dma_wait3A_644] : memref<204800x64xf32, #tpu.memory_space<hbm>> -> memref<200x64xf32, #tpu.memory_space<hbm>>
      %dma_wait3A_646 = arith.constant 0 : i32
      %dma_wait3A_647 = tpu.memref_slice %arg5[%mul3A_86, %dma_wait3A_646] : memref<204800x64xf32, #tpu.memory_space<hbm>> -> memref<200x64xf32, #tpu.memory_space<hbm>>
      tpu.wait_dma2 semaphore(%run_scoped3A : memref<!tpu.dma_semaphore, #tpu.memory_space<semaphore_mem>>) src(%arg9 : memref<200x64xf32, #tpu.memory_space<vmem>>) dst(%dma_wait3A_647 : memref<200x64xf32, #tpu.memory_space<hbm>>)
      tpu.yield
    }) : () -> ()
    %add3A_87 = arith.constant 5 : i32
    %add3A_88 = arith.addi %mul3A_2, %add3A_87 : i32
    %mul3A_89 = arith.constant 200 : i32
    %mul3A_90 = arith.muli %add3A_88, %mul3A_89 : i32
    "tpu.region"() ({
      %run_scoped3A = tpu.sem_alloc : memref<!tpu.dma_semaphore, #tpu.memory_space<semaphore_mem>>
      %dma_start3A_640 = tpu.memref_slice %arg2[%mul3A_90] : memref<204800xi32, #tpu.memory_space<hbm>> -> memref<200xi32, #tpu.memory_space<hbm>>
      %dma_start3A_641 = tpu.memref_slice %arg2[%mul3A_90] : memref<204800xi32, #tpu.memory_space<hbm>> -> memref<200xi32, #tpu.memory_space<hbm>>
      tpu.enqueue_dma source(%dma_start3A_641 : memref<200xi32, #tpu.memory_space<hbm>>) target(%arg7 : memref<200xi32, #tpu.memory_space<vmem>>) target_semaphore(%run_scoped3A : memref<!tpu.dma_semaphore, #tpu.memory_space<semaphore_mem>>)
      %dma_wait3A_642 = tpu.memref_slice %arg2[%mul3A_90] : memref<204800xi32, #tpu.memory_space<hbm>> -> memref<200xi32, #tpu.memory_space<hbm>>
      %dma_wait3A_643 = tpu.memref_slice %arg2[%mul3A_90] : memref<204800xi32, #tpu.memory_space<hbm>> -> memref<200xi32, #tpu.memory_space<hbm>>
      tpu.wait_dma2 semaphore(%run_scoped3A : memref<!tpu.dma_semaphore, #tpu.memory_space<semaphore_mem>>) src(%dma_wait3A_643 : memref<200xi32, #tpu.memory_space<hbm>>) dst(%arg7 : memref<200xi32, #tpu.memory_space<vmem>>)
      tpu.yield
    }) : () -> ()
    %dma_start3A_91 = arith.constant 0 : i32
    %dma_start3A_92 = arith.constant 0 : i32
    %dma_start3A_93 = tpu.memref_slice %arg3[%dma_start3A_91, %dma_start3A_92] : memref<1000000x64xf32, #tpu.memory_space<hbm>> -> memref<1000000x64xf32, #tpu.memory_space<hbm>>
    tpu.enqueue_indirect_dma source(%dma_start3A_93 : memref<1000000x64xf32, #tpu.memory_space<hbm>>) target(%arg9 : memref<200x64xf32, #tpu.memory_space<vmem>>) offsets(%arg7 : memref<200xi32, #tpu.memory_space<vmem>>) semaphore(%arg12 : memref<!tpu.dma_semaphore, #tpu.memory_space<semaphore_mem>>)
    %dma_wait3A_94 = arith.constant 0 : i32
    %dma_wait3A_95 = arith.constant 0 : i32
    %dma_wait3A_96 = tpu.memref_slice %arg3[%dma_wait3A_94, %dma_wait3A_95] : memref<1000000x64xf32, #tpu.memory_space<hbm>> -> memref<1000000x64xf32, #tpu.memory_space<hbm>>
    tpu.wait_indirect_dma semaphore(%arg11 : memref<!tpu.dma_semaphore, #tpu.memory_space<semaphore_mem>>) src(%dma_wait3A_96 : memref<1000000x64xf32, #tpu.memory_space<hbm>>) dst(%arg8 : memref<200x64xf32, #tpu.memory_space<vmem>>)
    %scan3A_97 = arith.constant 0 : i32
    %scan3A_98 = arith.constant 0 : i32
    %scan3A_99 = arith.constant 200 : i32
    %scan3A_100 = arith.addi %scan3A_98, %scan3A_99 : i32
    %scan3A_101 = arith.constant 1 : i32
    scf.for %scan3A_640 = %scan3A_98 to %scan3A_100 step %scan3A_101  : i32 {
      %get3A = arith.index_cast %scan3A_640 : i32 to index
      %get3A_641 = arith.constant 0 : index
      %get3A_642 = tpu.vector_load %arg8[%get3A, %get3A_641] {strides = array<i32>} : memref<200x64xf32, #tpu.memory_space<vmem>>, vector<1x16xf32>,
      %get3A_643 = vector.shape_cast %get3A_642 : vector<1x16xf32> to vector<16xf32>
      %get3A_644 = arith.index_cast %scan3A_640 : i32 to index
      %get3A_645 = arith.constant 0 : index
      %get3A_646 = tpu.vector_load %arg10[%get3A_644, %get3A_645] {strides = array<i32>} : memref<200x64xf32, #tpu.memory_space<vmem>>, vector<1x16xf32>,
      %get3A_647 = vector.shape_cast %get3A_646 : vector<1x16xf32> to vector<16xf32>
      %add3A_648 = arith.addf %get3A_643, %get3A_647 : vector<16xf32>
      %swap3A = arith.index_cast %scan3A_640 : i32 to index
      %swap3A_649 = arith.constant 0 : index
      %swap3A_650 = tpu.vector_load %arg8[%swap3A, %swap3A_649] {strides = array<i32>} : memref<200x64xf32, #tpu.memory_space<vmem>>, vector<1x16xf32>,
      %swap3A_651 = vector.shape_cast %swap3A_650 : vector<1x16xf32> to vector<16xf32>
      %swap3A_652 = vector.shape_cast %add3A_648 : vector<16xf32> to vector<1x16xf32>
      tpu.vector_store %arg8[%swap3A, %swap3A_649], %swap3A_652 {strides = array<i32>} : memref<200x64xf32, #tpu.memory_space<vmem>>, vector<1x16xf32>,
      %get3A_653 = arith.index_cast %scan3A_640 : i32 to index
      %get3A_654 = arith.constant 16 : index
      %get3A_655 = tpu.vector_load %arg8[%get3A_653, %get3A_654] {strides = array<i32>} : memref<200x64xf32, #tpu.memory_space<vmem>>, vector<1x16xf32>,
      %get3A_656 = vector.shape_cast %get3A_655 : vector<1x16xf32> to vector<16xf32>
      %get3A_657 = arith.index_cast %scan3A_640 : i32 to index
      %get3A_658 = arith.constant 16 : index
      %get3A_659 = tpu.vector_load %arg10[%get3A_657, %get3A_658] {strides = array<i32>} : memref<200x64xf32, #tpu.memory_space<vmem>>, vector<1x16xf32>,
      %get3A_660 = vector.shape_cast %get3A_659 : vector<1x16xf32> to vector<16xf32>
      %add3A_661 = arith.addf %get3A_656, %get3A_660 : vector<16xf32>
      %swap3A_662 = arith.index_cast %scan3A_640 : i32 to index
      %swap3A_663 = arith.constant 16 : index
      %swap3A_664 = tpu.vector_load %arg8[%swap3A_662, %swap3A_663] {strides = array<i32>} : memref<200x64xf32, #tpu.memory_space<vmem>>, vector<1x16xf32>,
      %swap3A_665 = vector.shape_cast %swap3A_664 : vector<1x16xf32> to vector<16xf32>
      %swap3A_666 = vector.shape_cast %add3A_661 : vector<16xf32> to vector<1x16xf32>
      tpu.vector_store %arg8[%swap3A_662, %swap3A_663], %swap3A_666 {strides = array<i32>} : memref<200x64xf32, #tpu.memory_space<vmem>>, vector<1x16xf32>,
      %get3A_667 = arith.index_cast %scan3A_640 : i32 to index
      %get3A_668 = arith.constant 32 : index
      %get3A_669 = tpu.vector_load %arg8[%get3A_667, %get3A_668] {strides = array<i32>} : memref<200x64xf32, #tpu.memory_space<vmem>>, vector<1x16xf32>,
      %get3A_670 = vector.shape_cast %get3A_669 : vector<1x16xf32> to vector<16xf32>
      %get3A_671 = arith.index_cast %scan3A_640 : i32 to index
      %get3A_672 = arith.constant 32 : index
      %get3A_673 = tpu.vector_load %arg10[%get3A_671, %get3A_672] {strides = array<i32>} : memref<200x64xf32, #tpu.memory_space<vmem>>, vector<1x16xf32>,
      %get3A_674 = vector.shape_cast %get3A_673 : vector<1x16xf32> to vector<16xf32>
      %add3A_675 = arith.addf %get3A_670, %get3A_674 : vector<16xf32>
      %swap3A_676 = arith.index_cast %scan3A_640 : i32 to index
      %swap3A_677 = arith.constant 32 : index
      %swap3A_678 = tpu.vector_load %arg8[%swap3A_676, %swap3A_677] {strides = array<i32>} : memref<200x64xf32, #tpu.memory_space<vmem>>, vector<1x16xf32>,
      %swap3A_679 = vector.shape_cast %swap3A_678 : vector<1x16xf32> to vector<16xf32>
      %swap3A_680 = vector.shape_cast %add3A_675 : vector<16xf32> to vector<1x16xf32>
      tpu.vector_store %arg8[%swap3A_676, %swap3A_677], %swap3A_680 {strides = array<i32>} : memref<200x64xf32, #tpu.memory_space<vmem>>, vector<1x16xf32>,
      %get3A_681 = arith.index_cast %scan3A_640 : i32 to index
      %get3A_682 = arith.constant 48 : index
      %get3A_683 = tpu.vector_load %arg8[%get3A_681, %get3A_682] {strides = array<i32>} : memref<200x64xf32, #tpu.memory_space<vmem>>, vector<1x16xf32>,
      %get3A_684 = vector.shape_cast %get3A_683 : vector<1x16xf32> to vector<16xf32>
      %get3A_685 = arith.index_cast %scan3A_640 : i32 to index
      %get3A_686 = arith.constant 48 : index
      %get3A_687 = tpu.vector_load %arg10[%get3A_685, %get3A_686] {strides = array<i32>} : memref<200x64xf32, #tpu.memory_space<vmem>>, vector<1x16xf32>,
      %get3A_688 = vector.shape_cast %get3A_687 : vector<1x16xf32> to vector<16xf32>
      %add3A_689 = arith.addf %get3A_684, %get3A_688 : vector<16xf32>
      %swap3A_690 = arith.index_cast %scan3A_640 : i32 to index
      %swap3A_691 = arith.constant 48 : index
      %swap3A_692 = tpu.vector_load %arg8[%swap3A_690, %swap3A_691] {strides = array<i32>} : memref<200x64xf32, #tpu.memory_space<vmem>>, vector<1x16xf32>,
      %swap3A_693 = vector.shape_cast %swap3A_692 : vector<1x16xf32> to vector<16xf32>
      %swap3A_694 = vector.shape_cast %add3A_689 : vector<16xf32> to vector<1x16xf32>
      tpu.vector_store %arg8[%swap3A_690, %swap3A_691], %swap3A_694 {strides = array<i32>} : memref<200x64xf32, #tpu.memory_space<vmem>>, vector<1x16xf32>,
    }
    %scan3A_102 = arith.constant 200 : i32
    %add3A_103 = arith.constant 4 : i32
    %add3A_104 = arith.addi %mul3A_2, %add3A_103 : i32
    %mul3A_105 = arith.constant 200 : i32
    %mul3A_106 = arith.muli %add3A_104, %mul3A_105 : i32
    "tpu.region"() ({
      %run_scoped3A = tpu.sem_alloc : memref<!tpu.dma_semaphore, #tpu.memory_space<semaphore_mem>>
      %dma_start3A_640 = arith.constant 0 : i32
      %dma_start3A_641 = tpu.memref_slice %arg5[%mul3A_106, %dma_start3A_640] : memref<204800x64xf32, #tpu.memory_space<hbm>> -> memref<200x64xf32, #tpu.memory_space<hbm>>
      %dma_start3A_642 = arith.constant 0 : i32
      %dma_start3A_643 = tpu.memref_slice %arg5[%mul3A_106, %dma_start3A_642] : memref<204800x64xf32, #tpu.memory_space<hbm>> -> memref<200x64xf32, #tpu.memory_space<hbm>>
      tpu.enqueue_dma source(%arg8 : memref<200x64xf32, #tpu.memory_space<vmem>>) target(%dma_start3A_643 : memref<200x64xf32, #tpu.memory_space<hbm>>) target_semaphore(%run_scoped3A : memref<!tpu.dma_semaphore, #tpu.memory_space<semaphore_mem>>)
      %dma_wait3A_644 = arith.constant 0 : i32
      %dma_wait3A_645 = tpu.memref_slice %arg5[%mul3A_106, %dma_wait3A_644] : memref<204800x64xf32, #tpu.memory_space<hbm>> -> memref<200x64xf32, #tpu.memory_space<hbm>>
      %dma_wait3A_646 = arith.constant 0 : i32
      %dma_wait3A_647 = tpu.memref_slice %arg5[%mul3A_106, %dma_wait3A_646] : memref<204800x64xf32, #tpu.memory_space<hbm>> -> memref<200x64xf32, #tpu.memory_space<hbm>>
      tpu.wait_dma2 semaphore(%run_scoped3A : memref<!tpu.dma_semaphore, #tpu.memory_space<semaphore_mem>>) src(%arg8 : memref<200x64xf32, #tpu.memory_space<vmem>>) dst(%dma_wait3A_647 : memref<200x64xf32, #tpu.memory_space<hbm>>)
      tpu.yield
    }) : () -> ()
    %add3A_107 = arith.constant 6 : i32
    %add3A_108 = arith.addi %mul3A_2, %add3A_107 : i32
    %mul3A_109 = arith.constant 200 : i32
    %mul3A_110 = arith.muli %add3A_108, %mul3A_109 : i32
    "tpu.region"() ({
      %run_scoped3A = tpu.sem_alloc : memref<!tpu.dma_semaphore, #tpu.memory_space<semaphore_mem>>
      %dma_start3A_640 = tpu.memref_slice %arg2[%mul3A_110] : memref<204800xi32, #tpu.memory_space<hbm>> -> memref<200xi32, #tpu.memory_space<hbm>>
      %dma_start3A_641 = tpu.memref_slice %arg2[%mul3A_110] : memref<204800xi32, #tpu.memory_space<hbm>> -> memref<200xi32, #tpu.memory_space<hbm>>
      tpu.enqueue_dma source(%dma_start3A_641 : memref<200xi32, #tpu.memory_space<hbm>>) target(%arg6 : memref<200xi32, #tpu.memory_space<vmem>>) target_semaphore(%run_scoped3A : memref<!tpu.dma_semaphore, #tpu.memory_space<semaphore_mem>>)
      %dma_wait3A_642 = tpu.memref_slice %arg2[%mul3A_110] : memref<204800xi32, #tpu.memory_space<hbm>> -> memref<200xi32, #tpu.memory_space<hbm>>
      %dma_wait3A_643 = tpu.memref_slice %arg2[%mul3A_110] : memref<204800xi32, #tpu.memory_space<hbm>> -> memref<200xi32, #tpu.memory_space<hbm>>
      tpu.wait_dma2 semaphore(%run_scoped3A : memref<!tpu.dma_semaphore, #tpu.memory_space<semaphore_mem>>) src(%dma_wait3A_643 : memref<200xi32, #tpu.memory_space<hbm>>) dst(%arg6 : memref<200xi32, #tpu.memory_space<vmem>>)
      tpu.yield
    }) : () -> ()
    %dma_start3A_111 = arith.constant 0 : i32
    %dma_start3A_112 = arith.constant 0 : i32
    %dma_start3A_113 = tpu.memref_slice %arg3[%dma_start3A_111, %dma_start3A_112] : memref<1000000x64xf32, #tpu.memory_space<hbm>> -> memref<1000000x64xf32, #tpu.memory_space<hbm>>
    tpu.enqueue_indirect_dma source(%dma_start3A_113 : memref<1000000x64xf32, #tpu.memory_space<hbm>>) target(%arg8 : memref<200x64xf32, #tpu.memory_space<vmem>>) offsets(%arg6 : memref<200xi32, #tpu.memory_space<vmem>>) semaphore(%arg11 : memref<!tpu.dma_semaphore, #tpu.memory_space<semaphore_mem>>)
    %dma_wait3A_114 = arith.constant 0 : i32
    %dma_wait3A_115 = arith.constant 0 : i32
    %dma_wait3A_116 = tpu.memref_slice %arg3[%dma_wait3A_114, %dma_wait3A_115] : memref<1000000x64xf32, #tpu.memory_space<hbm>> -> memref<1000000x64xf32, #tpu.memory_space<hbm>>
    tpu.wait_indirect_dma semaphore(%arg12 : memref<!tpu.dma_semaphore, #tpu.memory_space<semaphore_mem>>) src(%dma_wait3A_116 : memref<1000000x64xf32, #tpu.memory_space<hbm>>) dst(%arg9 : memref<200x64xf32, #tpu.memory_space<vmem>>)
    %scan3A_117 = arith.constant 0 : i32
    %scan3A_118 = arith.constant 0 : i32
    %scan3A_119 = arith.constant 200 : i32
    %scan3A_120 = arith.addi %scan3A_118, %scan3A_119 : i32
    %scan3A_121 = arith.constant 1 : i32
    scf.for %scan3A_640 = %scan3A_118 to %scan3A_120 step %scan3A_121  : i32 {
      %get3A = arith.index_cast %scan3A_640 : i32 to index
      %get3A_641 = arith.constant 0 : index
      %get3A_642 = tpu.vector_load %arg9[%get3A, %get3A_641] {strides = array<i32>} : memref<200x64xf32, #tpu.memory_space<vmem>>, vector<1x16xf32>,
      %get3A_643 = vector.shape_cast %get3A_642 : vector<1x16xf32> to vector<16xf32>
      %get3A_644 = arith.index_cast %scan3A_640 : i32 to index
      %get3A_645 = arith.constant 0 : index
      %get3A_646 = tpu.vector_load %arg10[%get3A_644, %get3A_645] {strides = array<i32>} : memref<200x64xf32, #tpu.memory_space<vmem>>, vector<1x16xf32>,
      %get3A_647 = vector.shape_cast %get3A_646 : vector<1x16xf32> to vector<16xf32>
      %add3A_648 = arith.addf %get3A_643, %get3A_647 : vector<16xf32>
      %swap3A = arith.index_cast %scan3A_640 : i32 to index
      %swap3A_649 = arith.constant 0 : index
      %swap3A_650 = tpu.vector_load %arg9[%swap3A, %swap3A_649] {strides = array<i32>} : memref<200x64xf32, #tpu.memory_space<vmem>>, vector<1x16xf32>,
      %swap3A_651 = vector.shape_cast %swap3A_650 : vector<1x16xf32> to vector<16xf32>
      %swap3A_652 = vector.shape_cast %add3A_648 : vector<16xf32> to vector<1x16xf32>
      tpu.vector_store %arg9[%swap3A, %swap3A_649], %swap3A_652 {strides = array<i32>} : memref<200x64xf32, #tpu.memory_space<vmem>>, vector<1x16xf32>,
      %get3A_653 = arith.index_cast %scan3A_640 : i32 to index
      %get3A_654 = arith.constant 16 : index
      %get3A_655 = tpu.vector_load %arg9[%get3A_653, %get3A_654] {strides = array<i32>} : memref<200x64xf32, #tpu.memory_space<vmem>>, vector<1x16xf32>,
      %get3A_656 = vector.shape_cast %get3A_655 : vector<1x16xf32> to vector<16xf32>
      %get3A_657 = arith.index_cast %scan3A_640 : i32 to index
      %get3A_658 = arith.constant 16 : index
      %get3A_659 = tpu.vector_load %arg10[%get3A_657, %get3A_658] {strides = array<i32>} : memref<200x64xf32, #tpu.memory_space<vmem>>, vector<1x16xf32>,
      %get3A_660 = vector.shape_cast %get3A_659 : vector<1x16xf32> to vector<16xf32>
      %add3A_661 = arith.addf %get3A_656, %get3A_660 : vector<16xf32>
      %swap3A_662 = arith.index_cast %scan3A_640 : i32 to index
      %swap3A_663 = arith.constant 16 : index
      %swap3A_664 = tpu.vector_load %arg9[%swap3A_662, %swap3A_663] {strides = array<i32>} : memref<200x64xf32, #tpu.memory_space<vmem>>, vector<1x16xf32>,
      %swap3A_665 = vector.shape_cast %swap3A_664 : vector<1x16xf32> to vector<16xf32>
      %swap3A_666 = vector.shape_cast %add3A_661 : vector<16xf32> to vector<1x16xf32>
      tpu.vector_store %arg9[%swap3A_662, %swap3A_663], %swap3A_666 {strides = array<i32>} : memref<200x64xf32, #tpu.memory_space<vmem>>, vector<1x16xf32>,
      %get3A_667 = arith.index_cast %scan3A_640 : i32 to index
      %get3A_668 = arith.constant 32 : index
      %get3A_669 = tpu.vector_load %arg9[%get3A_667, %get3A_668] {strides = array<i32>} : memref<200x64xf32, #tpu.memory_space<vmem>>, vector<1x16xf32>,
      %get3A_670 = vector.shape_cast %get3A_669 : vector<1x16xf32> to vector<16xf32>
      %get3A_671 = arith.index_cast %scan3A_640 : i32 to index
      %get3A_672 = arith.constant 32 : index
      %get3A_673 = tpu.vector_load %arg10[%get3A_671, %get3A_672] {strides = array<i32>} : memref<200x64xf32, #tpu.memory_space<vmem>>, vector<1x16xf32>,
      %get3A_674 = vector.shape_cast %get3A_673 : vector<1x16xf32> to vector<16xf32>
      %add3A_675 = arith.addf %get3A_670, %get3A_674 : vector<16xf32>
      %swap3A_676 = arith.index_cast %scan3A_640 : i32 to index
      %swap3A_677 = arith.constant 32 : index
      %swap3A_678 = tpu.vector_load %arg9[%swap3A_676, %swap3A_677] {strides = array<i32>} : memref<200x64xf32, #tpu.memory_space<vmem>>, vector<1x16xf32>,
      %swap3A_679 = vector.shape_cast %swap3A_678 : vector<1x16xf32> to vector<16xf32>
      %swap3A_680 = vector.shape_cast %add3A_675 : vector<16xf32> to vector<1x16xf32>
      tpu.vector_store %arg9[%swap3A_676, %swap3A_677], %swap3A_680 {strides = array<i32>} : memref<200x64xf32, #tpu.memory_space<vmem>>, vector<1x16xf32>,
      %get3A_681 = arith.index_cast %scan3A_640 : i32 to index
      %get3A_682 = arith.constant 48 : index
      %get3A_683 = tpu.vector_load %arg9[%get3A_681, %get3A_682] {strides = array<i32>} : memref<200x64xf32, #tpu.memory_space<vmem>>, vector<1x16xf32>,
      %get3A_684 = vector.shape_cast %get3A_683 : vector<1x16xf32> to vector<16xf32>
      %get3A_685 = arith.index_cast %scan3A_640 : i32 to index
      %get3A_686 = arith.constant 48 : index
      %get3A_687 = tpu.vector_load %arg10[%get3A_685, %get3A_686] {strides = array<i32>} : memref<200x64xf32, #tpu.memory_space<vmem>>, vector<1x16xf32>,
      %get3A_688 = vector.shape_cast %get3A_687 : vector<1x16xf32> to vector<16xf32>
      %add3A_689 = arith.addf %get3A_684, %get3A_688 : vector<16xf32>
      %swap3A_690 = arith.index_cast %scan3A_640 : i32 to index
      %swap3A_691 = arith.constant 48 : index
      %swap3A_692 = tpu.vector_load %arg9[%swap3A_690, %swap3A_691] {strides = array<i32>} : memref<200x64xf32, #tpu.memory_space<vmem>>, vector<1x16xf32>,
      %swap3A_693 = vector.shape_cast %swap3A_692 : vector<1x16xf32> to vector<16xf32>
      %swap3A_694 = vector.shape_cast %add3A_689 : vector<16xf32> to vector<1x16xf32>
      tpu.vector_store %arg9[%swap3A_690, %swap3A_691], %swap3A_694 {strides = array<i32>} : memref<200x64xf32, #tpu.memory_space<vmem>>, vector<1x16xf32>,
    }
    %scan3A_122 = arith.constant 200 : i32
    %add3A_123 = arith.constant 5 : i32
    %add3A_124 = arith.addi %mul3A_2, %add3A_123 : i32
    %mul3A_125 = arith.constant 200 : i32
    %mul3A_126 = arith.muli %add3A_124, %mul3A_125 : i32
    "tpu.region"() ({
      %run_scoped3A = tpu.sem_alloc : memref<!tpu.dma_semaphore, #tpu.memory_space<semaphore_mem>>
      %dma_start3A_640 = arith.constant 0 : i32
      %dma_start3A_641 = tpu.memref_slice %arg5[%mul3A_126, %dma_start3A_640] : memref<204800x64xf32, #tpu.memory_space<hbm>> -> memref<200x64xf32, #tpu.memory_space<hbm>>
      %dma_start3A_642 = arith.constant 0 : i32
      %dma_start3A_643 = tpu.memref_slice %arg5[%mul3A_126, %dma_start3A_642] : memref<204800x64xf32, #tpu.memory_space<hbm>> -> memref<200x64xf32, #tpu.memory_space<hbm>>
      tpu.enqueue_dma source(%arg9 : memref<200x64xf32, #tpu.memory_space<vmem>>) target(%dma_start3A_643 : memref<200x64xf32, #tpu.memory_space<hbm>>) target_semaphore(%run_scoped3A : memref<!tpu.dma_semaphore, #tpu.memory_space<semaphore_mem>>)
      %dma_wait3A_644 = arith.constant 0 : i32
      %dma_wait3A_645 = tpu.memref_slice %arg5[%mul3A_126, %dma_wait3A_644] : memref<204800x64xf32, #tpu.memory_space<hbm>> -> memref<200x64xf32, #tpu.memory_space<hbm>>
      %dma_wait3A_646 = arith.constant 0 : i32
      %dma_wait3A_647 = tpu.memref_slice %arg5[%mul3A_126, %dma_wait3A_646] : memref<204800x64xf32, #tpu.memory_space<hbm>> -> memref<200x64xf32, #tpu.memory_space<hbm>>
      tpu.wait_dma2 semaphore(%run_scoped3A : memref<!tpu.dma_semaphore, #tpu.memory_space<semaphore_mem>>) src(%arg9 : memref<200x64xf32, #tpu.memory_space<vmem>>) dst(%dma_wait3A_647 : memref<200x64xf32, #tpu.memory_space<hbm>>)
      tpu.yield
    }) : () -> ()
    %add3A_127 = arith.constant 7 : i32
    %add3A_128 = arith.addi %mul3A_2, %add3A_127 : i32
    %mul3A_129 = arith.constant 200 : i32
    %mul3A_130 = arith.muli %add3A_128, %mul3A_129 : i32
    "tpu.region"() ({
      %run_scoped3A = tpu.sem_alloc : memref<!tpu.dma_semaphore, #tpu.memory_space<semaphore_mem>>
      %dma_start3A_640 = tpu.memref_slice %arg2[%mul3A_130] : memref<204800xi32, #tpu.memory_space<hbm>> -> memref<200xi32, #tpu.memory_space<hbm>>
      %dma_start3A_641 = tpu.memref_slice %arg2[%mul3A_130] : memref<204800xi32, #tpu.memory_space<hbm>> -> memref<200xi32, #tpu.memory_space<hbm>>
      tpu.enqueue_dma source(%dma_start3A_641 : memref<200xi32, #tpu.memory_space<hbm>>) target(%arg7 : memref<200xi32, #tpu.memory_space<vmem>>) target_semaphore(%run_scoped3A : memref<!tpu.dma_semaphore, #tpu.memory_space<semaphore_mem>>)
      %dma_wait3A_642 = tpu.memref_slice %arg2[%mul3A_130] : memref<204800xi32, #tpu.memory_space<hbm>> -> memref<200xi32, #tpu.memory_space<hbm>>
      %dma_wait3A_643 = tpu.memref_slice %arg2[%mul3A_130] : memref<204800xi32, #tpu.memory_space<hbm>> -> memref<200xi32, #tpu.memory_space<hbm>>
      tpu.wait_dma2 semaphore(%run_scoped3A : memref<!tpu.dma_semaphore, #tpu.memory_space<semaphore_mem>>) src(%dma_wait3A_643 : memref<200xi32, #tpu.memory_space<hbm>>) dst(%arg7 : memref<200xi32, #tpu.memory_space<vmem>>)
      tpu.yield
    }) : () -> ()
    %dma_start3A_131 = arith.constant 0 : i32
    %dma_start3A_132 = arith.constant 0 : i32
    %dma_start3A_133 = tpu.memref_slice %arg3[%dma_start3A_131, %dma_start3A_132] : memref<1000000x64xf32, #tpu.memory_space<hbm>> -> memref<1000000x64xf32, #tpu.memory_space<hbm>>
    tpu.enqueue_indirect_dma source(%dma_start3A_133 : memref<1000000x64xf32, #tpu.memory_space<hbm>>) target(%arg9 : memref<200x64xf32, #tpu.memory_space<vmem>>) offsets(%arg7 : memref<200xi32, #tpu.memory_space<vmem>>) semaphore(%arg12 : memref<!tpu.dma_semaphore, #tpu.memory_space<semaphore_mem>>)
    %dma_wait3A_134 = arith.constant 0 : i32
    %dma_wait3A_135 = arith.constant 0 : i32
    %dma_wait3A_136 = tpu.memref_slice %arg3[%dma_wait3A_134, %dma_wait3A_135] : memref<1000000x64xf32, #tpu.memory_space<hbm>> -> memref<1000000x64xf32, #tpu.memory_space<hbm>>
    tpu.wait_indirect_dma semaphore(%arg11 : memref<!tpu.dma_semaphore, #tpu.memory_space<semaphore_mem>>) src(%dma_wait3A_136 : memref<1000000x64xf32, #tpu.memory_space<hbm>>) dst(%arg8 : memref<200x64xf32, #tpu.memory_space<vmem>>)
    %scan3A_137 = arith.constant 0 : i32
    %scan3A_138 = arith.constant 0 : i32
    %scan3A_139 = arith.constant 200 : i32
    %scan3A_140 = arith.addi %scan3A_138, %scan3A_139 : i32
    %scan3A_141 = arith.constant 1 : i32
    scf.for %scan3A_640 = %scan3A_138 to %scan3A_140 step %scan3A_141  : i32 {
      %get3A = arith.index_cast %scan3A_640 : i32 to index
      %get3A_641 = arith.constant 0 : index
      %get3A_642 = tpu.vector_load %arg8[%get3A, %get3A_641] {strides = array<i32>} : memref<200x64xf32, #tpu.memory_space<vmem>>, vector<1x16xf32>,
      %get3A_643 = vector.shape_cast %get3A_642 : vector<1x16xf32> to vector<16xf32>
      %get3A_644 = arith.index_cast %scan3A_640 : i32 to index
      %get3A_645 = arith.constant 0 : index
      %get3A_646 = tpu.vector_load %arg10[%get3A_644, %get3A_645] {strides = array<i32>} : memref<200x64xf32, #tpu.memory_space<vmem>>, vector<1x16xf32>,
      %get3A_647 = vector.shape_cast %get3A_646 : vector<1x16xf32> to vector<16xf32>
      %add3A_648 = arith.addf %get3A_643, %get3A_647 : vector<16xf32>
      %swap3A = arith.index_cast %scan3A_640 : i32 to index
      %swap3A_649 = arith.constant 0 : index
      %swap3A_650 = tpu.vector_load %arg8[%swap3A, %swap3A_649] {strides = array<i32>} : memref<200x64xf32, #tpu.memory_space<vmem>>, vector<1x16xf32>,
      %swap3A_651 = vector.shape_cast %swap3A_650 : vector<1x16xf32> to vector<16xf32>
      %swap3A_652 = vector.shape_cast %add3A_648 : vector<16xf32> to vector<1x16xf32>
      tpu.vector_store %arg8[%swap3A, %swap3A_649], %swap3A_652 {strides = array<i32>} : memref<200x64xf32, #tpu.memory_space<vmem>>, vector<1x16xf32>,
      %get3A_653 = arith.index_cast %scan3A_640 : i32 to index
      %get3A_654 = arith.constant 16 : index
      %get3A_655 = tpu.vector_load %arg8[%get3A_653, %get3A_654] {strides = array<i32>} : memref<200x64xf32, #tpu.memory_space<vmem>>, vector<1x16xf32>,
      %get3A_656 = vector.shape_cast %get3A_655 : vector<1x16xf32> to vector<16xf32>
      %get3A_657 = arith.index_cast %scan3A_640 : i32 to index
      %get3A_658 = arith.constant 16 : index
      %get3A_659 = tpu.vector_load %arg10[%get3A_657, %get3A_658] {strides = array<i32>} : memref<200x64xf32, #tpu.memory_space<vmem>>, vector<1x16xf32>,
      %get3A_660 = vector.shape_cast %get3A_659 : vector<1x16xf32> to vector<16xf32>
      %add3A_661 = arith.addf %get3A_656, %get3A_660 : vector<16xf32>
      %swap3A_662 = arith.index_cast %scan3A_640 : i32 to index
      %swap3A_663 = arith.constant 16 : index
      %swap3A_664 = tpu.vector_load %arg8[%swap3A_662, %swap3A_663] {strides = array<i32>} : memref<200x64xf32, #tpu.memory_space<vmem>>, vector<1x16xf32>,
      %swap3A_665 = vector.shape_cast %swap3A_664 : vector<1x16xf32> to vector<16xf32>
      %swap3A_666 = vector.shape_cast %add3A_661 : vector<16xf32> to vector<1x16xf32>
      tpu.vector_store %arg8[%swap3A_662, %swap3A_663], %swap3A_666 {strides = array<i32>} : memref<200x64xf32, #tpu.memory_space<vmem>>, vector<1x16xf32>,
      %get3A_667 = arith.index_cast %scan3A_640 : i32 to index
      %get3A_668 = arith.constant 32 : index
      %get3A_669 = tpu.vector_load %arg8[%get3A_667, %get3A_668] {strides = array<i32>} : memref<200x64xf32, #tpu.memory_space<vmem>>, vector<1x16xf32>,
      %get3A_670 = vector.shape_cast %get3A_669 : vector<1x16xf32> to vector<16xf32>
      %get3A_671 = arith.index_cast %scan3A_640 : i32 to index
      %get3A_672 = arith.constant 32 : index
      %get3A_673 = tpu.vector_load %arg10[%get3A_671, %get3A_672] {strides = array<i32>} : memref<200x64xf32, #tpu.memory_space<vmem>>, vector<1x16xf32>,
      %get3A_674 = vector.shape_cast %get3A_673 : vector<1x16xf32> to vector<16xf32>
      %add3A_675 = arith.addf %get3A_670, %get3A_674 : vector<16xf32>
      %swap3A_676 = arith.index_cast %scan3A_640 : i32 to index
      %swap3A_677 = arith.constant 32 : index
      %swap3A_678 = tpu.vector_load %arg8[%swap3A_676, %swap3A_677] {strides = array<i32>} : memref<200x64xf32, #tpu.memory_space<vmem>>, vector<1x16xf32>,
      %swap3A_679 = vector.shape_cast %swap3A_678 : vector<1x16xf32> to vector<16xf32>
      %swap3A_680 = vector.shape_cast %add3A_675 : vector<16xf32> to vector<1x16xf32>
      tpu.vector_store %arg8[%swap3A_676, %swap3A_677], %swap3A_680 {strides = array<i32>} : memref<200x64xf32, #tpu.memory_space<vmem>>, vector<1x16xf32>,
      %get3A_681 = arith.index_cast %scan3A_640 : i32 to index
      %get3A_682 = arith.constant 48 : index
      %get3A_683 = tpu.vector_load %arg8[%get3A_681, %get3A_682] {strides = array<i32>} : memref<200x64xf32, #tpu.memory_space<vmem>>, vector<1x16xf32>,
      %get3A_684 = vector.shape_cast %get3A_683 : vector<1x16xf32> to vector<16xf32>
      %get3A_685 = arith.index_cast %scan3A_640 : i32 to index
      %get3A_686 = arith.constant 48 : index
      %get3A_687 = tpu.vector_load %arg10[%get3A_685, %get3A_686] {strides = array<i32>} : memref<200x64xf32, #tpu.memory_space<vmem>>, vector<1x16xf32>,
      %get3A_688 = vector.shape_cast %get3A_687 : vector<1x16xf32> to vector<16xf32>
      %add3A_689 = arith.addf %get3A_684, %get3A_688 : vector<16xf32>
      %swap3A_690 = arith.index_cast %scan3A_640 : i32 to index
      %swap3A_691 = arith.constant 48 : index
      %swap3A_692 = tpu.vector_load %arg8[%swap3A_690, %swap3A_691] {strides = array<i32>} : memref<200x64xf32, #tpu.memory_space<vmem>>, vector<1x16xf32>,
      %swap3A_693 = vector.shape_cast %swap3A_692 : vector<1x16xf32> to vector<16xf32>
      %swap3A_694 = vector.shape_cast %add3A_689 : vector<16xf32> to vector<1x16xf32>
      tpu.vector_store %arg8[%swap3A_690, %swap3A_691], %swap3A_694 {strides = array<i32>} : memref<200x64xf32, #tpu.memory_space<vmem>>, vector<1x16xf32>,
    }
    %scan3A_142 = arith.constant 200 : i32
    %add3A_143 = arith.constant 6 : i32
    %add3A_144 = arith.addi %mul3A_2, %add3A_143 : i32
    %mul3A_145 = arith.constant 200 : i32
    %mul3A_146 = arith.muli %add3A_144, %mul3A_145 : i32
    "tpu.region"() ({
      %run_scoped3A = tpu.sem_alloc : memref<!tpu.dma_semaphore, #tpu.memory_space<semaphore_mem>>
      %dma_start3A_640 = arith.constant 0 : i32
      %dma_start3A_641 = tpu.memref_slice %arg5[%mul3A_146, %dma_start3A_640] : memref<204800x64xf32, #tpu.memory_space<hbm>> -> memref<200x64xf32, #tpu.memory_space<hbm>>
      %dma_start3A_642 = arith.constant 0 : i32
      %dma_start3A_643 = tpu.memref_slice %arg5[%mul3A_146, %dma_start3A_642] : memref<204800x64xf32, #tpu.memory_space<hbm>> -> memref<200x64xf32, #tpu.memory_space<hbm>>
      tpu.enqueue_dma source(%arg8 : memref<200x64xf32, #tpu.memory_space<vmem>>) target(%dma_start3A_643 : memref<200x64xf32, #tpu.memory_space<hbm>>) target_semaphore(%run_scoped3A : memref<!tpu.dma_semaphore, #tpu.memory_space<semaphore_mem>>)
      %dma_wait3A_644 = arith.constant 0 : i32
      %dma_wait3A_645 = tpu.memref_slice %arg5[%mul3A_146, %dma_wait3A_644] : memref<204800x64xf32, #tpu.memory_space<hbm>> -> memref<200x64xf32, #tpu.memory_space<hbm>>
      %dma_wait3A_646 = arith.constant 0 : i32
      %dma_wait3A_647 = tpu.memref_slice %arg5[%mul3A_146, %dma_wait3A_646] : memref<204800x64xf32, #tpu.memory_space<hbm>> -> memref<200x64xf32, #tpu.memory_space<hbm>>
      tpu.wait_dma2 semaphore(%run_scoped3A : memref<!tpu.dma_semaphore, #tpu.memory_space<semaphore_mem>>) src(%arg8 : memref<200x64xf32, #tpu.memory_space<vmem>>) dst(%dma_wait3A_647 : memref<200x64xf32, #tpu.memory_space<hbm>>)
      tpu.yield
    }) : () -> ()
    %add3A_147 = arith.constant 8 : i32
    %add3A_148 = arith.addi %mul3A_2, %add3A_147 : i32
    %mul3A_149 = arith.constant 200 : i32
    %mul3A_150 = arith.muli %add3A_148, %mul3A_149 : i32
    "tpu.region"() ({
      %run_scoped3A = tpu.sem_alloc : memref<!tpu.dma_semaphore, #tpu.memory_space<semaphore_mem>>
      %dma_start3A_640 = tpu.memref_slice %arg2[%mul3A_150] : memref<204800xi32, #tpu.memory_space<hbm>> -> memref<200xi32, #tpu.memory_space<hbm>>
      %dma_start3A_641 = tpu.memref_slice %arg2[%mul3A_150] : memref<204800xi32, #tpu.memory_space<hbm>> -> memref<200xi32, #tpu.memory_space<hbm>>
      tpu.enqueue_dma source(%dma_start3A_641 : memref<200xi32, #tpu.memory_space<hbm>>) target(%arg6 : memref<200xi32, #tpu.memory_space<vmem>>) target_semaphore(%run_scoped3A : memref<!tpu.dma_semaphore, #tpu.memory_space<semaphore_mem>>)
      %dma_wait3A_642 = tpu.memref_slice %arg2[%mul3A_150] : memref<204800xi32, #tpu.memory_space<hbm>> -> memref<200xi32, #tpu.memory_space<hbm>>
      %dma_wait3A_643 = tpu.memref_slice %arg2[%mul3A_150] : memref<204800xi32, #tpu.memory_space<hbm>> -> memref<200xi32, #tpu.memory_space<hbm>>
      tpu.wait_dma2 semaphore(%run_scoped3A : memref<!tpu.dma_semaphore, #tpu.memory_space<semaphore_mem>>) src(%dma_wait3A_643 : memref<200xi32, #tpu.memory_space<hbm>>) dst(%arg6 : memref<200xi32, #tpu.memory_space<vmem>>)
      tpu.yield
    }) : () -> ()
    %dma_start3A_151 = arith.constant 0 : i32
    %dma_start3A_152 = arith.constant 0 : i32
    %dma_start3A_153 = tpu.memref_slice %arg3[%dma_start3A_151, %dma_start3A_152] : memref<1000000x64xf32, #tpu.memory_space<hbm>> -> memref<1000000x64xf32, #tpu.memory_space<hbm>>
    tpu.enqueue_indirect_dma source(%dma_start3A_153 : memref<1000000x64xf32, #tpu.memory_space<hbm>>) target(%arg8 : memref<200x64xf32, #tpu.memory_space<vmem>>) offsets(%arg6 : memref<200xi32, #tpu.memory_space<vmem>>) semaphore(%arg11 : memref<!tpu.dma_semaphore, #tpu.memory_space<semaphore_mem>>)
    %dma_wait3A_154 = arith.constant 0 : i32
    %dma_wait3A_155 = arith.constant 0 : i32
    %dma_wait3A_156 = tpu.memref_slice %arg3[%dma_wait3A_154, %dma_wait3A_155] : memref<1000000x64xf32, #tpu.memory_space<hbm>> -> memref<1000000x64xf32, #tpu.memory_space<hbm>>
    tpu.wait_indirect_dma semaphore(%arg12 : memref<!tpu.dma_semaphore, #tpu.memory_space<semaphore_mem>>) src(%dma_wait3A_156 : memref<1000000x64xf32, #tpu.memory_space<hbm>>) dst(%arg9 : memref<200x64xf32, #tpu.memory_space<vmem>>)
    %scan3A_157 = arith.constant 0 : i32
    %scan3A_158 = arith.constant 0 : i32
    %scan3A_159 = arith.constant 200 : i32
    %scan3A_160 = arith.addi %scan3A_158, %scan3A_159 : i32
    %scan3A_161 = arith.constant 1 : i32
    scf.for %scan3A_640 = %scan3A_158 to %scan3A_160 step %scan3A_161  : i32 {
      %get3A = arith.index_cast %scan3A_640 : i32 to index
      %get3A_641 = arith.constant 0 : index
      %get3A_642 = tpu.vector_load %arg9[%get3A, %get3A_641] {strides = array<i32>} : memref<200x64xf32, #tpu.memory_space<vmem>>, vector<1x16xf32>,
      %get3A_643 = vector.shape_cast %get3A_642 : vector<1x16xf32> to vector<16xf32>
      %get3A_644 = arith.index_cast %scan3A_640 : i32 to index
      %get3A_645 = arith.constant 0 : index
      %get3A_646 = tpu.vector_load %arg10[%get3A_644, %get3A_645] {strides = array<i32>} : memref<200x64xf32, #tpu.memory_space<vmem>>, vector<1x16xf32>,
      %get3A_647 = vector.shape_cast %get3A_646 : vector<1x16xf32> to vector<16xf32>
      %add3A_648 = arith.addf %get3A_643, %get3A_647 : vector<16xf32>
      %swap3A = arith.index_cast %scan3A_640 : i32 to index
      %swap3A_649 = arith.constant 0 : index
      %swap3A_650 = tpu.vector_load %arg9[%swap3A, %swap3A_649] {strides = array<i32>} : memref<200x64xf32, #tpu.memory_space<vmem>>, vector<1x16xf32>,
      %swap3A_651 = vector.shape_cast %swap3A_650 : vector<1x16xf32> to vector<16xf32>
      %swap3A_652 = vector.shape_cast %add3A_648 : vector<16xf32> to vector<1x16xf32>
      tpu.vector_store %arg9[%swap3A, %swap3A_649], %swap3A_652 {strides = array<i32>} : memref<200x64xf32, #tpu.memory_space<vmem>>, vector<1x16xf32>,
      %get3A_653 = arith.index_cast %scan3A_640 : i32 to index
      %get3A_654 = arith.constant 16 : index
      %get3A_655 = tpu.vector_load %arg9[%get3A_653, %get3A_654] {strides = array<i32>} : memref<200x64xf32, #tpu.memory_space<vmem>>, vector<1x16xf32>,
      %get3A_656 = vector.shape_cast %get3A_655 : vector<1x16xf32> to vector<16xf32>
      %get3A_657 = arith.index_cast %scan3A_640 : i32 to index
      %get3A_658 = arith.constant 16 : index
      %get3A_659 = tpu.vector_load %arg10[%get3A_657, %get3A_658] {strides = array<i32>} : memref<200x64xf32, #tpu.memory_space<vmem>>, vector<1x16xf32>,
      %get3A_660 = vector.shape_cast %get3A_659 : vector<1x16xf32> to vector<16xf32>
      %add3A_661 = arith.addf %get3A_656, %get3A_660 : vector<16xf32>
      %swap3A_662 = arith.index_cast %scan3A_640 : i32 to index
      %swap3A_663 = arith.constant 16 : index
      %swap3A_664 = tpu.vector_load %arg9[%swap3A_662, %swap3A_663] {strides = array<i32>} : memref<200x64xf32, #tpu.memory_space<vmem>>, vector<1x16xf32>,
      %swap3A_665 = vector.shape_cast %swap3A_664 : vector<1x16xf32> to vector<16xf32>
      %swap3A_666 = vector.shape_cast %add3A_661 : vector<16xf32> to vector<1x16xf32>
      tpu.vector_store %arg9[%swap3A_662, %swap3A_663], %swap3A_666 {strides = array<i32>} : memref<200x64xf32, #tpu.memory_space<vmem>>, vector<1x16xf32>,
      %get3A_667 = arith.index_cast %scan3A_640 : i32 to index
      %get3A_668 = arith.constant 32 : index
      %get3A_669 = tpu.vector_load %arg9[%get3A_667, %get3A_668] {strides = array<i32>} : memref<200x64xf32, #tpu.memory_space<vmem>>, vector<1x16xf32>,
      %get3A_670 = vector.shape_cast %get3A_669 : vector<1x16xf32> to vector<16xf32>
      %get3A_671 = arith.index_cast %scan3A_640 : i32 to index
      %get3A_672 = arith.constant 32 : index
      %get3A_673 = tpu.vector_load %arg10[%get3A_671, %get3A_672] {strides = array<i32>} : memref<200x64xf32, #tpu.memory_space<vmem>>, vector<1x16xf32>,
      %get3A_674 = vector.shape_cast %get3A_673 : vector<1x16xf32> to vector<16xf32>
      %add3A_675 = arith.addf %get3A_670, %get3A_674 : vector<16xf32>
      %swap3A_676 = arith.index_cast %scan3A_640 : i32 to index
      %swap3A_677 = arith.constant 32 : index
      %swap3A_678 = tpu.vector_load %arg9[%swap3A_676, %swap3A_677] {strides = array<i32>} : memref<200x64xf32, #tpu.memory_space<vmem>>, vector<1x16xf32>,
      %swap3A_679 = vector.shape_cast %swap3A_678 : vector<1x16xf32> to vector<16xf32>
      %swap3A_680 = vector.shape_cast %add3A_675 : vector<16xf32> to vector<1x16xf32>
      tpu.vector_store %arg9[%swap3A_676, %swap3A_677], %swap3A_680 {strides = array<i32>} : memref<200x64xf32, #tpu.memory_space<vmem>>, vector<1x16xf32>,
      %get3A_681 = arith.index_cast %scan3A_640 : i32 to index
      %get3A_682 = arith.constant 48 : index
      %get3A_683 = tpu.vector_load %arg9[%get3A_681, %get3A_682] {strides = array<i32>} : memref<200x64xf32, #tpu.memory_space<vmem>>, vector<1x16xf32>,
      %get3A_684 = vector.shape_cast %get3A_683 : vector<1x16xf32> to vector<16xf32>
      %get3A_685 = arith.index_cast %scan3A_640 : i32 to index
      %get3A_686 = arith.constant 48 : index
      %get3A_687 = tpu.vector_load %arg10[%get3A_685, %get3A_686] {strides = array<i32>} : memref<200x64xf32, #tpu.memory_space<vmem>>, vector<1x16xf32>,
      %get3A_688 = vector.shape_cast %get3A_687 : vector<1x16xf32> to vector<16xf32>
      %add3A_689 = arith.addf %get3A_684, %get3A_688 : vector<16xf32>
      %swap3A_690 = arith.index_cast %scan3A_640 : i32 to index
      %swap3A_691 = arith.constant 48 : index
      %swap3A_692 = tpu.vector_load %arg9[%swap3A_690, %swap3A_691] {strides = array<i32>} : memref<200x64xf32, #tpu.memory_space<vmem>>, vector<1x16xf32>,
      %swap3A_693 = vector.shape_cast %swap3A_692 : vector<1x16xf32> to vector<16xf32>
      %swap3A_694 = vector.shape_cast %add3A_689 : vector<16xf32> to vector<1x16xf32>
      tpu.vector_store %arg9[%swap3A_690, %swap3A_691], %swap3A_694 {strides = array<i32>} : memref<200x64xf32, #tpu.memory_space<vmem>>, vector<1x16xf32>,
    }
    %scan3A_162 = arith.constant 200 : i32
    %add3A_163 = arith.constant 7 : i32
    %add3A_164 = arith.addi %mul3A_2, %add3A_163 : i32
    %mul3A_165 = arith.constant 200 : i32
    %mul3A_166 = arith.muli %add3A_164, %mul3A_165 : i32
    "tpu.region"() ({
      %run_scoped3A = tpu.sem_alloc : memref<!tpu.dma_semaphore, #tpu.memory_space<semaphore_mem>>
      %dma_start3A_640 = arith.constant 0 : i32
      %dma_start3A_641 = tpu.memref_slice %arg5[%mul3A_166, %dma_start3A_640] : memref<204800x64xf32, #tpu.memory_space<hbm>> -> memref<200x64xf32, #tpu.memory_space<hbm>>
      %dma_start3A_642 = arith.constant 0 : i32
      %dma_start3A_643 = tpu.memref_slice %arg5[%mul3A_166, %dma_start3A_642] : memref<204800x64xf32, #tpu.memory_space<hbm>> -> memref<200x64xf32, #tpu.memory_space<hbm>>
      tpu.enqueue_dma source(%arg9 : memref<200x64xf32, #tpu.memory_space<vmem>>) target(%dma_start3A_643 : memref<200x64xf32, #tpu.memory_space<hbm>>) target_semaphore(%run_scoped3A : memref<!tpu.dma_semaphore, #tpu.memory_space<semaphore_mem>>)
      %dma_wait3A_644 = arith.constant 0 : i32
      %dma_wait3A_645 = tpu.memref_slice %arg5[%mul3A_166, %dma_wait3A_644] : memref<204800x64xf32, #tpu.memory_space<hbm>> -> memref<200x64xf32, #tpu.memory_space<hbm>>
      %dma_wait3A_646 = arith.constant 0 : i32
      %dma_wait3A_647 = tpu.memref_slice %arg5[%mul3A_166, %dma_wait3A_646] : memref<204800x64xf32, #tpu.memory_space<hbm>> -> memref<200x64xf32, #tpu.memory_space<hbm>>
      tpu.wait_dma2 semaphore(%run_scoped3A : memref<!tpu.dma_semaphore, #tpu.memory_space<semaphore_mem>>) src(%arg9 : memref<200x64xf32, #tpu.memory_space<vmem>>) dst(%dma_wait3A_647 : memref<200x64xf32, #tpu.memory_space<hbm>>)
      tpu.yield
    }) : () -> ()
    %add3A_167 = arith.constant 9 : i32
    %add3A_168 = arith.addi %mul3A_2, %add3A_167 : i32
    %mul3A_169 = arith.constant 200 : i32
    %mul3A_170 = arith.muli %add3A_168, %mul3A_169 : i32
    "tpu.region"() ({
      %run_scoped3A = tpu.sem_alloc : memref<!tpu.dma_semaphore, #tpu.memory_space<semaphore_mem>>
      %dma_start3A_640 = tpu.memref_slice %arg2[%mul3A_170] : memref<204800xi32, #tpu.memory_space<hbm>> -> memref<200xi32, #tpu.memory_space<hbm>>
      %dma_start3A_641 = tpu.memref_slice %arg2[%mul3A_170] : memref<204800xi32, #tpu.memory_space<hbm>> -> memref<200xi32, #tpu.memory_space<hbm>>
      tpu.enqueue_dma source(%dma_start3A_641 : memref<200xi32, #tpu.memory_space<hbm>>) target(%arg7 : memref<200xi32, #tpu.memory_space<vmem>>) target_semaphore(%run_scoped3A : memref<!tpu.dma_semaphore, #tpu.memory_space<semaphore_mem>>)
      %dma_wait3A_642 = tpu.memref_slice %arg2[%mul3A_170] : memref<204800xi32, #tpu.memory_space<hbm>> -> memref<200xi32, #tpu.memory_space<hbm>>
      %dma_wait3A_643 = tpu.memref_slice %arg2[%mul3A_170] : memref<204800xi32, #tpu.memory_space<hbm>> -> memref<200xi32, #tpu.memory_space<hbm>>
      tpu.wait_dma2 semaphore(%run_scoped3A : memref<!tpu.dma_semaphore, #tpu.memory_space<semaphore_mem>>) src(%dma_wait3A_643 : memref<200xi32, #tpu.memory_space<hbm>>) dst(%arg7 : memref<200xi32, #tpu.memory_space<vmem>>)
      tpu.yield
    }) : () -> ()
    %dma_start3A_171 = arith.constant 0 : i32
    %dma_start3A_172 = arith.constant 0 : i32
    %dma_start3A_173 = tpu.memref_slice %arg3[%dma_start3A_171, %dma_start3A_172] : memref<1000000x64xf32, #tpu.memory_space<hbm>> -> memref<1000000x64xf32, #tpu.memory_space<hbm>>
    tpu.enqueue_indirect_dma source(%dma_start3A_173 : memref<1000000x64xf32, #tpu.memory_space<hbm>>) target(%arg9 : memref<200x64xf32, #tpu.memory_space<vmem>>) offsets(%arg7 : memref<200xi32, #tpu.memory_space<vmem>>) semaphore(%arg12 : memref<!tpu.dma_semaphore, #tpu.memory_space<semaphore_mem>>)
    %dma_wait3A_174 = arith.constant 0 : i32
    %dma_wait3A_175 = arith.constant 0 : i32
    %dma_wait3A_176 = tpu.memref_slice %arg3[%dma_wait3A_174, %dma_wait3A_175] : memref<1000000x64xf32, #tpu.memory_space<hbm>> -> memref<1000000x64xf32, #tpu.memory_space<hbm>>
    tpu.wait_indirect_dma semaphore(%arg11 : memref<!tpu.dma_semaphore, #tpu.memory_space<semaphore_mem>>) src(%dma_wait3A_176 : memref<1000000x64xf32, #tpu.memory_space<hbm>>) dst(%arg8 : memref<200x64xf32, #tpu.memory_space<vmem>>)
    %scan3A_177 = arith.constant 0 : i32
    %scan3A_178 = arith.constant 0 : i32
    %scan3A_179 = arith.constant 200 : i32
    %scan3A_180 = arith.addi %scan3A_178, %scan3A_179 : i32
    %scan3A_181 = arith.constant 1 : i32
    scf.for %scan3A_640 = %scan3A_178 to %scan3A_180 step %scan3A_181  : i32 {
      %get3A = arith.index_cast %scan3A_640 : i32 to index
      %get3A_641 = arith.constant 0 : index
      %get3A_642 = tpu.vector_load %arg8[%get3A, %get3A_641] {strides = array<i32>} : memref<200x64xf32, #tpu.memory_space<vmem>>, vector<1x16xf32>,
      %get3A_643 = vector.shape_cast %get3A_642 : vector<1x16xf32> to vector<16xf32>
      %get3A_644 = arith.index_cast %scan3A_640 : i32 to index
      %get3A_645 = arith.constant 0 : index
      %get3A_646 = tpu.vector_load %arg10[%get3A_644, %get3A_645] {strides = array<i32>} : memref<200x64xf32, #tpu.memory_space<vmem>>, vector<1x16xf32>,
      %get3A_647 = vector.shape_cast %get3A_646 : vector<1x16xf32> to vector<16xf32>
      %add3A_648 = arith.addf %get3A_643, %get3A_647 : vector<16xf32>
      %swap3A = arith.index_cast %scan3A_640 : i32 to index
      %swap3A_649 = arith.constant 0 : index
      %swap3A_650 = tpu.vector_load %arg8[%swap3A, %swap3A_649] {strides = array<i32>} : memref<200x64xf32, #tpu.memory_space<vmem>>, vector<1x16xf32>,
      %swap3A_651 = vector.shape_cast %swap3A_650 : vector<1x16xf32> to vector<16xf32>
      %swap3A_652 = vector.shape_cast %add3A_648 : vector<16xf32> to vector<1x16xf32>
      tpu.vector_store %arg8[%swap3A, %swap3A_649], %swap3A_652 {strides = array<i32>} : memref<200x64xf32, #tpu.memory_space<vmem>>, vector<1x16xf32>,
      %get3A_653 = arith.index_cast %scan3A_640 : i32 to index
      %get3A_654 = arith.constant 16 : index
      %get3A_655 = tpu.vector_load %arg8[%get3A_653, %get3A_654] {strides = array<i32>} : memref<200x64xf32, #tpu.memory_space<vmem>>, vector<1x16xf32>,
      %get3A_656 = vector.shape_cast %get3A_655 : vector<1x16xf32> to vector<16xf32>
      %get3A_657 = arith.index_cast %scan3A_640 : i32 to index
      %get3A_658 = arith.constant 16 : index
      %get3A_659 = tpu.vector_load %arg10[%get3A_657, %get3A_658] {strides = array<i32>} : memref<200x64xf32, #tpu.memory_space<vmem>>, vector<1x16xf32>,
      %get3A_660 = vector.shape_cast %get3A_659 : vector<1x16xf32> to vector<16xf32>
      %add3A_661 = arith.addf %get3A_656, %get3A_660 : vector<16xf32>
      %swap3A_662 = arith.index_cast %scan3A_640 : i32 to index
      %swap3A_663 = arith.constant 16 : index
      %swap3A_664 = tpu.vector_load %arg8[%swap3A_662, %swap3A_663] {strides = array<i32>} : memref<200x64xf32, #tpu.memory_space<vmem>>, vector<1x16xf32>,
      %swap3A_665 = vector.shape_cast %swap3A_664 : vector<1x16xf32> to vector<16xf32>
      %swap3A_666 = vector.shape_cast %add3A_661 : vector<16xf32> to vector<1x16xf32>
      tpu.vector_store %arg8[%swap3A_662, %swap3A_663], %swap3A_666 {strides = array<i32>} : memref<200x64xf32, #tpu.memory_space<vmem>>, vector<1x16xf32>,
      %get3A_667 = arith.index_cast %scan3A_640 : i32 to index
      %get3A_668 = arith.constant 32 : index
      %get3A_669 = tpu.vector_load %arg8[%get3A_667, %get3A_668] {strides = array<i32>} : memref<200x64xf32, #tpu.memory_space<vmem>>, vector<1x16xf32>,
      %get3A_670 = vector.shape_cast %get3A_669 : vector<1x16xf32> to vector<16xf32>
      %get3A_671 = arith.index_cast %scan3A_640 : i32 to index
      %get3A_672 = arith.constant 32 : index
      %get3A_673 = tpu.vector_load %arg10[%get3A_671, %get3A_672] {strides = array<i32>} : memref<200x64xf32, #tpu.memory_space<vmem>>, vector<1x16xf32>,
      %get3A_674 = vector.shape_cast %get3A_673 : vector<1x16xf32> to vector<16xf32>
      %add3A_675 = arith.addf %get3A_670, %get3A_674 : vector<16xf32>
      %swap3A_676 = arith.index_cast %scan3A_640 : i32 to index
      %swap3A_677 = arith.constant 32 : index
      %swap3A_678 = tpu.vector_load %arg8[%swap3A_676, %swap3A_677] {strides = array<i32>} : memref<200x64xf32, #tpu.memory_space<vmem>>, vector<1x16xf32>,
      %swap3A_679 = vector.shape_cast %swap3A_678 : vector<1x16xf32> to vector<16xf32>
      %swap3A_680 = vector.shape_cast %add3A_675 : vector<16xf32> to vector<1x16xf32>
      tpu.vector_store %arg8[%swap3A_676, %swap3A_677], %swap3A_680 {strides = array<i32>} : memref<200x64xf32, #tpu.memory_space<vmem>>, vector<1x16xf32>,
      %get3A_681 = arith.index_cast %scan3A_640 : i32 to index
      %get3A_682 = arith.constant 48 : index
      %get3A_683 = tpu.vector_load %arg8[%get3A_681, %get3A_682] {strides = array<i32>} : memref<200x64xf32, #tpu.memory_space<vmem>>, vector<1x16xf32>,
      %get3A_684 = vector.shape_cast %get3A_683 : vector<1x16xf32> to vector<16xf32>
      %get3A_685 = arith.index_cast %scan3A_640 : i32 to index
      %get3A_686 = arith.constant 48 : index
      %get3A_687 = tpu.vector_load %arg10[%get3A_685, %get3A_686] {strides = array<i32>} : memref<200x64xf32, #tpu.memory_space<vmem>>, vector<1x16xf32>,
      %get3A_688 = vector.shape_cast %get3A_687 : vector<1x16xf32> to vector<16xf32>
      %add3A_689 = arith.addf %get3A_684, %get3A_688 : vector<16xf32>
      %swap3A_690 = arith.index_cast %scan3A_640 : i32 to index
      %swap3A_691 = arith.constant 48 : index
      %swap3A_692 = tpu.vector_load %arg8[%swap3A_690, %swap3A_691] {strides = array<i32>} : memref<200x64xf32, #tpu.memory_space<vmem>>, vector<1x16xf32>,
      %swap3A_693 = vector.shape_cast %swap3A_692 : vector<1x16xf32> to vector<16xf32>
      %swap3A_694 = vector.shape_cast %add3A_689 : vector<16xf32> to vector<1x16xf32>
      tpu.vector_store %arg8[%swap3A_690, %swap3A_691], %swap3A_694 {strides = array<i32>} : memref<200x64xf32, #tpu.memory_space<vmem>>, vector<1x16xf32>,
    }
    %scan3A_182 = arith.constant 200 : i32
    %add3A_183 = arith.constant 8 : i32
    %add3A_184 = arith.addi %mul3A_2, %add3A_183 : i32
    %mul3A_185 = arith.constant 200 : i32
    %mul3A_186 = arith.muli %add3A_184, %mul3A_185 : i32
    "tpu.region"() ({
      %run_scoped3A = tpu.sem_alloc : memref<!tpu.dma_semaphore, #tpu.memory_space<semaphore_mem>>
      %dma_start3A_640 = arith.constant 0 : i32
      %dma_start3A_641 = tpu.memref_slice %arg5[%mul3A_186, %dma_start3A_640] : memref<204800x64xf32, #tpu.memory_space<hbm>> -> memref<200x64xf32, #tpu.memory_space<hbm>>
      %dma_start3A_642 = arith.constant 0 : i32
      %dma_start3A_643 = tpu.memref_slice %arg5[%mul3A_186, %dma_start3A_642] : memref<204800x64xf32, #tpu.memory_space<hbm>> -> memref<200x64xf32, #tpu.memory_space<hbm>>
      tpu.enqueue_dma source(%arg8 : memref<200x64xf32, #tpu.memory_space<vmem>>) target(%dma_start3A_643 : memref<200x64xf32, #tpu.memory_space<hbm>>) target_semaphore(%run_scoped3A : memref<!tpu.dma_semaphore, #tpu.memory_space<semaphore_mem>>)
      %dma_wait3A_644 = arith.constant 0 : i32
      %dma_wait3A_645 = tpu.memref_slice %arg5[%mul3A_186, %dma_wait3A_644] : memref<204800x64xf32, #tpu.memory_space<hbm>> -> memref<200x64xf32, #tpu.memory_space<hbm>>
      %dma_wait3A_646 = arith.constant 0 : i32
      %dma_wait3A_647 = tpu.memref_slice %arg5[%mul3A_186, %dma_wait3A_646] : memref<204800x64xf32, #tpu.memory_space<hbm>> -> memref<200x64xf32, #tpu.memory_space<hbm>>
      tpu.wait_dma2 semaphore(%run_scoped3A : memref<!tpu.dma_semaphore, #tpu.memory_space<semaphore_mem>>) src(%arg8 : memref<200x64xf32, #tpu.memory_space<vmem>>) dst(%dma_wait3A_647 : memref<200x64xf32, #tpu.memory_space<hbm>>)
      tpu.yield
    }) : () -> ()
    %add3A_187 = arith.constant 10 : i32
    %add3A_188 = arith.addi %mul3A_2, %add3A_187 : i32
    %mul3A_189 = arith.constant 200 : i32
    %mul3A_190 = arith.muli %add3A_188, %mul3A_189 : i32
    "tpu.region"() ({
      %run_scoped3A = tpu.sem_alloc : memref<!tpu.dma_semaphore, #tpu.memory_space<semaphore_mem>>
      %dma_start3A_640 = tpu.memref_slice %arg2[%mul3A_190] : memref<204800xi32, #tpu.memory_space<hbm>> -> memref<200xi32, #tpu.memory_space<hbm>>
      %dma_start3A_641 = tpu.memref_slice %arg2[%mul3A_190] : memref<204800xi32, #tpu.memory_space<hbm>> -> memref<200xi32, #tpu.memory_space<hbm>>
      tpu.enqueue_dma source(%dma_start3A_641 : memref<200xi32, #tpu.memory_space<hbm>>) target(%arg6 : memref<200xi32, #tpu.memory_space<vmem>>) target_semaphore(%run_scoped3A : memref<!tpu.dma_semaphore, #tpu.memory_space<semaphore_mem>>)
      %dma_wait3A_642 = tpu.memref_slice %arg2[%mul3A_190] : memref<204800xi32, #tpu.memory_space<hbm>> -> memref<200xi32, #tpu.memory_space<hbm>>
      %dma_wait3A_643 = tpu.memref_slice %arg2[%mul3A_190] : memref<204800xi32, #tpu.memory_space<hbm>> -> memref<200xi32, #tpu.memory_space<hbm>>
      tpu.wait_dma2 semaphore(%run_scoped3A : memref<!tpu.dma_semaphore, #tpu.memory_space<semaphore_mem>>) src(%dma_wait3A_643 : memref<200xi32, #tpu.memory_space<hbm>>) dst(%arg6 : memref<200xi32, #tpu.memory_space<vmem>>)
      tpu.yield
    }) : () -> ()
    %dma_start3A_191 = arith.constant 0 : i32
    %dma_start3A_192 = arith.constant 0 : i32
    %dma_start3A_193 = tpu.memref_slice %arg3[%dma_start3A_191, %dma_start3A_192] : memref<1000000x64xf32, #tpu.memory_space<hbm>> -> memref<1000000x64xf32, #tpu.memory_space<hbm>>
    tpu.enqueue_indirect_dma source(%dma_start3A_193 : memref<1000000x64xf32, #tpu.memory_space<hbm>>) target(%arg8 : memref<200x64xf32, #tpu.memory_space<vmem>>) offsets(%arg6 : memref<200xi32, #tpu.memory_space<vmem>>) semaphore(%arg11 : memref<!tpu.dma_semaphore, #tpu.memory_space<semaphore_mem>>)
    %dma_wait3A_194 = arith.constant 0 : i32
    %dma_wait3A_195 = arith.constant 0 : i32
    %dma_wait3A_196 = tpu.memref_slice %arg3[%dma_wait3A_194, %dma_wait3A_195] : memref<1000000x64xf32, #tpu.memory_space<hbm>> -> memref<1000000x64xf32, #tpu.memory_space<hbm>>
    tpu.wait_indirect_dma semaphore(%arg12 : memref<!tpu.dma_semaphore, #tpu.memory_space<semaphore_mem>>) src(%dma_wait3A_196 : memref<1000000x64xf32, #tpu.memory_space<hbm>>) dst(%arg9 : memref<200x64xf32, #tpu.memory_space<vmem>>)
    %scan3A_197 = arith.constant 0 : i32
    %scan3A_198 = arith.constant 0 : i32
    %scan3A_199 = arith.constant 200 : i32
    %scan3A_200 = arith.addi %scan3A_198, %scan3A_199 : i32
    %scan3A_201 = arith.constant 1 : i32
    scf.for %scan3A_640 = %scan3A_198 to %scan3A_200 step %scan3A_201  : i32 {
      %get3A = arith.index_cast %scan3A_640 : i32 to index
      %get3A_641 = arith.constant 0 : index
      %get3A_642 = tpu.vector_load %arg9[%get3A, %get3A_641] {strides = array<i32>} : memref<200x64xf32, #tpu.memory_space<vmem>>, vector<1x16xf32>,
      %get3A_643 = vector.shape_cast %get3A_642 : vector<1x16xf32> to vector<16xf32>
      %get3A_644 = arith.index_cast %scan3A_640 : i32 to index
      %get3A_645 = arith.constant 0 : index
      %get3A_646 = tpu.vector_load %arg10[%get3A_644, %get3A_645] {strides = array<i32>} : memref<200x64xf32, #tpu.memory_space<vmem>>, vector<1x16xf32>,
      %get3A_647 = vector.shape_cast %get3A_646 : vector<1x16xf32> to vector<16xf32>
      %add3A_648 = arith.addf %get3A_643, %get3A_647 : vector<16xf32>
      %swap3A = arith.index_cast %scan3A_640 : i32 to index
      %swap3A_649 = arith.constant 0 : index
      %swap3A_650 = tpu.vector_load %arg9[%swap3A, %swap3A_649] {strides = array<i32>} : memref<200x64xf32, #tpu.memory_space<vmem>>, vector<1x16xf32>,
      %swap3A_651 = vector.shape_cast %swap3A_650 : vector<1x16xf32> to vector<16xf32>
      %swap3A_652 = vector.shape_cast %add3A_648 : vector<16xf32> to vector<1x16xf32>
      tpu.vector_store %arg9[%swap3A, %swap3A_649], %swap3A_652 {strides = array<i32>} : memref<200x64xf32, #tpu.memory_space<vmem>>, vector<1x16xf32>,
      %get3A_653 = arith.index_cast %scan3A_640 : i32 to index
      %get3A_654 = arith.constant 16 : index
      %get3A_655 = tpu.vector_load %arg9[%get3A_653, %get3A_654] {strides = array<i32>} : memref<200x64xf32, #tpu.memory_space<vmem>>, vector<1x16xf32>,
      %get3A_656 = vector.shape_cast %get3A_655 : vector<1x16xf32> to vector<16xf32>
      %get3A_657 = arith.index_cast %scan3A_640 : i32 to index
      %get3A_658 = arith.constant 16 : index
      %get3A_659 = tpu.vector_load %arg10[%get3A_657, %get3A_658] {strides = array<i32>} : memref<200x64xf32, #tpu.memory_space<vmem>>, vector<1x16xf32>,
      %get3A_660 = vector.shape_cast %get3A_659 : vector<1x16xf32> to vector<16xf32>
      %add3A_661 = arith.addf %get3A_656, %get3A_660 : vector<16xf32>
      %swap3A_662 = arith.index_cast %scan3A_640 : i32 to index
      %swap3A_663 = arith.constant 16 : index
      %swap3A_664 = tpu.vector_load %arg9[%swap3A_662, %swap3A_663] {strides = array<i32>} : memref<200x64xf32, #tpu.memory_space<vmem>>, vector<1x16xf32>,
      %swap3A_665 = vector.shape_cast %swap3A_664 : vector<1x16xf32> to vector<16xf32>
      %swap3A_666 = vector.shape_cast %add3A_661 : vector<16xf32> to vector<1x16xf32>
      tpu.vector_store %arg9[%swap3A_662, %swap3A_663], %swap3A_666 {strides = array<i32>} : memref<200x64xf32, #tpu.memory_space<vmem>>, vector<1x16xf32>,
      %get3A_667 = arith.index_cast %scan3A_640 : i32 to index
      %get3A_668 = arith.constant 32 : index
      %get3A_669 = tpu.vector_load %arg9[%get3A_667, %get3A_668] {strides = array<i32>} : memref<200x64xf32, #tpu.memory_space<vmem>>, vector<1x16xf32>,
      %get3A_670 = vector.shape_cast %get3A_669 : vector<1x16xf32> to vector<16xf32>
      %get3A_671 = arith.index_cast %scan3A_640 : i32 to index
      %get3A_672 = arith.constant 32 : index
      %get3A_673 = tpu.vector_load %arg10[%get3A_671, %get3A_672] {strides = array<i32>} : memref<200x64xf32, #tpu.memory_space<vmem>>, vector<1x16xf32>,
      %get3A_674 = vector.shape_cast %get3A_673 : vector<1x16xf32> to vector<16xf32>
      %add3A_675 = arith.addf %get3A_670, %get3A_674 : vector<16xf32>
      %swap3A_676 = arith.index_cast %scan3A_640 : i32 to index
      %swap3A_677 = arith.constant 32 : index
      %swap3A_678 = tpu.vector_load %arg9[%swap3A_676, %swap3A_677] {strides = array<i32>} : memref<200x64xf32, #tpu.memory_space<vmem>>, vector<1x16xf32>,
      %swap3A_679 = vector.shape_cast %swap3A_678 : vector<1x16xf32> to vector<16xf32>
      %swap3A_680 = vector.shape_cast %add3A_675 : vector<16xf32> to vector<1x16xf32>
      tpu.vector_store %arg9[%swap3A_676, %swap3A_677], %swap3A_680 {strides = array<i32>} : memref<200x64xf32, #tpu.memory_space<vmem>>, vector<1x16xf32>,
      %get3A_681 = arith.index_cast %scan3A_640 : i32 to index
      %get3A_682 = arith.constant 48 : index
      %get3A_683 = tpu.vector_load %arg9[%get3A_681, %get3A_682] {strides = array<i32>} : memref<200x64xf32, #tpu.memory_space<vmem>>, vector<1x16xf32>,
      %get3A_684 = vector.shape_cast %get3A_683 : vector<1x16xf32> to vector<16xf32>
      %get3A_685 = arith.index_cast %scan3A_640 : i32 to index
      %get3A_686 = arith.constant 48 : index
      %get3A_687 = tpu.vector_load %arg10[%get3A_685, %get3A_686] {strides = array<i32>} : memref<200x64xf32, #tpu.memory_space<vmem>>, vector<1x16xf32>,
      %get3A_688 = vector.shape_cast %get3A_687 : vector<1x16xf32> to vector<16xf32>
      %add3A_689 = arith.addf %get3A_684, %get3A_688 : vector<16xf32>
      %swap3A_690 = arith.index_cast %scan3A_640 : i32 to index
      %swap3A_691 = arith.constant 48 : index
      %swap3A_692 = tpu.vector_load %arg9[%swap3A_690, %swap3A_691] {strides = array<i32>} : memref<200x64xf32, #tpu.memory_space<vmem>>, vector<1x16xf32>,
      %swap3A_693 = vector.shape_cast %swap3A_692 : vector<1x16xf32> to vector<16xf32>
      %swap3A_694 = vector.shape_cast %add3A_689 : vector<16xf32> to vector<1x16xf32>
      tpu.vector_store %arg9[%swap3A_690, %swap3A_691], %swap3A_694 {strides = array<i32>} : memref<200x64xf32, #tpu.memory_space<vmem>>, vector<1x16xf32>,
    }
    %scan3A_202 = arith.constant 200 : i32
    %add3A_203 = arith.constant 9 : i32
    %add3A_204 = arith.addi %mul3A_2, %add3A_203 : i32
    %mul3A_205 = arith.constant 200 : i32
    %mul3A_206 = arith.muli %add3A_204, %mul3A_205 : i32
    "tpu.region"() ({
      %run_scoped3A = tpu.sem_alloc : memref<!tpu.dma_semaphore, #tpu.memory_space<semaphore_mem>>
      %dma_start3A_640 = arith.constant 0 : i32
      %dma_start3A_641 = tpu.memref_slice %arg5[%mul3A_206, %dma_start3A_640] : memref<204800x64xf32, #tpu.memory_space<hbm>> -> memref<200x64xf32, #tpu.memory_space<hbm>>
      %dma_start3A_642 = arith.constant 0 : i32
      %dma_start3A_643 = tpu.memref_slice %arg5[%mul3A_206, %dma_start3A_642] : memref<204800x64xf32, #tpu.memory_space<hbm>> -> memref<200x64xf32, #tpu.memory_space<hbm>>
      tpu.enqueue_dma source(%arg9 : memref<200x64xf32, #tpu.memory_space<vmem>>) target(%dma_start3A_643 : memref<200x64xf32, #tpu.memory_space<hbm>>) target_semaphore(%run_scoped3A : memref<!tpu.dma_semaphore, #tpu.memory_space<semaphore_mem>>)
      %dma_wait3A_644 = arith.constant 0 : i32
      %dma_wait3A_645 = tpu.memref_slice %arg5[%mul3A_206, %dma_wait3A_644] : memref<204800x64xf32, #tpu.memory_space<hbm>> -> memref<200x64xf32, #tpu.memory_space<hbm>>
      %dma_wait3A_646 = arith.constant 0 : i32
      %dma_wait3A_647 = tpu.memref_slice %arg5[%mul3A_206, %dma_wait3A_646] : memref<204800x64xf32, #tpu.memory_space<hbm>> -> memref<200x64xf32, #tpu.memory_space<hbm>>
      tpu.wait_dma2 semaphore(%run_scoped3A : memref<!tpu.dma_semaphore, #tpu.memory_space<semaphore_mem>>) src(%arg9 : memref<200x64xf32, #tpu.memory_space<vmem>>) dst(%dma_wait3A_647 : memref<200x64xf32, #tpu.memory_space<hbm>>)
      tpu.yield
    }) : () -> ()
    %add3A_207 = arith.constant 11 : i32
    %add3A_208 = arith.addi %mul3A_2, %add3A_207 : i32
    %mul3A_209 = arith.constant 200 : i32
    %mul3A_210 = arith.muli %add3A_208, %mul3A_209 : i32
    "tpu.region"() ({
      %run_scoped3A = tpu.sem_alloc : memref<!tpu.dma_semaphore, #tpu.memory_space<semaphore_mem>>
      %dma_start3A_640 = tpu.memref_slice %arg2[%mul3A_210] : memref<204800xi32, #tpu.memory_space<hbm>> -> memref<200xi32, #tpu.memory_space<hbm>>
      %dma_start3A_641 = tpu.memref_slice %arg2[%mul3A_210] : memref<204800xi32, #tpu.memory_space<hbm>> -> memref<200xi32, #tpu.memory_space<hbm>>
      tpu.enqueue_dma source(%dma_start3A_641 : memref<200xi32, #tpu.memory_space<hbm>>) target(%arg7 : memref<200xi32, #tpu.memory_space<vmem>>) target_semaphore(%run_scoped3A : memref<!tpu.dma_semaphore, #tpu.memory_space<semaphore_mem>>)
      %dma_wait3A_642 = tpu.memref_slice %arg2[%mul3A_210] : memref<204800xi32, #tpu.memory_space<hbm>> -> memref<200xi32, #tpu.memory_space<hbm>>
      %dma_wait3A_643 = tpu.memref_slice %arg2[%mul3A_210] : memref<204800xi32, #tpu.memory_space<hbm>> -> memref<200xi32, #tpu.memory_space<hbm>>
      tpu.wait_dma2 semaphore(%run_scoped3A : memref<!tpu.dma_semaphore, #tpu.memory_space<semaphore_mem>>) src(%dma_wait3A_643 : memref<200xi32, #tpu.memory_space<hbm>>) dst(%arg7 : memref<200xi32, #tpu.memory_space<vmem>>)
      tpu.yield
    }) : () -> ()
    %dma_start3A_211 = arith.constant 0 : i32
    %dma_start3A_212 = arith.constant 0 : i32
    %dma_start3A_213 = tpu.memref_slice %arg3[%dma_start3A_211, %dma_start3A_212] : memref<1000000x64xf32, #tpu.memory_space<hbm>> -> memref<1000000x64xf32, #tpu.memory_space<hbm>>
    tpu.enqueue_indirect_dma source(%dma_start3A_213 : memref<1000000x64xf32, #tpu.memory_space<hbm>>) target(%arg9 : memref<200x64xf32, #tpu.memory_space<vmem>>) offsets(%arg7 : memref<200xi32, #tpu.memory_space<vmem>>) semaphore(%arg12 : memref<!tpu.dma_semaphore, #tpu.memory_space<semaphore_mem>>)
    %dma_wait3A_214 = arith.constant 0 : i32
    %dma_wait3A_215 = arith.constant 0 : i32
    %dma_wait3A_216 = tpu.memref_slice %arg3[%dma_wait3A_214, %dma_wait3A_215] : memref<1000000x64xf32, #tpu.memory_space<hbm>> -> memref<1000000x64xf32, #tpu.memory_space<hbm>>
    tpu.wait_indirect_dma semaphore(%arg11 : memref<!tpu.dma_semaphore, #tpu.memory_space<semaphore_mem>>) src(%dma_wait3A_216 : memref<1000000x64xf32, #tpu.memory_space<hbm>>) dst(%arg8 : memref<200x64xf32, #tpu.memory_space<vmem>>)
    %scan3A_217 = arith.constant 0 : i32
    %scan3A_218 = arith.constant 0 : i32
    %scan3A_219 = arith.constant 200 : i32
    %scan3A_220 = arith.addi %scan3A_218, %scan3A_219 : i32
    %scan3A_221 = arith.constant 1 : i32
    scf.for %scan3A_640 = %scan3A_218 to %scan3A_220 step %scan3A_221  : i32 {
      %get3A = arith.index_cast %scan3A_640 : i32 to index
      %get3A_641 = arith.constant 0 : index
      %get3A_642 = tpu.vector_load %arg8[%get3A, %get3A_641] {strides = array<i32>} : memref<200x64xf32, #tpu.memory_space<vmem>>, vector<1x16xf32>,
      %get3A_643 = vector.shape_cast %get3A_642 : vector<1x16xf32> to vector<16xf32>
      %get3A_644 = arith.index_cast %scan3A_640 : i32 to index
      %get3A_645 = arith.constant 0 : index
      %get3A_646 = tpu.vector_load %arg10[%get3A_644, %get3A_645] {strides = array<i32>} : memref<200x64xf32, #tpu.memory_space<vmem>>, vector<1x16xf32>,
      %get3A_647 = vector.shape_cast %get3A_646 : vector<1x16xf32> to vector<16xf32>
      %add3A_648 = arith.addf %get3A_643, %get3A_647 : vector<16xf32>
      %swap3A = arith.index_cast %scan3A_640 : i32 to index
      %swap3A_649 = arith.constant 0 : index
      %swap3A_650 = tpu.vector_load %arg8[%swap3A, %swap3A_649] {strides = array<i32>} : memref<200x64xf32, #tpu.memory_space<vmem>>, vector<1x16xf32>,
      %swap3A_651 = vector.shape_cast %swap3A_650 : vector<1x16xf32> to vector<16xf32>
      %swap3A_652 = vector.shape_cast %add3A_648 : vector<16xf32> to vector<1x16xf32>
      tpu.vector_store %arg8[%swap3A, %swap3A_649], %swap3A_652 {strides = array<i32>} : memref<200x64xf32, #tpu.memory_space<vmem>>, vector<1x16xf32>,
      %get3A_653 = arith.index_cast %scan3A_640 : i32 to index
      %get3A_654 = arith.constant 16 : index
      %get3A_655 = tpu.vector_load %arg8[%get3A_653, %get3A_654] {strides = array<i32>} : memref<200x64xf32, #tpu.memory_space<vmem>>, vector<1x16xf32>,
      %get3A_656 = vector.shape_cast %get3A_655 : vector<1x16xf32> to vector<16xf32>
      %get3A_657 = arith.index_cast %scan3A_640 : i32 to index
      %get3A_658 = arith.constant 16 : index
      %get3A_659 = tpu.vector_load %arg10[%get3A_657, %get3A_658] {strides = array<i32>} : memref<200x64xf32, #tpu.memory_space<vmem>>, vector<1x16xf32>,
      %get3A_660 = vector.shape_cast %get3A_659 : vector<1x16xf32> to vector<16xf32>
      %add3A_661 = arith.addf %get3A_656, %get3A_660 : vector<16xf32>
      %swap3A_662 = arith.index_cast %scan3A_640 : i32 to index
      %swap3A_663 = arith.constant 16 : index
      %swap3A_664 = tpu.vector_load %arg8[%swap3A_662, %swap3A_663] {strides = array<i32>} : memref<200x64xf32, #tpu.memory_space<vmem>>, vector<1x16xf32>,
      %swap3A_665 = vector.shape_cast %swap3A_664 : vector<1x16xf32> to vector<16xf32>
      %swap3A_666 = vector.shape_cast %add3A_661 : vector<16xf32> to vector<1x16xf32>
      tpu.vector_store %arg8[%swap3A_662, %swap3A_663], %swap3A_666 {strides = array<i32>} : memref<200x64xf32, #tpu.memory_space<vmem>>, vector<1x16xf32>,
      %get3A_667 = arith.index_cast %scan3A_640 : i32 to index
      %get3A_668 = arith.constant 32 : index
      %get3A_669 = tpu.vector_load %arg8[%get3A_667, %get3A_668] {strides = array<i32>} : memref<200x64xf32, #tpu.memory_space<vmem>>, vector<1x16xf32>,
      %get3A_670 = vector.shape_cast %get3A_669 : vector<1x16xf32> to vector<16xf32>
      %get3A_671 = arith.index_cast %scan3A_640 : i32 to index
      %get3A_672 = arith.constant 32 : index
      %get3A_673 = tpu.vector_load %arg10[%get3A_671, %get3A_672] {strides = array<i32>} : memref<200x64xf32, #tpu.memory_space<vmem>>, vector<1x16xf32>,
      %get3A_674 = vector.shape_cast %get3A_673 : vector<1x16xf32> to vector<16xf32>
      %add3A_675 = arith.addf %get3A_670, %get3A_674 : vector<16xf32>
      %swap3A_676 = arith.index_cast %scan3A_640 : i32 to index
      %swap3A_677 = arith.constant 32 : index
      %swap3A_678 = tpu.vector_load %arg8[%swap3A_676, %swap3A_677] {strides = array<i32>} : memref<200x64xf32, #tpu.memory_space<vmem>>, vector<1x16xf32>,
      %swap3A_679 = vector.shape_cast %swap3A_678 : vector<1x16xf32> to vector<16xf32>
      %swap3A_680 = vector.shape_cast %add3A_675 : vector<16xf32> to vector<1x16xf32>
      tpu.vector_store %arg8[%swap3A_676, %swap3A_677], %swap3A_680 {strides = array<i32>} : memref<200x64xf32, #tpu.memory_space<vmem>>, vector<1x16xf32>,
      %get3A_681 = arith.index_cast %scan3A_640 : i32 to index
      %get3A_682 = arith.constant 48 : index
      %get3A_683 = tpu.vector_load %arg8[%get3A_681, %get3A_682] {strides = array<i32>} : memref<200x64xf32, #tpu.memory_space<vmem>>, vector<1x16xf32>,
      %get3A_684 = vector.shape_cast %get3A_683 : vector<1x16xf32> to vector<16xf32>
      %get3A_685 = arith.index_cast %scan3A_640 : i32 to index
      %get3A_686 = arith.constant 48 : index
      %get3A_687 = tpu.vector_load %arg10[%get3A_685, %get3A_686] {strides = array<i32>} : memref<200x64xf32, #tpu.memory_space<vmem>>, vector<1x16xf32>,
      %get3A_688 = vector.shape_cast %get3A_687 : vector<1x16xf32> to vector<16xf32>
      %add3A_689 = arith.addf %get3A_684, %get3A_688 : vector<16xf32>
      %swap3A_690 = arith.index_cast %scan3A_640 : i32 to index
      %swap3A_691 = arith.constant 48 : index
      %swap3A_692 = tpu.vector_load %arg8[%swap3A_690, %swap3A_691] {strides = array<i32>} : memref<200x64xf32, #tpu.memory_space<vmem>>, vector<1x16xf32>,
      %swap3A_693 = vector.shape_cast %swap3A_692 : vector<1x16xf32> to vector<16xf32>
      %swap3A_694 = vector.shape_cast %add3A_689 : vector<16xf32> to vector<1x16xf32>
      tpu.vector_store %arg8[%swap3A_690, %swap3A_691], %swap3A_694 {strides = array<i32>} : memref<200x64xf32, #tpu.memory_space<vmem>>, vector<1x16xf32>,
    }
    %scan3A_222 = arith.constant 200 : i32
    %add3A_223 = arith.constant 10 : i32
    %add3A_224 = arith.addi %mul3A_2, %add3A_223 : i32
    %mul3A_225 = arith.constant 200 : i32
    %mul3A_226 = arith.muli %add3A_224, %mul3A_225 : i32
    "tpu.region"() ({
      %run_scoped3A = tpu.sem_alloc : memref<!tpu.dma_semaphore, #tpu.memory_space<semaphore_mem>>
      %dma_start3A_640 = arith.constant 0 : i32
      %dma_start3A_641 = tpu.memref_slice %arg5[%mul3A_226, %dma_start3A_640] : memref<204800x64xf32, #tpu.memory_space<hbm>> -> memref<200x64xf32, #tpu.memory_space<hbm>>
      %dma_start3A_642 = arith.constant 0 : i32
      %dma_start3A_643 = tpu.memref_slice %arg5[%mul3A_226, %dma_start3A_642] : memref<204800x64xf32, #tpu.memory_space<hbm>> -> memref<200x64xf32, #tpu.memory_space<hbm>>
      tpu.enqueue_dma source(%arg8 : memref<200x64xf32, #tpu.memory_space<vmem>>) target(%dma_start3A_643 : memref<200x64xf32, #tpu.memory_space<hbm>>) target_semaphore(%run_scoped3A : memref<!tpu.dma_semaphore, #tpu.memory_space<semaphore_mem>>)
      %dma_wait3A_644 = arith.constant 0 : i32
      %dma_wait3A_645 = tpu.memref_slice %arg5[%mul3A_226, %dma_wait3A_644] : memref<204800x64xf32, #tpu.memory_space<hbm>> -> memref<200x64xf32, #tpu.memory_space<hbm>>
      %dma_wait3A_646 = arith.constant 0 : i32
      %dma_wait3A_647 = tpu.memref_slice %arg5[%mul3A_226, %dma_wait3A_646] : memref<204800x64xf32, #tpu.memory_space<hbm>> -> memref<200x64xf32, #tpu.memory_space<hbm>>
      tpu.wait_dma2 semaphore(%run_scoped3A : memref<!tpu.dma_semaphore, #tpu.memory_space<semaphore_mem>>) src(%arg8 : memref<200x64xf32, #tpu.memory_space<vmem>>) dst(%dma_wait3A_647 : memref<200x64xf32, #tpu.memory_space<hbm>>)
      tpu.yield
    }) : () -> ()
    %add3A_227 = arith.constant 12 : i32
    %add3A_228 = arith.addi %mul3A_2, %add3A_227 : i32
    %mul3A_229 = arith.constant 200 : i32
    %mul3A_230 = arith.muli %add3A_228, %mul3A_229 : i32
    "tpu.region"() ({
      %run_scoped3A = tpu.sem_alloc : memref<!tpu.dma_semaphore, #tpu.memory_space<semaphore_mem>>
      %dma_start3A_640 = tpu.memref_slice %arg2[%mul3A_230] : memref<204800xi32, #tpu.memory_space<hbm>> -> memref<200xi32, #tpu.memory_space<hbm>>
      %dma_start3A_641 = tpu.memref_slice %arg2[%mul3A_230] : memref<204800xi32, #tpu.memory_space<hbm>> -> memref<200xi32, #tpu.memory_space<hbm>>
      tpu.enqueue_dma source(%dma_start3A_641 : memref<200xi32, #tpu.memory_space<hbm>>) target(%arg6 : memref<200xi32, #tpu.memory_space<vmem>>) target_semaphore(%run_scoped3A : memref<!tpu.dma_semaphore, #tpu.memory_space<semaphore_mem>>)
      %dma_wait3A_642 = tpu.memref_slice %arg2[%mul3A_230] : memref<204800xi32, #tpu.memory_space<hbm>> -> memref<200xi32, #tpu.memory_space<hbm>>
      %dma_wait3A_643 = tpu.memref_slice %arg2[%mul3A_230] : memref<204800xi32, #tpu.memory_space<hbm>> -> memref<200xi32, #tpu.memory_space<hbm>>
      tpu.wait_dma2 semaphore(%run_scoped3A : memref<!tpu.dma_semaphore, #tpu.memory_space<semaphore_mem>>) src(%dma_wait3A_643 : memref<200xi32, #tpu.memory_space<hbm>>) dst(%arg6 : memref<200xi32, #tpu.memory_space<vmem>>)
      tpu.yield
    }) : () -> ()
    %dma_start3A_231 = arith.constant 0 : i32
    %dma_start3A_232 = arith.constant 0 : i32
    %dma_start3A_233 = tpu.memref_slice %arg3[%dma_start3A_231, %dma_start3A_232] : memref<1000000x64xf32, #tpu.memory_space<hbm>> -> memref<1000000x64xf32, #tpu.memory_space<hbm>>
    tpu.enqueue_indirect_dma source(%dma_start3A_233 : memref<1000000x64xf32, #tpu.memory_space<hbm>>) target(%arg8 : memref<200x64xf32, #tpu.memory_space<vmem>>) offsets(%arg6 : memref<200xi32, #tpu.memory_space<vmem>>) semaphore(%arg11 : memref<!tpu.dma_semaphore, #tpu.memory_space<semaphore_mem>>)
    %dma_wait3A_234 = arith.constant 0 : i32
    %dma_wait3A_235 = arith.constant 0 : i32
    %dma_wait3A_236 = tpu.memref_slice %arg3[%dma_wait3A_234, %dma_wait3A_235] : memref<1000000x64xf32, #tpu.memory_space<hbm>> -> memref<1000000x64xf32, #tpu.memory_space<hbm>>
    tpu.wait_indirect_dma semaphore(%arg12 : memref<!tpu.dma_semaphore, #tpu.memory_space<semaphore_mem>>) src(%dma_wait3A_236 : memref<1000000x64xf32, #tpu.memory_space<hbm>>) dst(%arg9 : memref<200x64xf32, #tpu.memory_space<vmem>>)
    %scan3A_237 = arith.constant 0 : i32
    %scan3A_238 = arith.constant 0 : i32
    %scan3A_239 = arith.constant 200 : i32
    %scan3A_240 = arith.addi %scan3A_238, %scan3A_239 : i32
    %scan3A_241 = arith.constant 1 : i32
    scf.for %scan3A_640 = %scan3A_238 to %scan3A_240 step %scan3A_241  : i32 {
      %get3A = arith.index_cast %scan3A_640 : i32 to index
      %get3A_641 = arith.constant 0 : index
      %get3A_642 = tpu.vector_load %arg9[%get3A, %get3A_641] {strides = array<i32>} : memref<200x64xf32, #tpu.memory_space<vmem>>, vector<1x16xf32>,
      %get3A_643 = vector.shape_cast %get3A_642 : vector<1x16xf32> to vector<16xf32>
      %get3A_644 = arith.index_cast %scan3A_640 : i32 to index
      %get3A_645 = arith.constant 0 : index
      %get3A_646 = tpu.vector_load %arg10[%get3A_644, %get3A_645] {strides = array<i32>} : memref<200x64xf32, #tpu.memory_space<vmem>>, vector<1x16xf32>,
      %get3A_647 = vector.shape_cast %get3A_646 : vector<1x16xf32> to vector<16xf32>
      %add3A_648 = arith.addf %get3A_643, %get3A_647 : vector<16xf32>
      %swap3A = arith.index_cast %scan3A_640 : i32 to index
      %swap3A_649 = arith.constant 0 : index
      %swap3A_650 = tpu.vector_load %arg9[%swap3A, %swap3A_649] {strides = array<i32>} : memref<200x64xf32, #tpu.memory_space<vmem>>, vector<1x16xf32>,
      %swap3A_651 = vector.shape_cast %swap3A_650 : vector<1x16xf32> to vector<16xf32>
      %swap3A_652 = vector.shape_cast %add3A_648 : vector<16xf32> to vector<1x16xf32>
      tpu.vector_store %arg9[%swap3A, %swap3A_649], %swap3A_652 {strides = array<i32>} : memref<200x64xf32, #tpu.memory_space<vmem>>, vector<1x16xf32>,
      %get3A_653 = arith.index_cast %scan3A_640 : i32 to index
      %get3A_654 = arith.constant 16 : index
      %get3A_655 = tpu.vector_load %arg9[%get3A_653, %get3A_654] {strides = array<i32>} : memref<200x64xf32, #tpu.memory_space<vmem>>, vector<1x16xf32>,
      %get3A_656 = vector.shape_cast %get3A_655 : vector<1x16xf32> to vector<16xf32>
      %get3A_657 = arith.index_cast %scan3A_640 : i32 to index
      %get3A_658 = arith.constant 16 : index
      %get3A_659 = tpu.vector_load %arg10[%get3A_657, %get3A_658] {strides = array<i32>} : memref<200x64xf32, #tpu.memory_space<vmem>>, vector<1x16xf32>,
      %get3A_660 = vector.shape_cast %get3A_659 : vector<1x16xf32> to vector<16xf32>
      %add3A_661 = arith.addf %get3A_656, %get3A_660 : vector<16xf32>
      %swap3A_662 = arith.index_cast %scan3A_640 : i32 to index
      %swap3A_663 = arith.constant 16 : index
      %swap3A_664 = tpu.vector_load %arg9[%swap3A_662, %swap3A_663] {strides = array<i32>} : memref<200x64xf32, #tpu.memory_space<vmem>>, vector<1x16xf32>,
      %swap3A_665 = vector.shape_cast %swap3A_664 : vector<1x16xf32> to vector<16xf32>
      %swap3A_666 = vector.shape_cast %add3A_661 : vector<16xf32> to vector<1x16xf32>
      tpu.vector_store %arg9[%swap3A_662, %swap3A_663], %swap3A_666 {strides = array<i32>} : memref<200x64xf32, #tpu.memory_space<vmem>>, vector<1x16xf32>,
      %get3A_667 = arith.index_cast %scan3A_640 : i32 to index
      %get3A_668 = arith.constant 32 : index
      %get3A_669 = tpu.vector_load %arg9[%get3A_667, %get3A_668] {strides = array<i32>} : memref<200x64xf32, #tpu.memory_space<vmem>>, vector<1x16xf32>,
      %get3A_670 = vector.shape_cast %get3A_669 : vector<1x16xf32> to vector<16xf32>
      %get3A_671 = arith.index_cast %scan3A_640 : i32 to index
      %get3A_672 = arith.constant 32 : index
      %get3A_673 = tpu.vector_load %arg10[%get3A_671, %get3A_672] {strides = array<i32>} : memref<200x64xf32, #tpu.memory_space<vmem>>, vector<1x16xf32>,
      %get3A_674 = vector.shape_cast %get3A_673 : vector<1x16xf32> to vector<16xf32>
      %add3A_675 = arith.addf %get3A_670, %get3A_674 : vector<16xf32>
      %swap3A_676 = arith.index_cast %scan3A_640 : i32 to index
      %swap3A_677 = arith.constant 32 : index
      %swap3A_678 = tpu.vector_load %arg9[%swap3A_676, %swap3A_677] {strides = array<i32>} : memref<200x64xf32, #tpu.memory_space<vmem>>, vector<1x16xf32>,
      %swap3A_679 = vector.shape_cast %swap3A_678 : vector<1x16xf32> to vector<16xf32>
      %swap3A_680 = vector.shape_cast %add3A_675 : vector<16xf32> to vector<1x16xf32>
      tpu.vector_store %arg9[%swap3A_676, %swap3A_677], %swap3A_680 {strides = array<i32>} : memref<200x64xf32, #tpu.memory_space<vmem>>, vector<1x16xf32>,
      %get3A_681 = arith.index_cast %scan3A_640 : i32 to index
      %get3A_682 = arith.constant 48 : index
      %get3A_683 = tpu.vector_load %arg9[%get3A_681, %get3A_682] {strides = array<i32>} : memref<200x64xf32, #tpu.memory_space<vmem>>, vector<1x16xf32>,
      %get3A_684 = vector.shape_cast %get3A_683 : vector<1x16xf32> to vector<16xf32>
      %get3A_685 = arith.index_cast %scan3A_640 : i32 to index
      %get3A_686 = arith.constant 48 : index
      %get3A_687 = tpu.vector_load %arg10[%get3A_685, %get3A_686] {strides = array<i32>} : memref<200x64xf32, #tpu.memory_space<vmem>>, vector<1x16xf32>,
      %get3A_688 = vector.shape_cast %get3A_687 : vector<1x16xf32> to vector<16xf32>
      %add3A_689 = arith.addf %get3A_684, %get3A_688 : vector<16xf32>
      %swap3A_690 = arith.index_cast %scan3A_640 : i32 to index
      %swap3A_691 = arith.constant 48 : index
      %swap3A_692 = tpu.vector_load %arg9[%swap3A_690, %swap3A_691] {strides = array<i32>} : memref<200x64xf32, #tpu.memory_space<vmem>>, vector<1x16xf32>,
      %swap3A_693 = vector.shape_cast %swap3A_692 : vector<1x16xf32> to vector<16xf32>
      %swap3A_694 = vector.shape_cast %add3A_689 : vector<16xf32> to vector<1x16xf32>
      tpu.vector_store %arg9[%swap3A_690, %swap3A_691], %swap3A_694 {strides = array<i32>} : memref<200x64xf32, #tpu.memory_space<vmem>>, vector<1x16xf32>,
    }
    %scan3A_242 = arith.constant 200 : i32
    %add3A_243 = arith.constant 11 : i32
    %add3A_244 = arith.addi %mul3A_2, %add3A_243 : i32
    %mul3A_245 = arith.constant 200 : i32
    %mul3A_246 = arith.muli %add3A_244, %mul3A_245 : i32
    "tpu.region"() ({
      %run_scoped3A = tpu.sem_alloc : memref<!tpu.dma_semaphore, #tpu.memory_space<semaphore_mem>>
      %dma_start3A_640 = arith.constant 0 : i32
      %dma_start3A_641 = tpu.memref_slice %arg5[%mul3A_246, %dma_start3A_640] : memref<204800x64xf32, #tpu.memory_space<hbm>> -> memref<200x64xf32, #tpu.memory_space<hbm>>
      %dma_start3A_642 = arith.constant 0 : i32
      %dma_start3A_643 = tpu.memref_slice %arg5[%mul3A_246, %dma_start3A_642] : memref<204800x64xf32, #tpu.memory_space<hbm>> -> memref<200x64xf32, #tpu.memory_space<hbm>>
      tpu.enqueue_dma source(%arg9 : memref<200x64xf32, #tpu.memory_space<vmem>>) target(%dma_start3A_643 : memref<200x64xf32, #tpu.memory_space<hbm>>) target_semaphore(%run_scoped3A : memref<!tpu.dma_semaphore, #tpu.memory_space<semaphore_mem>>)
      %dma_wait3A_644 = arith.constant 0 : i32
      %dma_wait3A_645 = tpu.memref_slice %arg5[%mul3A_246, %dma_wait3A_644] : memref<204800x64xf32, #tpu.memory_space<hbm>> -> memref<200x64xf32, #tpu.memory_space<hbm>>
      %dma_wait3A_646 = arith.constant 0 : i32
      %dma_wait3A_647 = tpu.memref_slice %arg5[%mul3A_246, %dma_wait3A_646] : memref<204800x64xf32, #tpu.memory_space<hbm>> -> memref<200x64xf32, #tpu.memory_space<hbm>>
      tpu.wait_dma2 semaphore(%run_scoped3A : memref<!tpu.dma_semaphore, #tpu.memory_space<semaphore_mem>>) src(%arg9 : memref<200x64xf32, #tpu.memory_space<vmem>>) dst(%dma_wait3A_647 : memref<200x64xf32, #tpu.memory_space<hbm>>)
      tpu.yield
    }) : () -> ()
    %add3A_247 = arith.constant 13 : i32
    %add3A_248 = arith.addi %mul3A_2, %add3A_247 : i32
    %mul3A_249 = arith.constant 200 : i32
    %mul3A_250 = arith.muli %add3A_248, %mul3A_249 : i32
    "tpu.region"() ({
      %run_scoped3A = tpu.sem_alloc : memref<!tpu.dma_semaphore, #tpu.memory_space<semaphore_mem>>
      %dma_start3A_640 = tpu.memref_slice %arg2[%mul3A_250] : memref<204800xi32, #tpu.memory_space<hbm>> -> memref<200xi32, #tpu.memory_space<hbm>>
      %dma_start3A_641 = tpu.memref_slice %arg2[%mul3A_250] : memref<204800xi32, #tpu.memory_space<hbm>> -> memref<200xi32, #tpu.memory_space<hbm>>
      tpu.enqueue_dma source(%dma_start3A_641 : memref<200xi32, #tpu.memory_space<hbm>>) target(%arg7 : memref<200xi32, #tpu.memory_space<vmem>>) target_semaphore(%run_scoped3A : memref<!tpu.dma_semaphore, #tpu.memory_space<semaphore_mem>>)
      %dma_wait3A_642 = tpu.memref_slice %arg2[%mul3A_250] : memref<204800xi32, #tpu.memory_space<hbm>> -> memref<200xi32, #tpu.memory_space<hbm>>
      %dma_wait3A_643 = tpu.memref_slice %arg2[%mul3A_250] : memref<204800xi32, #tpu.memory_space<hbm>> -> memref<200xi32, #tpu.memory_space<hbm>>
      tpu.wait_dma2 semaphore(%run_scoped3A : memref<!tpu.dma_semaphore, #tpu.memory_space<semaphore_mem>>) src(%dma_wait3A_643 : memref<200xi32, #tpu.memory_space<hbm>>) dst(%arg7 : memref<200xi32, #tpu.memory_space<vmem>>)
      tpu.yield
    }) : () -> ()
    %dma_start3A_251 = arith.constant 0 : i32
    %dma_start3A_252 = arith.constant 0 : i32
    %dma_start3A_253 = tpu.memref_slice %arg3[%dma_start3A_251, %dma_start3A_252] : memref<1000000x64xf32, #tpu.memory_space<hbm>> -> memref<1000000x64xf32, #tpu.memory_space<hbm>>
    tpu.enqueue_indirect_dma source(%dma_start3A_253 : memref<1000000x64xf32, #tpu.memory_space<hbm>>) target(%arg9 : memref<200x64xf32, #tpu.memory_space<vmem>>) offsets(%arg7 : memref<200xi32, #tpu.memory_space<vmem>>) semaphore(%arg12 : memref<!tpu.dma_semaphore, #tpu.memory_space<semaphore_mem>>)
    %dma_wait3A_254 = arith.constant 0 : i32
    %dma_wait3A_255 = arith.constant 0 : i32
    %dma_wait3A_256 = tpu.memref_slice %arg3[%dma_wait3A_254, %dma_wait3A_255] : memref<1000000x64xf32, #tpu.memory_space<hbm>> -> memref<1000000x64xf32, #tpu.memory_space<hbm>>
    tpu.wait_indirect_dma semaphore(%arg11 : memref<!tpu.dma_semaphore, #tpu.memory_space<semaphore_mem>>) src(%dma_wait3A_256 : memref<1000000x64xf32, #tpu.memory_space<hbm>>) dst(%arg8 : memref<200x64xf32, #tpu.memory_space<vmem>>)
    %scan3A_257 = arith.constant 0 : i32
    %scan3A_258 = arith.constant 0 : i32
    %scan3A_259 = arith.constant 200 : i32
    %scan3A_260 = arith.addi %scan3A_258, %scan3A_259 : i32
    %scan3A_261 = arith.constant 1 : i32
    scf.for %scan3A_640 = %scan3A_258 to %scan3A_260 step %scan3A_261  : i32 {
      %get3A = arith.index_cast %scan3A_640 : i32 to index
      %get3A_641 = arith.constant 0 : index
      %get3A_642 = tpu.vector_load %arg8[%get3A, %get3A_641] {strides = array<i32>} : memref<200x64xf32, #tpu.memory_space<vmem>>, vector<1x16xf32>,
      %get3A_643 = vector.shape_cast %get3A_642 : vector<1x16xf32> to vector<16xf32>
      %get3A_644 = arith.index_cast %scan3A_640 : i32 to index
      %get3A_645 = arith.constant 0 : index
      %get3A_646 = tpu.vector_load %arg10[%get3A_644, %get3A_645] {strides = array<i32>} : memref<200x64xf32, #tpu.memory_space<vmem>>, vector<1x16xf32>,
      %get3A_647 = vector.shape_cast %get3A_646 : vector<1x16xf32> to vector<16xf32>
      %add3A_648 = arith.addf %get3A_643, %get3A_647 : vector<16xf32>
      %swap3A = arith.index_cast %scan3A_640 : i32 to index
      %swap3A_649 = arith.constant 0 : index
      %swap3A_650 = tpu.vector_load %arg8[%swap3A, %swap3A_649] {strides = array<i32>} : memref<200x64xf32, #tpu.memory_space<vmem>>, vector<1x16xf32>,
      %swap3A_651 = vector.shape_cast %swap3A_650 : vector<1x16xf32> to vector<16xf32>
      %swap3A_652 = vector.shape_cast %add3A_648 : vector<16xf32> to vector<1x16xf32>
      tpu.vector_store %arg8[%swap3A, %swap3A_649], %swap3A_652 {strides = array<i32>} : memref<200x64xf32, #tpu.memory_space<vmem>>, vector<1x16xf32>,
      %get3A_653 = arith.index_cast %scan3A_640 : i32 to index
      %get3A_654 = arith.constant 16 : index
      %get3A_655 = tpu.vector_load %arg8[%get3A_653, %get3A_654] {strides = array<i32>} : memref<200x64xf32, #tpu.memory_space<vmem>>, vector<1x16xf32>,
      %get3A_656 = vector.shape_cast %get3A_655 : vector<1x16xf32> to vector<16xf32>
      %get3A_657 = arith.index_cast %scan3A_640 : i32 to index
      %get3A_658 = arith.constant 16 : index
      %get3A_659 = tpu.vector_load %arg10[%get3A_657, %get3A_658] {strides = array<i32>} : memref<200x64xf32, #tpu.memory_space<vmem>>, vector<1x16xf32>,
      %get3A_660 = vector.shape_cast %get3A_659 : vector<1x16xf32> to vector<16xf32>
      %add3A_661 = arith.addf %get3A_656, %get3A_660 : vector<16xf32>
      %swap3A_662 = arith.index_cast %scan3A_640 : i32 to index
      %swap3A_663 = arith.constant 16 : index
      %swap3A_664 = tpu.vector_load %arg8[%swap3A_662, %swap3A_663] {strides = array<i32>} : memref<200x64xf32, #tpu.memory_space<vmem>>, vector<1x16xf32>,
      %swap3A_665 = vector.shape_cast %swap3A_664 : vector<1x16xf32> to vector<16xf32>
      %swap3A_666 = vector.shape_cast %add3A_661 : vector<16xf32> to vector<1x16xf32>
      tpu.vector_store %arg8[%swap3A_662, %swap3A_663], %swap3A_666 {strides = array<i32>} : memref<200x64xf32, #tpu.memory_space<vmem>>, vector<1x16xf32>,
      %get3A_667 = arith.index_cast %scan3A_640 : i32 to index
      %get3A_668 = arith.constant 32 : index
      %get3A_669 = tpu.vector_load %arg8[%get3A_667, %get3A_668] {strides = array<i32>} : memref<200x64xf32, #tpu.memory_space<vmem>>, vector<1x16xf32>,
      %get3A_670 = vector.shape_cast %get3A_669 : vector<1x16xf32> to vector<16xf32>
      %get3A_671 = arith.index_cast %scan3A_640 : i32 to index
      %get3A_672 = arith.constant 32 : index
      %get3A_673 = tpu.vector_load %arg10[%get3A_671, %get3A_672] {strides = array<i32>} : memref<200x64xf32, #tpu.memory_space<vmem>>, vector<1x16xf32>,
      %get3A_674 = vector.shape_cast %get3A_673 : vector<1x16xf32> to vector<16xf32>
      %add3A_675 = arith.addf %get3A_670, %get3A_674 : vector<16xf32>
      %swap3A_676 = arith.index_cast %scan3A_640 : i32 to index
      %swap3A_677 = arith.constant 32 : index
      %swap3A_678 = tpu.vector_load %arg8[%swap3A_676, %swap3A_677] {strides = array<i32>} : memref<200x64xf32, #tpu.memory_space<vmem>>, vector<1x16xf32>,
      %swap3A_679 = vector.shape_cast %swap3A_678 : vector<1x16xf32> to vector<16xf32>
      %swap3A_680 = vector.shape_cast %add3A_675 : vector<16xf32> to vector<1x16xf32>
      tpu.vector_store %arg8[%swap3A_676, %swap3A_677], %swap3A_680 {strides = array<i32>} : memref<200x64xf32, #tpu.memory_space<vmem>>, vector<1x16xf32>,
      %get3A_681 = arith.index_cast %scan3A_640 : i32 to index
      %get3A_682 = arith.constant 48 : index
      %get3A_683 = tpu.vector_load %arg8[%get3A_681, %get3A_682] {strides = array<i32>} : memref<200x64xf32, #tpu.memory_space<vmem>>, vector<1x16xf32>,
      %get3A_684 = vector.shape_cast %get3A_683 : vector<1x16xf32> to vector<16xf32>
      %get3A_685 = arith.index_cast %scan3A_640 : i32 to index
      %get3A_686 = arith.constant 48 : index
      %get3A_687 = tpu.vector_load %arg10[%get3A_685, %get3A_686] {strides = array<i32>} : memref<200x64xf32, #tpu.memory_space<vmem>>, vector<1x16xf32>,
      %get3A_688 = vector.shape_cast %get3A_687 : vector<1x16xf32> to vector<16xf32>
      %add3A_689 = arith.addf %get3A_684, %get3A_688 : vector<16xf32>
      %swap3A_690 = arith.index_cast %scan3A_640 : i32 to index
      %swap3A_691 = arith.constant 48 : index
      %swap3A_692 = tpu.vector_load %arg8[%swap3A_690, %swap3A_691] {strides = array<i32>} : memref<200x64xf32, #tpu.memory_space<vmem>>, vector<1x16xf32>,
      %swap3A_693 = vector.shape_cast %swap3A_692 : vector<1x16xf32> to vector<16xf32>
      %swap3A_694 = vector.shape_cast %add3A_689 : vector<16xf32> to vector<1x16xf32>
      tpu.vector_store %arg8[%swap3A_690, %swap3A_691], %swap3A_694 {strides = array<i32>} : memref<200x64xf32, #tpu.memory_space<vmem>>, vector<1x16xf32>,
    }
    %scan3A_262 = arith.constant 200 : i32
    %add3A_263 = arith.constant 12 : i32
    %add3A_264 = arith.addi %mul3A_2, %add3A_263 : i32
    %mul3A_265 = arith.constant 200 : i32
    %mul3A_266 = arith.muli %add3A_264, %mul3A_265 : i32
    "tpu.region"() ({
      %run_scoped3A = tpu.sem_alloc : memref<!tpu.dma_semaphore, #tpu.memory_space<semaphore_mem>>
      %dma_start3A_640 = arith.constant 0 : i32
      %dma_start3A_641 = tpu.memref_slice %arg5[%mul3A_266, %dma_start3A_640] : memref<204800x64xf32, #tpu.memory_space<hbm>> -> memref<200x64xf32, #tpu.memory_space<hbm>>
      %dma_start3A_642 = arith.constant 0 : i32
      %dma_start3A_643 = tpu.memref_slice %arg5[%mul3A_266, %dma_start3A_642] : memref<204800x64xf32, #tpu.memory_space<hbm>> -> memref<200x64xf32, #tpu.memory_space<hbm>>
      tpu.enqueue_dma source(%arg8 : memref<200x64xf32, #tpu.memory_space<vmem>>) target(%dma_start3A_643 : memref<200x64xf32, #tpu.memory_space<hbm>>) target_semaphore(%run_scoped3A : memref<!tpu.dma_semaphore, #tpu.memory_space<semaphore_mem>>)
      %dma_wait3A_644 = arith.constant 0 : i32
      %dma_wait3A_645 = tpu.memref_slice %arg5[%mul3A_266, %dma_wait3A_644] : memref<204800x64xf32, #tpu.memory_space<hbm>> -> memref<200x64xf32, #tpu.memory_space<hbm>>
      %dma_wait3A_646 = arith.constant 0 : i32
      %dma_wait3A_647 = tpu.memref_slice %arg5[%mul3A_266, %dma_wait3A_646] : memref<204800x64xf32, #tpu.memory_space<hbm>> -> memref<200x64xf32, #tpu.memory_space<hbm>>
      tpu.wait_dma2 semaphore(%run_scoped3A : memref<!tpu.dma_semaphore, #tpu.memory_space<semaphore_mem>>) src(%arg8 : memref<200x64xf32, #tpu.memory_space<vmem>>) dst(%dma_wait3A_647 : memref<200x64xf32, #tpu.memory_space<hbm>>)
      tpu.yield
    }) : () -> ()
    %add3A_267 = arith.constant 14 : i32
    %add3A_268 = arith.addi %mul3A_2, %add3A_267 : i32
    %mul3A_269 = arith.constant 200 : i32
    %mul3A_270 = arith.muli %add3A_268, %mul3A_269 : i32
    "tpu.region"() ({
      %run_scoped3A = tpu.sem_alloc : memref<!tpu.dma_semaphore, #tpu.memory_space<semaphore_mem>>
      %dma_start3A_640 = tpu.memref_slice %arg2[%mul3A_270] : memref<204800xi32, #tpu.memory_space<hbm>> -> memref<200xi32, #tpu.memory_space<hbm>>
      %dma_start3A_641 = tpu.memref_slice %arg2[%mul3A_270] : memref<204800xi32, #tpu.memory_space<hbm>> -> memref<200xi32, #tpu.memory_space<hbm>>
      tpu.enqueue_dma source(%dma_start3A_641 : memref<200xi32, #tpu.memory_space<hbm>>) target(%arg6 : memref<200xi32, #tpu.memory_space<vmem>>) target_semaphore(%run_scoped3A : memref<!tpu.dma_semaphore, #tpu.memory_space<semaphore_mem>>)
      %dma_wait3A_642 = tpu.memref_slice %arg2[%mul3A_270] : memref<204800xi32, #tpu.memory_space<hbm>> -> memref<200xi32, #tpu.memory_space<hbm>>
      %dma_wait3A_643 = tpu.memref_slice %arg2[%mul3A_270] : memref<204800xi32, #tpu.memory_space<hbm>> -> memref<200xi32, #tpu.memory_space<hbm>>
      tpu.wait_dma2 semaphore(%run_scoped3A : memref<!tpu.dma_semaphore, #tpu.memory_space<semaphore_mem>>) src(%dma_wait3A_643 : memref<200xi32, #tpu.memory_space<hbm>>) dst(%arg6 : memref<200xi32, #tpu.memory_space<vmem>>)
      tpu.yield
    }) : () -> ()
    %dma_start3A_271 = arith.constant 0 : i32
    %dma_start3A_272 = arith.constant 0 : i32
    %dma_start3A_273 = tpu.memref_slice %arg3[%dma_start3A_271, %dma_start3A_272] : memref<1000000x64xf32, #tpu.memory_space<hbm>> -> memref<1000000x64xf32, #tpu.memory_space<hbm>>
    tpu.enqueue_indirect_dma source(%dma_start3A_273 : memref<1000000x64xf32, #tpu.memory_space<hbm>>) target(%arg8 : memref<200x64xf32, #tpu.memory_space<vmem>>) offsets(%arg6 : memref<200xi32, #tpu.memory_space<vmem>>) semaphore(%arg11 : memref<!tpu.dma_semaphore, #tpu.memory_space<semaphore_mem>>)
    %dma_wait3A_274 = arith.constant 0 : i32
    %dma_wait3A_275 = arith.constant 0 : i32
    %dma_wait3A_276 = tpu.memref_slice %arg3[%dma_wait3A_274, %dma_wait3A_275] : memref<1000000x64xf32, #tpu.memory_space<hbm>> -> memref<1000000x64xf32, #tpu.memory_space<hbm>>
    tpu.wait_indirect_dma semaphore(%arg12 : memref<!tpu.dma_semaphore, #tpu.memory_space<semaphore_mem>>) src(%dma_wait3A_276 : memref<1000000x64xf32, #tpu.memory_space<hbm>>) dst(%arg9 : memref<200x64xf32, #tpu.memory_space<vmem>>)
    %scan3A_277 = arith.constant 0 : i32
    %scan3A_278 = arith.constant 0 : i32
    %scan3A_279 = arith.constant 200 : i32
    %scan3A_280 = arith.addi %scan3A_278, %scan3A_279 : i32
    %scan3A_281 = arith.constant 1 : i32
    scf.for %scan3A_640 = %scan3A_278 to %scan3A_280 step %scan3A_281  : i32 {
      %get3A = arith.index_cast %scan3A_640 : i32 to index
      %get3A_641 = arith.constant 0 : index
      %get3A_642 = tpu.vector_load %arg9[%get3A, %get3A_641] {strides = array<i32>} : memref<200x64xf32, #tpu.memory_space<vmem>>, vector<1x16xf32>,
      %get3A_643 = vector.shape_cast %get3A_642 : vector<1x16xf32> to vector<16xf32>
      %get3A_644 = arith.index_cast %scan3A_640 : i32 to index
      %get3A_645 = arith.constant 0 : index
      %get3A_646 = tpu.vector_load %arg10[%get3A_644, %get3A_645] {strides = array<i32>} : memref<200x64xf32, #tpu.memory_space<vmem>>, vector<1x16xf32>,
      %get3A_647 = vector.shape_cast %get3A_646 : vector<1x16xf32> to vector<16xf32>
      %add3A_648 = arith.addf %get3A_643, %get3A_647 : vector<16xf32>
      %swap3A = arith.index_cast %scan3A_640 : i32 to index
      %swap3A_649 = arith.constant 0 : index
      %swap3A_650 = tpu.vector_load %arg9[%swap3A, %swap3A_649] {strides = array<i32>} : memref<200x64xf32, #tpu.memory_space<vmem>>, vector<1x16xf32>,
      %swap3A_651 = vector.shape_cast %swap3A_650 : vector<1x16xf32> to vector<16xf32>
      %swap3A_652 = vector.shape_cast %add3A_648 : vector<16xf32> to vector<1x16xf32>
      tpu.vector_store %arg9[%swap3A, %swap3A_649], %swap3A_652 {strides = array<i32>} : memref<200x64xf32, #tpu.memory_space<vmem>>, vector<1x16xf32>,
      %get3A_653 = arith.index_cast %scan3A_640 : i32 to index
      %get3A_654 = arith.constant 16 : index
      %get3A_655 = tpu.vector_load %arg9[%get3A_653, %get3A_654] {strides = array<i32>} : memref<200x64xf32, #tpu.memory_space<vmem>>, vector<1x16xf32>,
      %get3A_656 = vector.shape_cast %get3A_655 : vector<1x16xf32> to vector<16xf32>
      %get3A_657 = arith.index_cast %scan3A_640 : i32 to index
      %get3A_658 = arith.constant 16 : index
      %get3A_659 = tpu.vector_load %arg10[%get3A_657, %get3A_658] {strides = array<i32>} : memref<200x64xf32, #tpu.memory_space<vmem>>, vector<1x16xf32>,
      %get3A_660 = vector.shape_cast %get3A_659 : vector<1x16xf32> to vector<16xf32>
      %add3A_661 = arith.addf %get3A_656, %get3A_660 : vector<16xf32>
      %swap3A_662 = arith.index_cast %scan3A_640 : i32 to index
      %swap3A_663 = arith.constant 16 : index
      %swap3A_664 = tpu.vector_load %arg9[%swap3A_662, %swap3A_663] {strides = array<i32>} : memref<200x64xf32, #tpu.memory_space<vmem>>, vector<1x16xf32>,
      %swap3A_665 = vector.shape_cast %swap3A_664 : vector<1x16xf32> to vector<16xf32>
      %swap3A_666 = vector.shape_cast %add3A_661 : vector<16xf32> to vector<1x16xf32>
      tpu.vector_store %arg9[%swap3A_662, %swap3A_663], %swap3A_666 {strides = array<i32>} : memref<200x64xf32, #tpu.memory_space<vmem>>, vector<1x16xf32>,
      %get3A_667 = arith.index_cast %scan3A_640 : i32 to index
      %get3A_668 = arith.constant 32 : index
      %get3A_669 = tpu.vector_load %arg9[%get3A_667, %get3A_668] {strides = array<i32>} : memref<200x64xf32, #tpu.memory_space<vmem>>, vector<1x16xf32>,
      %get3A_670 = vector.shape_cast %get3A_669 : vector<1x16xf32> to vector<16xf32>
      %get3A_671 = arith.index_cast %scan3A_640 : i32 to index
      %get3A_672 = arith.constant 32 : index
      %get3A_673 = tpu.vector_load %arg10[%get3A_671, %get3A_672] {strides = array<i32>} : memref<200x64xf32, #tpu.memory_space<vmem>>, vector<1x16xf32>,
      %get3A_674 = vector.shape_cast %get3A_673 : vector<1x16xf32> to vector<16xf32>
      %add3A_675 = arith.addf %get3A_670, %get3A_674 : vector<16xf32>
      %swap3A_676 = arith.index_cast %scan3A_640 : i32 to index
      %swap3A_677 = arith.constant 32 : index
      %swap3A_678 = tpu.vector_load %arg9[%swap3A_676, %swap3A_677] {strides = array<i32>} : memref<200x64xf32, #tpu.memory_space<vmem>>, vector<1x16xf32>,
      %swap3A_679 = vector.shape_cast %swap3A_678 : vector<1x16xf32> to vector<16xf32>
      %swap3A_680 = vector.shape_cast %add3A_675 : vector<16xf32> to vector<1x16xf32>
      tpu.vector_store %arg9[%swap3A_676, %swap3A_677], %swap3A_680 {strides = array<i32>} : memref<200x64xf32, #tpu.memory_space<vmem>>, vector<1x16xf32>,
      %get3A_681 = arith.index_cast %scan3A_640 : i32 to index
      %get3A_682 = arith.constant 48 : index
      %get3A_683 = tpu.vector_load %arg9[%get3A_681, %get3A_682] {strides = array<i32>} : memref<200x64xf32, #tpu.memory_space<vmem>>, vector<1x16xf32>,
      %get3A_684 = vector.shape_cast %get3A_683 : vector<1x16xf32> to vector<16xf32>
      %get3A_685 = arith.index_cast %scan3A_640 : i32 to index
      %get3A_686 = arith.constant 48 : index
      %get3A_687 = tpu.vector_load %arg10[%get3A_685, %get3A_686] {strides = array<i32>} : memref<200x64xf32, #tpu.memory_space<vmem>>, vector<1x16xf32>,
      %get3A_688 = vector.shape_cast %get3A_687 : vector<1x16xf32> to vector<16xf32>
      %add3A_689 = arith.addf %get3A_684, %get3A_688 : vector<16xf32>
      %swap3A_690 = arith.index_cast %scan3A_640 : i32 to index
      %swap3A_691 = arith.constant 48 : index
      %swap3A_692 = tpu.vector_load %arg9[%swap3A_690, %swap3A_691] {strides = array<i32>} : memref<200x64xf32, #tpu.memory_space<vmem>>, vector<1x16xf32>,
      %swap3A_693 = vector.shape_cast %swap3A_692 : vector<1x16xf32> to vector<16xf32>
      %swap3A_694 = vector.shape_cast %add3A_689 : vector<16xf32> to vector<1x16xf32>
      tpu.vector_store %arg9[%swap3A_690, %swap3A_691], %swap3A_694 {strides = array<i32>} : memref<200x64xf32, #tpu.memory_space<vmem>>, vector<1x16xf32>,
    }
    %scan3A_282 = arith.constant 200 : i32
    %add3A_283 = arith.constant 13 : i32
    %add3A_284 = arith.addi %mul3A_2, %add3A_283 : i32
    %mul3A_285 = arith.constant 200 : i32
    %mul3A_286 = arith.muli %add3A_284, %mul3A_285 : i32
    "tpu.region"() ({
      %run_scoped3A = tpu.sem_alloc : memref<!tpu.dma_semaphore, #tpu.memory_space<semaphore_mem>>
      %dma_start3A_640 = arith.constant 0 : i32
      %dma_start3A_641 = tpu.memref_slice %arg5[%mul3A_286, %dma_start3A_640] : memref<204800x64xf32, #tpu.memory_space<hbm>> -> memref<200x64xf32, #tpu.memory_space<hbm>>
      %dma_start3A_642 = arith.constant 0 : i32
      %dma_start3A_643 = tpu.memref_slice %arg5[%mul3A_286, %dma_start3A_642] : memref<204800x64xf32, #tpu.memory_space<hbm>> -> memref<200x64xf32, #tpu.memory_space<hbm>>
      tpu.enqueue_dma source(%arg9 : memref<200x64xf32, #tpu.memory_space<vmem>>) target(%dma_start3A_643 : memref<200x64xf32, #tpu.memory_space<hbm>>) target_semaphore(%run_scoped3A : memref<!tpu.dma_semaphore, #tpu.memory_space<semaphore_mem>>)
      %dma_wait3A_644 = arith.constant 0 : i32
      %dma_wait3A_645 = tpu.memref_slice %arg5[%mul3A_286, %dma_wait3A_644] : memref<204800x64xf32, #tpu.memory_space<hbm>> -> memref<200x64xf32, #tpu.memory_space<hbm>>
      %dma_wait3A_646 = arith.constant 0 : i32
      %dma_wait3A_647 = tpu.memref_slice %arg5[%mul3A_286, %dma_wait3A_646] : memref<204800x64xf32, #tpu.memory_space<hbm>> -> memref<200x64xf32, #tpu.memory_space<hbm>>
      tpu.wait_dma2 semaphore(%run_scoped3A : memref<!tpu.dma_semaphore, #tpu.memory_space<semaphore_mem>>) src(%arg9 : memref<200x64xf32, #tpu.memory_space<vmem>>) dst(%dma_wait3A_647 : memref<200x64xf32, #tpu.memory_space<hbm>>)
      tpu.yield
    }) : () -> ()
    %add3A_287 = arith.constant 15 : i32
    %add3A_288 = arith.addi %mul3A_2, %add3A_287 : i32
    %mul3A_289 = arith.constant 200 : i32
    %mul3A_290 = arith.muli %add3A_288, %mul3A_289 : i32
    "tpu.region"() ({
      %run_scoped3A = tpu.sem_alloc : memref<!tpu.dma_semaphore, #tpu.memory_space<semaphore_mem>>
      %dma_start3A_640 = tpu.memref_slice %arg2[%mul3A_290] : memref<204800xi32, #tpu.memory_space<hbm>> -> memref<200xi32, #tpu.memory_space<hbm>>
      %dma_start3A_641 = tpu.memref_slice %arg2[%mul3A_290] : memref<204800xi32, #tpu.memory_space<hbm>> -> memref<200xi32, #tpu.memory_space<hbm>>
      tpu.enqueue_dma source(%dma_start3A_641 : memref<200xi32, #tpu.memory_space<hbm>>) target(%arg7 : memref<200xi32, #tpu.memory_space<vmem>>) target_semaphore(%run_scoped3A : memref<!tpu.dma_semaphore, #tpu.memory_space<semaphore_mem>>)
      %dma_wait3A_642 = tpu.memref_slice %arg2[%mul3A_290] : memref<204800xi32, #tpu.memory_space<hbm>> -> memref<200xi32, #tpu.memory_space<hbm>>
      %dma_wait3A_643 = tpu.memref_slice %arg2[%mul3A_290] : memref<204800xi32, #tpu.memory_space<hbm>> -> memref<200xi32, #tpu.memory_space<hbm>>
      tpu.wait_dma2 semaphore(%run_scoped3A : memref<!tpu.dma_semaphore, #tpu.memory_space<semaphore_mem>>) src(%dma_wait3A_643 : memref<200xi32, #tpu.memory_space<hbm>>) dst(%arg7 : memref<200xi32, #tpu.memory_space<vmem>>)
      tpu.yield
    }) : () -> ()
    %dma_start3A_291 = arith.constant 0 : i32
    %dma_start3A_292 = arith.constant 0 : i32
    %dma_start3A_293 = tpu.memref_slice %arg3[%dma_start3A_291, %dma_start3A_292] : memref<1000000x64xf32, #tpu.memory_space<hbm>> -> memref<1000000x64xf32, #tpu.memory_space<hbm>>
    tpu.enqueue_indirect_dma source(%dma_start3A_293 : memref<1000000x64xf32, #tpu.memory_space<hbm>>) target(%arg9 : memref<200x64xf32, #tpu.memory_space<vmem>>) offsets(%arg7 : memref<200xi32, #tpu.memory_space<vmem>>) semaphore(%arg12 : memref<!tpu.dma_semaphore, #tpu.memory_space<semaphore_mem>>)
    %dma_wait3A_294 = arith.constant 0 : i32
    %dma_wait3A_295 = arith.constant 0 : i32
    %dma_wait3A_296 = tpu.memref_slice %arg3[%dma_wait3A_294, %dma_wait3A_295] : memref<1000000x64xf32, #tpu.memory_space<hbm>> -> memref<1000000x64xf32, #tpu.memory_space<hbm>>
    tpu.wait_indirect_dma semaphore(%arg11 : memref<!tpu.dma_semaphore, #tpu.memory_space<semaphore_mem>>) src(%dma_wait3A_296 : memref<1000000x64xf32, #tpu.memory_space<hbm>>) dst(%arg8 : memref<200x64xf32, #tpu.memory_space<vmem>>)
    %scan3A_297 = arith.constant 0 : i32
    %scan3A_298 = arith.constant 0 : i32
    %scan3A_299 = arith.constant 200 : i32
    %scan3A_300 = arith.addi %scan3A_298, %scan3A_299 : i32
    %scan3A_301 = arith.constant 1 : i32
    scf.for %scan3A_640 = %scan3A_298 to %scan3A_300 step %scan3A_301  : i32 {
      %get3A = arith.index_cast %scan3A_640 : i32 to index
      %get3A_641 = arith.constant 0 : index
      %get3A_642 = tpu.vector_load %arg8[%get3A, %get3A_641] {strides = array<i32>} : memref<200x64xf32, #tpu.memory_space<vmem>>, vector<1x16xf32>,
      %get3A_643 = vector.shape_cast %get3A_642 : vector<1x16xf32> to vector<16xf32>
      %get3A_644 = arith.index_cast %scan3A_640 : i32 to index
      %get3A_645 = arith.constant 0 : index
      %get3A_646 = tpu.vector_load %arg10[%get3A_644, %get3A_645] {strides = array<i32>} : memref<200x64xf32, #tpu.memory_space<vmem>>, vector<1x16xf32>,
      %get3A_647 = vector.shape_cast %get3A_646 : vector<1x16xf32> to vector<16xf32>
      %add3A_648 = arith.addf %get3A_643, %get3A_647 : vector<16xf32>
      %swap3A = arith.index_cast %scan3A_640 : i32 to index
      %swap3A_649 = arith.constant 0 : index
      %swap3A_650 = tpu.vector_load %arg8[%swap3A, %swap3A_649] {strides = array<i32>} : memref<200x64xf32, #tpu.memory_space<vmem>>, vector<1x16xf32>,
      %swap3A_651 = vector.shape_cast %swap3A_650 : vector<1x16xf32> to vector<16xf32>
      %swap3A_652 = vector.shape_cast %add3A_648 : vector<16xf32> to vector<1x16xf32>
      tpu.vector_store %arg8[%swap3A, %swap3A_649], %swap3A_652 {strides = array<i32>} : memref<200x64xf32, #tpu.memory_space<vmem>>, vector<1x16xf32>,
      %get3A_653 = arith.index_cast %scan3A_640 : i32 to index
      %get3A_654 = arith.constant 16 : index
      %get3A_655 = tpu.vector_load %arg8[%get3A_653, %get3A_654] {strides = array<i32>} : memref<200x64xf32, #tpu.memory_space<vmem>>, vector<1x16xf32>,
      %get3A_656 = vector.shape_cast %get3A_655 : vector<1x16xf32> to vector<16xf32>
      %get3A_657 = arith.index_cast %scan3A_640 : i32 to index
      %get3A_658 = arith.constant 16 : index
      %get3A_659 = tpu.vector_load %arg10[%get3A_657, %get3A_658] {strides = array<i32>} : memref<200x64xf32, #tpu.memory_space<vmem>>, vector<1x16xf32>,
      %get3A_660 = vector.shape_cast %get3A_659 : vector<1x16xf32> to vector<16xf32>
      %add3A_661 = arith.addf %get3A_656, %get3A_660 : vector<16xf32>
      %swap3A_662 = arith.index_cast %scan3A_640 : i32 to index
      %swap3A_663 = arith.constant 16 : index
      %swap3A_664 = tpu.vector_load %arg8[%swap3A_662, %swap3A_663] {strides = array<i32>} : memref<200x64xf32, #tpu.memory_space<vmem>>, vector<1x16xf32>,
      %swap3A_665 = vector.shape_cast %swap3A_664 : vector<1x16xf32> to vector<16xf32>
      %swap3A_666 = vector.shape_cast %add3A_661 : vector<16xf32> to vector<1x16xf32>
      tpu.vector_store %arg8[%swap3A_662, %swap3A_663], %swap3A_666 {strides = array<i32>} : memref<200x64xf32, #tpu.memory_space<vmem>>, vector<1x16xf32>,
      %get3A_667 = arith.index_cast %scan3A_640 : i32 to index
      %get3A_668 = arith.constant 32 : index
      %get3A_669 = tpu.vector_load %arg8[%get3A_667, %get3A_668] {strides = array<i32>} : memref<200x64xf32, #tpu.memory_space<vmem>>, vector<1x16xf32>,
      %get3A_670 = vector.shape_cast %get3A_669 : vector<1x16xf32> to vector<16xf32>
      %get3A_671 = arith.index_cast %scan3A_640 : i32 to index
      %get3A_672 = arith.constant 32 : index
      %get3A_673 = tpu.vector_load %arg10[%get3A_671, %get3A_672] {strides = array<i32>} : memref<200x64xf32, #tpu.memory_space<vmem>>, vector<1x16xf32>,
      %get3A_674 = vector.shape_cast %get3A_673 : vector<1x16xf32> to vector<16xf32>
      %add3A_675 = arith.addf %get3A_670, %get3A_674 : vector<16xf32>
      %swap3A_676 = arith.index_cast %scan3A_640 : i32 to index
      %swap3A_677 = arith.constant 32 : index
      %swap3A_678 = tpu.vector_load %arg8[%swap3A_676, %swap3A_677] {strides = array<i32>} : memref<200x64xf32, #tpu.memory_space<vmem>>, vector<1x16xf32>,
      %swap3A_679 = vector.shape_cast %swap3A_678 : vector<1x16xf32> to vector<16xf32>
      %swap3A_680 = vector.shape_cast %add3A_675 : vector<16xf32> to vector<1x16xf32>
      tpu.vector_store %arg8[%swap3A_676, %swap3A_677], %swap3A_680 {strides = array<i32>} : memref<200x64xf32, #tpu.memory_space<vmem>>, vector<1x16xf32>,
      %get3A_681 = arith.index_cast %scan3A_640 : i32 to index
      %get3A_682 = arith.constant 48 : index
      %get3A_683 = tpu.vector_load %arg8[%get3A_681, %get3A_682] {strides = array<i32>} : memref<200x64xf32, #tpu.memory_space<vmem>>, vector<1x16xf32>,
      %get3A_684 = vector.shape_cast %get3A_683 : vector<1x16xf32> to vector<16xf32>
      %get3A_685 = arith.index_cast %scan3A_640 : i32 to index
      %get3A_686 = arith.constant 48 : index
      %get3A_687 = tpu.vector_load %arg10[%get3A_685, %get3A_686] {strides = array<i32>} : memref<200x64xf32, #tpu.memory_space<vmem>>, vector<1x16xf32>,
      %get3A_688 = vector.shape_cast %get3A_687 : vector<1x16xf32> to vector<16xf32>
      %add3A_689 = arith.addf %get3A_684, %get3A_688 : vector<16xf32>
      %swap3A_690 = arith.index_cast %scan3A_640 : i32 to index
      %swap3A_691 = arith.constant 48 : index
      %swap3A_692 = tpu.vector_load %arg8[%swap3A_690, %swap3A_691] {strides = array<i32>} : memref<200x64xf32, #tpu.memory_space<vmem>>, vector<1x16xf32>,
      %swap3A_693 = vector.shape_cast %swap3A_692 : vector<1x16xf32> to vector<16xf32>
      %swap3A_694 = vector.shape_cast %add3A_689 : vector<16xf32> to vector<1x16xf32>
      tpu.vector_store %arg8[%swap3A_690, %swap3A_691], %swap3A_694 {strides = array<i32>} : memref<200x64xf32, #tpu.memory_space<vmem>>, vector<1x16xf32>,
    }
    %scan3A_302 = arith.constant 200 : i32
    %add3A_303 = arith.constant 14 : i32
    %add3A_304 = arith.addi %mul3A_2, %add3A_303 : i32
    %mul3A_305 = arith.constant 200 : i32
    %mul3A_306 = arith.muli %add3A_304, %mul3A_305 : i32
    "tpu.region"() ({
      %run_scoped3A = tpu.sem_alloc : memref<!tpu.dma_semaphore, #tpu.memory_space<semaphore_mem>>
      %dma_start3A_640 = arith.constant 0 : i32
      %dma_start3A_641 = tpu.memref_slice %arg5[%mul3A_306, %dma_start3A_640] : memref<204800x64xf32, #tpu.memory_space<hbm>> -> memref<200x64xf32, #tpu.memory_space<hbm>>
      %dma_start3A_642 = arith.constant 0 : i32
      %dma_start3A_643 = tpu.memref_slice %arg5[%mul3A_306, %dma_start3A_642] : memref<204800x64xf32, #tpu.memory_space<hbm>> -> memref<200x64xf32, #tpu.memory_space<hbm>>
      tpu.enqueue_dma source(%arg8 : memref<200x64xf32, #tpu.memory_space<vmem>>) target(%dma_start3A_643 : memref<200x64xf32, #tpu.memory_space<hbm>>) target_semaphore(%run_scoped3A : memref<!tpu.dma_semaphore, #tpu.memory_space<semaphore_mem>>)
      %dma_wait3A_644 = arith.constant 0 : i32
      %dma_wait3A_645 = tpu.memref_slice %arg5[%mul3A_306, %dma_wait3A_644] : memref<204800x64xf32, #tpu.memory_space<hbm>> -> memref<200x64xf32, #tpu.memory_space<hbm>>
      %dma_wait3A_646 = arith.constant 0 : i32
      %dma_wait3A_647 = tpu.memref_slice %arg5[%mul3A_306, %dma_wait3A_646] : memref<204800x64xf32, #tpu.memory_space<hbm>> -> memref<200x64xf32, #tpu.memory_space<hbm>>
      tpu.wait_dma2 semaphore(%run_scoped3A : memref<!tpu.dma_semaphore, #tpu.memory_space<semaphore_mem>>) src(%arg8 : memref<200x64xf32, #tpu.memory_space<vmem>>) dst(%dma_wait3A_647 : memref<200x64xf32, #tpu.memory_space<hbm>>)
      tpu.yield
    }) : () -> ()
    %add3A_307 = arith.constant 16 : i32
    %add3A_308 = arith.addi %mul3A_2, %add3A_307 : i32
    %mul3A_309 = arith.constant 200 : i32
    %mul3A_310 = arith.muli %add3A_308, %mul3A_309 : i32
    "tpu.region"() ({
      %run_scoped3A = tpu.sem_alloc : memref<!tpu.dma_semaphore, #tpu.memory_space<semaphore_mem>>
      %dma_start3A_640 = tpu.memref_slice %arg2[%mul3A_310] : memref<204800xi32, #tpu.memory_space<hbm>> -> memref<200xi32, #tpu.memory_space<hbm>>
      %dma_start3A_641 = tpu.memref_slice %arg2[%mul3A_310] : memref<204800xi32, #tpu.memory_space<hbm>> -> memref<200xi32, #tpu.memory_space<hbm>>
      tpu.enqueue_dma source(%dma_start3A_641 : memref<200xi32, #tpu.memory_space<hbm>>) target(%arg6 : memref<200xi32, #tpu.memory_space<vmem>>) target_semaphore(%run_scoped3A : memref<!tpu.dma_semaphore, #tpu.memory_space<semaphore_mem>>)
      %dma_wait3A_642 = tpu.memref_slice %arg2[%mul3A_310] : memref<204800xi32, #tpu.memory_space<hbm>> -> memref<200xi32, #tpu.memory_space<hbm>>
      %dma_wait3A_643 = tpu.memref_slice %arg2[%mul3A_310] : memref<204800xi32, #tpu.memory_space<hbm>> -> memref<200xi32, #tpu.memory_space<hbm>>
      tpu.wait_dma2 semaphore(%run_scoped3A : memref<!tpu.dma_semaphore, #tpu.memory_space<semaphore_mem>>) src(%dma_wait3A_643 : memref<200xi32, #tpu.memory_space<hbm>>) dst(%arg6 : memref<200xi32, #tpu.memory_space<vmem>>)
      tpu.yield
    }) : () -> ()
    %dma_start3A_311 = arith.constant 0 : i32
    %dma_start3A_312 = arith.constant 0 : i32
    %dma_start3A_313 = tpu.memref_slice %arg3[%dma_start3A_311, %dma_start3A_312] : memref<1000000x64xf32, #tpu.memory_space<hbm>> -> memref<1000000x64xf32, #tpu.memory_space<hbm>>
    tpu.enqueue_indirect_dma source(%dma_start3A_313 : memref<1000000x64xf32, #tpu.memory_space<hbm>>) target(%arg8 : memref<200x64xf32, #tpu.memory_space<vmem>>) offsets(%arg6 : memref<200xi32, #tpu.memory_space<vmem>>) semaphore(%arg11 : memref<!tpu.dma_semaphore, #tpu.memory_space<semaphore_mem>>)
    %dma_wait3A_314 = arith.constant 0 : i32
    %dma_wait3A_315 = arith.constant 0 : i32
    %dma_wait3A_316 = tpu.memref_slice %arg3[%dma_wait3A_314, %dma_wait3A_315] : memref<1000000x64xf32, #tpu.memory_space<hbm>> -> memref<1000000x64xf32, #tpu.memory_space<hbm>>
    tpu.wait_indirect_dma semaphore(%arg12 : memref<!tpu.dma_semaphore, #tpu.memory_space<semaphore_mem>>) src(%dma_wait3A_316 : memref<1000000x64xf32, #tpu.memory_space<hbm>>) dst(%arg9 : memref<200x64xf32, #tpu.memory_space<vmem>>)
    %scan3A_317 = arith.constant 0 : i32
    %scan3A_318 = arith.constant 0 : i32
    %scan3A_319 = arith.constant 200 : i32
    %scan3A_320 = arith.addi %scan3A_318, %scan3A_319 : i32
    %scan3A_321 = arith.constant 1 : i32
    scf.for %scan3A_640 = %scan3A_318 to %scan3A_320 step %scan3A_321  : i32 {
      %get3A = arith.index_cast %scan3A_640 : i32 to index
      %get3A_641 = arith.constant 0 : index
      %get3A_642 = tpu.vector_load %arg9[%get3A, %get3A_641] {strides = array<i32>} : memref<200x64xf32, #tpu.memory_space<vmem>>, vector<1x16xf32>,
      %get3A_643 = vector.shape_cast %get3A_642 : vector<1x16xf32> to vector<16xf32>
      %get3A_644 = arith.index_cast %scan3A_640 : i32 to index
      %get3A_645 = arith.constant 0 : index
      %get3A_646 = tpu.vector_load %arg10[%get3A_644, %get3A_645] {strides = array<i32>} : memref<200x64xf32, #tpu.memory_space<vmem>>, vector<1x16xf32>,
      %get3A_647 = vector.shape_cast %get3A_646 : vector<1x16xf32> to vector<16xf32>
      %add3A_648 = arith.addf %get3A_643, %get3A_647 : vector<16xf32>
      %swap3A = arith.index_cast %scan3A_640 : i32 to index
      %swap3A_649 = arith.constant 0 : index
      %swap3A_650 = tpu.vector_load %arg9[%swap3A, %swap3A_649] {strides = array<i32>} : memref<200x64xf32, #tpu.memory_space<vmem>>, vector<1x16xf32>,
      %swap3A_651 = vector.shape_cast %swap3A_650 : vector<1x16xf32> to vector<16xf32>
      %swap3A_652 = vector.shape_cast %add3A_648 : vector<16xf32> to vector<1x16xf32>
      tpu.vector_store %arg9[%swap3A, %swap3A_649], %swap3A_652 {strides = array<i32>} : memref<200x64xf32, #tpu.memory_space<vmem>>, vector<1x16xf32>,
      %get3A_653 = arith.index_cast %scan3A_640 : i32 to index
      %get3A_654 = arith.constant 16 : index
      %get3A_655 = tpu.vector_load %arg9[%get3A_653, %get3A_654] {strides = array<i32>} : memref<200x64xf32, #tpu.memory_space<vmem>>, vector<1x16xf32>,
      %get3A_656 = vector.shape_cast %get3A_655 : vector<1x16xf32> to vector<16xf32>
      %get3A_657 = arith.index_cast %scan3A_640 : i32 to index
      %get3A_658 = arith.constant 16 : index
      %get3A_659 = tpu.vector_load %arg10[%get3A_657, %get3A_658] {strides = array<i32>} : memref<200x64xf32, #tpu.memory_space<vmem>>, vector<1x16xf32>,
      %get3A_660 = vector.shape_cast %get3A_659 : vector<1x16xf32> to vector<16xf32>
      %add3A_661 = arith.addf %get3A_656, %get3A_660 : vector<16xf32>
      %swap3A_662 = arith.index_cast %scan3A_640 : i32 to index
      %swap3A_663 = arith.constant 16 : index
      %swap3A_664 = tpu.vector_load %arg9[%swap3A_662, %swap3A_663] {strides = array<i32>} : memref<200x64xf32, #tpu.memory_space<vmem>>, vector<1x16xf32>,
      %swap3A_665 = vector.shape_cast %swap3A_664 : vector<1x16xf32> to vector<16xf32>
      %swap3A_666 = vector.shape_cast %add3A_661 : vector<16xf32> to vector<1x16xf32>
      tpu.vector_store %arg9[%swap3A_662, %swap3A_663], %swap3A_666 {strides = array<i32>} : memref<200x64xf32, #tpu.memory_space<vmem>>, vector<1x16xf32>,
      %get3A_667 = arith.index_cast %scan3A_640 : i32 to index
      %get3A_668 = arith.constant 32 : index
      %get3A_669 = tpu.vector_load %arg9[%get3A_667, %get3A_668] {strides = array<i32>} : memref<200x64xf32, #tpu.memory_space<vmem>>, vector<1x16xf32>,
      %get3A_670 = vector.shape_cast %get3A_669 : vector<1x16xf32> to vector<16xf32>
      %get3A_671 = arith.index_cast %scan3A_640 : i32 to index
      %get3A_672 = arith.constant 32 : index
      %get3A_673 = tpu.vector_load %arg10[%get3A_671, %get3A_672] {strides = array<i32>} : memref<200x64xf32, #tpu.memory_space<vmem>>, vector<1x16xf32>,
      %get3A_674 = vector.shape_cast %get3A_673 : vector<1x16xf32> to vector<16xf32>
      %add3A_675 = arith.addf %get3A_670, %get3A_674 : vector<16xf32>
      %swap3A_676 = arith.index_cast %scan3A_640 : i32 to index
      %swap3A_677 = arith.constant 32 : index
      %swap3A_678 = tpu.vector_load %arg9[%swap3A_676, %swap3A_677] {strides = array<i32>} : memref<200x64xf32, #tpu.memory_space<vmem>>, vector<1x16xf32>,
      %swap3A_679 = vector.shape_cast %swap3A_678 : vector<1x16xf32> to vector<16xf32>
      %swap3A_680 = vector.shape_cast %add3A_675 : vector<16xf32> to vector<1x16xf32>
      tpu.vector_store %arg9[%swap3A_676, %swap3A_677], %swap3A_680 {strides = array<i32>} : memref<200x64xf32, #tpu.memory_space<vmem>>, vector<1x16xf32>,
      %get3A_681 = arith.index_cast %scan3A_640 : i32 to index
      %get3A_682 = arith.constant 48 : index
      %get3A_683 = tpu.vector_load %arg9[%get3A_681, %get3A_682] {strides = array<i32>} : memref<200x64xf32, #tpu.memory_space<vmem>>, vector<1x16xf32>,
      %get3A_684 = vector.shape_cast %get3A_683 : vector<1x16xf32> to vector<16xf32>
      %get3A_685 = arith.index_cast %scan3A_640 : i32 to index
      %get3A_686 = arith.constant 48 : index
      %get3A_687 = tpu.vector_load %arg10[%get3A_685, %get3A_686] {strides = array<i32>} : memref<200x64xf32, #tpu.memory_space<vmem>>, vector<1x16xf32>,
      %get3A_688 = vector.shape_cast %get3A_687 : vector<1x16xf32> to vector<16xf32>
      %add3A_689 = arith.addf %get3A_684, %get3A_688 : vector<16xf32>
      %swap3A_690 = arith.index_cast %scan3A_640 : i32 to index
      %swap3A_691 = arith.constant 48 : index
      %swap3A_692 = tpu.vector_load %arg9[%swap3A_690, %swap3A_691] {strides = array<i32>} : memref<200x64xf32, #tpu.memory_space<vmem>>, vector<1x16xf32>,
      %swap3A_693 = vector.shape_cast %swap3A_692 : vector<1x16xf32> to vector<16xf32>
      %swap3A_694 = vector.shape_cast %add3A_689 : vector<16xf32> to vector<1x16xf32>
      tpu.vector_store %arg9[%swap3A_690, %swap3A_691], %swap3A_694 {strides = array<i32>} : memref<200x64xf32, #tpu.memory_space<vmem>>, vector<1x16xf32>,
    }
    %scan3A_322 = arith.constant 200 : i32
    %add3A_323 = arith.constant 15 : i32
    %add3A_324 = arith.addi %mul3A_2, %add3A_323 : i32
    %mul3A_325 = arith.constant 200 : i32
    %mul3A_326 = arith.muli %add3A_324, %mul3A_325 : i32
    "tpu.region"() ({
      %run_scoped3A = tpu.sem_alloc : memref<!tpu.dma_semaphore, #tpu.memory_space<semaphore_mem>>
      %dma_start3A_640 = arith.constant 0 : i32
      %dma_start3A_641 = tpu.memref_slice %arg5[%mul3A_326, %dma_start3A_640] : memref<204800x64xf32, #tpu.memory_space<hbm>> -> memref<200x64xf32, #tpu.memory_space<hbm>>
      %dma_start3A_642 = arith.constant 0 : i32
      %dma_start3A_643 = tpu.memref_slice %arg5[%mul3A_326, %dma_start3A_642] : memref<204800x64xf32, #tpu.memory_space<hbm>> -> memref<200x64xf32, #tpu.memory_space<hbm>>
      tpu.enqueue_dma source(%arg9 : memref<200x64xf32, #tpu.memory_space<vmem>>) target(%dma_start3A_643 : memref<200x64xf32, #tpu.memory_space<hbm>>) target_semaphore(%run_scoped3A : memref<!tpu.dma_semaphore, #tpu.memory_space<semaphore_mem>>)
      %dma_wait3A_644 = arith.constant 0 : i32
      %dma_wait3A_645 = tpu.memref_slice %arg5[%mul3A_326, %dma_wait3A_644] : memref<204800x64xf32, #tpu.memory_space<hbm>> -> memref<200x64xf32, #tpu.memory_space<hbm>>
      %dma_wait3A_646 = arith.constant 0 : i32
      %dma_wait3A_647 = tpu.memref_slice %arg5[%mul3A_326, %dma_wait3A_646] : memref<204800x64xf32, #tpu.memory_space<hbm>> -> memref<200x64xf32, #tpu.memory_space<hbm>>
      tpu.wait_dma2 semaphore(%run_scoped3A : memref<!tpu.dma_semaphore, #tpu.memory_space<semaphore_mem>>) src(%arg9 : memref<200x64xf32, #tpu.memory_space<vmem>>) dst(%dma_wait3A_647 : memref<200x64xf32, #tpu.memory_space<hbm>>)
      tpu.yield
    }) : () -> ()
    %add3A_327 = arith.constant 17 : i32
    %add3A_328 = arith.addi %mul3A_2, %add3A_327 : i32
    %mul3A_329 = arith.constant 200 : i32
    %mul3A_330 = arith.muli %add3A_328, %mul3A_329 : i32
    "tpu.region"() ({
      %run_scoped3A = tpu.sem_alloc : memref<!tpu.dma_semaphore, #tpu.memory_space<semaphore_mem>>
      %dma_start3A_640 = tpu.memref_slice %arg2[%mul3A_330] : memref<204800xi32, #tpu.memory_space<hbm>> -> memref<200xi32, #tpu.memory_space<hbm>>
      %dma_start3A_641 = tpu.memref_slice %arg2[%mul3A_330] : memref<204800xi32, #tpu.memory_space<hbm>> -> memref<200xi32, #tpu.memory_space<hbm>>
      tpu.enqueue_dma source(%dma_start3A_641 : memref<200xi32, #tpu.memory_space<hbm>>) target(%arg7 : memref<200xi32, #tpu.memory_space<vmem>>) target_semaphore(%run_scoped3A : memref<!tpu.dma_semaphore, #tpu.memory_space<semaphore_mem>>)
      %dma_wait3A_642 = tpu.memref_slice %arg2[%mul3A_330] : memref<204800xi32, #tpu.memory_space<hbm>> -> memref<200xi32, #tpu.memory_space<hbm>>
      %dma_wait3A_643 = tpu.memref_slice %arg2[%mul3A_330] : memref<204800xi32, #tpu.memory_space<hbm>> -> memref<200xi32, #tpu.memory_space<hbm>>
      tpu.wait_dma2 semaphore(%run_scoped3A : memref<!tpu.dma_semaphore, #tpu.memory_space<semaphore_mem>>) src(%dma_wait3A_643 : memref<200xi32, #tpu.memory_space<hbm>>) dst(%arg7 : memref<200xi32, #tpu.memory_space<vmem>>)
      tpu.yield
    }) : () -> ()
    %dma_start3A_331 = arith.constant 0 : i32
    %dma_start3A_332 = arith.constant 0 : i32
    %dma_start3A_333 = tpu.memref_slice %arg3[%dma_start3A_331, %dma_start3A_332] : memref<1000000x64xf32, #tpu.memory_space<hbm>> -> memref<1000000x64xf32, #tpu.memory_space<hbm>>
    tpu.enqueue_indirect_dma source(%dma_start3A_333 : memref<1000000x64xf32, #tpu.memory_space<hbm>>) target(%arg9 : memref<200x64xf32, #tpu.memory_space<vmem>>) offsets(%arg7 : memref<200xi32, #tpu.memory_space<vmem>>) semaphore(%arg12 : memref<!tpu.dma_semaphore, #tpu.memory_space<semaphore_mem>>)
    %dma_wait3A_334 = arith.constant 0 : i32
    %dma_wait3A_335 = arith.constant 0 : i32
    %dma_wait3A_336 = tpu.memref_slice %arg3[%dma_wait3A_334, %dma_wait3A_335] : memref<1000000x64xf32, #tpu.memory_space<hbm>> -> memref<1000000x64xf32, #tpu.memory_space<hbm>>
    tpu.wait_indirect_dma semaphore(%arg11 : memref<!tpu.dma_semaphore, #tpu.memory_space<semaphore_mem>>) src(%dma_wait3A_336 : memref<1000000x64xf32, #tpu.memory_space<hbm>>) dst(%arg8 : memref<200x64xf32, #tpu.memory_space<vmem>>)
    %scan3A_337 = arith.constant 0 : i32
    %scan3A_338 = arith.constant 0 : i32
    %scan3A_339 = arith.constant 200 : i32
    %scan3A_340 = arith.addi %scan3A_338, %scan3A_339 : i32
    %scan3A_341 = arith.constant 1 : i32
    scf.for %scan3A_640 = %scan3A_338 to %scan3A_340 step %scan3A_341  : i32 {
      %get3A = arith.index_cast %scan3A_640 : i32 to index
      %get3A_641 = arith.constant 0 : index
      %get3A_642 = tpu.vector_load %arg8[%get3A, %get3A_641] {strides = array<i32>} : memref<200x64xf32, #tpu.memory_space<vmem>>, vector<1x16xf32>,
      %get3A_643 = vector.shape_cast %get3A_642 : vector<1x16xf32> to vector<16xf32>
      %get3A_644 = arith.index_cast %scan3A_640 : i32 to index
      %get3A_645 = arith.constant 0 : index
      %get3A_646 = tpu.vector_load %arg10[%get3A_644, %get3A_645] {strides = array<i32>} : memref<200x64xf32, #tpu.memory_space<vmem>>, vector<1x16xf32>,
      %get3A_647 = vector.shape_cast %get3A_646 : vector<1x16xf32> to vector<16xf32>
      %add3A_648 = arith.addf %get3A_643, %get3A_647 : vector<16xf32>
      %swap3A = arith.index_cast %scan3A_640 : i32 to index
      %swap3A_649 = arith.constant 0 : index
      %swap3A_650 = tpu.vector_load %arg8[%swap3A, %swap3A_649] {strides = array<i32>} : memref<200x64xf32, #tpu.memory_space<vmem>>, vector<1x16xf32>,
      %swap3A_651 = vector.shape_cast %swap3A_650 : vector<1x16xf32> to vector<16xf32>
      %swap3A_652 = vector.shape_cast %add3A_648 : vector<16xf32> to vector<1x16xf32>
      tpu.vector_store %arg8[%swap3A, %swap3A_649], %swap3A_652 {strides = array<i32>} : memref<200x64xf32, #tpu.memory_space<vmem>>, vector<1x16xf32>,
      %get3A_653 = arith.index_cast %scan3A_640 : i32 to index
      %get3A_654 = arith.constant 16 : index
      %get3A_655 = tpu.vector_load %arg8[%get3A_653, %get3A_654] {strides = array<i32>} : memref<200x64xf32, #tpu.memory_space<vmem>>, vector<1x16xf32>,
      %get3A_656 = vector.shape_cast %get3A_655 : vector<1x16xf32> to vector<16xf32>
      %get3A_657 = arith.index_cast %scan3A_640 : i32 to index
      %get3A_658 = arith.constant 16 : index
      %get3A_659 = tpu.vector_load %arg10[%get3A_657, %get3A_658] {strides = array<i32>} : memref<200x64xf32, #tpu.memory_space<vmem>>, vector<1x16xf32>,
      %get3A_660 = vector.shape_cast %get3A_659 : vector<1x16xf32> to vector<16xf32>
      %add3A_661 = arith.addf %get3A_656, %get3A_660 : vector<16xf32>
      %swap3A_662 = arith.index_cast %scan3A_640 : i32 to index
      %swap3A_663 = arith.constant 16 : index
      %swap3A_664 = tpu.vector_load %arg8[%swap3A_662, %swap3A_663] {strides = array<i32>} : memref<200x64xf32, #tpu.memory_space<vmem>>, vector<1x16xf32>,
      %swap3A_665 = vector.shape_cast %swap3A_664 : vector<1x16xf32> to vector<16xf32>
      %swap3A_666 = vector.shape_cast %add3A_661 : vector<16xf32> to vector<1x16xf32>
      tpu.vector_store %arg8[%swap3A_662, %swap3A_663], %swap3A_666 {strides = array<i32>} : memref<200x64xf32, #tpu.memory_space<vmem>>, vector<1x16xf32>,
      %get3A_667 = arith.index_cast %scan3A_640 : i32 to index
      %get3A_668 = arith.constant 32 : index
      %get3A_669 = tpu.vector_load %arg8[%get3A_667, %get3A_668] {strides = array<i32>} : memref<200x64xf32, #tpu.memory_space<vmem>>, vector<1x16xf32>,
      %get3A_670 = vector.shape_cast %get3A_669 : vector<1x16xf32> to vector<16xf32>
      %get3A_671 = arith.index_cast %scan3A_640 : i32 to index
      %get3A_672 = arith.constant 32 : index
      %get3A_673 = tpu.vector_load %arg10[%get3A_671, %get3A_672] {strides = array<i32>} : memref<200x64xf32, #tpu.memory_space<vmem>>, vector<1x16xf32>,
      %get3A_674 = vector.shape_cast %get3A_673 : vector<1x16xf32> to vector<16xf32>
      %add3A_675 = arith.addf %get3A_670, %get3A_674 : vector<16xf32>
      %swap3A_676 = arith.index_cast %scan3A_640 : i32 to index
      %swap3A_677 = arith.constant 32 : index
      %swap3A_678 = tpu.vector_load %arg8[%swap3A_676, %swap3A_677] {strides = array<i32>} : memref<200x64xf32, #tpu.memory_space<vmem>>, vector<1x16xf32>,
      %swap3A_679 = vector.shape_cast %swap3A_678 : vector<1x16xf32> to vector<16xf32>
      %swap3A_680 = vector.shape_cast %add3A_675 : vector<16xf32> to vector<1x16xf32>
      tpu.vector_store %arg8[%swap3A_676, %swap3A_677], %swap3A_680 {strides = array<i32>} : memref<200x64xf32, #tpu.memory_space<vmem>>, vector<1x16xf32>,
      %get3A_681 = arith.index_cast %scan3A_640 : i32 to index
      %get3A_682 = arith.constant 48 : index
      %get3A_683 = tpu.vector_load %arg8[%get3A_681, %get3A_682] {strides = array<i32>} : memref<200x64xf32, #tpu.memory_space<vmem>>, vector<1x16xf32>,
      %get3A_684 = vector.shape_cast %get3A_683 : vector<1x16xf32> to vector<16xf32>
      %get3A_685 = arith.index_cast %scan3A_640 : i32 to index
      %get3A_686 = arith.constant 48 : index
      %get3A_687 = tpu.vector_load %arg10[%get3A_685, %get3A_686] {strides = array<i32>} : memref<200x64xf32, #tpu.memory_space<vmem>>, vector<1x16xf32>,
      %get3A_688 = vector.shape_cast %get3A_687 : vector<1x16xf32> to vector<16xf32>
      %add3A_689 = arith.addf %get3A_684, %get3A_688 : vector<16xf32>
      %swap3A_690 = arith.index_cast %scan3A_640 : i32 to index
      %swap3A_691 = arith.constant 48 : index
      %swap3A_692 = tpu.vector_load %arg8[%swap3A_690, %swap3A_691] {strides = array<i32>} : memref<200x64xf32, #tpu.memory_space<vmem>>, vector<1x16xf32>,
      %swap3A_693 = vector.shape_cast %swap3A_692 : vector<1x16xf32> to vector<16xf32>
      %swap3A_694 = vector.shape_cast %add3A_689 : vector<16xf32> to vector<1x16xf32>
      tpu.vector_store %arg8[%swap3A_690, %swap3A_691], %swap3A_694 {strides = array<i32>} : memref<200x64xf32, #tpu.memory_space<vmem>>, vector<1x16xf32>,
    }
    %scan3A_342 = arith.constant 200 : i32
    %add3A_343 = arith.constant 16 : i32
    %add3A_344 = arith.addi %mul3A_2, %add3A_343 : i32
    %mul3A_345 = arith.constant 200 : i32
    %mul3A_346 = arith.muli %add3A_344, %mul3A_345 : i32
    "tpu.region"() ({
      %run_scoped3A = tpu.sem_alloc : memref<!tpu.dma_semaphore, #tpu.memory_space<semaphore_mem>>
      %dma_start3A_640 = arith.constant 0 : i32
      %dma_start3A_641 = tpu.memref_slice %arg5[%mul3A_346, %dma_start3A_640] : memref<204800x64xf32, #tpu.memory_space<hbm>> -> memref<200x64xf32, #tpu.memory_space<hbm>>
      %dma_start3A_642 = arith.constant 0 : i32
      %dma_start3A_643 = tpu.memref_slice %arg5[%mul3A_346, %dma_start3A_642] : memref<204800x64xf32, #tpu.memory_space<hbm>> -> memref<200x64xf32, #tpu.memory_space<hbm>>
      tpu.enqueue_dma source(%arg8 : memref<200x64xf32, #tpu.memory_space<vmem>>) target(%dma_start3A_643 : memref<200x64xf32, #tpu.memory_space<hbm>>) target_semaphore(%run_scoped3A : memref<!tpu.dma_semaphore, #tpu.memory_space<semaphore_mem>>)
      %dma_wait3A_644 = arith.constant 0 : i32
      %dma_wait3A_645 = tpu.memref_slice %arg5[%mul3A_346, %dma_wait3A_644] : memref<204800x64xf32, #tpu.memory_space<hbm>> -> memref<200x64xf32, #tpu.memory_space<hbm>>
      %dma_wait3A_646 = arith.constant 0 : i32
      %dma_wait3A_647 = tpu.memref_slice %arg5[%mul3A_346, %dma_wait3A_646] : memref<204800x64xf32, #tpu.memory_space<hbm>> -> memref<200x64xf32, #tpu.memory_space<hbm>>
      tpu.wait_dma2 semaphore(%run_scoped3A : memref<!tpu.dma_semaphore, #tpu.memory_space<semaphore_mem>>) src(%arg8 : memref<200x64xf32, #tpu.memory_space<vmem>>) dst(%dma_wait3A_647 : memref<200x64xf32, #tpu.memory_space<hbm>>)
      tpu.yield
    }) : () -> ()
    %add3A_347 = arith.constant 18 : i32
    %add3A_348 = arith.addi %mul3A_2, %add3A_347 : i32
    %mul3A_349 = arith.constant 200 : i32
    %mul3A_350 = arith.muli %add3A_348, %mul3A_349 : i32
    "tpu.region"() ({
      %run_scoped3A = tpu.sem_alloc : memref<!tpu.dma_semaphore, #tpu.memory_space<semaphore_mem>>
      %dma_start3A_640 = tpu.memref_slice %arg2[%mul3A_350] : memref<204800xi32, #tpu.memory_space<hbm>> -> memref<200xi32, #tpu.memory_space<hbm>>
      %dma_start3A_641 = tpu.memref_slice %arg2[%mul3A_350] : memref<204800xi32, #tpu.memory_space<hbm>> -> memref<200xi32, #tpu.memory_space<hbm>>
      tpu.enqueue_dma source(%dma_start3A_641 : memref<200xi32, #tpu.memory_space<hbm>>) target(%arg6 : memref<200xi32, #tpu.memory_space<vmem>>) target_semaphore(%run_scoped3A : memref<!tpu.dma_semaphore, #tpu.memory_space<semaphore_mem>>)
      %dma_wait3A_642 = tpu.memref_slice %arg2[%mul3A_350] : memref<204800xi32, #tpu.memory_space<hbm>> -> memref<200xi32, #tpu.memory_space<hbm>>
      %dma_wait3A_643 = tpu.memref_slice %arg2[%mul3A_350] : memref<204800xi32, #tpu.memory_space<hbm>> -> memref<200xi32, #tpu.memory_space<hbm>>
      tpu.wait_dma2 semaphore(%run_scoped3A : memref<!tpu.dma_semaphore, #tpu.memory_space<semaphore_mem>>) src(%dma_wait3A_643 : memref<200xi32, #tpu.memory_space<hbm>>) dst(%arg6 : memref<200xi32, #tpu.memory_space<vmem>>)
      tpu.yield
    }) : () -> ()
    %dma_start3A_351 = arith.constant 0 : i32
    %dma_start3A_352 = arith.constant 0 : i32
    %dma_start3A_353 = tpu.memref_slice %arg3[%dma_start3A_351, %dma_start3A_352] : memref<1000000x64xf32, #tpu.memory_space<hbm>> -> memref<1000000x64xf32, #tpu.memory_space<hbm>>
    tpu.enqueue_indirect_dma source(%dma_start3A_353 : memref<1000000x64xf32, #tpu.memory_space<hbm>>) target(%arg8 : memref<200x64xf32, #tpu.memory_space<vmem>>) offsets(%arg6 : memref<200xi32, #tpu.memory_space<vmem>>) semaphore(%arg11 : memref<!tpu.dma_semaphore, #tpu.memory_space<semaphore_mem>>)
    %dma_wait3A_354 = arith.constant 0 : i32
    %dma_wait3A_355 = arith.constant 0 : i32
    %dma_wait3A_356 = tpu.memref_slice %arg3[%dma_wait3A_354, %dma_wait3A_355] : memref<1000000x64xf32, #tpu.memory_space<hbm>> -> memref<1000000x64xf32, #tpu.memory_space<hbm>>
    tpu.wait_indirect_dma semaphore(%arg12 : memref<!tpu.dma_semaphore, #tpu.memory_space<semaphore_mem>>) src(%dma_wait3A_356 : memref<1000000x64xf32, #tpu.memory_space<hbm>>) dst(%arg9 : memref<200x64xf32, #tpu.memory_space<vmem>>)
    %scan3A_357 = arith.constant 0 : i32
    %scan3A_358 = arith.constant 0 : i32
    %scan3A_359 = arith.constant 200 : i32
    %scan3A_360 = arith.addi %scan3A_358, %scan3A_359 : i32
    %scan3A_361 = arith.constant 1 : i32
    scf.for %scan3A_640 = %scan3A_358 to %scan3A_360 step %scan3A_361  : i32 {
      %get3A = arith.index_cast %scan3A_640 : i32 to index
      %get3A_641 = arith.constant 0 : index
      %get3A_642 = tpu.vector_load %arg9[%get3A, %get3A_641] {strides = array<i32>} : memref<200x64xf32, #tpu.memory_space<vmem>>, vector<1x16xf32>,
      %get3A_643 = vector.shape_cast %get3A_642 : vector<1x16xf32> to vector<16xf32>
      %get3A_644 = arith.index_cast %scan3A_640 : i32 to index
      %get3A_645 = arith.constant 0 : index
      %get3A_646 = tpu.vector_load %arg10[%get3A_644, %get3A_645] {strides = array<i32>} : memref<200x64xf32, #tpu.memory_space<vmem>>, vector<1x16xf32>,
      %get3A_647 = vector.shape_cast %get3A_646 : vector<1x16xf32> to vector<16xf32>
      %add3A_648 = arith.addf %get3A_643, %get3A_647 : vector<16xf32>
      %swap3A = arith.index_cast %scan3A_640 : i32 to index
      %swap3A_649 = arith.constant 0 : index
      %swap3A_650 = tpu.vector_load %arg9[%swap3A, %swap3A_649] {strides = array<i32>} : memref<200x64xf32, #tpu.memory_space<vmem>>, vector<1x16xf32>,
      %swap3A_651 = vector.shape_cast %swap3A_650 : vector<1x16xf32> to vector<16xf32>
      %swap3A_652 = vector.shape_cast %add3A_648 : vector<16xf32> to vector<1x16xf32>
      tpu.vector_store %arg9[%swap3A, %swap3A_649], %swap3A_652 {strides = array<i32>} : memref<200x64xf32, #tpu.memory_space<vmem>>, vector<1x16xf32>,
      %get3A_653 = arith.index_cast %scan3A_640 : i32 to index
      %get3A_654 = arith.constant 16 : index
      %get3A_655 = tpu.vector_load %arg9[%get3A_653, %get3A_654] {strides = array<i32>} : memref<200x64xf32, #tpu.memory_space<vmem>>, vector<1x16xf32>,
      %get3A_656 = vector.shape_cast %get3A_655 : vector<1x16xf32> to vector<16xf32>
      %get3A_657 = arith.index_cast %scan3A_640 : i32 to index
      %get3A_658 = arith.constant 16 : index
      %get3A_659 = tpu.vector_load %arg10[%get3A_657, %get3A_658] {strides = array<i32>} : memref<200x64xf32, #tpu.memory_space<vmem>>, vector<1x16xf32>,
      %get3A_660 = vector.shape_cast %get3A_659 : vector<1x16xf32> to vector<16xf32>
      %add3A_661 = arith.addf %get3A_656, %get3A_660 : vector<16xf32>
      %swap3A_662 = arith.index_cast %scan3A_640 : i32 to index
      %swap3A_663 = arith.constant 16 : index
      %swap3A_664 = tpu.vector_load %arg9[%swap3A_662, %swap3A_663] {strides = array<i32>} : memref<200x64xf32, #tpu.memory_space<vmem>>, vector<1x16xf32>,
      %swap3A_665 = vector.shape_cast %swap3A_664 : vector<1x16xf32> to vector<16xf32>
      %swap3A_666 = vector.shape_cast %add3A_661 : vector<16xf32> to vector<1x16xf32>
      tpu.vector_store %arg9[%swap3A_662, %swap3A_663], %swap3A_666 {strides = array<i32>} : memref<200x64xf32, #tpu.memory_space<vmem>>, vector<1x16xf32>,
      %get3A_667 = arith.index_cast %scan3A_640 : i32 to index
      %get3A_668 = arith.constant 32 : index
      %get3A_669 = tpu.vector_load %arg9[%get3A_667, %get3A_668] {strides = array<i32>} : memref<200x64xf32, #tpu.memory_space<vmem>>, vector<1x16xf32>,
      %get3A_670 = vector.shape_cast %get3A_669 : vector<1x16xf32> to vector<16xf32>
      %get3A_671 = arith.index_cast %scan3A_640 : i32 to index
      %get3A_672 = arith.constant 32 : index
      %get3A_673 = tpu.vector_load %arg10[%get3A_671, %get3A_672] {strides = array<i32>} : memref<200x64xf32, #tpu.memory_space<vmem>>, vector<1x16xf32>,
      %get3A_674 = vector.shape_cast %get3A_673 : vector<1x16xf32> to vector<16xf32>
      %add3A_675 = arith.addf %get3A_670, %get3A_674 : vector<16xf32>
      %swap3A_676 = arith.index_cast %scan3A_640 : i32 to index
      %swap3A_677 = arith.constant 32 : index
      %swap3A_678 = tpu.vector_load %arg9[%swap3A_676, %swap3A_677] {strides = array<i32>} : memref<200x64xf32, #tpu.memory_space<vmem>>, vector<1x16xf32>,
      %swap3A_679 = vector.shape_cast %swap3A_678 : vector<1x16xf32> to vector<16xf32>
      %swap3A_680 = vector.shape_cast %add3A_675 : vector<16xf32> to vector<1x16xf32>
      tpu.vector_store %arg9[%swap3A_676, %swap3A_677], %swap3A_680 {strides = array<i32>} : memref<200x64xf32, #tpu.memory_space<vmem>>, vector<1x16xf32>,
      %get3A_681 = arith.index_cast %scan3A_640 : i32 to index
      %get3A_682 = arith.constant 48 : index
      %get3A_683 = tpu.vector_load %arg9[%get3A_681, %get3A_682] {strides = array<i32>} : memref<200x64xf32, #tpu.memory_space<vmem>>, vector<1x16xf32>,
      %get3A_684 = vector.shape_cast %get3A_683 : vector<1x16xf32> to vector<16xf32>
      %get3A_685 = arith.index_cast %scan3A_640 : i32 to index
      %get3A_686 = arith.constant 48 : index
      %get3A_687 = tpu.vector_load %arg10[%get3A_685, %get3A_686] {strides = array<i32>} : memref<200x64xf32, #tpu.memory_space<vmem>>, vector<1x16xf32>,
      %get3A_688 = vector.shape_cast %get3A_687 : vector<1x16xf32> to vector<16xf32>
      %add3A_689 = arith.addf %get3A_684, %get3A_688 : vector<16xf32>
      %swap3A_690 = arith.index_cast %scan3A_640 : i32 to index
      %swap3A_691 = arith.constant 48 : index
      %swap3A_692 = tpu.vector_load %arg9[%swap3A_690, %swap3A_691] {strides = array<i32>} : memref<200x64xf32, #tpu.memory_space<vmem>>, vector<1x16xf32>,
      %swap3A_693 = vector.shape_cast %swap3A_692 : vector<1x16xf32> to vector<16xf32>
      %swap3A_694 = vector.shape_cast %add3A_689 : vector<16xf32> to vector<1x16xf32>
      tpu.vector_store %arg9[%swap3A_690, %swap3A_691], %swap3A_694 {strides = array<i32>} : memref<200x64xf32, #tpu.memory_space<vmem>>, vector<1x16xf32>,
    }
    %scan3A_362 = arith.constant 200 : i32
    %add3A_363 = arith.constant 17 : i32
    %add3A_364 = arith.addi %mul3A_2, %add3A_363 : i32
    %mul3A_365 = arith.constant 200 : i32
    %mul3A_366 = arith.muli %add3A_364, %mul3A_365 : i32
    "tpu.region"() ({
      %run_scoped3A = tpu.sem_alloc : memref<!tpu.dma_semaphore, #tpu.memory_space<semaphore_mem>>
      %dma_start3A_640 = arith.constant 0 : i32
      %dma_start3A_641 = tpu.memref_slice %arg5[%mul3A_366, %dma_start3A_640] : memref<204800x64xf32, #tpu.memory_space<hbm>> -> memref<200x64xf32, #tpu.memory_space<hbm>>
      %dma_start3A_642 = arith.constant 0 : i32
      %dma_start3A_643 = tpu.memref_slice %arg5[%mul3A_366, %dma_start3A_642] : memref<204800x64xf32, #tpu.memory_space<hbm>> -> memref<200x64xf32, #tpu.memory_space<hbm>>
      tpu.enqueue_dma source(%arg9 : memref<200x64xf32, #tpu.memory_space<vmem>>) target(%dma_start3A_643 : memref<200x64xf32, #tpu.memory_space<hbm>>) target_semaphore(%run_scoped3A : memref<!tpu.dma_semaphore, #tpu.memory_space<semaphore_mem>>)
      %dma_wait3A_644 = arith.constant 0 : i32
      %dma_wait3A_645 = tpu.memref_slice %arg5[%mul3A_366, %dma_wait3A_644] : memref<204800x64xf32, #tpu.memory_space<hbm>> -> memref<200x64xf32, #tpu.memory_space<hbm>>
      %dma_wait3A_646 = arith.constant 0 : i32
      %dma_wait3A_647 = tpu.memref_slice %arg5[%mul3A_366, %dma_wait3A_646] : memref<204800x64xf32, #tpu.memory_space<hbm>> -> memref<200x64xf32, #tpu.memory_space<hbm>>
      tpu.wait_dma2 semaphore(%run_scoped3A : memref<!tpu.dma_semaphore, #tpu.memory_space<semaphore_mem>>) src(%arg9 : memref<200x64xf32, #tpu.memory_space<vmem>>) dst(%dma_wait3A_647 : memref<200x64xf32, #tpu.memory_space<hbm>>)
      tpu.yield
    }) : () -> ()
    %add3A_367 = arith.constant 19 : i32
    %add3A_368 = arith.addi %mul3A_2, %add3A_367 : i32
    %mul3A_369 = arith.constant 200 : i32
    %mul3A_370 = arith.muli %add3A_368, %mul3A_369 : i32
    "tpu.region"() ({
      %run_scoped3A = tpu.sem_alloc : memref<!tpu.dma_semaphore, #tpu.memory_space<semaphore_mem>>
      %dma_start3A_640 = tpu.memref_slice %arg2[%mul3A_370] : memref<204800xi32, #tpu.memory_space<hbm>> -> memref<200xi32, #tpu.memory_space<hbm>>
      %dma_start3A_641 = tpu.memref_slice %arg2[%mul3A_370] : memref<204800xi32, #tpu.memory_space<hbm>> -> memref<200xi32, #tpu.memory_space<hbm>>
      tpu.enqueue_dma source(%dma_start3A_641 : memref<200xi32, #tpu.memory_space<hbm>>) target(%arg7 : memref<200xi32, #tpu.memory_space<vmem>>) target_semaphore(%run_scoped3A : memref<!tpu.dma_semaphore, #tpu.memory_space<semaphore_mem>>)
      %dma_wait3A_642 = tpu.memref_slice %arg2[%mul3A_370] : memref<204800xi32, #tpu.memory_space<hbm>> -> memref<200xi32, #tpu.memory_space<hbm>>
      %dma_wait3A_643 = tpu.memref_slice %arg2[%mul3A_370] : memref<204800xi32, #tpu.memory_space<hbm>> -> memref<200xi32, #tpu.memory_space<hbm>>
      tpu.wait_dma2 semaphore(%run_scoped3A : memref<!tpu.dma_semaphore, #tpu.memory_space<semaphore_mem>>) src(%dma_wait3A_643 : memref<200xi32, #tpu.memory_space<hbm>>) dst(%arg7 : memref<200xi32, #tpu.memory_space<vmem>>)
      tpu.yield
    }) : () -> ()
    %dma_start3A_371 = arith.constant 0 : i32
    %dma_start3A_372 = arith.constant 0 : i32
    %dma_start3A_373 = tpu.memref_slice %arg3[%dma_start3A_371, %dma_start3A_372] : memref<1000000x64xf32, #tpu.memory_space<hbm>> -> memref<1000000x64xf32, #tpu.memory_space<hbm>>
    tpu.enqueue_indirect_dma source(%dma_start3A_373 : memref<1000000x64xf32, #tpu.memory_space<hbm>>) target(%arg9 : memref<200x64xf32, #tpu.memory_space<vmem>>) offsets(%arg7 : memref<200xi32, #tpu.memory_space<vmem>>) semaphore(%arg12 : memref<!tpu.dma_semaphore, #tpu.memory_space<semaphore_mem>>)
    %dma_wait3A_374 = arith.constant 0 : i32
    %dma_wait3A_375 = arith.constant 0 : i32
    %dma_wait3A_376 = tpu.memref_slice %arg3[%dma_wait3A_374, %dma_wait3A_375] : memref<1000000x64xf32, #tpu.memory_space<hbm>> -> memref<1000000x64xf32, #tpu.memory_space<hbm>>
    tpu.wait_indirect_dma semaphore(%arg11 : memref<!tpu.dma_semaphore, #tpu.memory_space<semaphore_mem>>) src(%dma_wait3A_376 : memref<1000000x64xf32, #tpu.memory_space<hbm>>) dst(%arg8 : memref<200x64xf32, #tpu.memory_space<vmem>>)
    %scan3A_377 = arith.constant 0 : i32
    %scan3A_378 = arith.constant 0 : i32
    %scan3A_379 = arith.constant 200 : i32
    %scan3A_380 = arith.addi %scan3A_378, %scan3A_379 : i32
    %scan3A_381 = arith.constant 1 : i32
    scf.for %scan3A_640 = %scan3A_378 to %scan3A_380 step %scan3A_381  : i32 {
      %get3A = arith.index_cast %scan3A_640 : i32 to index
      %get3A_641 = arith.constant 0 : index
      %get3A_642 = tpu.vector_load %arg8[%get3A, %get3A_641] {strides = array<i32>} : memref<200x64xf32, #tpu.memory_space<vmem>>, vector<1x16xf32>,
      %get3A_643 = vector.shape_cast %get3A_642 : vector<1x16xf32> to vector<16xf32>
      %get3A_644 = arith.index_cast %scan3A_640 : i32 to index
      %get3A_645 = arith.constant 0 : index
      %get3A_646 = tpu.vector_load %arg10[%get3A_644, %get3A_645] {strides = array<i32>} : memref<200x64xf32, #tpu.memory_space<vmem>>, vector<1x16xf32>,
      %get3A_647 = vector.shape_cast %get3A_646 : vector<1x16xf32> to vector<16xf32>
      %add3A_648 = arith.addf %get3A_643, %get3A_647 : vector<16xf32>
      %swap3A = arith.index_cast %scan3A_640 : i32 to index
      %swap3A_649 = arith.constant 0 : index
      %swap3A_650 = tpu.vector_load %arg8[%swap3A, %swap3A_649] {strides = array<i32>} : memref<200x64xf32, #tpu.memory_space<vmem>>, vector<1x16xf32>,
      %swap3A_651 = vector.shape_cast %swap3A_650 : vector<1x16xf32> to vector<16xf32>
      %swap3A_652 = vector.shape_cast %add3A_648 : vector<16xf32> to vector<1x16xf32>
      tpu.vector_store %arg8[%swap3A, %swap3A_649], %swap3A_652 {strides = array<i32>} : memref<200x64xf32, #tpu.memory_space<vmem>>, vector<1x16xf32>,
      %get3A_653 = arith.index_cast %scan3A_640 : i32 to index
      %get3A_654 = arith.constant 16 : index
      %get3A_655 = tpu.vector_load %arg8[%get3A_653, %get3A_654] {strides = array<i32>} : memref<200x64xf32, #tpu.memory_space<vmem>>, vector<1x16xf32>,
      %get3A_656 = vector.shape_cast %get3A_655 : vector<1x16xf32> to vector<16xf32>
      %get3A_657 = arith.index_cast %scan3A_640 : i32 to index
      %get3A_658 = arith.constant 16 : index
      %get3A_659 = tpu.vector_load %arg10[%get3A_657, %get3A_658] {strides = array<i32>} : memref<200x64xf32, #tpu.memory_space<vmem>>, vector<1x16xf32>,
      %get3A_660 = vector.shape_cast %get3A_659 : vector<1x16xf32> to vector<16xf32>
      %add3A_661 = arith.addf %get3A_656, %get3A_660 : vector<16xf32>
      %swap3A_662 = arith.index_cast %scan3A_640 : i32 to index
      %swap3A_663 = arith.constant 16 : index
      %swap3A_664 = tpu.vector_load %arg8[%swap3A_662, %swap3A_663] {strides = array<i32>} : memref<200x64xf32, #tpu.memory_space<vmem>>, vector<1x16xf32>,
      %swap3A_665 = vector.shape_cast %swap3A_664 : vector<1x16xf32> to vector<16xf32>
      %swap3A_666 = vector.shape_cast %add3A_661 : vector<16xf32> to vector<1x16xf32>
      tpu.vector_store %arg8[%swap3A_662, %swap3A_663], %swap3A_666 {strides = array<i32>} : memref<200x64xf32, #tpu.memory_space<vmem>>, vector<1x16xf32>,
      %get3A_667 = arith.index_cast %scan3A_640 : i32 to index
      %get3A_668 = arith.constant 32 : index
      %get3A_669 = tpu.vector_load %arg8[%get3A_667, %get3A_668] {strides = array<i32>} : memref<200x64xf32, #tpu.memory_space<vmem>>, vector<1x16xf32>,
      %get3A_670 = vector.shape_cast %get3A_669 : vector<1x16xf32> to vector<16xf32>
      %get3A_671 = arith.index_cast %scan3A_640 : i32 to index
      %get3A_672 = arith.constant 32 : index
      %get3A_673 = tpu.vector_load %arg10[%get3A_671, %get3A_672] {strides = array<i32>} : memref<200x64xf32, #tpu.memory_space<vmem>>, vector<1x16xf32>,
      %get3A_674 = vector.shape_cast %get3A_673 : vector<1x16xf32> to vector<16xf32>
      %add3A_675 = arith.addf %get3A_670, %get3A_674 : vector<16xf32>
      %swap3A_676 = arith.index_cast %scan3A_640 : i32 to index
      %swap3A_677 = arith.constant 32 : index
      %swap3A_678 = tpu.vector_load %arg8[%swap3A_676, %swap3A_677] {strides = array<i32>} : memref<200x64xf32, #tpu.memory_space<vmem>>, vector<1x16xf32>,
      %swap3A_679 = vector.shape_cast %swap3A_678 : vector<1x16xf32> to vector<16xf32>
      %swap3A_680 = vector.shape_cast %add3A_675 : vector<16xf32> to vector<1x16xf32>
      tpu.vector_store %arg8[%swap3A_676, %swap3A_677], %swap3A_680 {strides = array<i32>} : memref<200x64xf32, #tpu.memory_space<vmem>>, vector<1x16xf32>,
      %get3A_681 = arith.index_cast %scan3A_640 : i32 to index
      %get3A_682 = arith.constant 48 : index
      %get3A_683 = tpu.vector_load %arg8[%get3A_681, %get3A_682] {strides = array<i32>} : memref<200x64xf32, #tpu.memory_space<vmem>>, vector<1x16xf32>,
      %get3A_684 = vector.shape_cast %get3A_683 : vector<1x16xf32> to vector<16xf32>
      %get3A_685 = arith.index_cast %scan3A_640 : i32 to index
      %get3A_686 = arith.constant 48 : index
      %get3A_687 = tpu.vector_load %arg10[%get3A_685, %get3A_686] {strides = array<i32>} : memref<200x64xf32, #tpu.memory_space<vmem>>, vector<1x16xf32>,
      %get3A_688 = vector.shape_cast %get3A_687 : vector<1x16xf32> to vector<16xf32>
      %add3A_689 = arith.addf %get3A_684, %get3A_688 : vector<16xf32>
      %swap3A_690 = arith.index_cast %scan3A_640 : i32 to index
      %swap3A_691 = arith.constant 48 : index
      %swap3A_692 = tpu.vector_load %arg8[%swap3A_690, %swap3A_691] {strides = array<i32>} : memref<200x64xf32, #tpu.memory_space<vmem>>, vector<1x16xf32>,
      %swap3A_693 = vector.shape_cast %swap3A_692 : vector<1x16xf32> to vector<16xf32>
      %swap3A_694 = vector.shape_cast %add3A_689 : vector<16xf32> to vector<1x16xf32>
      tpu.vector_store %arg8[%swap3A_690, %swap3A_691], %swap3A_694 {strides = array<i32>} : memref<200x64xf32, #tpu.memory_space<vmem>>, vector<1x16xf32>,
    }
    %scan3A_382 = arith.constant 200 : i32
    %add3A_383 = arith.constant 18 : i32
    %add3A_384 = arith.addi %mul3A_2, %add3A_383 : i32
    %mul3A_385 = arith.constant 200 : i32
    %mul3A_386 = arith.muli %add3A_384, %mul3A_385 : i32
    "tpu.region"() ({
      %run_scoped3A = tpu.sem_alloc : memref<!tpu.dma_semaphore, #tpu.memory_space<semaphore_mem>>
      %dma_start3A_640 = arith.constant 0 : i32
      %dma_start3A_641 = tpu.memref_slice %arg5[%mul3A_386, %dma_start3A_640] : memref<204800x64xf32, #tpu.memory_space<hbm>> -> memref<200x64xf32, #tpu.memory_space<hbm>>
      %dma_start3A_642 = arith.constant 0 : i32
      %dma_start3A_643 = tpu.memref_slice %arg5[%mul3A_386, %dma_start3A_642] : memref<204800x64xf32, #tpu.memory_space<hbm>> -> memref<200x64xf32, #tpu.memory_space<hbm>>
      tpu.enqueue_dma source(%arg8 : memref<200x64xf32, #tpu.memory_space<vmem>>) target(%dma_start3A_643 : memref<200x64xf32, #tpu.memory_space<hbm>>) target_semaphore(%run_scoped3A : memref<!tpu.dma_semaphore, #tpu.memory_space<semaphore_mem>>)
      %dma_wait3A_644 = arith.constant 0 : i32
      %dma_wait3A_645 = tpu.memref_slice %arg5[%mul3A_386, %dma_wait3A_644] : memref<204800x64xf32, #tpu.memory_space<hbm>> -> memref<200x64xf32, #tpu.memory_space<hbm>>
      %dma_wait3A_646 = arith.constant 0 : i32
      %dma_wait3A_647 = tpu.memref_slice %arg5[%mul3A_386, %dma_wait3A_646] : memref<204800x64xf32, #tpu.memory_space<hbm>> -> memref<200x64xf32, #tpu.memory_space<hbm>>
      tpu.wait_dma2 semaphore(%run_scoped3A : memref<!tpu.dma_semaphore, #tpu.memory_space<semaphore_mem>>) src(%arg8 : memref<200x64xf32, #tpu.memory_space<vmem>>) dst(%dma_wait3A_647 : memref<200x64xf32, #tpu.memory_space<hbm>>)
      tpu.yield
    }) : () -> ()
    %add3A_387 = arith.constant 20 : i32
    %add3A_388 = arith.addi %mul3A_2, %add3A_387 : i32
    %mul3A_389 = arith.constant 200 : i32
    %mul3A_390 = arith.muli %add3A_388, %mul3A_389 : i32
    "tpu.region"() ({
      %run_scoped3A = tpu.sem_alloc : memref<!tpu.dma_semaphore, #tpu.memory_space<semaphore_mem>>
      %dma_start3A_640 = tpu.memref_slice %arg2[%mul3A_390] : memref<204800xi32, #tpu.memory_space<hbm>> -> memref<200xi32, #tpu.memory_space<hbm>>
      %dma_start3A_641 = tpu.memref_slice %arg2[%mul3A_390] : memref<204800xi32, #tpu.memory_space<hbm>> -> memref<200xi32, #tpu.memory_space<hbm>>
      tpu.enqueue_dma source(%dma_start3A_641 : memref<200xi32, #tpu.memory_space<hbm>>) target(%arg6 : memref<200xi32, #tpu.memory_space<vmem>>) target_semaphore(%run_scoped3A : memref<!tpu.dma_semaphore, #tpu.memory_space<semaphore_mem>>)
      %dma_wait3A_642 = tpu.memref_slice %arg2[%mul3A_390] : memref<204800xi32, #tpu.memory_space<hbm>> -> memref<200xi32, #tpu.memory_space<hbm>>
      %dma_wait3A_643 = tpu.memref_slice %arg2[%mul3A_390] : memref<204800xi32, #tpu.memory_space<hbm>> -> memref<200xi32, #tpu.memory_space<hbm>>
      tpu.wait_dma2 semaphore(%run_scoped3A : memref<!tpu.dma_semaphore, #tpu.memory_space<semaphore_mem>>) src(%dma_wait3A_643 : memref<200xi32, #tpu.memory_space<hbm>>) dst(%arg6 : memref<200xi32, #tpu.memory_space<vmem>>)
      tpu.yield
    }) : () -> ()
    %dma_start3A_391 = arith.constant 0 : i32
    %dma_start3A_392 = arith.constant 0 : i32
    %dma_start3A_393 = tpu.memref_slice %arg3[%dma_start3A_391, %dma_start3A_392] : memref<1000000x64xf32, #tpu.memory_space<hbm>> -> memref<1000000x64xf32, #tpu.memory_space<hbm>>
    tpu.enqueue_indirect_dma source(%dma_start3A_393 : memref<1000000x64xf32, #tpu.memory_space<hbm>>) target(%arg8 : memref<200x64xf32, #tpu.memory_space<vmem>>) offsets(%arg6 : memref<200xi32, #tpu.memory_space<vmem>>) semaphore(%arg11 : memref<!tpu.dma_semaphore, #tpu.memory_space<semaphore_mem>>)
    %dma_wait3A_394 = arith.constant 0 : i32
    %dma_wait3A_395 = arith.constant 0 : i32
    %dma_wait3A_396 = tpu.memref_slice %arg3[%dma_wait3A_394, %dma_wait3A_395] : memref<1000000x64xf32, #tpu.memory_space<hbm>> -> memref<1000000x64xf32, #tpu.memory_space<hbm>>
    tpu.wait_indirect_dma semaphore(%arg12 : memref<!tpu.dma_semaphore, #tpu.memory_space<semaphore_mem>>) src(%dma_wait3A_396 : memref<1000000x64xf32, #tpu.memory_space<hbm>>) dst(%arg9 : memref<200x64xf32, #tpu.memory_space<vmem>>)
    %scan3A_397 = arith.constant 0 : i32
    %scan3A_398 = arith.constant 0 : i32
    %scan3A_399 = arith.constant 200 : i32
    %scan3A_400 = arith.addi %scan3A_398, %scan3A_399 : i32
    %scan3A_401 = arith.constant 1 : i32
    scf.for %scan3A_640 = %scan3A_398 to %scan3A_400 step %scan3A_401  : i32 {
      %get3A = arith.index_cast %scan3A_640 : i32 to index
      %get3A_641 = arith.constant 0 : index
      %get3A_642 = tpu.vector_load %arg9[%get3A, %get3A_641] {strides = array<i32>} : memref<200x64xf32, #tpu.memory_space<vmem>>, vector<1x16xf32>,
      %get3A_643 = vector.shape_cast %get3A_642 : vector<1x16xf32> to vector<16xf32>
      %get3A_644 = arith.index_cast %scan3A_640 : i32 to index
      %get3A_645 = arith.constant 0 : index
      %get3A_646 = tpu.vector_load %arg10[%get3A_644, %get3A_645] {strides = array<i32>} : memref<200x64xf32, #tpu.memory_space<vmem>>, vector<1x16xf32>,
      %get3A_647 = vector.shape_cast %get3A_646 : vector<1x16xf32> to vector<16xf32>
      %add3A_648 = arith.addf %get3A_643, %get3A_647 : vector<16xf32>
      %swap3A = arith.index_cast %scan3A_640 : i32 to index
      %swap3A_649 = arith.constant 0 : index
      %swap3A_650 = tpu.vector_load %arg9[%swap3A, %swap3A_649] {strides = array<i32>} : memref<200x64xf32, #tpu.memory_space<vmem>>, vector<1x16xf32>,
      %swap3A_651 = vector.shape_cast %swap3A_650 : vector<1x16xf32> to vector<16xf32>
      %swap3A_652 = vector.shape_cast %add3A_648 : vector<16xf32> to vector<1x16xf32>
      tpu.vector_store %arg9[%swap3A, %swap3A_649], %swap3A_652 {strides = array<i32>} : memref<200x64xf32, #tpu.memory_space<vmem>>, vector<1x16xf32>,
      %get3A_653 = arith.index_cast %scan3A_640 : i32 to index
      %get3A_654 = arith.constant 16 : index
      %get3A_655 = tpu.vector_load %arg9[%get3A_653, %get3A_654] {strides = array<i32>} : memref<200x64xf32, #tpu.memory_space<vmem>>, vector<1x16xf32>,
      %get3A_656 = vector.shape_cast %get3A_655 : vector<1x16xf32> to vector<16xf32>
      %get3A_657 = arith.index_cast %scan3A_640 : i32 to index
      %get3A_658 = arith.constant 16 : index
      %get3A_659 = tpu.vector_load %arg10[%get3A_657, %get3A_658] {strides = array<i32>} : memref<200x64xf32, #tpu.memory_space<vmem>>, vector<1x16xf32>,
      %get3A_660 = vector.shape_cast %get3A_659 : vector<1x16xf32> to vector<16xf32>
      %add3A_661 = arith.addf %get3A_656, %get3A_660 : vector<16xf32>
      %swap3A_662 = arith.index_cast %scan3A_640 : i32 to index
      %swap3A_663 = arith.constant 16 : index
      %swap3A_664 = tpu.vector_load %arg9[%swap3A_662, %swap3A_663] {strides = array<i32>} : memref<200x64xf32, #tpu.memory_space<vmem>>, vector<1x16xf32>,
      %swap3A_665 = vector.shape_cast %swap3A_664 : vector<1x16xf32> to vector<16xf32>
      %swap3A_666 = vector.shape_cast %add3A_661 : vector<16xf32> to vector<1x16xf32>
      tpu.vector_store %arg9[%swap3A_662, %swap3A_663], %swap3A_666 {strides = array<i32>} : memref<200x64xf32, #tpu.memory_space<vmem>>, vector<1x16xf32>,
      %get3A_667 = arith.index_cast %scan3A_640 : i32 to index
      %get3A_668 = arith.constant 32 : index
      %get3A_669 = tpu.vector_load %arg9[%get3A_667, %get3A_668] {strides = array<i32>} : memref<200x64xf32, #tpu.memory_space<vmem>>, vector<1x16xf32>,
      %get3A_670 = vector.shape_cast %get3A_669 : vector<1x16xf32> to vector<16xf32>
      %get3A_671 = arith.index_cast %scan3A_640 : i32 to index
      %get3A_672 = arith.constant 32 : index
      %get3A_673 = tpu.vector_load %arg10[%get3A_671, %get3A_672] {strides = array<i32>} : memref<200x64xf32, #tpu.memory_space<vmem>>, vector<1x16xf32>,
      %get3A_674 = vector.shape_cast %get3A_673 : vector<1x16xf32> to vector<16xf32>
      %add3A_675 = arith.addf %get3A_670, %get3A_674 : vector<16xf32>
      %swap3A_676 = arith.index_cast %scan3A_640 : i32 to index
      %swap3A_677 = arith.constant 32 : index
      %swap3A_678 = tpu.vector_load %arg9[%swap3A_676, %swap3A_677] {strides = array<i32>} : memref<200x64xf32, #tpu.memory_space<vmem>>, vector<1x16xf32>,
      %swap3A_679 = vector.shape_cast %swap3A_678 : vector<1x16xf32> to vector<16xf32>
      %swap3A_680 = vector.shape_cast %add3A_675 : vector<16xf32> to vector<1x16xf32>
      tpu.vector_store %arg9[%swap3A_676, %swap3A_677], %swap3A_680 {strides = array<i32>} : memref<200x64xf32, #tpu.memory_space<vmem>>, vector<1x16xf32>,
      %get3A_681 = arith.index_cast %scan3A_640 : i32 to index
      %get3A_682 = arith.constant 48 : index
      %get3A_683 = tpu.vector_load %arg9[%get3A_681, %get3A_682] {strides = array<i32>} : memref<200x64xf32, #tpu.memory_space<vmem>>, vector<1x16xf32>,
      %get3A_684 = vector.shape_cast %get3A_683 : vector<1x16xf32> to vector<16xf32>
      %get3A_685 = arith.index_cast %scan3A_640 : i32 to index
      %get3A_686 = arith.constant 48 : index
      %get3A_687 = tpu.vector_load %arg10[%get3A_685, %get3A_686] {strides = array<i32>} : memref<200x64xf32, #tpu.memory_space<vmem>>, vector<1x16xf32>,
      %get3A_688 = vector.shape_cast %get3A_687 : vector<1x16xf32> to vector<16xf32>
      %add3A_689 = arith.addf %get3A_684, %get3A_688 : vector<16xf32>
      %swap3A_690 = arith.index_cast %scan3A_640 : i32 to index
      %swap3A_691 = arith.constant 48 : index
      %swap3A_692 = tpu.vector_load %arg9[%swap3A_690, %swap3A_691] {strides = array<i32>} : memref<200x64xf32, #tpu.memory_space<vmem>>, vector<1x16xf32>,
      %swap3A_693 = vector.shape_cast %swap3A_692 : vector<1x16xf32> to vector<16xf32>
      %swap3A_694 = vector.shape_cast %add3A_689 : vector<16xf32> to vector<1x16xf32>
      tpu.vector_store %arg9[%swap3A_690, %swap3A_691], %swap3A_694 {strides = array<i32>} : memref<200x64xf32, #tpu.memory_space<vmem>>, vector<1x16xf32>,
    }
    %scan3A_402 = arith.constant 200 : i32
    %add3A_403 = arith.constant 19 : i32
    %add3A_404 = arith.addi %mul3A_2, %add3A_403 : i32
    %mul3A_405 = arith.constant 200 : i32
    %mul3A_406 = arith.muli %add3A_404, %mul3A_405 : i32
    "tpu.region"() ({
      %run_scoped3A = tpu.sem_alloc : memref<!tpu.dma_semaphore, #tpu.memory_space<semaphore_mem>>
      %dma_start3A_640 = arith.constant 0 : i32
      %dma_start3A_641 = tpu.memref_slice %arg5[%mul3A_406, %dma_start3A_640] : memref<204800x64xf32, #tpu.memory_space<hbm>> -> memref<200x64xf32, #tpu.memory_space<hbm>>
      %dma_start3A_642 = arith.constant 0 : i32
      %dma_start3A_643 = tpu.memref_slice %arg5[%mul3A_406, %dma_start3A_642] : memref<204800x64xf32, #tpu.memory_space<hbm>> -> memref<200x64xf32, #tpu.memory_space<hbm>>
      tpu.enqueue_dma source(%arg9 : memref<200x64xf32, #tpu.memory_space<vmem>>) target(%dma_start3A_643 : memref<200x64xf32, #tpu.memory_space<hbm>>) target_semaphore(%run_scoped3A : memref<!tpu.dma_semaphore, #tpu.memory_space<semaphore_mem>>)
      %dma_wait3A_644 = arith.constant 0 : i32
      %dma_wait3A_645 = tpu.memref_slice %arg5[%mul3A_406, %dma_wait3A_644] : memref<204800x64xf32, #tpu.memory_space<hbm>> -> memref<200x64xf32, #tpu.memory_space<hbm>>
      %dma_wait3A_646 = arith.constant 0 : i32
      %dma_wait3A_647 = tpu.memref_slice %arg5[%mul3A_406, %dma_wait3A_646] : memref<204800x64xf32, #tpu.memory_space<hbm>> -> memref<200x64xf32, #tpu.memory_space<hbm>>
      tpu.wait_dma2 semaphore(%run_scoped3A : memref<!tpu.dma_semaphore, #tpu.memory_space<semaphore_mem>>) src(%arg9 : memref<200x64xf32, #tpu.memory_space<vmem>>) dst(%dma_wait3A_647 : memref<200x64xf32, #tpu.memory_space<hbm>>)
      tpu.yield
    }) : () -> ()
    %add3A_407 = arith.constant 21 : i32
    %add3A_408 = arith.addi %mul3A_2, %add3A_407 : i32
    %mul3A_409 = arith.constant 200 : i32
    %mul3A_410 = arith.muli %add3A_408, %mul3A_409 : i32
    "tpu.region"() ({
      %run_scoped3A = tpu.sem_alloc : memref<!tpu.dma_semaphore, #tpu.memory_space<semaphore_mem>>
      %dma_start3A_640 = tpu.memref_slice %arg2[%mul3A_410] : memref<204800xi32, #tpu.memory_space<hbm>> -> memref<200xi32, #tpu.memory_space<hbm>>
      %dma_start3A_641 = tpu.memref_slice %arg2[%mul3A_410] : memref<204800xi32, #tpu.memory_space<hbm>> -> memref<200xi32, #tpu.memory_space<hbm>>
      tpu.enqueue_dma source(%dma_start3A_641 : memref<200xi32, #tpu.memory_space<hbm>>) target(%arg7 : memref<200xi32, #tpu.memory_space<vmem>>) target_semaphore(%run_scoped3A : memref<!tpu.dma_semaphore, #tpu.memory_space<semaphore_mem>>)
      %dma_wait3A_642 = tpu.memref_slice %arg2[%mul3A_410] : memref<204800xi32, #tpu.memory_space<hbm>> -> memref<200xi32, #tpu.memory_space<hbm>>
      %dma_wait3A_643 = tpu.memref_slice %arg2[%mul3A_410] : memref<204800xi32, #tpu.memory_space<hbm>> -> memref<200xi32, #tpu.memory_space<hbm>>
      tpu.wait_dma2 semaphore(%run_scoped3A : memref<!tpu.dma_semaphore, #tpu.memory_space<semaphore_mem>>) src(%dma_wait3A_643 : memref<200xi32, #tpu.memory_space<hbm>>) dst(%arg7 : memref<200xi32, #tpu.memory_space<vmem>>)
      tpu.yield
    }) : () -> ()
    %dma_start3A_411 = arith.constant 0 : i32
    %dma_start3A_412 = arith.constant 0 : i32
    %dma_start3A_413 = tpu.memref_slice %arg3[%dma_start3A_411, %dma_start3A_412] : memref<1000000x64xf32, #tpu.memory_space<hbm>> -> memref<1000000x64xf32, #tpu.memory_space<hbm>>
    tpu.enqueue_indirect_dma source(%dma_start3A_413 : memref<1000000x64xf32, #tpu.memory_space<hbm>>) target(%arg9 : memref<200x64xf32, #tpu.memory_space<vmem>>) offsets(%arg7 : memref<200xi32, #tpu.memory_space<vmem>>) semaphore(%arg12 : memref<!tpu.dma_semaphore, #tpu.memory_space<semaphore_mem>>)
    %dma_wait3A_414 = arith.constant 0 : i32
    %dma_wait3A_415 = arith.constant 0 : i32
    %dma_wait3A_416 = tpu.memref_slice %arg3[%dma_wait3A_414, %dma_wait3A_415] : memref<1000000x64xf32, #tpu.memory_space<hbm>> -> memref<1000000x64xf32, #tpu.memory_space<hbm>>
    tpu.wait_indirect_dma semaphore(%arg11 : memref<!tpu.dma_semaphore, #tpu.memory_space<semaphore_mem>>) src(%dma_wait3A_416 : memref<1000000x64xf32, #tpu.memory_space<hbm>>) dst(%arg8 : memref<200x64xf32, #tpu.memory_space<vmem>>)
    %scan3A_417 = arith.constant 0 : i32
    %scan3A_418 = arith.constant 0 : i32
    %scan3A_419 = arith.constant 200 : i32
    %scan3A_420 = arith.addi %scan3A_418, %scan3A_419 : i32
    %scan3A_421 = arith.constant 1 : i32
    scf.for %scan3A_640 = %scan3A_418 to %scan3A_420 step %scan3A_421  : i32 {
      %get3A = arith.index_cast %scan3A_640 : i32 to index
      %get3A_641 = arith.constant 0 : index
      %get3A_642 = tpu.vector_load %arg8[%get3A, %get3A_641] {strides = array<i32>} : memref<200x64xf32, #tpu.memory_space<vmem>>, vector<1x16xf32>,
      %get3A_643 = vector.shape_cast %get3A_642 : vector<1x16xf32> to vector<16xf32>
      %get3A_644 = arith.index_cast %scan3A_640 : i32 to index
      %get3A_645 = arith.constant 0 : index
      %get3A_646 = tpu.vector_load %arg10[%get3A_644, %get3A_645] {strides = array<i32>} : memref<200x64xf32, #tpu.memory_space<vmem>>, vector<1x16xf32>,
      %get3A_647 = vector.shape_cast %get3A_646 : vector<1x16xf32> to vector<16xf32>
      %add3A_648 = arith.addf %get3A_643, %get3A_647 : vector<16xf32>
      %swap3A = arith.index_cast %scan3A_640 : i32 to index
      %swap3A_649 = arith.constant 0 : index
      %swap3A_650 = tpu.vector_load %arg8[%swap3A, %swap3A_649] {strides = array<i32>} : memref<200x64xf32, #tpu.memory_space<vmem>>, vector<1x16xf32>,
      %swap3A_651 = vector.shape_cast %swap3A_650 : vector<1x16xf32> to vector<16xf32>
      %swap3A_652 = vector.shape_cast %add3A_648 : vector<16xf32> to vector<1x16xf32>
      tpu.vector_store %arg8[%swap3A, %swap3A_649], %swap3A_652 {strides = array<i32>} : memref<200x64xf32, #tpu.memory_space<vmem>>, vector<1x16xf32>,
      %get3A_653 = arith.index_cast %scan3A_640 : i32 to index
      %get3A_654 = arith.constant 16 : index
      %get3A_655 = tpu.vector_load %arg8[%get3A_653, %get3A_654] {strides = array<i32>} : memref<200x64xf32, #tpu.memory_space<vmem>>, vector<1x16xf32>,
      %get3A_656 = vector.shape_cast %get3A_655 : vector<1x16xf32> to vector<16xf32>
      %get3A_657 = arith.index_cast %scan3A_640 : i32 to index
      %get3A_658 = arith.constant 16 : index
      %get3A_659 = tpu.vector_load %arg10[%get3A_657, %get3A_658] {strides = array<i32>} : memref<200x64xf32, #tpu.memory_space<vmem>>, vector<1x16xf32>,
      %get3A_660 = vector.shape_cast %get3A_659 : vector<1x16xf32> to vector<16xf32>
      %add3A_661 = arith.addf %get3A_656, %get3A_660 : vector<16xf32>
      %swap3A_662 = arith.index_cast %scan3A_640 : i32 to index
      %swap3A_663 = arith.constant 16 : index
      %swap3A_664 = tpu.vector_load %arg8[%swap3A_662, %swap3A_663] {strides = array<i32>} : memref<200x64xf32, #tpu.memory_space<vmem>>, vector<1x16xf32>,
      %swap3A_665 = vector.shape_cast %swap3A_664 : vector<1x16xf32> to vector<16xf32>
      %swap3A_666 = vector.shape_cast %add3A_661 : vector<16xf32> to vector<1x16xf32>
      tpu.vector_store %arg8[%swap3A_662, %swap3A_663], %swap3A_666 {strides = array<i32>} : memref<200x64xf32, #tpu.memory_space<vmem>>, vector<1x16xf32>,
      %get3A_667 = arith.index_cast %scan3A_640 : i32 to index
      %get3A_668 = arith.constant 32 : index
      %get3A_669 = tpu.vector_load %arg8[%get3A_667, %get3A_668] {strides = array<i32>} : memref<200x64xf32, #tpu.memory_space<vmem>>, vector<1x16xf32>,
      %get3A_670 = vector.shape_cast %get3A_669 : vector<1x16xf32> to vector<16xf32>
      %get3A_671 = arith.index_cast %scan3A_640 : i32 to index
      %get3A_672 = arith.constant 32 : index
      %get3A_673 = tpu.vector_load %arg10[%get3A_671, %get3A_672] {strides = array<i32>} : memref<200x64xf32, #tpu.memory_space<vmem>>, vector<1x16xf32>,
      %get3A_674 = vector.shape_cast %get3A_673 : vector<1x16xf32> to vector<16xf32>
      %add3A_675 = arith.addf %get3A_670, %get3A_674 : vector<16xf32>
      %swap3A_676 = arith.index_cast %scan3A_640 : i32 to index
      %swap3A_677 = arith.constant 32 : index
      %swap3A_678 = tpu.vector_load %arg8[%swap3A_676, %swap3A_677] {strides = array<i32>} : memref<200x64xf32, #tpu.memory_space<vmem>>, vector<1x16xf32>,
      %swap3A_679 = vector.shape_cast %swap3A_678 : vector<1x16xf32> to vector<16xf32>
      %swap3A_680 = vector.shape_cast %add3A_675 : vector<16xf32> to vector<1x16xf32>
      tpu.vector_store %arg8[%swap3A_676, %swap3A_677], %swap3A_680 {strides = array<i32>} : memref<200x64xf32, #tpu.memory_space<vmem>>, vector<1x16xf32>,
      %get3A_681 = arith.index_cast %scan3A_640 : i32 to index
      %get3A_682 = arith.constant 48 : index
      %get3A_683 = tpu.vector_load %arg8[%get3A_681, %get3A_682] {strides = array<i32>} : memref<200x64xf32, #tpu.memory_space<vmem>>, vector<1x16xf32>,
      %get3A_684 = vector.shape_cast %get3A_683 : vector<1x16xf32> to vector<16xf32>
      %get3A_685 = arith.index_cast %scan3A_640 : i32 to index
      %get3A_686 = arith.constant 48 : index
      %get3A_687 = tpu.vector_load %arg10[%get3A_685, %get3A_686] {strides = array<i32>} : memref<200x64xf32, #tpu.memory_space<vmem>>, vector<1x16xf32>,
      %get3A_688 = vector.shape_cast %get3A_687 : vector<1x16xf32> to vector<16xf32>
      %add3A_689 = arith.addf %get3A_684, %get3A_688 : vector<16xf32>
      %swap3A_690 = arith.index_cast %scan3A_640 : i32 to index
      %swap3A_691 = arith.constant 48 : index
      %swap3A_692 = tpu.vector_load %arg8[%swap3A_690, %swap3A_691] {strides = array<i32>} : memref<200x64xf32, #tpu.memory_space<vmem>>, vector<1x16xf32>,
      %swap3A_693 = vector.shape_cast %swap3A_692 : vector<1x16xf32> to vector<16xf32>
      %swap3A_694 = vector.shape_cast %add3A_689 : vector<16xf32> to vector<1x16xf32>
      tpu.vector_store %arg8[%swap3A_690, %swap3A_691], %swap3A_694 {strides = array<i32>} : memref<200x64xf32, #tpu.memory_space<vmem>>, vector<1x16xf32>,
    }
    %scan3A_422 = arith.constant 200 : i32
    %add3A_423 = arith.constant 20 : i32
    %add3A_424 = arith.addi %mul3A_2, %add3A_423 : i32
    %mul3A_425 = arith.constant 200 : i32
    %mul3A_426 = arith.muli %add3A_424, %mul3A_425 : i32
    "tpu.region"() ({
      %run_scoped3A = tpu.sem_alloc : memref<!tpu.dma_semaphore, #tpu.memory_space<semaphore_mem>>
      %dma_start3A_640 = arith.constant 0 : i32
      %dma_start3A_641 = tpu.memref_slice %arg5[%mul3A_426, %dma_start3A_640] : memref<204800x64xf32, #tpu.memory_space<hbm>> -> memref<200x64xf32, #tpu.memory_space<hbm>>
      %dma_start3A_642 = arith.constant 0 : i32
      %dma_start3A_643 = tpu.memref_slice %arg5[%mul3A_426, %dma_start3A_642] : memref<204800x64xf32, #tpu.memory_space<hbm>> -> memref<200x64xf32, #tpu.memory_space<hbm>>
      tpu.enqueue_dma source(%arg8 : memref<200x64xf32, #tpu.memory_space<vmem>>) target(%dma_start3A_643 : memref<200x64xf32, #tpu.memory_space<hbm>>) target_semaphore(%run_scoped3A : memref<!tpu.dma_semaphore, #tpu.memory_space<semaphore_mem>>)
      %dma_wait3A_644 = arith.constant 0 : i32
      %dma_wait3A_645 = tpu.memref_slice %arg5[%mul3A_426, %dma_wait3A_644] : memref<204800x64xf32, #tpu.memory_space<hbm>> -> memref<200x64xf32, #tpu.memory_space<hbm>>
      %dma_wait3A_646 = arith.constant 0 : i32
      %dma_wait3A_647 = tpu.memref_slice %arg5[%mul3A_426, %dma_wait3A_646] : memref<204800x64xf32, #tpu.memory_space<hbm>> -> memref<200x64xf32, #tpu.memory_space<hbm>>
      tpu.wait_dma2 semaphore(%run_scoped3A : memref<!tpu.dma_semaphore, #tpu.memory_space<semaphore_mem>>) src(%arg8 : memref<200x64xf32, #tpu.memory_space<vmem>>) dst(%dma_wait3A_647 : memref<200x64xf32, #tpu.memory_space<hbm>>)
      tpu.yield
    }) : () -> ()
    %add3A_427 = arith.constant 22 : i32
    %add3A_428 = arith.addi %mul3A_2, %add3A_427 : i32
    %mul3A_429 = arith.constant 200 : i32
    %mul3A_430 = arith.muli %add3A_428, %mul3A_429 : i32
    "tpu.region"() ({
      %run_scoped3A = tpu.sem_alloc : memref<!tpu.dma_semaphore, #tpu.memory_space<semaphore_mem>>
      %dma_start3A_640 = tpu.memref_slice %arg2[%mul3A_430] : memref<204800xi32, #tpu.memory_space<hbm>> -> memref<200xi32, #tpu.memory_space<hbm>>
      %dma_start3A_641 = tpu.memref_slice %arg2[%mul3A_430] : memref<204800xi32, #tpu.memory_space<hbm>> -> memref<200xi32, #tpu.memory_space<hbm>>
      tpu.enqueue_dma source(%dma_start3A_641 : memref<200xi32, #tpu.memory_space<hbm>>) target(%arg6 : memref<200xi32, #tpu.memory_space<vmem>>) target_semaphore(%run_scoped3A : memref<!tpu.dma_semaphore, #tpu.memory_space<semaphore_mem>>)
      %dma_wait3A_642 = tpu.memref_slice %arg2[%mul3A_430] : memref<204800xi32, #tpu.memory_space<hbm>> -> memref<200xi32, #tpu.memory_space<hbm>>
      %dma_wait3A_643 = tpu.memref_slice %arg2[%mul3A_430] : memref<204800xi32, #tpu.memory_space<hbm>> -> memref<200xi32, #tpu.memory_space<hbm>>
      tpu.wait_dma2 semaphore(%run_scoped3A : memref<!tpu.dma_semaphore, #tpu.memory_space<semaphore_mem>>) src(%dma_wait3A_643 : memref<200xi32, #tpu.memory_space<hbm>>) dst(%arg6 : memref<200xi32, #tpu.memory_space<vmem>>)
      tpu.yield
    }) : () -> ()
    %dma_start3A_431 = arith.constant 0 : i32
    %dma_start3A_432 = arith.constant 0 : i32
    %dma_start3A_433 = tpu.memref_slice %arg3[%dma_start3A_431, %dma_start3A_432] : memref<1000000x64xf32, #tpu.memory_space<hbm>> -> memref<1000000x64xf32, #tpu.memory_space<hbm>>
    tpu.enqueue_indirect_dma source(%dma_start3A_433 : memref<1000000x64xf32, #tpu.memory_space<hbm>>) target(%arg8 : memref<200x64xf32, #tpu.memory_space<vmem>>) offsets(%arg6 : memref<200xi32, #tpu.memory_space<vmem>>) semaphore(%arg11 : memref<!tpu.dma_semaphore, #tpu.memory_space<semaphore_mem>>)
    %dma_wait3A_434 = arith.constant 0 : i32
    %dma_wait3A_435 = arith.constant 0 : i32
    %dma_wait3A_436 = tpu.memref_slice %arg3[%dma_wait3A_434, %dma_wait3A_435] : memref<1000000x64xf32, #tpu.memory_space<hbm>> -> memref<1000000x64xf32, #tpu.memory_space<hbm>>
    tpu.wait_indirect_dma semaphore(%arg12 : memref<!tpu.dma_semaphore, #tpu.memory_space<semaphore_mem>>) src(%dma_wait3A_436 : memref<1000000x64xf32, #tpu.memory_space<hbm>>) dst(%arg9 : memref<200x64xf32, #tpu.memory_space<vmem>>)
    %scan3A_437 = arith.constant 0 : i32
    %scan3A_438 = arith.constant 0 : i32
    %scan3A_439 = arith.constant 200 : i32
    %scan3A_440 = arith.addi %scan3A_438, %scan3A_439 : i32
    %scan3A_441 = arith.constant 1 : i32
    scf.for %scan3A_640 = %scan3A_438 to %scan3A_440 step %scan3A_441  : i32 {
      %get3A = arith.index_cast %scan3A_640 : i32 to index
      %get3A_641 = arith.constant 0 : index
      %get3A_642 = tpu.vector_load %arg9[%get3A, %get3A_641] {strides = array<i32>} : memref<200x64xf32, #tpu.memory_space<vmem>>, vector<1x16xf32>,
      %get3A_643 = vector.shape_cast %get3A_642 : vector<1x16xf32> to vector<16xf32>
      %get3A_644 = arith.index_cast %scan3A_640 : i32 to index
      %get3A_645 = arith.constant 0 : index
      %get3A_646 = tpu.vector_load %arg10[%get3A_644, %get3A_645] {strides = array<i32>} : memref<200x64xf32, #tpu.memory_space<vmem>>, vector<1x16xf32>,
      %get3A_647 = vector.shape_cast %get3A_646 : vector<1x16xf32> to vector<16xf32>
      %add3A_648 = arith.addf %get3A_643, %get3A_647 : vector<16xf32>
      %swap3A = arith.index_cast %scan3A_640 : i32 to index
      %swap3A_649 = arith.constant 0 : index
      %swap3A_650 = tpu.vector_load %arg9[%swap3A, %swap3A_649] {strides = array<i32>} : memref<200x64xf32, #tpu.memory_space<vmem>>, vector<1x16xf32>,
      %swap3A_651 = vector.shape_cast %swap3A_650 : vector<1x16xf32> to vector<16xf32>
      %swap3A_652 = vector.shape_cast %add3A_648 : vector<16xf32> to vector<1x16xf32>
      tpu.vector_store %arg9[%swap3A, %swap3A_649], %swap3A_652 {strides = array<i32>} : memref<200x64xf32, #tpu.memory_space<vmem>>, vector<1x16xf32>,
      %get3A_653 = arith.index_cast %scan3A_640 : i32 to index
      %get3A_654 = arith.constant 16 : index
      %get3A_655 = tpu.vector_load %arg9[%get3A_653, %get3A_654] {strides = array<i32>} : memref<200x64xf32, #tpu.memory_space<vmem>>, vector<1x16xf32>,
      %get3A_656 = vector.shape_cast %get3A_655 : vector<1x16xf32> to vector<16xf32>
      %get3A_657 = arith.index_cast %scan3A_640 : i32 to index
      %get3A_658 = arith.constant 16 : index
      %get3A_659 = tpu.vector_load %arg10[%get3A_657, %get3A_658] {strides = array<i32>} : memref<200x64xf32, #tpu.memory_space<vmem>>, vector<1x16xf32>,
      %get3A_660 = vector.shape_cast %get3A_659 : vector<1x16xf32> to vector<16xf32>
      %add3A_661 = arith.addf %get3A_656, %get3A_660 : vector<16xf32>
      %swap3A_662 = arith.index_cast %scan3A_640 : i32 to index
      %swap3A_663 = arith.constant 16 : index
      %swap3A_664 = tpu.vector_load %arg9[%swap3A_662, %swap3A_663] {strides = array<i32>} : memref<200x64xf32, #tpu.memory_space<vmem>>, vector<1x16xf32>,
      %swap3A_665 = vector.shape_cast %swap3A_664 : vector<1x16xf32> to vector<16xf32>
      %swap3A_666 = vector.shape_cast %add3A_661 : vector<16xf32> to vector<1x16xf32>
      tpu.vector_store %arg9[%swap3A_662, %swap3A_663], %swap3A_666 {strides = array<i32>} : memref<200x64xf32, #tpu.memory_space<vmem>>, vector<1x16xf32>,
      %get3A_667 = arith.index_cast %scan3A_640 : i32 to index
      %get3A_668 = arith.constant 32 : index
      %get3A_669 = tpu.vector_load %arg9[%get3A_667, %get3A_668] {strides = array<i32>} : memref<200x64xf32, #tpu.memory_space<vmem>>, vector<1x16xf32>,
      %get3A_670 = vector.shape_cast %get3A_669 : vector<1x16xf32> to vector<16xf32>
      %get3A_671 = arith.index_cast %scan3A_640 : i32 to index
      %get3A_672 = arith.constant 32 : index
      %get3A_673 = tpu.vector_load %arg10[%get3A_671, %get3A_672] {strides = array<i32>} : memref<200x64xf32, #tpu.memory_space<vmem>>, vector<1x16xf32>,
      %get3A_674 = vector.shape_cast %get3A_673 : vector<1x16xf32> to vector<16xf32>
      %add3A_675 = arith.addf %get3A_670, %get3A_674 : vector<16xf32>
      %swap3A_676 = arith.index_cast %scan3A_640 : i32 to index
      %swap3A_677 = arith.constant 32 : index
      %swap3A_678 = tpu.vector_load %arg9[%swap3A_676, %swap3A_677] {strides = array<i32>} : memref<200x64xf32, #tpu.memory_space<vmem>>, vector<1x16xf32>,
      %swap3A_679 = vector.shape_cast %swap3A_678 : vector<1x16xf32> to vector<16xf32>
      %swap3A_680 = vector.shape_cast %add3A_675 : vector<16xf32> to vector<1x16xf32>
      tpu.vector_store %arg9[%swap3A_676, %swap3A_677], %swap3A_680 {strides = array<i32>} : memref<200x64xf32, #tpu.memory_space<vmem>>, vector<1x16xf32>,
      %get3A_681 = arith.index_cast %scan3A_640 : i32 to index
      %get3A_682 = arith.constant 48 : index
      %get3A_683 = tpu.vector_load %arg9[%get3A_681, %get3A_682] {strides = array<i32>} : memref<200x64xf32, #tpu.memory_space<vmem>>, vector<1x16xf32>,
      %get3A_684 = vector.shape_cast %get3A_683 : vector<1x16xf32> to vector<16xf32>
      %get3A_685 = arith.index_cast %scan3A_640 : i32 to index
      %get3A_686 = arith.constant 48 : index
      %get3A_687 = tpu.vector_load %arg10[%get3A_685, %get3A_686] {strides = array<i32>} : memref<200x64xf32, #tpu.memory_space<vmem>>, vector<1x16xf32>,
      %get3A_688 = vector.shape_cast %get3A_687 : vector<1x16xf32> to vector<16xf32>
      %add3A_689 = arith.addf %get3A_684, %get3A_688 : vector<16xf32>
      %swap3A_690 = arith.index_cast %scan3A_640 : i32 to index
      %swap3A_691 = arith.constant 48 : index
      %swap3A_692 = tpu.vector_load %arg9[%swap3A_690, %swap3A_691] {strides = array<i32>} : memref<200x64xf32, #tpu.memory_space<vmem>>, vector<1x16xf32>,
      %swap3A_693 = vector.shape_cast %swap3A_692 : vector<1x16xf32> to vector<16xf32>
      %swap3A_694 = vector.shape_cast %add3A_689 : vector<16xf32> to vector<1x16xf32>
      tpu.vector_store %arg9[%swap3A_690, %swap3A_691], %swap3A_694 {strides = array<i32>} : memref<200x64xf32, #tpu.memory_space<vmem>>, vector<1x16xf32>,
    }
    %scan3A_442 = arith.constant 200 : i32
    %add3A_443 = arith.constant 21 : i32
    %add3A_444 = arith.addi %mul3A_2, %add3A_443 : i32
    %mul3A_445 = arith.constant 200 : i32
    %mul3A_446 = arith.muli %add3A_444, %mul3A_445 : i32
    "tpu.region"() ({
      %run_scoped3A = tpu.sem_alloc : memref<!tpu.dma_semaphore, #tpu.memory_space<semaphore_mem>>
      %dma_start3A_640 = arith.constant 0 : i32
      %dma_start3A_641 = tpu.memref_slice %arg5[%mul3A_446, %dma_start3A_640] : memref<204800x64xf32, #tpu.memory_space<hbm>> -> memref<200x64xf32, #tpu.memory_space<hbm>>
      %dma_start3A_642 = arith.constant 0 : i32
      %dma_start3A_643 = tpu.memref_slice %arg5[%mul3A_446, %dma_start3A_642] : memref<204800x64xf32, #tpu.memory_space<hbm>> -> memref<200x64xf32, #tpu.memory_space<hbm>>
      tpu.enqueue_dma source(%arg9 : memref<200x64xf32, #tpu.memory_space<vmem>>) target(%dma_start3A_643 : memref<200x64xf32, #tpu.memory_space<hbm>>) target_semaphore(%run_scoped3A : memref<!tpu.dma_semaphore, #tpu.memory_space<semaphore_mem>>)
      %dma_wait3A_644 = arith.constant 0 : i32
      %dma_wait3A_645 = tpu.memref_slice %arg5[%mul3A_446, %dma_wait3A_644] : memref<204800x64xf32, #tpu.memory_space<hbm>> -> memref<200x64xf32, #tpu.memory_space<hbm>>
      %dma_wait3A_646 = arith.constant 0 : i32
      %dma_wait3A_647 = tpu.memref_slice %arg5[%mul3A_446, %dma_wait3A_646] : memref<204800x64xf32, #tpu.memory_space<hbm>> -> memref<200x64xf32, #tpu.memory_space<hbm>>
      tpu.wait_dma2 semaphore(%run_scoped3A : memref<!tpu.dma_semaphore, #tpu.memory_space<semaphore_mem>>) src(%arg9 : memref<200x64xf32, #tpu.memory_space<vmem>>) dst(%dma_wait3A_647 : memref<200x64xf32, #tpu.memory_space<hbm>>)
      tpu.yield
    }) : () -> ()
    %add3A_447 = arith.constant 23 : i32
    %add3A_448 = arith.addi %mul3A_2, %add3A_447 : i32
    %mul3A_449 = arith.constant 200 : i32
    %mul3A_450 = arith.muli %add3A_448, %mul3A_449 : i32
    "tpu.region"() ({
      %run_scoped3A = tpu.sem_alloc : memref<!tpu.dma_semaphore, #tpu.memory_space<semaphore_mem>>
      %dma_start3A_640 = tpu.memref_slice %arg2[%mul3A_450] : memref<204800xi32, #tpu.memory_space<hbm>> -> memref<200xi32, #tpu.memory_space<hbm>>
      %dma_start3A_641 = tpu.memref_slice %arg2[%mul3A_450] : memref<204800xi32, #tpu.memory_space<hbm>> -> memref<200xi32, #tpu.memory_space<hbm>>
      tpu.enqueue_dma source(%dma_start3A_641 : memref<200xi32, #tpu.memory_space<hbm>>) target(%arg7 : memref<200xi32, #tpu.memory_space<vmem>>) target_semaphore(%run_scoped3A : memref<!tpu.dma_semaphore, #tpu.memory_space<semaphore_mem>>)
      %dma_wait3A_642 = tpu.memref_slice %arg2[%mul3A_450] : memref<204800xi32, #tpu.memory_space<hbm>> -> memref<200xi32, #tpu.memory_space<hbm>>
      %dma_wait3A_643 = tpu.memref_slice %arg2[%mul3A_450] : memref<204800xi32, #tpu.memory_space<hbm>> -> memref<200xi32, #tpu.memory_space<hbm>>
      tpu.wait_dma2 semaphore(%run_scoped3A : memref<!tpu.dma_semaphore, #tpu.memory_space<semaphore_mem>>) src(%dma_wait3A_643 : memref<200xi32, #tpu.memory_space<hbm>>) dst(%arg7 : memref<200xi32, #tpu.memory_space<vmem>>)
      tpu.yield
    }) : () -> ()
    %dma_start3A_451 = arith.constant 0 : i32
    %dma_start3A_452 = arith.constant 0 : i32
    %dma_start3A_453 = tpu.memref_slice %arg3[%dma_start3A_451, %dma_start3A_452] : memref<1000000x64xf32, #tpu.memory_space<hbm>> -> memref<1000000x64xf32, #tpu.memory_space<hbm>>
    tpu.enqueue_indirect_dma source(%dma_start3A_453 : memref<1000000x64xf32, #tpu.memory_space<hbm>>) target(%arg9 : memref<200x64xf32, #tpu.memory_space<vmem>>) offsets(%arg7 : memref<200xi32, #tpu.memory_space<vmem>>) semaphore(%arg12 : memref<!tpu.dma_semaphore, #tpu.memory_space<semaphore_mem>>)
    %dma_wait3A_454 = arith.constant 0 : i32
    %dma_wait3A_455 = arith.constant 0 : i32
    %dma_wait3A_456 = tpu.memref_slice %arg3[%dma_wait3A_454, %dma_wait3A_455] : memref<1000000x64xf32, #tpu.memory_space<hbm>> -> memref<1000000x64xf32, #tpu.memory_space<hbm>>
    tpu.wait_indirect_dma semaphore(%arg11 : memref<!tpu.dma_semaphore, #tpu.memory_space<semaphore_mem>>) src(%dma_wait3A_456 : memref<1000000x64xf32, #tpu.memory_space<hbm>>) dst(%arg8 : memref<200x64xf32, #tpu.memory_space<vmem>>)
    %scan3A_457 = arith.constant 0 : i32
    %scan3A_458 = arith.constant 0 : i32
    %scan3A_459 = arith.constant 200 : i32
    %scan3A_460 = arith.addi %scan3A_458, %scan3A_459 : i32
    %scan3A_461 = arith.constant 1 : i32
    scf.for %scan3A_640 = %scan3A_458 to %scan3A_460 step %scan3A_461  : i32 {
      %get3A = arith.index_cast %scan3A_640 : i32 to index
      %get3A_641 = arith.constant 0 : index
      %get3A_642 = tpu.vector_load %arg8[%get3A, %get3A_641] {strides = array<i32>} : memref<200x64xf32, #tpu.memory_space<vmem>>, vector<1x16xf32>,
      %get3A_643 = vector.shape_cast %get3A_642 : vector<1x16xf32> to vector<16xf32>
      %get3A_644 = arith.index_cast %scan3A_640 : i32 to index
      %get3A_645 = arith.constant 0 : index
      %get3A_646 = tpu.vector_load %arg10[%get3A_644, %get3A_645] {strides = array<i32>} : memref<200x64xf32, #tpu.memory_space<vmem>>, vector<1x16xf32>,
      %get3A_647 = vector.shape_cast %get3A_646 : vector<1x16xf32> to vector<16xf32>
      %add3A_648 = arith.addf %get3A_643, %get3A_647 : vector<16xf32>
      %swap3A = arith.index_cast %scan3A_640 : i32 to index
      %swap3A_649 = arith.constant 0 : index
      %swap3A_650 = tpu.vector_load %arg8[%swap3A, %swap3A_649] {strides = array<i32>} : memref<200x64xf32, #tpu.memory_space<vmem>>, vector<1x16xf32>,
      %swap3A_651 = vector.shape_cast %swap3A_650 : vector<1x16xf32> to vector<16xf32>
      %swap3A_652 = vector.shape_cast %add3A_648 : vector<16xf32> to vector<1x16xf32>
      tpu.vector_store %arg8[%swap3A, %swap3A_649], %swap3A_652 {strides = array<i32>} : memref<200x64xf32, #tpu.memory_space<vmem>>, vector<1x16xf32>,
      %get3A_653 = arith.index_cast %scan3A_640 : i32 to index
      %get3A_654 = arith.constant 16 : index
      %get3A_655 = tpu.vector_load %arg8[%get3A_653, %get3A_654] {strides = array<i32>} : memref<200x64xf32, #tpu.memory_space<vmem>>, vector<1x16xf32>,
      %get3A_656 = vector.shape_cast %get3A_655 : vector<1x16xf32> to vector<16xf32>
      %get3A_657 = arith.index_cast %scan3A_640 : i32 to index
      %get3A_658 = arith.constant 16 : index
      %get3A_659 = tpu.vector_load %arg10[%get3A_657, %get3A_658] {strides = array<i32>} : memref<200x64xf32, #tpu.memory_space<vmem>>, vector<1x16xf32>,
      %get3A_660 = vector.shape_cast %get3A_659 : vector<1x16xf32> to vector<16xf32>
      %add3A_661 = arith.addf %get3A_656, %get3A_660 : vector<16xf32>
      %swap3A_662 = arith.index_cast %scan3A_640 : i32 to index
      %swap3A_663 = arith.constant 16 : index
      %swap3A_664 = tpu.vector_load %arg8[%swap3A_662, %swap3A_663] {strides = array<i32>} : memref<200x64xf32, #tpu.memory_space<vmem>>, vector<1x16xf32>,
      %swap3A_665 = vector.shape_cast %swap3A_664 : vector<1x16xf32> to vector<16xf32>
      %swap3A_666 = vector.shape_cast %add3A_661 : vector<16xf32> to vector<1x16xf32>
      tpu.vector_store %arg8[%swap3A_662, %swap3A_663], %swap3A_666 {strides = array<i32>} : memref<200x64xf32, #tpu.memory_space<vmem>>, vector<1x16xf32>,
      %get3A_667 = arith.index_cast %scan3A_640 : i32 to index
      %get3A_668 = arith.constant 32 : index
      %get3A_669 = tpu.vector_load %arg8[%get3A_667, %get3A_668] {strides = array<i32>} : memref<200x64xf32, #tpu.memory_space<vmem>>, vector<1x16xf32>,
      %get3A_670 = vector.shape_cast %get3A_669 : vector<1x16xf32> to vector<16xf32>
      %get3A_671 = arith.index_cast %scan3A_640 : i32 to index
      %get3A_672 = arith.constant 32 : index
      %get3A_673 = tpu.vector_load %arg10[%get3A_671, %get3A_672] {strides = array<i32>} : memref<200x64xf32, #tpu.memory_space<vmem>>, vector<1x16xf32>,
      %get3A_674 = vector.shape_cast %get3A_673 : vector<1x16xf32> to vector<16xf32>
      %add3A_675 = arith.addf %get3A_670, %get3A_674 : vector<16xf32>
      %swap3A_676 = arith.index_cast %scan3A_640 : i32 to index
      %swap3A_677 = arith.constant 32 : index
      %swap3A_678 = tpu.vector_load %arg8[%swap3A_676, %swap3A_677] {strides = array<i32>} : memref<200x64xf32, #tpu.memory_space<vmem>>, vector<1x16xf32>,
      %swap3A_679 = vector.shape_cast %swap3A_678 : vector<1x16xf32> to vector<16xf32>
      %swap3A_680 = vector.shape_cast %add3A_675 : vector<16xf32> to vector<1x16xf32>
      tpu.vector_store %arg8[%swap3A_676, %swap3A_677], %swap3A_680 {strides = array<i32>} : memref<200x64xf32, #tpu.memory_space<vmem>>, vector<1x16xf32>,
      %get3A_681 = arith.index_cast %scan3A_640 : i32 to index
      %get3A_682 = arith.constant 48 : index
      %get3A_683 = tpu.vector_load %arg8[%get3A_681, %get3A_682] {strides = array<i32>} : memref<200x64xf32, #tpu.memory_space<vmem>>, vector<1x16xf32>,
      %get3A_684 = vector.shape_cast %get3A_683 : vector<1x16xf32> to vector<16xf32>
      %get3A_685 = arith.index_cast %scan3A_640 : i32 to index
      %get3A_686 = arith.constant 48 : index
      %get3A_687 = tpu.vector_load %arg10[%get3A_685, %get3A_686] {strides = array<i32>} : memref<200x64xf32, #tpu.memory_space<vmem>>, vector<1x16xf32>,
      %get3A_688 = vector.shape_cast %get3A_687 : vector<1x16xf32> to vector<16xf32>
      %add3A_689 = arith.addf %get3A_684, %get3A_688 : vector<16xf32>
      %swap3A_690 = arith.index_cast %scan3A_640 : i32 to index
      %swap3A_691 = arith.constant 48 : index
      %swap3A_692 = tpu.vector_load %arg8[%swap3A_690, %swap3A_691] {strides = array<i32>} : memref<200x64xf32, #tpu.memory_space<vmem>>, vector<1x16xf32>,
      %swap3A_693 = vector.shape_cast %swap3A_692 : vector<1x16xf32> to vector<16xf32>
      %swap3A_694 = vector.shape_cast %add3A_689 : vector<16xf32> to vector<1x16xf32>
      tpu.vector_store %arg8[%swap3A_690, %swap3A_691], %swap3A_694 {strides = array<i32>} : memref<200x64xf32, #tpu.memory_space<vmem>>, vector<1x16xf32>,
    }
    %scan3A_462 = arith.constant 200 : i32
    %add3A_463 = arith.constant 22 : i32
    %add3A_464 = arith.addi %mul3A_2, %add3A_463 : i32
    %mul3A_465 = arith.constant 200 : i32
    %mul3A_466 = arith.muli %add3A_464, %mul3A_465 : i32
    "tpu.region"() ({
      %run_scoped3A = tpu.sem_alloc : memref<!tpu.dma_semaphore, #tpu.memory_space<semaphore_mem>>
      %dma_start3A_640 = arith.constant 0 : i32
      %dma_start3A_641 = tpu.memref_slice %arg5[%mul3A_466, %dma_start3A_640] : memref<204800x64xf32, #tpu.memory_space<hbm>> -> memref<200x64xf32, #tpu.memory_space<hbm>>
      %dma_start3A_642 = arith.constant 0 : i32
      %dma_start3A_643 = tpu.memref_slice %arg5[%mul3A_466, %dma_start3A_642] : memref<204800x64xf32, #tpu.memory_space<hbm>> -> memref<200x64xf32, #tpu.memory_space<hbm>>
      tpu.enqueue_dma source(%arg8 : memref<200x64xf32, #tpu.memory_space<vmem>>) target(%dma_start3A_643 : memref<200x64xf32, #tpu.memory_space<hbm>>) target_semaphore(%run_scoped3A : memref<!tpu.dma_semaphore, #tpu.memory_space<semaphore_mem>>)
      %dma_wait3A_644 = arith.constant 0 : i32
      %dma_wait3A_645 = tpu.memref_slice %arg5[%mul3A_466, %dma_wait3A_644] : memref<204800x64xf32, #tpu.memory_space<hbm>> -> memref<200x64xf32, #tpu.memory_space<hbm>>
      %dma_wait3A_646 = arith.constant 0 : i32
      %dma_wait3A_647 = tpu.memref_slice %arg5[%mul3A_466, %dma_wait3A_646] : memref<204800x64xf32, #tpu.memory_space<hbm>> -> memref<200x64xf32, #tpu.memory_space<hbm>>
      tpu.wait_dma2 semaphore(%run_scoped3A : memref<!tpu.dma_semaphore, #tpu.memory_space<semaphore_mem>>) src(%arg8 : memref<200x64xf32, #tpu.memory_space<vmem>>) dst(%dma_wait3A_647 : memref<200x64xf32, #tpu.memory_space<hbm>>)
      tpu.yield
    }) : () -> ()
    %add3A_467 = arith.constant 24 : i32
    %add3A_468 = arith.addi %mul3A_2, %add3A_467 : i32
    %mul3A_469 = arith.constant 200 : i32
    %mul3A_470 = arith.muli %add3A_468, %mul3A_469 : i32
    "tpu.region"() ({
      %run_scoped3A = tpu.sem_alloc : memref<!tpu.dma_semaphore, #tpu.memory_space<semaphore_mem>>
      %dma_start3A_640 = tpu.memref_slice %arg2[%mul3A_470] : memref<204800xi32, #tpu.memory_space<hbm>> -> memref<200xi32, #tpu.memory_space<hbm>>
      %dma_start3A_641 = tpu.memref_slice %arg2[%mul3A_470] : memref<204800xi32, #tpu.memory_space<hbm>> -> memref<200xi32, #tpu.memory_space<hbm>>
      tpu.enqueue_dma source(%dma_start3A_641 : memref<200xi32, #tpu.memory_space<hbm>>) target(%arg6 : memref<200xi32, #tpu.memory_space<vmem>>) target_semaphore(%run_scoped3A : memref<!tpu.dma_semaphore, #tpu.memory_space<semaphore_mem>>)
      %dma_wait3A_642 = tpu.memref_slice %arg2[%mul3A_470] : memref<204800xi32, #tpu.memory_space<hbm>> -> memref<200xi32, #tpu.memory_space<hbm>>
      %dma_wait3A_643 = tpu.memref_slice %arg2[%mul3A_470] : memref<204800xi32, #tpu.memory_space<hbm>> -> memref<200xi32, #tpu.memory_space<hbm>>
      tpu.wait_dma2 semaphore(%run_scoped3A : memref<!tpu.dma_semaphore, #tpu.memory_space<semaphore_mem>>) src(%dma_wait3A_643 : memref<200xi32, #tpu.memory_space<hbm>>) dst(%arg6 : memref<200xi32, #tpu.memory_space<vmem>>)
      tpu.yield
    }) : () -> ()
    %dma_start3A_471 = arith.constant 0 : i32
    %dma_start3A_472 = arith.constant 0 : i32
    %dma_start3A_473 = tpu.memref_slice %arg3[%dma_start3A_471, %dma_start3A_472] : memref<1000000x64xf32, #tpu.memory_space<hbm>> -> memref<1000000x64xf32, #tpu.memory_space<hbm>>
    tpu.enqueue_indirect_dma source(%dma_start3A_473 : memref<1000000x64xf32, #tpu.memory_space<hbm>>) target(%arg8 : memref<200x64xf32, #tpu.memory_space<vmem>>) offsets(%arg6 : memref<200xi32, #tpu.memory_space<vmem>>) semaphore(%arg11 : memref<!tpu.dma_semaphore, #tpu.memory_space<semaphore_mem>>)
    %dma_wait3A_474 = arith.constant 0 : i32
    %dma_wait3A_475 = arith.constant 0 : i32
    %dma_wait3A_476 = tpu.memref_slice %arg3[%dma_wait3A_474, %dma_wait3A_475] : memref<1000000x64xf32, #tpu.memory_space<hbm>> -> memref<1000000x64xf32, #tpu.memory_space<hbm>>
    tpu.wait_indirect_dma semaphore(%arg12 : memref<!tpu.dma_semaphore, #tpu.memory_space<semaphore_mem>>) src(%dma_wait3A_476 : memref<1000000x64xf32, #tpu.memory_space<hbm>>) dst(%arg9 : memref<200x64xf32, #tpu.memory_space<vmem>>)
    %scan3A_477 = arith.constant 0 : i32
    %scan3A_478 = arith.constant 0 : i32
    %scan3A_479 = arith.constant 200 : i32
    %scan3A_480 = arith.addi %scan3A_478, %scan3A_479 : i32
    %scan3A_481 = arith.constant 1 : i32
    scf.for %scan3A_640 = %scan3A_478 to %scan3A_480 step %scan3A_481  : i32 {
      %get3A = arith.index_cast %scan3A_640 : i32 to index
      %get3A_641 = arith.constant 0 : index
      %get3A_642 = tpu.vector_load %arg9[%get3A, %get3A_641] {strides = array<i32>} : memref<200x64xf32, #tpu.memory_space<vmem>>, vector<1x16xf32>,
      %get3A_643 = vector.shape_cast %get3A_642 : vector<1x16xf32> to vector<16xf32>
      %get3A_644 = arith.index_cast %scan3A_640 : i32 to index
      %get3A_645 = arith.constant 0 : index
      %get3A_646 = tpu.vector_load %arg10[%get3A_644, %get3A_645] {strides = array<i32>} : memref<200x64xf32, #tpu.memory_space<vmem>>, vector<1x16xf32>,
      %get3A_647 = vector.shape_cast %get3A_646 : vector<1x16xf32> to vector<16xf32>
      %add3A_648 = arith.addf %get3A_643, %get3A_647 : vector<16xf32>
      %swap3A = arith.index_cast %scan3A_640 : i32 to index
      %swap3A_649 = arith.constant 0 : index
      %swap3A_650 = tpu.vector_load %arg9[%swap3A, %swap3A_649] {strides = array<i32>} : memref<200x64xf32, #tpu.memory_space<vmem>>, vector<1x16xf32>,
      %swap3A_651 = vector.shape_cast %swap3A_650 : vector<1x16xf32> to vector<16xf32>
      %swap3A_652 = vector.shape_cast %add3A_648 : vector<16xf32> to vector<1x16xf32>
      tpu.vector_store %arg9[%swap3A, %swap3A_649], %swap3A_652 {strides = array<i32>} : memref<200x64xf32, #tpu.memory_space<vmem>>, vector<1x16xf32>,
      %get3A_653 = arith.index_cast %scan3A_640 : i32 to index
      %get3A_654 = arith.constant 16 : index
      %get3A_655 = tpu.vector_load %arg9[%get3A_653, %get3A_654] {strides = array<i32>} : memref<200x64xf32, #tpu.memory_space<vmem>>, vector<1x16xf32>,
      %get3A_656 = vector.shape_cast %get3A_655 : vector<1x16xf32> to vector<16xf32>
      %get3A_657 = arith.index_cast %scan3A_640 : i32 to index
      %get3A_658 = arith.constant 16 : index
      %get3A_659 = tpu.vector_load %arg10[%get3A_657, %get3A_658] {strides = array<i32>} : memref<200x64xf32, #tpu.memory_space<vmem>>, vector<1x16xf32>,
      %get3A_660 = vector.shape_cast %get3A_659 : vector<1x16xf32> to vector<16xf32>
      %add3A_661 = arith.addf %get3A_656, %get3A_660 : vector<16xf32>
      %swap3A_662 = arith.index_cast %scan3A_640 : i32 to index
      %swap3A_663 = arith.constant 16 : index
      %swap3A_664 = tpu.vector_load %arg9[%swap3A_662, %swap3A_663] {strides = array<i32>} : memref<200x64xf32, #tpu.memory_space<vmem>>, vector<1x16xf32>,
      %swap3A_665 = vector.shape_cast %swap3A_664 : vector<1x16xf32> to vector<16xf32>
      %swap3A_666 = vector.shape_cast %add3A_661 : vector<16xf32> to vector<1x16xf32>
      tpu.vector_store %arg9[%swap3A_662, %swap3A_663], %swap3A_666 {strides = array<i32>} : memref<200x64xf32, #tpu.memory_space<vmem>>, vector<1x16xf32>,
      %get3A_667 = arith.index_cast %scan3A_640 : i32 to index
      %get3A_668 = arith.constant 32 : index
      %get3A_669 = tpu.vector_load %arg9[%get3A_667, %get3A_668] {strides = array<i32>} : memref<200x64xf32, #tpu.memory_space<vmem>>, vector<1x16xf32>,
      %get3A_670 = vector.shape_cast %get3A_669 : vector<1x16xf32> to vector<16xf32>
      %get3A_671 = arith.index_cast %scan3A_640 : i32 to index
      %get3A_672 = arith.constant 32 : index
      %get3A_673 = tpu.vector_load %arg10[%get3A_671, %get3A_672] {strides = array<i32>} : memref<200x64xf32, #tpu.memory_space<vmem>>, vector<1x16xf32>,
      %get3A_674 = vector.shape_cast %get3A_673 : vector<1x16xf32> to vector<16xf32>
      %add3A_675 = arith.addf %get3A_670, %get3A_674 : vector<16xf32>
      %swap3A_676 = arith.index_cast %scan3A_640 : i32 to index
      %swap3A_677 = arith.constant 32 : index
      %swap3A_678 = tpu.vector_load %arg9[%swap3A_676, %swap3A_677] {strides = array<i32>} : memref<200x64xf32, #tpu.memory_space<vmem>>, vector<1x16xf32>,
      %swap3A_679 = vector.shape_cast %swap3A_678 : vector<1x16xf32> to vector<16xf32>
      %swap3A_680 = vector.shape_cast %add3A_675 : vector<16xf32> to vector<1x16xf32>
      tpu.vector_store %arg9[%swap3A_676, %swap3A_677], %swap3A_680 {strides = array<i32>} : memref<200x64xf32, #tpu.memory_space<vmem>>, vector<1x16xf32>,
      %get3A_681 = arith.index_cast %scan3A_640 : i32 to index
      %get3A_682 = arith.constant 48 : index
      %get3A_683 = tpu.vector_load %arg9[%get3A_681, %get3A_682] {strides = array<i32>} : memref<200x64xf32, #tpu.memory_space<vmem>>, vector<1x16xf32>,
      %get3A_684 = vector.shape_cast %get3A_683 : vector<1x16xf32> to vector<16xf32>
      %get3A_685 = arith.index_cast %scan3A_640 : i32 to index
      %get3A_686 = arith.constant 48 : index
      %get3A_687 = tpu.vector_load %arg10[%get3A_685, %get3A_686] {strides = array<i32>} : memref<200x64xf32, #tpu.memory_space<vmem>>, vector<1x16xf32>,
      %get3A_688 = vector.shape_cast %get3A_687 : vector<1x16xf32> to vector<16xf32>
      %add3A_689 = arith.addf %get3A_684, %get3A_688 : vector<16xf32>
      %swap3A_690 = arith.index_cast %scan3A_640 : i32 to index
      %swap3A_691 = arith.constant 48 : index
      %swap3A_692 = tpu.vector_load %arg9[%swap3A_690, %swap3A_691] {strides = array<i32>} : memref<200x64xf32, #tpu.memory_space<vmem>>, vector<1x16xf32>,
      %swap3A_693 = vector.shape_cast %swap3A_692 : vector<1x16xf32> to vector<16xf32>
      %swap3A_694 = vector.shape_cast %add3A_689 : vector<16xf32> to vector<1x16xf32>
      tpu.vector_store %arg9[%swap3A_690, %swap3A_691], %swap3A_694 {strides = array<i32>} : memref<200x64xf32, #tpu.memory_space<vmem>>, vector<1x16xf32>,
    }
    %scan3A_482 = arith.constant 200 : i32
    %add3A_483 = arith.constant 23 : i32
    %add3A_484 = arith.addi %mul3A_2, %add3A_483 : i32
    %mul3A_485 = arith.constant 200 : i32
    %mul3A_486 = arith.muli %add3A_484, %mul3A_485 : i32
    "tpu.region"() ({
      %run_scoped3A = tpu.sem_alloc : memref<!tpu.dma_semaphore, #tpu.memory_space<semaphore_mem>>
      %dma_start3A_640 = arith.constant 0 : i32
      %dma_start3A_641 = tpu.memref_slice %arg5[%mul3A_486, %dma_start3A_640] : memref<204800x64xf32, #tpu.memory_space<hbm>> -> memref<200x64xf32, #tpu.memory_space<hbm>>
      %dma_start3A_642 = arith.constant 0 : i32
      %dma_start3A_643 = tpu.memref_slice %arg5[%mul3A_486, %dma_start3A_642] : memref<204800x64xf32, #tpu.memory_space<hbm>> -> memref<200x64xf32, #tpu.memory_space<hbm>>
      tpu.enqueue_dma source(%arg9 : memref<200x64xf32, #tpu.memory_space<vmem>>) target(%dma_start3A_643 : memref<200x64xf32, #tpu.memory_space<hbm>>) target_semaphore(%run_scoped3A : memref<!tpu.dma_semaphore, #tpu.memory_space<semaphore_mem>>)
      %dma_wait3A_644 = arith.constant 0 : i32
      %dma_wait3A_645 = tpu.memref_slice %arg5[%mul3A_486, %dma_wait3A_644] : memref<204800x64xf32, #tpu.memory_space<hbm>> -> memref<200x64xf32, #tpu.memory_space<hbm>>
      %dma_wait3A_646 = arith.constant 0 : i32
      %dma_wait3A_647 = tpu.memref_slice %arg5[%mul3A_486, %dma_wait3A_646] : memref<204800x64xf32, #tpu.memory_space<hbm>> -> memref<200x64xf32, #tpu.memory_space<hbm>>
      tpu.wait_dma2 semaphore(%run_scoped3A : memref<!tpu.dma_semaphore, #tpu.memory_space<semaphore_mem>>) src(%arg9 : memref<200x64xf32, #tpu.memory_space<vmem>>) dst(%dma_wait3A_647 : memref<200x64xf32, #tpu.memory_space<hbm>>)
      tpu.yield
    }) : () -> ()
    %add3A_487 = arith.constant 25 : i32
    %add3A_488 = arith.addi %mul3A_2, %add3A_487 : i32
    %mul3A_489 = arith.constant 200 : i32
    %mul3A_490 = arith.muli %add3A_488, %mul3A_489 : i32
    "tpu.region"() ({
      %run_scoped3A = tpu.sem_alloc : memref<!tpu.dma_semaphore, #tpu.memory_space<semaphore_mem>>
      %dma_start3A_640 = tpu.memref_slice %arg2[%mul3A_490] : memref<204800xi32, #tpu.memory_space<hbm>> -> memref<200xi32, #tpu.memory_space<hbm>>
      %dma_start3A_641 = tpu.memref_slice %arg2[%mul3A_490] : memref<204800xi32, #tpu.memory_space<hbm>> -> memref<200xi32, #tpu.memory_space<hbm>>
      tpu.enqueue_dma source(%dma_start3A_641 : memref<200xi32, #tpu.memory_space<hbm>>) target(%arg7 : memref<200xi32, #tpu.memory_space<vmem>>) target_semaphore(%run_scoped3A : memref<!tpu.dma_semaphore, #tpu.memory_space<semaphore_mem>>)
      %dma_wait3A_642 = tpu.memref_slice %arg2[%mul3A_490] : memref<204800xi32, #tpu.memory_space<hbm>> -> memref<200xi32, #tpu.memory_space<hbm>>
      %dma_wait3A_643 = tpu.memref_slice %arg2[%mul3A_490] : memref<204800xi32, #tpu.memory_space<hbm>> -> memref<200xi32, #tpu.memory_space<hbm>>
      tpu.wait_dma2 semaphore(%run_scoped3A : memref<!tpu.dma_semaphore, #tpu.memory_space<semaphore_mem>>) src(%dma_wait3A_643 : memref<200xi32, #tpu.memory_space<hbm>>) dst(%arg7 : memref<200xi32, #tpu.memory_space<vmem>>)
      tpu.yield
    }) : () -> ()
    %dma_start3A_491 = arith.constant 0 : i32
    %dma_start3A_492 = arith.constant 0 : i32
    %dma_start3A_493 = tpu.memref_slice %arg3[%dma_start3A_491, %dma_start3A_492] : memref<1000000x64xf32, #tpu.memory_space<hbm>> -> memref<1000000x64xf32, #tpu.memory_space<hbm>>
    tpu.enqueue_indirect_dma source(%dma_start3A_493 : memref<1000000x64xf32, #tpu.memory_space<hbm>>) target(%arg9 : memref<200x64xf32, #tpu.memory_space<vmem>>) offsets(%arg7 : memref<200xi32, #tpu.memory_space<vmem>>) semaphore(%arg12 : memref<!tpu.dma_semaphore, #tpu.memory_space<semaphore_mem>>)
    %dma_wait3A_494 = arith.constant 0 : i32
    %dma_wait3A_495 = arith.constant 0 : i32
    %dma_wait3A_496 = tpu.memref_slice %arg3[%dma_wait3A_494, %dma_wait3A_495] : memref<1000000x64xf32, #tpu.memory_space<hbm>> -> memref<1000000x64xf32, #tpu.memory_space<hbm>>
    tpu.wait_indirect_dma semaphore(%arg11 : memref<!tpu.dma_semaphore, #tpu.memory_space<semaphore_mem>>) src(%dma_wait3A_496 : memref<1000000x64xf32, #tpu.memory_space<hbm>>) dst(%arg8 : memref<200x64xf32, #tpu.memory_space<vmem>>)
    %scan3A_497 = arith.constant 0 : i32
    %scan3A_498 = arith.constant 0 : i32
    %scan3A_499 = arith.constant 200 : i32
    %scan3A_500 = arith.addi %scan3A_498, %scan3A_499 : i32
    %scan3A_501 = arith.constant 1 : i32
    scf.for %scan3A_640 = %scan3A_498 to %scan3A_500 step %scan3A_501  : i32 {
      %get3A = arith.index_cast %scan3A_640 : i32 to index
      %get3A_641 = arith.constant 0 : index
      %get3A_642 = tpu.vector_load %arg8[%get3A, %get3A_641] {strides = array<i32>} : memref<200x64xf32, #tpu.memory_space<vmem>>, vector<1x16xf32>,
      %get3A_643 = vector.shape_cast %get3A_642 : vector<1x16xf32> to vector<16xf32>
      %get3A_644 = arith.index_cast %scan3A_640 : i32 to index
      %get3A_645 = arith.constant 0 : index
      %get3A_646 = tpu.vector_load %arg10[%get3A_644, %get3A_645] {strides = array<i32>} : memref<200x64xf32, #tpu.memory_space<vmem>>, vector<1x16xf32>,
      %get3A_647 = vector.shape_cast %get3A_646 : vector<1x16xf32> to vector<16xf32>
      %add3A_648 = arith.addf %get3A_643, %get3A_647 : vector<16xf32>
      %swap3A = arith.index_cast %scan3A_640 : i32 to index
      %swap3A_649 = arith.constant 0 : index
      %swap3A_650 = tpu.vector_load %arg8[%swap3A, %swap3A_649] {strides = array<i32>} : memref<200x64xf32, #tpu.memory_space<vmem>>, vector<1x16xf32>,
      %swap3A_651 = vector.shape_cast %swap3A_650 : vector<1x16xf32> to vector<16xf32>
      %swap3A_652 = vector.shape_cast %add3A_648 : vector<16xf32> to vector<1x16xf32>
      tpu.vector_store %arg8[%swap3A, %swap3A_649], %swap3A_652 {strides = array<i32>} : memref<200x64xf32, #tpu.memory_space<vmem>>, vector<1x16xf32>,
      %get3A_653 = arith.index_cast %scan3A_640 : i32 to index
      %get3A_654 = arith.constant 16 : index
      %get3A_655 = tpu.vector_load %arg8[%get3A_653, %get3A_654] {strides = array<i32>} : memref<200x64xf32, #tpu.memory_space<vmem>>, vector<1x16xf32>,
      %get3A_656 = vector.shape_cast %get3A_655 : vector<1x16xf32> to vector<16xf32>
      %get3A_657 = arith.index_cast %scan3A_640 : i32 to index
      %get3A_658 = arith.constant 16 : index
      %get3A_659 = tpu.vector_load %arg10[%get3A_657, %get3A_658] {strides = array<i32>} : memref<200x64xf32, #tpu.memory_space<vmem>>, vector<1x16xf32>,
      %get3A_660 = vector.shape_cast %get3A_659 : vector<1x16xf32> to vector<16xf32>
      %add3A_661 = arith.addf %get3A_656, %get3A_660 : vector<16xf32>
      %swap3A_662 = arith.index_cast %scan3A_640 : i32 to index
      %swap3A_663 = arith.constant 16 : index
      %swap3A_664 = tpu.vector_load %arg8[%swap3A_662, %swap3A_663] {strides = array<i32>} : memref<200x64xf32, #tpu.memory_space<vmem>>, vector<1x16xf32>,
      %swap3A_665 = vector.shape_cast %swap3A_664 : vector<1x16xf32> to vector<16xf32>
      %swap3A_666 = vector.shape_cast %add3A_661 : vector<16xf32> to vector<1x16xf32>
      tpu.vector_store %arg8[%swap3A_662, %swap3A_663], %swap3A_666 {strides = array<i32>} : memref<200x64xf32, #tpu.memory_space<vmem>>, vector<1x16xf32>,
      %get3A_667 = arith.index_cast %scan3A_640 : i32 to index
      %get3A_668 = arith.constant 32 : index
      %get3A_669 = tpu.vector_load %arg8[%get3A_667, %get3A_668] {strides = array<i32>} : memref<200x64xf32, #tpu.memory_space<vmem>>, vector<1x16xf32>,
      %get3A_670 = vector.shape_cast %get3A_669 : vector<1x16xf32> to vector<16xf32>
      %get3A_671 = arith.index_cast %scan3A_640 : i32 to index
      %get3A_672 = arith.constant 32 : index
      %get3A_673 = tpu.vector_load %arg10[%get3A_671, %get3A_672] {strides = array<i32>} : memref<200x64xf32, #tpu.memory_space<vmem>>, vector<1x16xf32>,
      %get3A_674 = vector.shape_cast %get3A_673 : vector<1x16xf32> to vector<16xf32>
      %add3A_675 = arith.addf %get3A_670, %get3A_674 : vector<16xf32>
      %swap3A_676 = arith.index_cast %scan3A_640 : i32 to index
      %swap3A_677 = arith.constant 32 : index
      %swap3A_678 = tpu.vector_load %arg8[%swap3A_676, %swap3A_677] {strides = array<i32>} : memref<200x64xf32, #tpu.memory_space<vmem>>, vector<1x16xf32>,
      %swap3A_679 = vector.shape_cast %swap3A_678 : vector<1x16xf32> to vector<16xf32>
      %swap3A_680 = vector.shape_cast %add3A_675 : vector<16xf32> to vector<1x16xf32>
      tpu.vector_store %arg8[%swap3A_676, %swap3A_677], %swap3A_680 {strides = array<i32>} : memref<200x64xf32, #tpu.memory_space<vmem>>, vector<1x16xf32>,
      %get3A_681 = arith.index_cast %scan3A_640 : i32 to index
      %get3A_682 = arith.constant 48 : index
      %get3A_683 = tpu.vector_load %arg8[%get3A_681, %get3A_682] {strides = array<i32>} : memref<200x64xf32, #tpu.memory_space<vmem>>, vector<1x16xf32>,
      %get3A_684 = vector.shape_cast %get3A_683 : vector<1x16xf32> to vector<16xf32>
      %get3A_685 = arith.index_cast %scan3A_640 : i32 to index
      %get3A_686 = arith.constant 48 : index
      %get3A_687 = tpu.vector_load %arg10[%get3A_685, %get3A_686] {strides = array<i32>} : memref<200x64xf32, #tpu.memory_space<vmem>>, vector<1x16xf32>,
      %get3A_688 = vector.shape_cast %get3A_687 : vector<1x16xf32> to vector<16xf32>
      %add3A_689 = arith.addf %get3A_684, %get3A_688 : vector<16xf32>
      %swap3A_690 = arith.index_cast %scan3A_640 : i32 to index
      %swap3A_691 = arith.constant 48 : index
      %swap3A_692 = tpu.vector_load %arg8[%swap3A_690, %swap3A_691] {strides = array<i32>} : memref<200x64xf32, #tpu.memory_space<vmem>>, vector<1x16xf32>,
      %swap3A_693 = vector.shape_cast %swap3A_692 : vector<1x16xf32> to vector<16xf32>
      %swap3A_694 = vector.shape_cast %add3A_689 : vector<16xf32> to vector<1x16xf32>
      tpu.vector_store %arg8[%swap3A_690, %swap3A_691], %swap3A_694 {strides = array<i32>} : memref<200x64xf32, #tpu.memory_space<vmem>>, vector<1x16xf32>,
    }
    %scan3A_502 = arith.constant 200 : i32
    %add3A_503 = arith.constant 24 : i32
    %add3A_504 = arith.addi %mul3A_2, %add3A_503 : i32
    %mul3A_505 = arith.constant 200 : i32
    %mul3A_506 = arith.muli %add3A_504, %mul3A_505 : i32
    "tpu.region"() ({
      %run_scoped3A = tpu.sem_alloc : memref<!tpu.dma_semaphore, #tpu.memory_space<semaphore_mem>>
      %dma_start3A_640 = arith.constant 0 : i32
      %dma_start3A_641 = tpu.memref_slice %arg5[%mul3A_506, %dma_start3A_640] : memref<204800x64xf32, #tpu.memory_space<hbm>> -> memref<200x64xf32, #tpu.memory_space<hbm>>
      %dma_start3A_642 = arith.constant 0 : i32
      %dma_start3A_643 = tpu.memref_slice %arg5[%mul3A_506, %dma_start3A_642] : memref<204800x64xf32, #tpu.memory_space<hbm>> -> memref<200x64xf32, #tpu.memory_space<hbm>>
      tpu.enqueue_dma source(%arg8 : memref<200x64xf32, #tpu.memory_space<vmem>>) target(%dma_start3A_643 : memref<200x64xf32, #tpu.memory_space<hbm>>) target_semaphore(%run_scoped3A : memref<!tpu.dma_semaphore, #tpu.memory_space<semaphore_mem>>)
      %dma_wait3A_644 = arith.constant 0 : i32
      %dma_wait3A_645 = tpu.memref_slice %arg5[%mul3A_506, %dma_wait3A_644] : memref<204800x64xf32, #tpu.memory_space<hbm>> -> memref<200x64xf32, #tpu.memory_space<hbm>>
      %dma_wait3A_646 = arith.constant 0 : i32
      %dma_wait3A_647 = tpu.memref_slice %arg5[%mul3A_506, %dma_wait3A_646] : memref<204800x64xf32, #tpu.memory_space<hbm>> -> memref<200x64xf32, #tpu.memory_space<hbm>>
      tpu.wait_dma2 semaphore(%run_scoped3A : memref<!tpu.dma_semaphore, #tpu.memory_space<semaphore_mem>>) src(%arg8 : memref<200x64xf32, #tpu.memory_space<vmem>>) dst(%dma_wait3A_647 : memref<200x64xf32, #tpu.memory_space<hbm>>)
      tpu.yield
    }) : () -> ()
    %add3A_507 = arith.constant 26 : i32
    %add3A_508 = arith.addi %mul3A_2, %add3A_507 : i32
    %mul3A_509 = arith.constant 200 : i32
    %mul3A_510 = arith.muli %add3A_508, %mul3A_509 : i32
    "tpu.region"() ({
      %run_scoped3A = tpu.sem_alloc : memref<!tpu.dma_semaphore, #tpu.memory_space<semaphore_mem>>
      %dma_start3A_640 = tpu.memref_slice %arg2[%mul3A_510] : memref<204800xi32, #tpu.memory_space<hbm>> -> memref<200xi32, #tpu.memory_space<hbm>>
      %dma_start3A_641 = tpu.memref_slice %arg2[%mul3A_510] : memref<204800xi32, #tpu.memory_space<hbm>> -> memref<200xi32, #tpu.memory_space<hbm>>
      tpu.enqueue_dma source(%dma_start3A_641 : memref<200xi32, #tpu.memory_space<hbm>>) target(%arg6 : memref<200xi32, #tpu.memory_space<vmem>>) target_semaphore(%run_scoped3A : memref<!tpu.dma_semaphore, #tpu.memory_space<semaphore_mem>>)
      %dma_wait3A_642 = tpu.memref_slice %arg2[%mul3A_510] : memref<204800xi32, #tpu.memory_space<hbm>> -> memref<200xi32, #tpu.memory_space<hbm>>
      %dma_wait3A_643 = tpu.memref_slice %arg2[%mul3A_510] : memref<204800xi32, #tpu.memory_space<hbm>> -> memref<200xi32, #tpu.memory_space<hbm>>
      tpu.wait_dma2 semaphore(%run_scoped3A : memref<!tpu.dma_semaphore, #tpu.memory_space<semaphore_mem>>) src(%dma_wait3A_643 : memref<200xi32, #tpu.memory_space<hbm>>) dst(%arg6 : memref<200xi32, #tpu.memory_space<vmem>>)
      tpu.yield
    }) : () -> ()
    %dma_start3A_511 = arith.constant 0 : i32
    %dma_start3A_512 = arith.constant 0 : i32
    %dma_start3A_513 = tpu.memref_slice %arg3[%dma_start3A_511, %dma_start3A_512] : memref<1000000x64xf32, #tpu.memory_space<hbm>> -> memref<1000000x64xf32, #tpu.memory_space<hbm>>
    tpu.enqueue_indirect_dma source(%dma_start3A_513 : memref<1000000x64xf32, #tpu.memory_space<hbm>>) target(%arg8 : memref<200x64xf32, #tpu.memory_space<vmem>>) offsets(%arg6 : memref<200xi32, #tpu.memory_space<vmem>>) semaphore(%arg11 : memref<!tpu.dma_semaphore, #tpu.memory_space<semaphore_mem>>)
    %dma_wait3A_514 = arith.constant 0 : i32
    %dma_wait3A_515 = arith.constant 0 : i32
    %dma_wait3A_516 = tpu.memref_slice %arg3[%dma_wait3A_514, %dma_wait3A_515] : memref<1000000x64xf32, #tpu.memory_space<hbm>> -> memref<1000000x64xf32, #tpu.memory_space<hbm>>
    tpu.wait_indirect_dma semaphore(%arg12 : memref<!tpu.dma_semaphore, #tpu.memory_space<semaphore_mem>>) src(%dma_wait3A_516 : memref<1000000x64xf32, #tpu.memory_space<hbm>>) dst(%arg9 : memref<200x64xf32, #tpu.memory_space<vmem>>)
    %scan3A_517 = arith.constant 0 : i32
    %scan3A_518 = arith.constant 0 : i32
    %scan3A_519 = arith.constant 200 : i32
    %scan3A_520 = arith.addi %scan3A_518, %scan3A_519 : i32
    %scan3A_521 = arith.constant 1 : i32
    scf.for %scan3A_640 = %scan3A_518 to %scan3A_520 step %scan3A_521  : i32 {
      %get3A = arith.index_cast %scan3A_640 : i32 to index
      %get3A_641 = arith.constant 0 : index
      %get3A_642 = tpu.vector_load %arg9[%get3A, %get3A_641] {strides = array<i32>} : memref<200x64xf32, #tpu.memory_space<vmem>>, vector<1x16xf32>,
      %get3A_643 = vector.shape_cast %get3A_642 : vector<1x16xf32> to vector<16xf32>
      %get3A_644 = arith.index_cast %scan3A_640 : i32 to index
      %get3A_645 = arith.constant 0 : index
      %get3A_646 = tpu.vector_load %arg10[%get3A_644, %get3A_645] {strides = array<i32>} : memref<200x64xf32, #tpu.memory_space<vmem>>, vector<1x16xf32>,
      %get3A_647 = vector.shape_cast %get3A_646 : vector<1x16xf32> to vector<16xf32>
      %add3A_648 = arith.addf %get3A_643, %get3A_647 : vector<16xf32>
      %swap3A = arith.index_cast %scan3A_640 : i32 to index
      %swap3A_649 = arith.constant 0 : index
      %swap3A_650 = tpu.vector_load %arg9[%swap3A, %swap3A_649] {strides = array<i32>} : memref<200x64xf32, #tpu.memory_space<vmem>>, vector<1x16xf32>,
      %swap3A_651 = vector.shape_cast %swap3A_650 : vector<1x16xf32> to vector<16xf32>
      %swap3A_652 = vector.shape_cast %add3A_648 : vector<16xf32> to vector<1x16xf32>
      tpu.vector_store %arg9[%swap3A, %swap3A_649], %swap3A_652 {strides = array<i32>} : memref<200x64xf32, #tpu.memory_space<vmem>>, vector<1x16xf32>,
      %get3A_653 = arith.index_cast %scan3A_640 : i32 to index
      %get3A_654 = arith.constant 16 : index
      %get3A_655 = tpu.vector_load %arg9[%get3A_653, %get3A_654] {strides = array<i32>} : memref<200x64xf32, #tpu.memory_space<vmem>>, vector<1x16xf32>,
      %get3A_656 = vector.shape_cast %get3A_655 : vector<1x16xf32> to vector<16xf32>
      %get3A_657 = arith.index_cast %scan3A_640 : i32 to index
      %get3A_658 = arith.constant 16 : index
      %get3A_659 = tpu.vector_load %arg10[%get3A_657, %get3A_658] {strides = array<i32>} : memref<200x64xf32, #tpu.memory_space<vmem>>, vector<1x16xf32>,
      %get3A_660 = vector.shape_cast %get3A_659 : vector<1x16xf32> to vector<16xf32>
      %add3A_661 = arith.addf %get3A_656, %get3A_660 : vector<16xf32>
      %swap3A_662 = arith.index_cast %scan3A_640 : i32 to index
      %swap3A_663 = arith.constant 16 : index
      %swap3A_664 = tpu.vector_load %arg9[%swap3A_662, %swap3A_663] {strides = array<i32>} : memref<200x64xf32, #tpu.memory_space<vmem>>, vector<1x16xf32>,
      %swap3A_665 = vector.shape_cast %swap3A_664 : vector<1x16xf32> to vector<16xf32>
      %swap3A_666 = vector.shape_cast %add3A_661 : vector<16xf32> to vector<1x16xf32>
      tpu.vector_store %arg9[%swap3A_662, %swap3A_663], %swap3A_666 {strides = array<i32>} : memref<200x64xf32, #tpu.memory_space<vmem>>, vector<1x16xf32>,
      %get3A_667 = arith.index_cast %scan3A_640 : i32 to index
      %get3A_668 = arith.constant 32 : index
      %get3A_669 = tpu.vector_load %arg9[%get3A_667, %get3A_668] {strides = array<i32>} : memref<200x64xf32, #tpu.memory_space<vmem>>, vector<1x16xf32>,
      %get3A_670 = vector.shape_cast %get3A_669 : vector<1x16xf32> to vector<16xf32>
      %get3A_671 = arith.index_cast %scan3A_640 : i32 to index
      %get3A_672 = arith.constant 32 : index
      %get3A_673 = tpu.vector_load %arg10[%get3A_671, %get3A_672] {strides = array<i32>} : memref<200x64xf32, #tpu.memory_space<vmem>>, vector<1x16xf32>,
      %get3A_674 = vector.shape_cast %get3A_673 : vector<1x16xf32> to vector<16xf32>
      %add3A_675 = arith.addf %get3A_670, %get3A_674 : vector<16xf32>
      %swap3A_676 = arith.index_cast %scan3A_640 : i32 to index
      %swap3A_677 = arith.constant 32 : index
      %swap3A_678 = tpu.vector_load %arg9[%swap3A_676, %swap3A_677] {strides = array<i32>} : memref<200x64xf32, #tpu.memory_space<vmem>>, vector<1x16xf32>,
      %swap3A_679 = vector.shape_cast %swap3A_678 : vector<1x16xf32> to vector<16xf32>
      %swap3A_680 = vector.shape_cast %add3A_675 : vector<16xf32> to vector<1x16xf32>
      tpu.vector_store %arg9[%swap3A_676, %swap3A_677], %swap3A_680 {strides = array<i32>} : memref<200x64xf32, #tpu.memory_space<vmem>>, vector<1x16xf32>,
      %get3A_681 = arith.index_cast %scan3A_640 : i32 to index
      %get3A_682 = arith.constant 48 : index
      %get3A_683 = tpu.vector_load %arg9[%get3A_681, %get3A_682] {strides = array<i32>} : memref<200x64xf32, #tpu.memory_space<vmem>>, vector<1x16xf32>,
      %get3A_684 = vector.shape_cast %get3A_683 : vector<1x16xf32> to vector<16xf32>
      %get3A_685 = arith.index_cast %scan3A_640 : i32 to index
      %get3A_686 = arith.constant 48 : index
      %get3A_687 = tpu.vector_load %arg10[%get3A_685, %get3A_686] {strides = array<i32>} : memref<200x64xf32, #tpu.memory_space<vmem>>, vector<1x16xf32>,
      %get3A_688 = vector.shape_cast %get3A_687 : vector<1x16xf32> to vector<16xf32>
      %add3A_689 = arith.addf %get3A_684, %get3A_688 : vector<16xf32>
      %swap3A_690 = arith.index_cast %scan3A_640 : i32 to index
      %swap3A_691 = arith.constant 48 : index
      %swap3A_692 = tpu.vector_load %arg9[%swap3A_690, %swap3A_691] {strides = array<i32>} : memref<200x64xf32, #tpu.memory_space<vmem>>, vector<1x16xf32>,
      %swap3A_693 = vector.shape_cast %swap3A_692 : vector<1x16xf32> to vector<16xf32>
      %swap3A_694 = vector.shape_cast %add3A_689 : vector<16xf32> to vector<1x16xf32>
      tpu.vector_store %arg9[%swap3A_690, %swap3A_691], %swap3A_694 {strides = array<i32>} : memref<200x64xf32, #tpu.memory_space<vmem>>, vector<1x16xf32>,
    }
    %scan3A_522 = arith.constant 200 : i32
    %add3A_523 = arith.constant 25 : i32
    %add3A_524 = arith.addi %mul3A_2, %add3A_523 : i32
    %mul3A_525 = arith.constant 200 : i32
    %mul3A_526 = arith.muli %add3A_524, %mul3A_525 : i32
    "tpu.region"() ({
      %run_scoped3A = tpu.sem_alloc : memref<!tpu.dma_semaphore, #tpu.memory_space<semaphore_mem>>
      %dma_start3A_640 = arith.constant 0 : i32
      %dma_start3A_641 = tpu.memref_slice %arg5[%mul3A_526, %dma_start3A_640] : memref<204800x64xf32, #tpu.memory_space<hbm>> -> memref<200x64xf32, #tpu.memory_space<hbm>>
      %dma_start3A_642 = arith.constant 0 : i32
      %dma_start3A_643 = tpu.memref_slice %arg5[%mul3A_526, %dma_start3A_642] : memref<204800x64xf32, #tpu.memory_space<hbm>> -> memref<200x64xf32, #tpu.memory_space<hbm>>
      tpu.enqueue_dma source(%arg9 : memref<200x64xf32, #tpu.memory_space<vmem>>) target(%dma_start3A_643 : memref<200x64xf32, #tpu.memory_space<hbm>>) target_semaphore(%run_scoped3A : memref<!tpu.dma_semaphore, #tpu.memory_space<semaphore_mem>>)
      %dma_wait3A_644 = arith.constant 0 : i32
      %dma_wait3A_645 = tpu.memref_slice %arg5[%mul3A_526, %dma_wait3A_644] : memref<204800x64xf32, #tpu.memory_space<hbm>> -> memref<200x64xf32, #tpu.memory_space<hbm>>
      %dma_wait3A_646 = arith.constant 0 : i32
      %dma_wait3A_647 = tpu.memref_slice %arg5[%mul3A_526, %dma_wait3A_646] : memref<204800x64xf32, #tpu.memory_space<hbm>> -> memref<200x64xf32, #tpu.memory_space<hbm>>
      tpu.wait_dma2 semaphore(%run_scoped3A : memref<!tpu.dma_semaphore, #tpu.memory_space<semaphore_mem>>) src(%arg9 : memref<200x64xf32, #tpu.memory_space<vmem>>) dst(%dma_wait3A_647 : memref<200x64xf32, #tpu.memory_space<hbm>>)
      tpu.yield
    }) : () -> ()
    %add3A_527 = arith.constant 27 : i32
    %add3A_528 = arith.addi %mul3A_2, %add3A_527 : i32
    %mul3A_529 = arith.constant 200 : i32
    %mul3A_530 = arith.muli %add3A_528, %mul3A_529 : i32
    "tpu.region"() ({
      %run_scoped3A = tpu.sem_alloc : memref<!tpu.dma_semaphore, #tpu.memory_space<semaphore_mem>>
      %dma_start3A_640 = tpu.memref_slice %arg2[%mul3A_530] : memref<204800xi32, #tpu.memory_space<hbm>> -> memref<200xi32, #tpu.memory_space<hbm>>
      %dma_start3A_641 = tpu.memref_slice %arg2[%mul3A_530] : memref<204800xi32, #tpu.memory_space<hbm>> -> memref<200xi32, #tpu.memory_space<hbm>>
      tpu.enqueue_dma source(%dma_start3A_641 : memref<200xi32, #tpu.memory_space<hbm>>) target(%arg7 : memref<200xi32, #tpu.memory_space<vmem>>) target_semaphore(%run_scoped3A : memref<!tpu.dma_semaphore, #tpu.memory_space<semaphore_mem>>)
      %dma_wait3A_642 = tpu.memref_slice %arg2[%mul3A_530] : memref<204800xi32, #tpu.memory_space<hbm>> -> memref<200xi32, #tpu.memory_space<hbm>>
      %dma_wait3A_643 = tpu.memref_slice %arg2[%mul3A_530] : memref<204800xi32, #tpu.memory_space<hbm>> -> memref<200xi32, #tpu.memory_space<hbm>>
      tpu.wait_dma2 semaphore(%run_scoped3A : memref<!tpu.dma_semaphore, #tpu.memory_space<semaphore_mem>>) src(%dma_wait3A_643 : memref<200xi32, #tpu.memory_space<hbm>>) dst(%arg7 : memref<200xi32, #tpu.memory_space<vmem>>)
      tpu.yield
    }) : () -> ()
    %dma_start3A_531 = arith.constant 0 : i32
    %dma_start3A_532 = arith.constant 0 : i32
    %dma_start3A_533 = tpu.memref_slice %arg3[%dma_start3A_531, %dma_start3A_532] : memref<1000000x64xf32, #tpu.memory_space<hbm>> -> memref<1000000x64xf32, #tpu.memory_space<hbm>>
    tpu.enqueue_indirect_dma source(%dma_start3A_533 : memref<1000000x64xf32, #tpu.memory_space<hbm>>) target(%arg9 : memref<200x64xf32, #tpu.memory_space<vmem>>) offsets(%arg7 : memref<200xi32, #tpu.memory_space<vmem>>) semaphore(%arg12 : memref<!tpu.dma_semaphore, #tpu.memory_space<semaphore_mem>>)
    %dma_wait3A_534 = arith.constant 0 : i32
    %dma_wait3A_535 = arith.constant 0 : i32
    %dma_wait3A_536 = tpu.memref_slice %arg3[%dma_wait3A_534, %dma_wait3A_535] : memref<1000000x64xf32, #tpu.memory_space<hbm>> -> memref<1000000x64xf32, #tpu.memory_space<hbm>>
    tpu.wait_indirect_dma semaphore(%arg11 : memref<!tpu.dma_semaphore, #tpu.memory_space<semaphore_mem>>) src(%dma_wait3A_536 : memref<1000000x64xf32, #tpu.memory_space<hbm>>) dst(%arg8 : memref<200x64xf32, #tpu.memory_space<vmem>>)
    %scan3A_537 = arith.constant 0 : i32
    %scan3A_538 = arith.constant 0 : i32
    %scan3A_539 = arith.constant 200 : i32
    %scan3A_540 = arith.addi %scan3A_538, %scan3A_539 : i32
    %scan3A_541 = arith.constant 1 : i32
    scf.for %scan3A_640 = %scan3A_538 to %scan3A_540 step %scan3A_541  : i32 {
      %get3A = arith.index_cast %scan3A_640 : i32 to index
      %get3A_641 = arith.constant 0 : index
      %get3A_642 = tpu.vector_load %arg8[%get3A, %get3A_641] {strides = array<i32>} : memref<200x64xf32, #tpu.memory_space<vmem>>, vector<1x16xf32>,
      %get3A_643 = vector.shape_cast %get3A_642 : vector<1x16xf32> to vector<16xf32>
      %get3A_644 = arith.index_cast %scan3A_640 : i32 to index
      %get3A_645 = arith.constant 0 : index
      %get3A_646 = tpu.vector_load %arg10[%get3A_644, %get3A_645] {strides = array<i32>} : memref<200x64xf32, #tpu.memory_space<vmem>>, vector<1x16xf32>,
      %get3A_647 = vector.shape_cast %get3A_646 : vector<1x16xf32> to vector<16xf32>
      %add3A_648 = arith.addf %get3A_643, %get3A_647 : vector<16xf32>
      %swap3A = arith.index_cast %scan3A_640 : i32 to index
      %swap3A_649 = arith.constant 0 : index
      %swap3A_650 = tpu.vector_load %arg8[%swap3A, %swap3A_649] {strides = array<i32>} : memref<200x64xf32, #tpu.memory_space<vmem>>, vector<1x16xf32>,
      %swap3A_651 = vector.shape_cast %swap3A_650 : vector<1x16xf32> to vector<16xf32>
      %swap3A_652 = vector.shape_cast %add3A_648 : vector<16xf32> to vector<1x16xf32>
      tpu.vector_store %arg8[%swap3A, %swap3A_649], %swap3A_652 {strides = array<i32>} : memref<200x64xf32, #tpu.memory_space<vmem>>, vector<1x16xf32>,
      %get3A_653 = arith.index_cast %scan3A_640 : i32 to index
      %get3A_654 = arith.constant 16 : index
      %get3A_655 = tpu.vector_load %arg8[%get3A_653, %get3A_654] {strides = array<i32>} : memref<200x64xf32, #tpu.memory_space<vmem>>, vector<1x16xf32>,
      %get3A_656 = vector.shape_cast %get3A_655 : vector<1x16xf32> to vector<16xf32>
      %get3A_657 = arith.index_cast %scan3A_640 : i32 to index
      %get3A_658 = arith.constant 16 : index
      %get3A_659 = tpu.vector_load %arg10[%get3A_657, %get3A_658] {strides = array<i32>} : memref<200x64xf32, #tpu.memory_space<vmem>>, vector<1x16xf32>,
      %get3A_660 = vector.shape_cast %get3A_659 : vector<1x16xf32> to vector<16xf32>
      %add3A_661 = arith.addf %get3A_656, %get3A_660 : vector<16xf32>
      %swap3A_662 = arith.index_cast %scan3A_640 : i32 to index
      %swap3A_663 = arith.constant 16 : index
      %swap3A_664 = tpu.vector_load %arg8[%swap3A_662, %swap3A_663] {strides = array<i32>} : memref<200x64xf32, #tpu.memory_space<vmem>>, vector<1x16xf32>,
      %swap3A_665 = vector.shape_cast %swap3A_664 : vector<1x16xf32> to vector<16xf32>
      %swap3A_666 = vector.shape_cast %add3A_661 : vector<16xf32> to vector<1x16xf32>
      tpu.vector_store %arg8[%swap3A_662, %swap3A_663], %swap3A_666 {strides = array<i32>} : memref<200x64xf32, #tpu.memory_space<vmem>>, vector<1x16xf32>,
      %get3A_667 = arith.index_cast %scan3A_640 : i32 to index
      %get3A_668 = arith.constant 32 : index
      %get3A_669 = tpu.vector_load %arg8[%get3A_667, %get3A_668] {strides = array<i32>} : memref<200x64xf32, #tpu.memory_space<vmem>>, vector<1x16xf32>,
      %get3A_670 = vector.shape_cast %get3A_669 : vector<1x16xf32> to vector<16xf32>
      %get3A_671 = arith.index_cast %scan3A_640 : i32 to index
      %get3A_672 = arith.constant 32 : index
      %get3A_673 = tpu.vector_load %arg10[%get3A_671, %get3A_672] {strides = array<i32>} : memref<200x64xf32, #tpu.memory_space<vmem>>, vector<1x16xf32>,
      %get3A_674 = vector.shape_cast %get3A_673 : vector<1x16xf32> to vector<16xf32>
      %add3A_675 = arith.addf %get3A_670, %get3A_674 : vector<16xf32>
      %swap3A_676 = arith.index_cast %scan3A_640 : i32 to index
      %swap3A_677 = arith.constant 32 : index
      %swap3A_678 = tpu.vector_load %arg8[%swap3A_676, %swap3A_677] {strides = array<i32>} : memref<200x64xf32, #tpu.memory_space<vmem>>, vector<1x16xf32>,
      %swap3A_679 = vector.shape_cast %swap3A_678 : vector<1x16xf32> to vector<16xf32>
      %swap3A_680 = vector.shape_cast %add3A_675 : vector<16xf32> to vector<1x16xf32>
      tpu.vector_store %arg8[%swap3A_676, %swap3A_677], %swap3A_680 {strides = array<i32>} : memref<200x64xf32, #tpu.memory_space<vmem>>, vector<1x16xf32>,
      %get3A_681 = arith.index_cast %scan3A_640 : i32 to index
      %get3A_682 = arith.constant 48 : index
      %get3A_683 = tpu.vector_load %arg8[%get3A_681, %get3A_682] {strides = array<i32>} : memref<200x64xf32, #tpu.memory_space<vmem>>, vector<1x16xf32>,
      %get3A_684 = vector.shape_cast %get3A_683 : vector<1x16xf32> to vector<16xf32>
      %get3A_685 = arith.index_cast %scan3A_640 : i32 to index
      %get3A_686 = arith.constant 48 : index
      %get3A_687 = tpu.vector_load %arg10[%get3A_685, %get3A_686] {strides = array<i32>} : memref<200x64xf32, #tpu.memory_space<vmem>>, vector<1x16xf32>,
      %get3A_688 = vector.shape_cast %get3A_687 : vector<1x16xf32> to vector<16xf32>
      %add3A_689 = arith.addf %get3A_684, %get3A_688 : vector<16xf32>
      %swap3A_690 = arith.index_cast %scan3A_640 : i32 to index
      %swap3A_691 = arith.constant 48 : index
      %swap3A_692 = tpu.vector_load %arg8[%swap3A_690, %swap3A_691] {strides = array<i32>} : memref<200x64xf32, #tpu.memory_space<vmem>>, vector<1x16xf32>,
      %swap3A_693 = vector.shape_cast %swap3A_692 : vector<1x16xf32> to vector<16xf32>
      %swap3A_694 = vector.shape_cast %add3A_689 : vector<16xf32> to vector<1x16xf32>
      tpu.vector_store %arg8[%swap3A_690, %swap3A_691], %swap3A_694 {strides = array<i32>} : memref<200x64xf32, #tpu.memory_space<vmem>>, vector<1x16xf32>,
    }
    %scan3A_542 = arith.constant 200 : i32
    %add3A_543 = arith.constant 26 : i32
    %add3A_544 = arith.addi %mul3A_2, %add3A_543 : i32
    %mul3A_545 = arith.constant 200 : i32
    %mul3A_546 = arith.muli %add3A_544, %mul3A_545 : i32
    "tpu.region"() ({
      %run_scoped3A = tpu.sem_alloc : memref<!tpu.dma_semaphore, #tpu.memory_space<semaphore_mem>>
      %dma_start3A_640 = arith.constant 0 : i32
      %dma_start3A_641 = tpu.memref_slice %arg5[%mul3A_546, %dma_start3A_640] : memref<204800x64xf32, #tpu.memory_space<hbm>> -> memref<200x64xf32, #tpu.memory_space<hbm>>
      %dma_start3A_642 = arith.constant 0 : i32
      %dma_start3A_643 = tpu.memref_slice %arg5[%mul3A_546, %dma_start3A_642] : memref<204800x64xf32, #tpu.memory_space<hbm>> -> memref<200x64xf32, #tpu.memory_space<hbm>>
      tpu.enqueue_dma source(%arg8 : memref<200x64xf32, #tpu.memory_space<vmem>>) target(%dma_start3A_643 : memref<200x64xf32, #tpu.memory_space<hbm>>) target_semaphore(%run_scoped3A : memref<!tpu.dma_semaphore, #tpu.memory_space<semaphore_mem>>)
      %dma_wait3A_644 = arith.constant 0 : i32
      %dma_wait3A_645 = tpu.memref_slice %arg5[%mul3A_546, %dma_wait3A_644] : memref<204800x64xf32, #tpu.memory_space<hbm>> -> memref<200x64xf32, #tpu.memory_space<hbm>>
      %dma_wait3A_646 = arith.constant 0 : i32
      %dma_wait3A_647 = tpu.memref_slice %arg5[%mul3A_546, %dma_wait3A_646] : memref<204800x64xf32, #tpu.memory_space<hbm>> -> memref<200x64xf32, #tpu.memory_space<hbm>>
      tpu.wait_dma2 semaphore(%run_scoped3A : memref<!tpu.dma_semaphore, #tpu.memory_space<semaphore_mem>>) src(%arg8 : memref<200x64xf32, #tpu.memory_space<vmem>>) dst(%dma_wait3A_647 : memref<200x64xf32, #tpu.memory_space<hbm>>)
      tpu.yield
    }) : () -> ()
    %add3A_547 = arith.constant 28 : i32
    %add3A_548 = arith.addi %mul3A_2, %add3A_547 : i32
    %mul3A_549 = arith.constant 200 : i32
    %mul3A_550 = arith.muli %add3A_548, %mul3A_549 : i32
    "tpu.region"() ({
      %run_scoped3A = tpu.sem_alloc : memref<!tpu.dma_semaphore, #tpu.memory_space<semaphore_mem>>
      %dma_start3A_640 = tpu.memref_slice %arg2[%mul3A_550] : memref<204800xi32, #tpu.memory_space<hbm>> -> memref<200xi32, #tpu.memory_space<hbm>>
      %dma_start3A_641 = tpu.memref_slice %arg2[%mul3A_550] : memref<204800xi32, #tpu.memory_space<hbm>> -> memref<200xi32, #tpu.memory_space<hbm>>
      tpu.enqueue_dma source(%dma_start3A_641 : memref<200xi32, #tpu.memory_space<hbm>>) target(%arg6 : memref<200xi32, #tpu.memory_space<vmem>>) target_semaphore(%run_scoped3A : memref<!tpu.dma_semaphore, #tpu.memory_space<semaphore_mem>>)
      %dma_wait3A_642 = tpu.memref_slice %arg2[%mul3A_550] : memref<204800xi32, #tpu.memory_space<hbm>> -> memref<200xi32, #tpu.memory_space<hbm>>
      %dma_wait3A_643 = tpu.memref_slice %arg2[%mul3A_550] : memref<204800xi32, #tpu.memory_space<hbm>> -> memref<200xi32, #tpu.memory_space<hbm>>
      tpu.wait_dma2 semaphore(%run_scoped3A : memref<!tpu.dma_semaphore, #tpu.memory_space<semaphore_mem>>) src(%dma_wait3A_643 : memref<200xi32, #tpu.memory_space<hbm>>) dst(%arg6 : memref<200xi32, #tpu.memory_space<vmem>>)
      tpu.yield
    }) : () -> ()
    %dma_start3A_551 = arith.constant 0 : i32
    %dma_start3A_552 = arith.constant 0 : i32
    %dma_start3A_553 = tpu.memref_slice %arg3[%dma_start3A_551, %dma_start3A_552] : memref<1000000x64xf32, #tpu.memory_space<hbm>> -> memref<1000000x64xf32, #tpu.memory_space<hbm>>
    tpu.enqueue_indirect_dma source(%dma_start3A_553 : memref<1000000x64xf32, #tpu.memory_space<hbm>>) target(%arg8 : memref<200x64xf32, #tpu.memory_space<vmem>>) offsets(%arg6 : memref<200xi32, #tpu.memory_space<vmem>>) semaphore(%arg11 : memref<!tpu.dma_semaphore, #tpu.memory_space<semaphore_mem>>)
    %dma_wait3A_554 = arith.constant 0 : i32
    %dma_wait3A_555 = arith.constant 0 : i32
    %dma_wait3A_556 = tpu.memref_slice %arg3[%dma_wait3A_554, %dma_wait3A_555] : memref<1000000x64xf32, #tpu.memory_space<hbm>> -> memref<1000000x64xf32, #tpu.memory_space<hbm>>
    tpu.wait_indirect_dma semaphore(%arg12 : memref<!tpu.dma_semaphore, #tpu.memory_space<semaphore_mem>>) src(%dma_wait3A_556 : memref<1000000x64xf32, #tpu.memory_space<hbm>>) dst(%arg9 : memref<200x64xf32, #tpu.memory_space<vmem>>)
    %scan3A_557 = arith.constant 0 : i32
    %scan3A_558 = arith.constant 0 : i32
    %scan3A_559 = arith.constant 200 : i32
    %scan3A_560 = arith.addi %scan3A_558, %scan3A_559 : i32
    %scan3A_561 = arith.constant 1 : i32
    scf.for %scan3A_640 = %scan3A_558 to %scan3A_560 step %scan3A_561  : i32 {
      %get3A = arith.index_cast %scan3A_640 : i32 to index
      %get3A_641 = arith.constant 0 : index
      %get3A_642 = tpu.vector_load %arg9[%get3A, %get3A_641] {strides = array<i32>} : memref<200x64xf32, #tpu.memory_space<vmem>>, vector<1x16xf32>,
      %get3A_643 = vector.shape_cast %get3A_642 : vector<1x16xf32> to vector<16xf32>
      %get3A_644 = arith.index_cast %scan3A_640 : i32 to index
      %get3A_645 = arith.constant 0 : index
      %get3A_646 = tpu.vector_load %arg10[%get3A_644, %get3A_645] {strides = array<i32>} : memref<200x64xf32, #tpu.memory_space<vmem>>, vector<1x16xf32>,
      %get3A_647 = vector.shape_cast %get3A_646 : vector<1x16xf32> to vector<16xf32>
      %add3A_648 = arith.addf %get3A_643, %get3A_647 : vector<16xf32>
      %swap3A = arith.index_cast %scan3A_640 : i32 to index
      %swap3A_649 = arith.constant 0 : index
      %swap3A_650 = tpu.vector_load %arg9[%swap3A, %swap3A_649] {strides = array<i32>} : memref<200x64xf32, #tpu.memory_space<vmem>>, vector<1x16xf32>,
      %swap3A_651 = vector.shape_cast %swap3A_650 : vector<1x16xf32> to vector<16xf32>
      %swap3A_652 = vector.shape_cast %add3A_648 : vector<16xf32> to vector<1x16xf32>
      tpu.vector_store %arg9[%swap3A, %swap3A_649], %swap3A_652 {strides = array<i32>} : memref<200x64xf32, #tpu.memory_space<vmem>>, vector<1x16xf32>,
      %get3A_653 = arith.index_cast %scan3A_640 : i32 to index
      %get3A_654 = arith.constant 16 : index
      %get3A_655 = tpu.vector_load %arg9[%get3A_653, %get3A_654] {strides = array<i32>} : memref<200x64xf32, #tpu.memory_space<vmem>>, vector<1x16xf32>,
      %get3A_656 = vector.shape_cast %get3A_655 : vector<1x16xf32> to vector<16xf32>
      %get3A_657 = arith.index_cast %scan3A_640 : i32 to index
      %get3A_658 = arith.constant 16 : index
      %get3A_659 = tpu.vector_load %arg10[%get3A_657, %get3A_658] {strides = array<i32>} : memref<200x64xf32, #tpu.memory_space<vmem>>, vector<1x16xf32>,
      %get3A_660 = vector.shape_cast %get3A_659 : vector<1x16xf32> to vector<16xf32>
      %add3A_661 = arith.addf %get3A_656, %get3A_660 : vector<16xf32>
      %swap3A_662 = arith.index_cast %scan3A_640 : i32 to index
      %swap3A_663 = arith.constant 16 : index
      %swap3A_664 = tpu.vector_load %arg9[%swap3A_662, %swap3A_663] {strides = array<i32>} : memref<200x64xf32, #tpu.memory_space<vmem>>, vector<1x16xf32>,
      %swap3A_665 = vector.shape_cast %swap3A_664 : vector<1x16xf32> to vector<16xf32>
      %swap3A_666 = vector.shape_cast %add3A_661 : vector<16xf32> to vector<1x16xf32>
      tpu.vector_store %arg9[%swap3A_662, %swap3A_663], %swap3A_666 {strides = array<i32>} : memref<200x64xf32, #tpu.memory_space<vmem>>, vector<1x16xf32>,
      %get3A_667 = arith.index_cast %scan3A_640 : i32 to index
      %get3A_668 = arith.constant 32 : index
      %get3A_669 = tpu.vector_load %arg9[%get3A_667, %get3A_668] {strides = array<i32>} : memref<200x64xf32, #tpu.memory_space<vmem>>, vector<1x16xf32>,
      %get3A_670 = vector.shape_cast %get3A_669 : vector<1x16xf32> to vector<16xf32>
      %get3A_671 = arith.index_cast %scan3A_640 : i32 to index
      %get3A_672 = arith.constant 32 : index
      %get3A_673 = tpu.vector_load %arg10[%get3A_671, %get3A_672] {strides = array<i32>} : memref<200x64xf32, #tpu.memory_space<vmem>>, vector<1x16xf32>,
      %get3A_674 = vector.shape_cast %get3A_673 : vector<1x16xf32> to vector<16xf32>
      %add3A_675 = arith.addf %get3A_670, %get3A_674 : vector<16xf32>
      %swap3A_676 = arith.index_cast %scan3A_640 : i32 to index
      %swap3A_677 = arith.constant 32 : index
      %swap3A_678 = tpu.vector_load %arg9[%swap3A_676, %swap3A_677] {strides = array<i32>} : memref<200x64xf32, #tpu.memory_space<vmem>>, vector<1x16xf32>,
      %swap3A_679 = vector.shape_cast %swap3A_678 : vector<1x16xf32> to vector<16xf32>
      %swap3A_680 = vector.shape_cast %add3A_675 : vector<16xf32> to vector<1x16xf32>
      tpu.vector_store %arg9[%swap3A_676, %swap3A_677], %swap3A_680 {strides = array<i32>} : memref<200x64xf32, #tpu.memory_space<vmem>>, vector<1x16xf32>,
      %get3A_681 = arith.index_cast %scan3A_640 : i32 to index
      %get3A_682 = arith.constant 48 : index
      %get3A_683 = tpu.vector_load %arg9[%get3A_681, %get3A_682] {strides = array<i32>} : memref<200x64xf32, #tpu.memory_space<vmem>>, vector<1x16xf32>,
      %get3A_684 = vector.shape_cast %get3A_683 : vector<1x16xf32> to vector<16xf32>
      %get3A_685 = arith.index_cast %scan3A_640 : i32 to index
      %get3A_686 = arith.constant 48 : index
      %get3A_687 = tpu.vector_load %arg10[%get3A_685, %get3A_686] {strides = array<i32>} : memref<200x64xf32, #tpu.memory_space<vmem>>, vector<1x16xf32>,
      %get3A_688 = vector.shape_cast %get3A_687 : vector<1x16xf32> to vector<16xf32>
      %add3A_689 = arith.addf %get3A_684, %get3A_688 : vector<16xf32>
      %swap3A_690 = arith.index_cast %scan3A_640 : i32 to index
      %swap3A_691 = arith.constant 48 : index
      %swap3A_692 = tpu.vector_load %arg9[%swap3A_690, %swap3A_691] {strides = array<i32>} : memref<200x64xf32, #tpu.memory_space<vmem>>, vector<1x16xf32>,
      %swap3A_693 = vector.shape_cast %swap3A_692 : vector<1x16xf32> to vector<16xf32>
      %swap3A_694 = vector.shape_cast %add3A_689 : vector<16xf32> to vector<1x16xf32>
      tpu.vector_store %arg9[%swap3A_690, %swap3A_691], %swap3A_694 {strides = array<i32>} : memref<200x64xf32, #tpu.memory_space<vmem>>, vector<1x16xf32>,
    }
    %scan3A_562 = arith.constant 200 : i32
    %add3A_563 = arith.constant 27 : i32
    %add3A_564 = arith.addi %mul3A_2, %add3A_563 : i32
    %mul3A_565 = arith.constant 200 : i32
    %mul3A_566 = arith.muli %add3A_564, %mul3A_565 : i32
    "tpu.region"() ({
      %run_scoped3A = tpu.sem_alloc : memref<!tpu.dma_semaphore, #tpu.memory_space<semaphore_mem>>
      %dma_start3A_640 = arith.constant 0 : i32
      %dma_start3A_641 = tpu.memref_slice %arg5[%mul3A_566, %dma_start3A_640] : memref<204800x64xf32, #tpu.memory_space<hbm>> -> memref<200x64xf32, #tpu.memory_space<hbm>>
      %dma_start3A_642 = arith.constant 0 : i32
      %dma_start3A_643 = tpu.memref_slice %arg5[%mul3A_566, %dma_start3A_642] : memref<204800x64xf32, #tpu.memory_space<hbm>> -> memref<200x64xf32, #tpu.memory_space<hbm>>
      tpu.enqueue_dma source(%arg9 : memref<200x64xf32, #tpu.memory_space<vmem>>) target(%dma_start3A_643 : memref<200x64xf32, #tpu.memory_space<hbm>>) target_semaphore(%run_scoped3A : memref<!tpu.dma_semaphore, #tpu.memory_space<semaphore_mem>>)
      %dma_wait3A_644 = arith.constant 0 : i32
      %dma_wait3A_645 = tpu.memref_slice %arg5[%mul3A_566, %dma_wait3A_644] : memref<204800x64xf32, #tpu.memory_space<hbm>> -> memref<200x64xf32, #tpu.memory_space<hbm>>
      %dma_wait3A_646 = arith.constant 0 : i32
      %dma_wait3A_647 = tpu.memref_slice %arg5[%mul3A_566, %dma_wait3A_646] : memref<204800x64xf32, #tpu.memory_space<hbm>> -> memref<200x64xf32, #tpu.memory_space<hbm>>
      tpu.wait_dma2 semaphore(%run_scoped3A : memref<!tpu.dma_semaphore, #tpu.memory_space<semaphore_mem>>) src(%arg9 : memref<200x64xf32, #tpu.memory_space<vmem>>) dst(%dma_wait3A_647 : memref<200x64xf32, #tpu.memory_space<hbm>>)
      tpu.yield
    }) : () -> ()
    %add3A_567 = arith.constant 29 : i32
    %add3A_568 = arith.addi %mul3A_2, %add3A_567 : i32
    %mul3A_569 = arith.constant 200 : i32
    %mul3A_570 = arith.muli %add3A_568, %mul3A_569 : i32
    "tpu.region"() ({
      %run_scoped3A = tpu.sem_alloc : memref<!tpu.dma_semaphore, #tpu.memory_space<semaphore_mem>>
      %dma_start3A_640 = tpu.memref_slice %arg2[%mul3A_570] : memref<204800xi32, #tpu.memory_space<hbm>> -> memref<200xi32, #tpu.memory_space<hbm>>
      %dma_start3A_641 = tpu.memref_slice %arg2[%mul3A_570] : memref<204800xi32, #tpu.memory_space<hbm>> -> memref<200xi32, #tpu.memory_space<hbm>>
      tpu.enqueue_dma source(%dma_start3A_641 : memref<200xi32, #tpu.memory_space<hbm>>) target(%arg7 : memref<200xi32, #tpu.memory_space<vmem>>) target_semaphore(%run_scoped3A : memref<!tpu.dma_semaphore, #tpu.memory_space<semaphore_mem>>)
      %dma_wait3A_642 = tpu.memref_slice %arg2[%mul3A_570] : memref<204800xi32, #tpu.memory_space<hbm>> -> memref<200xi32, #tpu.memory_space<hbm>>
      %dma_wait3A_643 = tpu.memref_slice %arg2[%mul3A_570] : memref<204800xi32, #tpu.memory_space<hbm>> -> memref<200xi32, #tpu.memory_space<hbm>>
      tpu.wait_dma2 semaphore(%run_scoped3A : memref<!tpu.dma_semaphore, #tpu.memory_space<semaphore_mem>>) src(%dma_wait3A_643 : memref<200xi32, #tpu.memory_space<hbm>>) dst(%arg7 : memref<200xi32, #tpu.memory_space<vmem>>)
      tpu.yield
    }) : () -> ()
    %dma_start3A_571 = arith.constant 0 : i32
    %dma_start3A_572 = arith.constant 0 : i32
    %dma_start3A_573 = tpu.memref_slice %arg3[%dma_start3A_571, %dma_start3A_572] : memref<1000000x64xf32, #tpu.memory_space<hbm>> -> memref<1000000x64xf32, #tpu.memory_space<hbm>>
    tpu.enqueue_indirect_dma source(%dma_start3A_573 : memref<1000000x64xf32, #tpu.memory_space<hbm>>) target(%arg9 : memref<200x64xf32, #tpu.memory_space<vmem>>) offsets(%arg7 : memref<200xi32, #tpu.memory_space<vmem>>) semaphore(%arg12 : memref<!tpu.dma_semaphore, #tpu.memory_space<semaphore_mem>>)
    %dma_wait3A_574 = arith.constant 0 : i32
    %dma_wait3A_575 = arith.constant 0 : i32
    %dma_wait3A_576 = tpu.memref_slice %arg3[%dma_wait3A_574, %dma_wait3A_575] : memref<1000000x64xf32, #tpu.memory_space<hbm>> -> memref<1000000x64xf32, #tpu.memory_space<hbm>>
    tpu.wait_indirect_dma semaphore(%arg11 : memref<!tpu.dma_semaphore, #tpu.memory_space<semaphore_mem>>) src(%dma_wait3A_576 : memref<1000000x64xf32, #tpu.memory_space<hbm>>) dst(%arg8 : memref<200x64xf32, #tpu.memory_space<vmem>>)
    %scan3A_577 = arith.constant 0 : i32
    %scan3A_578 = arith.constant 0 : i32
    %scan3A_579 = arith.constant 200 : i32
    %scan3A_580 = arith.addi %scan3A_578, %scan3A_579 : i32
    %scan3A_581 = arith.constant 1 : i32
    scf.for %scan3A_640 = %scan3A_578 to %scan3A_580 step %scan3A_581  : i32 {
      %get3A = arith.index_cast %scan3A_640 : i32 to index
      %get3A_641 = arith.constant 0 : index
      %get3A_642 = tpu.vector_load %arg8[%get3A, %get3A_641] {strides = array<i32>} : memref<200x64xf32, #tpu.memory_space<vmem>>, vector<1x16xf32>,
      %get3A_643 = vector.shape_cast %get3A_642 : vector<1x16xf32> to vector<16xf32>
      %get3A_644 = arith.index_cast %scan3A_640 : i32 to index
      %get3A_645 = arith.constant 0 : index
      %get3A_646 = tpu.vector_load %arg10[%get3A_644, %get3A_645] {strides = array<i32>} : memref<200x64xf32, #tpu.memory_space<vmem>>, vector<1x16xf32>,
      %get3A_647 = vector.shape_cast %get3A_646 : vector<1x16xf32> to vector<16xf32>
      %add3A_648 = arith.addf %get3A_643, %get3A_647 : vector<16xf32>
      %swap3A = arith.index_cast %scan3A_640 : i32 to index
      %swap3A_649 = arith.constant 0 : index
      %swap3A_650 = tpu.vector_load %arg8[%swap3A, %swap3A_649] {strides = array<i32>} : memref<200x64xf32, #tpu.memory_space<vmem>>, vector<1x16xf32>,
      %swap3A_651 = vector.shape_cast %swap3A_650 : vector<1x16xf32> to vector<16xf32>
      %swap3A_652 = vector.shape_cast %add3A_648 : vector<16xf32> to vector<1x16xf32>
      tpu.vector_store %arg8[%swap3A, %swap3A_649], %swap3A_652 {strides = array<i32>} : memref<200x64xf32, #tpu.memory_space<vmem>>, vector<1x16xf32>,
      %get3A_653 = arith.index_cast %scan3A_640 : i32 to index
      %get3A_654 = arith.constant 16 : index
      %get3A_655 = tpu.vector_load %arg8[%get3A_653, %get3A_654] {strides = array<i32>} : memref<200x64xf32, #tpu.memory_space<vmem>>, vector<1x16xf32>,
      %get3A_656 = vector.shape_cast %get3A_655 : vector<1x16xf32> to vector<16xf32>
      %get3A_657 = arith.index_cast %scan3A_640 : i32 to index
      %get3A_658 = arith.constant 16 : index
      %get3A_659 = tpu.vector_load %arg10[%get3A_657, %get3A_658] {strides = array<i32>} : memref<200x64xf32, #tpu.memory_space<vmem>>, vector<1x16xf32>,
      %get3A_660 = vector.shape_cast %get3A_659 : vector<1x16xf32> to vector<16xf32>
      %add3A_661 = arith.addf %get3A_656, %get3A_660 : vector<16xf32>
      %swap3A_662 = arith.index_cast %scan3A_640 : i32 to index
      %swap3A_663 = arith.constant 16 : index
      %swap3A_664 = tpu.vector_load %arg8[%swap3A_662, %swap3A_663] {strides = array<i32>} : memref<200x64xf32, #tpu.memory_space<vmem>>, vector<1x16xf32>,
      %swap3A_665 = vector.shape_cast %swap3A_664 : vector<1x16xf32> to vector<16xf32>
      %swap3A_666 = vector.shape_cast %add3A_661 : vector<16xf32> to vector<1x16xf32>
      tpu.vector_store %arg8[%swap3A_662, %swap3A_663], %swap3A_666 {strides = array<i32>} : memref<200x64xf32, #tpu.memory_space<vmem>>, vector<1x16xf32>,
      %get3A_667 = arith.index_cast %scan3A_640 : i32 to index
      %get3A_668 = arith.constant 32 : index
      %get3A_669 = tpu.vector_load %arg8[%get3A_667, %get3A_668] {strides = array<i32>} : memref<200x64xf32, #tpu.memory_space<vmem>>, vector<1x16xf32>,
      %get3A_670 = vector.shape_cast %get3A_669 : vector<1x16xf32> to vector<16xf32>
      %get3A_671 = arith.index_cast %scan3A_640 : i32 to index
      %get3A_672 = arith.constant 32 : index
      %get3A_673 = tpu.vector_load %arg10[%get3A_671, %get3A_672] {strides = array<i32>} : memref<200x64xf32, #tpu.memory_space<vmem>>, vector<1x16xf32>,
      %get3A_674 = vector.shape_cast %get3A_673 : vector<1x16xf32> to vector<16xf32>
      %add3A_675 = arith.addf %get3A_670, %get3A_674 : vector<16xf32>
      %swap3A_676 = arith.index_cast %scan3A_640 : i32 to index
      %swap3A_677 = arith.constant 32 : index
      %swap3A_678 = tpu.vector_load %arg8[%swap3A_676, %swap3A_677] {strides = array<i32>} : memref<200x64xf32, #tpu.memory_space<vmem>>, vector<1x16xf32>,
      %swap3A_679 = vector.shape_cast %swap3A_678 : vector<1x16xf32> to vector<16xf32>
      %swap3A_680 = vector.shape_cast %add3A_675 : vector<16xf32> to vector<1x16xf32>
      tpu.vector_store %arg8[%swap3A_676, %swap3A_677], %swap3A_680 {strides = array<i32>} : memref<200x64xf32, #tpu.memory_space<vmem>>, vector<1x16xf32>,
      %get3A_681 = arith.index_cast %scan3A_640 : i32 to index
      %get3A_682 = arith.constant 48 : index
      %get3A_683 = tpu.vector_load %arg8[%get3A_681, %get3A_682] {strides = array<i32>} : memref<200x64xf32, #tpu.memory_space<vmem>>, vector<1x16xf32>,
      %get3A_684 = vector.shape_cast %get3A_683 : vector<1x16xf32> to vector<16xf32>
      %get3A_685 = arith.index_cast %scan3A_640 : i32 to index
      %get3A_686 = arith.constant 48 : index
      %get3A_687 = tpu.vector_load %arg10[%get3A_685, %get3A_686] {strides = array<i32>} : memref<200x64xf32, #tpu.memory_space<vmem>>, vector<1x16xf32>,
      %get3A_688 = vector.shape_cast %get3A_687 : vector<1x16xf32> to vector<16xf32>
      %add3A_689 = arith.addf %get3A_684, %get3A_688 : vector<16xf32>
      %swap3A_690 = arith.index_cast %scan3A_640 : i32 to index
      %swap3A_691 = arith.constant 48 : index
      %swap3A_692 = tpu.vector_load %arg8[%swap3A_690, %swap3A_691] {strides = array<i32>} : memref<200x64xf32, #tpu.memory_space<vmem>>, vector<1x16xf32>,
      %swap3A_693 = vector.shape_cast %swap3A_692 : vector<1x16xf32> to vector<16xf32>
      %swap3A_694 = vector.shape_cast %add3A_689 : vector<16xf32> to vector<1x16xf32>
      tpu.vector_store %arg8[%swap3A_690, %swap3A_691], %swap3A_694 {strides = array<i32>} : memref<200x64xf32, #tpu.memory_space<vmem>>, vector<1x16xf32>,
    }
    %scan3A_582 = arith.constant 200 : i32
    %add3A_583 = arith.constant 28 : i32
    %add3A_584 = arith.addi %mul3A_2, %add3A_583 : i32
    %mul3A_585 = arith.constant 200 : i32
    %mul3A_586 = arith.muli %add3A_584, %mul3A_585 : i32
    "tpu.region"() ({
      %run_scoped3A = tpu.sem_alloc : memref<!tpu.dma_semaphore, #tpu.memory_space<semaphore_mem>>
      %dma_start3A_640 = arith.constant 0 : i32
      %dma_start3A_641 = tpu.memref_slice %arg5[%mul3A_586, %dma_start3A_640] : memref<204800x64xf32, #tpu.memory_space<hbm>> -> memref<200x64xf32, #tpu.memory_space<hbm>>
      %dma_start3A_642 = arith.constant 0 : i32
      %dma_start3A_643 = tpu.memref_slice %arg5[%mul3A_586, %dma_start3A_642] : memref<204800x64xf32, #tpu.memory_space<hbm>> -> memref<200x64xf32, #tpu.memory_space<hbm>>
      tpu.enqueue_dma source(%arg8 : memref<200x64xf32, #tpu.memory_space<vmem>>) target(%dma_start3A_643 : memref<200x64xf32, #tpu.memory_space<hbm>>) target_semaphore(%run_scoped3A : memref<!tpu.dma_semaphore, #tpu.memory_space<semaphore_mem>>)
      %dma_wait3A_644 = arith.constant 0 : i32
      %dma_wait3A_645 = tpu.memref_slice %arg5[%mul3A_586, %dma_wait3A_644] : memref<204800x64xf32, #tpu.memory_space<hbm>> -> memref<200x64xf32, #tpu.memory_space<hbm>>
      %dma_wait3A_646 = arith.constant 0 : i32
      %dma_wait3A_647 = tpu.memref_slice %arg5[%mul3A_586, %dma_wait3A_646] : memref<204800x64xf32, #tpu.memory_space<hbm>> -> memref<200x64xf32, #tpu.memory_space<hbm>>
      tpu.wait_dma2 semaphore(%run_scoped3A : memref<!tpu.dma_semaphore, #tpu.memory_space<semaphore_mem>>) src(%arg8 : memref<200x64xf32, #tpu.memory_space<vmem>>) dst(%dma_wait3A_647 : memref<200x64xf32, #tpu.memory_space<hbm>>)
      tpu.yield
    }) : () -> ()
    %add3A_587 = arith.constant 30 : i32
    %add3A_588 = arith.addi %mul3A_2, %add3A_587 : i32
    %mul3A_589 = arith.constant 200 : i32
    %mul3A_590 = arith.muli %add3A_588, %mul3A_589 : i32
    "tpu.region"() ({
      %run_scoped3A = tpu.sem_alloc : memref<!tpu.dma_semaphore, #tpu.memory_space<semaphore_mem>>
      %dma_start3A_640 = tpu.memref_slice %arg2[%mul3A_590] : memref<204800xi32, #tpu.memory_space<hbm>> -> memref<200xi32, #tpu.memory_space<hbm>>
      %dma_start3A_641 = tpu.memref_slice %arg2[%mul3A_590] : memref<204800xi32, #tpu.memory_space<hbm>> -> memref<200xi32, #tpu.memory_space<hbm>>
      tpu.enqueue_dma source(%dma_start3A_641 : memref<200xi32, #tpu.memory_space<hbm>>) target(%arg6 : memref<200xi32, #tpu.memory_space<vmem>>) target_semaphore(%run_scoped3A : memref<!tpu.dma_semaphore, #tpu.memory_space<semaphore_mem>>)
      %dma_wait3A_642 = tpu.memref_slice %arg2[%mul3A_590] : memref<204800xi32, #tpu.memory_space<hbm>> -> memref<200xi32, #tpu.memory_space<hbm>>
      %dma_wait3A_643 = tpu.memref_slice %arg2[%mul3A_590] : memref<204800xi32, #tpu.memory_space<hbm>> -> memref<200xi32, #tpu.memory_space<hbm>>
      tpu.wait_dma2 semaphore(%run_scoped3A : memref<!tpu.dma_semaphore, #tpu.memory_space<semaphore_mem>>) src(%dma_wait3A_643 : memref<200xi32, #tpu.memory_space<hbm>>) dst(%arg6 : memref<200xi32, #tpu.memory_space<vmem>>)
      tpu.yield
    }) : () -> ()
    %dma_start3A_591 = arith.constant 0 : i32
    %dma_start3A_592 = arith.constant 0 : i32
    %dma_start3A_593 = tpu.memref_slice %arg3[%dma_start3A_591, %dma_start3A_592] : memref<1000000x64xf32, #tpu.memory_space<hbm>> -> memref<1000000x64xf32, #tpu.memory_space<hbm>>
    tpu.enqueue_indirect_dma source(%dma_start3A_593 : memref<1000000x64xf32, #tpu.memory_space<hbm>>) target(%arg8 : memref<200x64xf32, #tpu.memory_space<vmem>>) offsets(%arg6 : memref<200xi32, #tpu.memory_space<vmem>>) semaphore(%arg11 : memref<!tpu.dma_semaphore, #tpu.memory_space<semaphore_mem>>)
    %dma_wait3A_594 = arith.constant 0 : i32
    %dma_wait3A_595 = arith.constant 0 : i32
    %dma_wait3A_596 = tpu.memref_slice %arg3[%dma_wait3A_594, %dma_wait3A_595] : memref<1000000x64xf32, #tpu.memory_space<hbm>> -> memref<1000000x64xf32, #tpu.memory_space<hbm>>
    tpu.wait_indirect_dma semaphore(%arg12 : memref<!tpu.dma_semaphore, #tpu.memory_space<semaphore_mem>>) src(%dma_wait3A_596 : memref<1000000x64xf32, #tpu.memory_space<hbm>>) dst(%arg9 : memref<200x64xf32, #tpu.memory_space<vmem>>)
    %scan3A_597 = arith.constant 0 : i32
    %scan3A_598 = arith.constant 0 : i32
    %scan3A_599 = arith.constant 200 : i32
    %scan3A_600 = arith.addi %scan3A_598, %scan3A_599 : i32
    %scan3A_601 = arith.constant 1 : i32
    scf.for %scan3A_640 = %scan3A_598 to %scan3A_600 step %scan3A_601  : i32 {
      %get3A = arith.index_cast %scan3A_640 : i32 to index
      %get3A_641 = arith.constant 0 : index
      %get3A_642 = tpu.vector_load %arg9[%get3A, %get3A_641] {strides = array<i32>} : memref<200x64xf32, #tpu.memory_space<vmem>>, vector<1x16xf32>,
      %get3A_643 = vector.shape_cast %get3A_642 : vector<1x16xf32> to vector<16xf32>
      %get3A_644 = arith.index_cast %scan3A_640 : i32 to index
      %get3A_645 = arith.constant 0 : index
      %get3A_646 = tpu.vector_load %arg10[%get3A_644, %get3A_645] {strides = array<i32>} : memref<200x64xf32, #tpu.memory_space<vmem>>, vector<1x16xf32>,
      %get3A_647 = vector.shape_cast %get3A_646 : vector<1x16xf32> to vector<16xf32>
      %add3A_648 = arith.addf %get3A_643, %get3A_647 : vector<16xf32>
      %swap3A = arith.index_cast %scan3A_640 : i32 to index
      %swap3A_649 = arith.constant 0 : index
      %swap3A_650 = tpu.vector_load %arg9[%swap3A, %swap3A_649] {strides = array<i32>} : memref<200x64xf32, #tpu.memory_space<vmem>>, vector<1x16xf32>,
      %swap3A_651 = vector.shape_cast %swap3A_650 : vector<1x16xf32> to vector<16xf32>
      %swap3A_652 = vector.shape_cast %add3A_648 : vector<16xf32> to vector<1x16xf32>
      tpu.vector_store %arg9[%swap3A, %swap3A_649], %swap3A_652 {strides = array<i32>} : memref<200x64xf32, #tpu.memory_space<vmem>>, vector<1x16xf32>,
      %get3A_653 = arith.index_cast %scan3A_640 : i32 to index
      %get3A_654 = arith.constant 16 : index
      %get3A_655 = tpu.vector_load %arg9[%get3A_653, %get3A_654] {strides = array<i32>} : memref<200x64xf32, #tpu.memory_space<vmem>>, vector<1x16xf32>,
      %get3A_656 = vector.shape_cast %get3A_655 : vector<1x16xf32> to vector<16xf32>
      %get3A_657 = arith.index_cast %scan3A_640 : i32 to index
      %get3A_658 = arith.constant 16 : index
      %get3A_659 = tpu.vector_load %arg10[%get3A_657, %get3A_658] {strides = array<i32>} : memref<200x64xf32, #tpu.memory_space<vmem>>, vector<1x16xf32>,
      %get3A_660 = vector.shape_cast %get3A_659 : vector<1x16xf32> to vector<16xf32>
      %add3A_661 = arith.addf %get3A_656, %get3A_660 : vector<16xf32>
      %swap3A_662 = arith.index_cast %scan3A_640 : i32 to index
      %swap3A_663 = arith.constant 16 : index
      %swap3A_664 = tpu.vector_load %arg9[%swap3A_662, %swap3A_663] {strides = array<i32>} : memref<200x64xf32, #tpu.memory_space<vmem>>, vector<1x16xf32>,
      %swap3A_665 = vector.shape_cast %swap3A_664 : vector<1x16xf32> to vector<16xf32>
      %swap3A_666 = vector.shape_cast %add3A_661 : vector<16xf32> to vector<1x16xf32>
      tpu.vector_store %arg9[%swap3A_662, %swap3A_663], %swap3A_666 {strides = array<i32>} : memref<200x64xf32, #tpu.memory_space<vmem>>, vector<1x16xf32>,
      %get3A_667 = arith.index_cast %scan3A_640 : i32 to index
      %get3A_668 = arith.constant 32 : index
      %get3A_669 = tpu.vector_load %arg9[%get3A_667, %get3A_668] {strides = array<i32>} : memref<200x64xf32, #tpu.memory_space<vmem>>, vector<1x16xf32>,
      %get3A_670 = vector.shape_cast %get3A_669 : vector<1x16xf32> to vector<16xf32>
      %get3A_671 = arith.index_cast %scan3A_640 : i32 to index
      %get3A_672 = arith.constant 32 : index
      %get3A_673 = tpu.vector_load %arg10[%get3A_671, %get3A_672] {strides = array<i32>} : memref<200x64xf32, #tpu.memory_space<vmem>>, vector<1x16xf32>,
      %get3A_674 = vector.shape_cast %get3A_673 : vector<1x16xf32> to vector<16xf32>
      %add3A_675 = arith.addf %get3A_670, %get3A_674 : vector<16xf32>
      %swap3A_676 = arith.index_cast %scan3A_640 : i32 to index
      %swap3A_677 = arith.constant 32 : index
      %swap3A_678 = tpu.vector_load %arg9[%swap3A_676, %swap3A_677] {strides = array<i32>} : memref<200x64xf32, #tpu.memory_space<vmem>>, vector<1x16xf32>,
      %swap3A_679 = vector.shape_cast %swap3A_678 : vector<1x16xf32> to vector<16xf32>
      %swap3A_680 = vector.shape_cast %add3A_675 : vector<16xf32> to vector<1x16xf32>
      tpu.vector_store %arg9[%swap3A_676, %swap3A_677], %swap3A_680 {strides = array<i32>} : memref<200x64xf32, #tpu.memory_space<vmem>>, vector<1x16xf32>,
      %get3A_681 = arith.index_cast %scan3A_640 : i32 to index
      %get3A_682 = arith.constant 48 : index
      %get3A_683 = tpu.vector_load %arg9[%get3A_681, %get3A_682] {strides = array<i32>} : memref<200x64xf32, #tpu.memory_space<vmem>>, vector<1x16xf32>,
      %get3A_684 = vector.shape_cast %get3A_683 : vector<1x16xf32> to vector<16xf32>
      %get3A_685 = arith.index_cast %scan3A_640 : i32 to index
      %get3A_686 = arith.constant 48 : index
      %get3A_687 = tpu.vector_load %arg10[%get3A_685, %get3A_686] {strides = array<i32>} : memref<200x64xf32, #tpu.memory_space<vmem>>, vector<1x16xf32>,
      %get3A_688 = vector.shape_cast %get3A_687 : vector<1x16xf32> to vector<16xf32>
      %add3A_689 = arith.addf %get3A_684, %get3A_688 : vector<16xf32>
      %swap3A_690 = arith.index_cast %scan3A_640 : i32 to index
      %swap3A_691 = arith.constant 48 : index
      %swap3A_692 = tpu.vector_load %arg9[%swap3A_690, %swap3A_691] {strides = array<i32>} : memref<200x64xf32, #tpu.memory_space<vmem>>, vector<1x16xf32>,
      %swap3A_693 = vector.shape_cast %swap3A_692 : vector<1x16xf32> to vector<16xf32>
      %swap3A_694 = vector.shape_cast %add3A_689 : vector<16xf32> to vector<1x16xf32>
      tpu.vector_store %arg9[%swap3A_690, %swap3A_691], %swap3A_694 {strides = array<i32>} : memref<200x64xf32, #tpu.memory_space<vmem>>, vector<1x16xf32>,
    }
    %scan3A_602 = arith.constant 200 : i32
    %add3A_603 = arith.constant 29 : i32
    %add3A_604 = arith.addi %mul3A_2, %add3A_603 : i32
    %mul3A_605 = arith.constant 200 : i32
    %mul3A_606 = arith.muli %add3A_604, %mul3A_605 : i32
    "tpu.region"() ({
      %run_scoped3A = tpu.sem_alloc : memref<!tpu.dma_semaphore, #tpu.memory_space<semaphore_mem>>
      %dma_start3A_640 = arith.constant 0 : i32
      %dma_start3A_641 = tpu.memref_slice %arg5[%mul3A_606, %dma_start3A_640] : memref<204800x64xf32, #tpu.memory_space<hbm>> -> memref<200x64xf32, #tpu.memory_space<hbm>>
      %dma_start3A_642 = arith.constant 0 : i32
      %dma_start3A_643 = tpu.memref_slice %arg5[%mul3A_606, %dma_start3A_642] : memref<204800x64xf32, #tpu.memory_space<hbm>> -> memref<200x64xf32, #tpu.memory_space<hbm>>
      tpu.enqueue_dma source(%arg9 : memref<200x64xf32, #tpu.memory_space<vmem>>) target(%dma_start3A_643 : memref<200x64xf32, #tpu.memory_space<hbm>>) target_semaphore(%run_scoped3A : memref<!tpu.dma_semaphore, #tpu.memory_space<semaphore_mem>>)
      %dma_wait3A_644 = arith.constant 0 : i32
      %dma_wait3A_645 = tpu.memref_slice %arg5[%mul3A_606, %dma_wait3A_644] : memref<204800x64xf32, #tpu.memory_space<hbm>> -> memref<200x64xf32, #tpu.memory_space<hbm>>
      %dma_wait3A_646 = arith.constant 0 : i32
      %dma_wait3A_647 = tpu.memref_slice %arg5[%mul3A_606, %dma_wait3A_646] : memref<204800x64xf32, #tpu.memory_space<hbm>> -> memref<200x64xf32, #tpu.memory_space<hbm>>
      tpu.wait_dma2 semaphore(%run_scoped3A : memref<!tpu.dma_semaphore, #tpu.memory_space<semaphore_mem>>) src(%arg9 : memref<200x64xf32, #tpu.memory_space<vmem>>) dst(%dma_wait3A_647 : memref<200x64xf32, #tpu.memory_space<hbm>>)
      tpu.yield
    }) : () -> ()
    %add3A_607 = arith.constant 31 : i32
    %add3A_608 = arith.addi %mul3A_2, %add3A_607 : i32
    %mul3A_609 = arith.constant 200 : i32
    %mul3A_610 = arith.muli %add3A_608, %mul3A_609 : i32
    "tpu.region"() ({
      %run_scoped3A = tpu.sem_alloc : memref<!tpu.dma_semaphore, #tpu.memory_space<semaphore_mem>>
      %dma_start3A_640 = tpu.memref_slice %arg2[%mul3A_610] : memref<204800xi32, #tpu.memory_space<hbm>> -> memref<200xi32, #tpu.memory_space<hbm>>
      %dma_start3A_641 = tpu.memref_slice %arg2[%mul3A_610] : memref<204800xi32, #tpu.memory_space<hbm>> -> memref<200xi32, #tpu.memory_space<hbm>>
      tpu.enqueue_dma source(%dma_start3A_641 : memref<200xi32, #tpu.memory_space<hbm>>) target(%arg7 : memref<200xi32, #tpu.memory_space<vmem>>) target_semaphore(%run_scoped3A : memref<!tpu.dma_semaphore, #tpu.memory_space<semaphore_mem>>)
      %dma_wait3A_642 = tpu.memref_slice %arg2[%mul3A_610] : memref<204800xi32, #tpu.memory_space<hbm>> -> memref<200xi32, #tpu.memory_space<hbm>>
      %dma_wait3A_643 = tpu.memref_slice %arg2[%mul3A_610] : memref<204800xi32, #tpu.memory_space<hbm>> -> memref<200xi32, #tpu.memory_space<hbm>>
      tpu.wait_dma2 semaphore(%run_scoped3A : memref<!tpu.dma_semaphore, #tpu.memory_space<semaphore_mem>>) src(%dma_wait3A_643 : memref<200xi32, #tpu.memory_space<hbm>>) dst(%arg7 : memref<200xi32, #tpu.memory_space<vmem>>)
      tpu.yield
    }) : () -> ()
    %dma_start3A_611 = arith.constant 0 : i32
    %dma_start3A_612 = arith.constant 0 : i32
    %dma_start3A_613 = tpu.memref_slice %arg3[%dma_start3A_611, %dma_start3A_612] : memref<1000000x64xf32, #tpu.memory_space<hbm>> -> memref<1000000x64xf32, #tpu.memory_space<hbm>>
    tpu.enqueue_indirect_dma source(%dma_start3A_613 : memref<1000000x64xf32, #tpu.memory_space<hbm>>) target(%arg9 : memref<200x64xf32, #tpu.memory_space<vmem>>) offsets(%arg7 : memref<200xi32, #tpu.memory_space<vmem>>) semaphore(%arg12 : memref<!tpu.dma_semaphore, #tpu.memory_space<semaphore_mem>>)
    %dma_wait3A_614 = arith.constant 0 : i32
    %dma_wait3A_615 = arith.constant 0 : i32
    %dma_wait3A_616 = tpu.memref_slice %arg3[%dma_wait3A_614, %dma_wait3A_615] : memref<1000000x64xf32, #tpu.memory_space<hbm>> -> memref<1000000x64xf32, #tpu.memory_space<hbm>>
    tpu.wait_indirect_dma semaphore(%arg11 : memref<!tpu.dma_semaphore, #tpu.memory_space<semaphore_mem>>) src(%dma_wait3A_616 : memref<1000000x64xf32, #tpu.memory_space<hbm>>) dst(%arg8 : memref<200x64xf32, #tpu.memory_space<vmem>>)
    %scan3A_617 = arith.constant 0 : i32
    %scan3A_618 = arith.constant 0 : i32
    %scan3A_619 = arith.constant 200 : i32
    %scan3A_620 = arith.addi %scan3A_618, %scan3A_619 : i32
    %scan3A_621 = arith.constant 1 : i32
    scf.for %scan3A_640 = %scan3A_618 to %scan3A_620 step %scan3A_621  : i32 {
      %get3A = arith.index_cast %scan3A_640 : i32 to index
      %get3A_641 = arith.constant 0 : index
      %get3A_642 = tpu.vector_load %arg8[%get3A, %get3A_641] {strides = array<i32>} : memref<200x64xf32, #tpu.memory_space<vmem>>, vector<1x16xf32>,
      %get3A_643 = vector.shape_cast %get3A_642 : vector<1x16xf32> to vector<16xf32>
      %get3A_644 = arith.index_cast %scan3A_640 : i32 to index
      %get3A_645 = arith.constant 0 : index
      %get3A_646 = tpu.vector_load %arg10[%get3A_644, %get3A_645] {strides = array<i32>} : memref<200x64xf32, #tpu.memory_space<vmem>>, vector<1x16xf32>,
      %get3A_647 = vector.shape_cast %get3A_646 : vector<1x16xf32> to vector<16xf32>
      %add3A_648 = arith.addf %get3A_643, %get3A_647 : vector<16xf32>
      %swap3A = arith.index_cast %scan3A_640 : i32 to index
      %swap3A_649 = arith.constant 0 : index
      %swap3A_650 = tpu.vector_load %arg8[%swap3A, %swap3A_649] {strides = array<i32>} : memref<200x64xf32, #tpu.memory_space<vmem>>, vector<1x16xf32>,
      %swap3A_651 = vector.shape_cast %swap3A_650 : vector<1x16xf32> to vector<16xf32>
      %swap3A_652 = vector.shape_cast %add3A_648 : vector<16xf32> to vector<1x16xf32>
      tpu.vector_store %arg8[%swap3A, %swap3A_649], %swap3A_652 {strides = array<i32>} : memref<200x64xf32, #tpu.memory_space<vmem>>, vector<1x16xf32>,
      %get3A_653 = arith.index_cast %scan3A_640 : i32 to index
      %get3A_654 = arith.constant 16 : index
      %get3A_655 = tpu.vector_load %arg8[%get3A_653, %get3A_654] {strides = array<i32>} : memref<200x64xf32, #tpu.memory_space<vmem>>, vector<1x16xf32>,
      %get3A_656 = vector.shape_cast %get3A_655 : vector<1x16xf32> to vector<16xf32>
      %get3A_657 = arith.index_cast %scan3A_640 : i32 to index
      %get3A_658 = arith.constant 16 : index
      %get3A_659 = tpu.vector_load %arg10[%get3A_657, %get3A_658] {strides = array<i32>} : memref<200x64xf32, #tpu.memory_space<vmem>>, vector<1x16xf32>,
      %get3A_660 = vector.shape_cast %get3A_659 : vector<1x16xf32> to vector<16xf32>
      %add3A_661 = arith.addf %get3A_656, %get3A_660 : vector<16xf32>
      %swap3A_662 = arith.index_cast %scan3A_640 : i32 to index
      %swap3A_663 = arith.constant 16 : index
      %swap3A_664 = tpu.vector_load %arg8[%swap3A_662, %swap3A_663] {strides = array<i32>} : memref<200x64xf32, #tpu.memory_space<vmem>>, vector<1x16xf32>,
      %swap3A_665 = vector.shape_cast %swap3A_664 : vector<1x16xf32> to vector<16xf32>
      %swap3A_666 = vector.shape_cast %add3A_661 : vector<16xf32> to vector<1x16xf32>
      tpu.vector_store %arg8[%swap3A_662, %swap3A_663], %swap3A_666 {strides = array<i32>} : memref<200x64xf32, #tpu.memory_space<vmem>>, vector<1x16xf32>,
      %get3A_667 = arith.index_cast %scan3A_640 : i32 to index
      %get3A_668 = arith.constant 32 : index
      %get3A_669 = tpu.vector_load %arg8[%get3A_667, %get3A_668] {strides = array<i32>} : memref<200x64xf32, #tpu.memory_space<vmem>>, vector<1x16xf32>,
      %get3A_670 = vector.shape_cast %get3A_669 : vector<1x16xf32> to vector<16xf32>
      %get3A_671 = arith.index_cast %scan3A_640 : i32 to index
      %get3A_672 = arith.constant 32 : index
      %get3A_673 = tpu.vector_load %arg10[%get3A_671, %get3A_672] {strides = array<i32>} : memref<200x64xf32, #tpu.memory_space<vmem>>, vector<1x16xf32>,
      %get3A_674 = vector.shape_cast %get3A_673 : vector<1x16xf32> to vector<16xf32>
      %add3A_675 = arith.addf %get3A_670, %get3A_674 : vector<16xf32>
      %swap3A_676 = arith.index_cast %scan3A_640 : i32 to index
      %swap3A_677 = arith.constant 32 : index
      %swap3A_678 = tpu.vector_load %arg8[%swap3A_676, %swap3A_677] {strides = array<i32>} : memref<200x64xf32, #tpu.memory_space<vmem>>, vector<1x16xf32>,
      %swap3A_679 = vector.shape_cast %swap3A_678 : vector<1x16xf32> to vector<16xf32>
      %swap3A_680 = vector.shape_cast %add3A_675 : vector<16xf32> to vector<1x16xf32>
      tpu.vector_store %arg8[%swap3A_676, %swap3A_677], %swap3A_680 {strides = array<i32>} : memref<200x64xf32, #tpu.memory_space<vmem>>, vector<1x16xf32>,
      %get3A_681 = arith.index_cast %scan3A_640 : i32 to index
      %get3A_682 = arith.constant 48 : index
      %get3A_683 = tpu.vector_load %arg8[%get3A_681, %get3A_682] {strides = array<i32>} : memref<200x64xf32, #tpu.memory_space<vmem>>, vector<1x16xf32>,
      %get3A_684 = vector.shape_cast %get3A_683 : vector<1x16xf32> to vector<16xf32>
      %get3A_685 = arith.index_cast %scan3A_640 : i32 to index
      %get3A_686 = arith.constant 48 : index
      %get3A_687 = tpu.vector_load %arg10[%get3A_685, %get3A_686] {strides = array<i32>} : memref<200x64xf32, #tpu.memory_space<vmem>>, vector<1x16xf32>,
      %get3A_688 = vector.shape_cast %get3A_687 : vector<1x16xf32> to vector<16xf32>
      %add3A_689 = arith.addf %get3A_684, %get3A_688 : vector<16xf32>
      %swap3A_690 = arith.index_cast %scan3A_640 : i32 to index
      %swap3A_691 = arith.constant 48 : index
      %swap3A_692 = tpu.vector_load %arg8[%swap3A_690, %swap3A_691] {strides = array<i32>} : memref<200x64xf32, #tpu.memory_space<vmem>>, vector<1x16xf32>,
      %swap3A_693 = vector.shape_cast %swap3A_692 : vector<1x16xf32> to vector<16xf32>
      %swap3A_694 = vector.shape_cast %add3A_689 : vector<16xf32> to vector<1x16xf32>
      tpu.vector_store %arg8[%swap3A_690, %swap3A_691], %swap3A_694 {strides = array<i32>} : memref<200x64xf32, #tpu.memory_space<vmem>>, vector<1x16xf32>,
    }
    %scan3A_622 = arith.constant 200 : i32
    %add3A_623 = arith.constant 30 : i32
    %add3A_624 = arith.addi %mul3A_2, %add3A_623 : i32
    %mul3A_625 = arith.constant 200 : i32
    %mul3A_626 = arith.muli %add3A_624, %mul3A_625 : i32
    "tpu.region"() ({
      %run_scoped3A = tpu.sem_alloc : memref<!tpu.dma_semaphore, #tpu.memory_space<semaphore_mem>>
      %dma_start3A_640 = arith.constant 0 : i32
      %dma_start3A_641 = tpu.memref_slice %arg5[%mul3A_626, %dma_start3A_640] : memref<204800x64xf32, #tpu.memory_space<hbm>> -> memref<200x64xf32, #tpu.memory_space<hbm>>
      %dma_start3A_642 = arith.constant 0 : i32
      %dma_start3A_643 = tpu.memref_slice %arg5[%mul3A_626, %dma_start3A_642] : memref<204800x64xf32, #tpu.memory_space<hbm>> -> memref<200x64xf32, #tpu.memory_space<hbm>>
      tpu.enqueue_dma source(%arg8 : memref<200x64xf32, #tpu.memory_space<vmem>>) target(%dma_start3A_643 : memref<200x64xf32, #tpu.memory_space<hbm>>) target_semaphore(%run_scoped3A : memref<!tpu.dma_semaphore, #tpu.memory_space<semaphore_mem>>)
      %dma_wait3A_644 = arith.constant 0 : i32
      %dma_wait3A_645 = tpu.memref_slice %arg5[%mul3A_626, %dma_wait3A_644] : memref<204800x64xf32, #tpu.memory_space<hbm>> -> memref<200x64xf32, #tpu.memory_space<hbm>>
      %dma_wait3A_646 = arith.constant 0 : i32
      %dma_wait3A_647 = tpu.memref_slice %arg5[%mul3A_626, %dma_wait3A_646] : memref<204800x64xf32, #tpu.memory_space<hbm>> -> memref<200x64xf32, #tpu.memory_space<hbm>>
      tpu.wait_dma2 semaphore(%run_scoped3A : memref<!tpu.dma_semaphore, #tpu.memory_space<semaphore_mem>>) src(%arg8 : memref<200x64xf32, #tpu.memory_space<vmem>>) dst(%dma_wait3A_647 : memref<200x64xf32, #tpu.memory_space<hbm>>)
      tpu.yield
    }) : () -> ()
    %dma_wait3A_627 = arith.constant 0 : i32
    %dma_wait3A_628 = arith.constant 0 : i32
    %dma_wait3A_629 = tpu.memref_slice %arg3[%dma_wait3A_627, %dma_wait3A_628] : memref<1000000x64xf32, #tpu.memory_space<hbm>> -> memref<1000000x64xf32, #tpu.memory_space<hbm>>
    tpu.wait_indirect_dma semaphore(%arg12 : memref<!tpu.dma_semaphore, #tpu.memory_space<semaphore_mem>>) src(%dma_wait3A_629 : memref<1000000x64xf32, #tpu.memory_space<hbm>>) dst(%arg9 : memref<200x64xf32, #tpu.memory_space<vmem>>)
    %scan3A_630 = arith.constant 0 : i32
    %scan3A_631 = arith.constant 0 : i32
    %scan3A_632 = arith.constant 200 : i32
    %scan3A_633 = arith.addi %scan3A_631, %scan3A_632 : i32
    %scan3A_634 = arith.constant 1 : i32
    scf.for %scan3A_640 = %scan3A_631 to %scan3A_633 step %scan3A_634  : i32 {
      %get3A = arith.index_cast %scan3A_640 : i32 to index
      %get3A_641 = arith.constant 0 : index
      %get3A_642 = tpu.vector_load %arg9[%get3A, %get3A_641] {strides = array<i32>} : memref<200x64xf32, #tpu.memory_space<vmem>>, vector<1x16xf32>,
      %get3A_643 = vector.shape_cast %get3A_642 : vector<1x16xf32> to vector<16xf32>
      %get3A_644 = arith.index_cast %scan3A_640 : i32 to index
      %get3A_645 = arith.constant 0 : index
      %get3A_646 = tpu.vector_load %arg10[%get3A_644, %get3A_645] {strides = array<i32>} : memref<200x64xf32, #tpu.memory_space<vmem>>, vector<1x16xf32>,
      %get3A_647 = vector.shape_cast %get3A_646 : vector<1x16xf32> to vector<16xf32>
      %add3A_648 = arith.addf %get3A_643, %get3A_647 : vector<16xf32>
      %swap3A = arith.index_cast %scan3A_640 : i32 to index
      %swap3A_649 = arith.constant 0 : index
      %swap3A_650 = tpu.vector_load %arg9[%swap3A, %swap3A_649] {strides = array<i32>} : memref<200x64xf32, #tpu.memory_space<vmem>>, vector<1x16xf32>,
      %swap3A_651 = vector.shape_cast %swap3A_650 : vector<1x16xf32> to vector<16xf32>
      %swap3A_652 = vector.shape_cast %add3A_648 : vector<16xf32> to vector<1x16xf32>
      tpu.vector_store %arg9[%swap3A, %swap3A_649], %swap3A_652 {strides = array<i32>} : memref<200x64xf32, #tpu.memory_space<vmem>>, vector<1x16xf32>,
      %get3A_653 = arith.index_cast %scan3A_640 : i32 to index
      %get3A_654 = arith.constant 16 : index
      %get3A_655 = tpu.vector_load %arg9[%get3A_653, %get3A_654] {strides = array<i32>} : memref<200x64xf32, #tpu.memory_space<vmem>>, vector<1x16xf32>,
      %get3A_656 = vector.shape_cast %get3A_655 : vector<1x16xf32> to vector<16xf32>
      %get3A_657 = arith.index_cast %scan3A_640 : i32 to index
      %get3A_658 = arith.constant 16 : index
      %get3A_659 = tpu.vector_load %arg10[%get3A_657, %get3A_658] {strides = array<i32>} : memref<200x64xf32, #tpu.memory_space<vmem>>, vector<1x16xf32>,
      %get3A_660 = vector.shape_cast %get3A_659 : vector<1x16xf32> to vector<16xf32>
      %add3A_661 = arith.addf %get3A_656, %get3A_660 : vector<16xf32>
      %swap3A_662 = arith.index_cast %scan3A_640 : i32 to index
      %swap3A_663 = arith.constant 16 : index
      %swap3A_664 = tpu.vector_load %arg9[%swap3A_662, %swap3A_663] {strides = array<i32>} : memref<200x64xf32, #tpu.memory_space<vmem>>, vector<1x16xf32>,
      %swap3A_665 = vector.shape_cast %swap3A_664 : vector<1x16xf32> to vector<16xf32>
      %swap3A_666 = vector.shape_cast %add3A_661 : vector<16xf32> to vector<1x16xf32>
      tpu.vector_store %arg9[%swap3A_662, %swap3A_663], %swap3A_666 {strides = array<i32>} : memref<200x64xf32, #tpu.memory_space<vmem>>, vector<1x16xf32>,
      %get3A_667 = arith.index_cast %scan3A_640 : i32 to index
      %get3A_668 = arith.constant 32 : index
      %get3A_669 = tpu.vector_load %arg9[%get3A_667, %get3A_668] {strides = array<i32>} : memref<200x64xf32, #tpu.memory_space<vmem>>, vector<1x16xf32>,
      %get3A_670 = vector.shape_cast %get3A_669 : vector<1x16xf32> to vector<16xf32>
      %get3A_671 = arith.index_cast %scan3A_640 : i32 to index
      %get3A_672 = arith.constant 32 : index
      %get3A_673 = tpu.vector_load %arg10[%get3A_671, %get3A_672] {strides = array<i32>} : memref<200x64xf32, #tpu.memory_space<vmem>>, vector<1x16xf32>,
      %get3A_674 = vector.shape_cast %get3A_673 : vector<1x16xf32> to vector<16xf32>
      %add3A_675 = arith.addf %get3A_670, %get3A_674 : vector<16xf32>
      %swap3A_676 = arith.index_cast %scan3A_640 : i32 to index
      %swap3A_677 = arith.constant 32 : index
      %swap3A_678 = tpu.vector_load %arg9[%swap3A_676, %swap3A_677] {strides = array<i32>} : memref<200x64xf32, #tpu.memory_space<vmem>>, vector<1x16xf32>,
      %swap3A_679 = vector.shape_cast %swap3A_678 : vector<1x16xf32> to vector<16xf32>
      %swap3A_680 = vector.shape_cast %add3A_675 : vector<16xf32> to vector<1x16xf32>
      tpu.vector_store %arg9[%swap3A_676, %swap3A_677], %swap3A_680 {strides = array<i32>} : memref<200x64xf32, #tpu.memory_space<vmem>>, vector<1x16xf32>,
      %get3A_681 = arith.index_cast %scan3A_640 : i32 to index
      %get3A_682 = arith.constant 48 : index
      %get3A_683 = tpu.vector_load %arg9[%get3A_681, %get3A_682] {strides = array<i32>} : memref<200x64xf32, #tpu.memory_space<vmem>>, vector<1x16xf32>,
      %get3A_684 = vector.shape_cast %get3A_683 : vector<1x16xf32> to vector<16xf32>
      %get3A_685 = arith.index_cast %scan3A_640 : i32 to index
      %get3A_686 = arith.constant 48 : index
      %get3A_687 = tpu.vector_load %arg10[%get3A_685, %get3A_686] {strides = array<i32>} : memref<200x64xf32, #tpu.memory_space<vmem>>, vector<1x16xf32>,
      %get3A_688 = vector.shape_cast %get3A_687 : vector<1x16xf32> to vector<16xf32>
      %add3A_689 = arith.addf %get3A_684, %get3A_688 : vector<16xf32>
      %swap3A_690 = arith.index_cast %scan3A_640 : i32 to index
      %swap3A_691 = arith.constant 48 : index
      %swap3A_692 = tpu.vector_load %arg9[%swap3A_690, %swap3A_691] {strides = array<i32>} : memref<200x64xf32, #tpu.memory_space<vmem>>, vector<1x16xf32>,
      %swap3A_693 = vector.shape_cast %swap3A_692 : vector<1x16xf32> to vector<16xf32>
      %swap3A_694 = vector.shape_cast %add3A_689 : vector<16xf32> to vector<1x16xf32>
      tpu.vector_store %arg9[%swap3A_690, %swap3A_691], %swap3A_694 {strides = array<i32>} : memref<200x64xf32, #tpu.memory_space<vmem>>, vector<1x16xf32>,
    }
    %scan3A_635 = arith.constant 200 : i32
    %add3A_636 = arith.constant 31 : i32
    %add3A_637 = arith.addi %mul3A_2, %add3A_636 : i32
    %mul3A_638 = arith.constant 200 : i32
    %mul3A_639 = arith.muli %add3A_637, %mul3A_638 : i32
    "tpu.region"() ({
      %run_scoped3A = tpu.sem_alloc : memref<!tpu.dma_semaphore, #tpu.memory_space<semaphore_mem>>
      %dma_start3A_640 = arith.constant 0 : i32
      %dma_start3A_641 = tpu.memref_slice %arg5[%mul3A_639, %dma_start3A_640] : memref<204800x64xf32, #tpu.memory_space<hbm>> -> memref<200x64xf32, #tpu.memory_space<hbm>>
      %dma_start3A_642 = arith.constant 0 : i32
      %dma_start3A_643 = tpu.memref_slice %arg5[%mul3A_639, %dma_start3A_642] : memref<204800x64xf32, #tpu.memory_space<hbm>> -> memref<200x64xf32, #tpu.memory_space<hbm>>
      tpu.enqueue_dma source(%arg9 : memref<200x64xf32, #tpu.memory_space<vmem>>) target(%dma_start3A_643 : memref<200x64xf32, #tpu.memory_space<hbm>>) target_semaphore(%run_scoped3A : memref<!tpu.dma_semaphore, #tpu.memory_space<semaphore_mem>>)
      %dma_wait3A_644 = arith.constant 0 : i32
      %dma_wait3A_645 = tpu.memref_slice %arg5[%mul3A_639, %dma_wait3A_644] : memref<204800x64xf32, #tpu.memory_space<hbm>> -> memref<200x64xf32, #tpu.memory_space<hbm>>
      %dma_wait3A_646 = arith.constant 0 : i32
      %dma_wait3A_647 = tpu.memref_slice %arg5[%mul3A_639, %dma_wait3A_646] : memref<204800x64xf32, #tpu.memory_space<hbm>> -> memref<200x64xf32, #tpu.memory_space<hbm>>
      tpu.wait_dma2 semaphore(%run_scoped3A : memref<!tpu.dma_semaphore, #tpu.memory_space<semaphore_mem>>) src(%arg9 : memref<200x64xf32, #tpu.memory_space<vmem>>) dst(%dma_wait3A_647 : memref<200x64xf32, #tpu.memory_space<hbm>>)
      tpu.yield
    }) : () -> ()
    return
  }
}

</mosaic_0001>

<sc_bundles>
// kernel: sparse-core-data-format-call.cloned.1.call-start
scs
called_computation_lowered:
.L_overlay_start_0:
0x0: {  	s2 =	sld [smem:$0x3FD9]  }
0x1: {  	s3 =	sld [smem:$0x3FFE];
	_ =	sdelay $0x1  }
0x2: {  	s1 =	srdreg.scid  }
0x3: {  	s0 =	sand.u32 $0x1, s1  }
0x4: {  	s18 =	sshll.u32 s0, $0xA;
	s2 =	sadd.s32 s3, s2  }
0x5: {  	s2 =	sadd.s32 s2, s18  }
0x6: {  	[smem:$0x3FC5] =	sst s2  }
0x7: {  	_ = 	snop  }
0x8: {  	s2 =	sld [smem:$0x3FD0];
	(tm) =	ssettm $0x1  }
0x9: {  	s19 =	sld [smem:$0x3FFB];
	_ =	sdelay $0x3  }
0xa: {  	_ =	strace s19  }
0xb: {  	s3 =	sld [smem:$0x3FFC];
	_ =	sdelay $0x3  }
0xc: {  	_ =	strace s3  }
0xd: {  	s3 =	sld [smem:$0x3FFD];
	_ =	sdelay $0x3  }
0xe: {  	_ =	strace s3  }
0xf: {  	_ =	strace $0x8FFFFFFF  }
0x10: {  	s20 =	sld [smem:$0x3FDB];
	_ =	sdelay $0x1  }
0x11: {  	s4 =	simm.s32 $_scs_section_size  }
0x12: {  	s5 =	simm.s32 $_size__tile_overlayer_lowered;
	s6 =	simm.s32 $_tile_overlayer_lowered  }
0x13: {  	s23 =	simm.s32 $0x1BFF;
	s22 =	sshll.u32 s6, $0x1;
	s3 =	sadd.s32 s4, s20  }
0x14: {  	s7 =	simm.s32 $0x0;
	s21 =	sshll.u32 s5, $0x1;
	s5 =	sadd.s32 s22, s3  }
0x15: {  	[timem:s7], [sflag:s23] =	dma.local [hbm:s5], s21  }
0x16: {  	_ =	swait.ge [sflag:s23], s21  }
0x17: {  	s4 =	ssub.s32 $0x0, s21;
	[sflag:s23] =	ssyncset.done $0x0  }
0x18: {  	[sflag:s23] =	ssyncadd.s32 s4;
	_ =	sdelay $0x1  }
0x19: {  	s24 =	simm.s32 $0x1B8B  }
0x1a: {  	_ =	swait.ge [sflag:s24], $0x1  }
0x1b: {  	[sflag:s24] =	ssyncset.done $0x0  }
0x1c: {  	s26 =	simm.s32 $0x1B8E;
	s25 =	sld [smem:$0x3FFE];
	[sflag:s24] =	ssyncadd.s32 $0xFFFFFFFF  }
0x1d: {  	s27 =	simm.s32 $execute0_lowered;
	[smem:$0x3FD2] =	sst s26  }
0x1e: {  	s5 =	sshll.u32 s27, $0x1;
	_ =	strace $0x80000049;
	[dreg:$0x1] =	wrdreg $0xFFFFFFFF  }
0x1f: {  	s28 =	simm.s32 $_size_execute0_lowered;
	s3 =	sadd.s32 s3, s5;
	[dreg:$0x0] =	wrdreg $0x0  }
0x20: {  	s5 =	sshll.u32 s28, $0x1;
	[dreg:$0x2] =	wrdreg s3  }
0x21: {  	[dreg:$0x3] =	wrdreg s5  }
0x22: {  	[dreg:$0x4] =	wrdreg $0xC0  }
0x23: {  	_ =	task [dreg:s7], $0x5FFFF  }
0x24: {  	[dreg:$0x1] =	wrdreg $0xFFFFFFFF  }
0x25: {  	[dreg:$0x0] =	wrdreg $0x60  }
0x26: {  	[dreg:$0x2] =	wrdreg s25  }
0x27: {  	[dreg:$0x3] =	wrdreg s2  }
0x28: {  	[dreg:$0x4] =	wrdreg $0x9  }
0x29: {  	_ =	task.clear_ibuf [dreg:s7], $0x5FFFF;
	_ =	strace $0x90000049  }
0x2a: {  	s29 =	simm.s32 $0x9;
	_ =	strace $0x8000004B  }
0x2b: {  	_ =	swait.ge [sflag:s29], $0x1  }
0x2c: {  	[sflag:s29] =	ssyncadd.s32 $0xFFFFFFFF  }
0x2d: {  	_ =	strace $0x9000004B  }
0x2e: {  	_ =	sfence  }
0x2f: {  	s30 =	sld [smem:$0x0];
	_ =	sdelay $0x2  }
0x30: {  	s31 =	sshll.u32 s1, $0xD;
	s1 =	sshrl.u32 s1, $0x2  }
0x31: {  	s3 =	sand.u32 $0x4000, s31;
	s1 =	sadd.s32 s1, s30  }
0x32: {  	s0 =	sor.u32 s3, s0;
	s1 =	sshll.u32 s1, $0x11  }
0x33: {  	s0 =	sor.u32 s1, s0  }
0x34: {  	s0 =	sadd.s32 $0x8F2B, s0  }
0x35: {  	[sflag:s0] =	ssyncadd.remote.s32 $0x1  }
0x36: {  	_ =	sfence.sel $0xFFFF  }
0x37: {  	[dreg:$0x0] =	wrdreg $0xFFFFFFFF;
	(pc) =	sbr.abs _section_cstart, $3  }
0x38: {  	[dreg:$0x1] =	wrdreg $0xFFFFFFFF  }
0x39: {  	_ =	task.clear_ibuf [dreg:s7], $0x2FFFF;
	_ =	strace $0x9FFFFFFF  }
0x3a: {  	(tm) =	ssettm $0x7FFFFFFF  }
0x3b: {  	_ =	shalt  }
tec
execute0_lowered:
.L_overlay_start_1:
0x0: {  	(tag) =	ssettag $0x1  }
0x1: {  	s0 =	stileid.u32;
	s6 =	rddreg [dreg:$0x0]  }
0x2: {  	s2 =	rddreg [dreg:$0x1];
	s5 =	srdreg.scid  }
0x3: {  	s31 =	simm.s32 $0x2;
	s13 =	simm.s32 $0x0;
	s1 =	sshll.u32 s0, $0x7  }
0x4: {  	s14 =	simm.s32 $0x0;
	s12 =	simm.s32 $0x0;
	s3 =	sand.u32 $0x380, s1  }
0x5: {  	s5 =	sshll.u32 s5, $0x4;
	s6 =	sadd.s32 $0xE00, s6;
	s4 =	ssub.s32 $0x400, s3  }
0x6: {  	s1 =	rddreg [dreg:$0x2];
	_ =	strace $0x8000004A;
	s7 =	sand.u32 $0x380, s4  }
0x7: {  	s5 =	sand.u32 $0x10, s5;
	p0 =	sne.s32 s7, $0x0;
	s7 =	simm.s32 $0x1  }
.Ltmp0:
0x8: {  	s8 =	sshrl.u32 s4, $0xA;
	s7 =	simm.s32 @!p0 $0x0;
	(pc) =	sbr.rel .LBB1_1-.Ltmp0, $4  }
0x9: {  	s9 =	sor.u32 s0, s5;
	s4 =	simm.s32 $0x1;
	s30 =	sadd.s32 s7, s8  }
0xa: {  	s11 =	smov.u32 s3;
	[sflag:s4] =	ssyncpa.u1 $0x0;
	s5 =	smul.u32 $0x32, s30  }
0xb: {  	[sflag:s31] =	ssyncpa.u1 $0x0;
	p0 =	por $0x0, $0x0;
	s7 =	sshrl.u32 s9, $0x3  }
0xc: {  	s9 =	simm.s32 $0x2000;
	s10 =	smov.u32 s7;
	s8 =	sor.u32 $0x1, s5  }
.LBB1_4:
0xd: {  	s17 =	sand.u32 $0x1F80, s14;
	s13 =	sshll.u32 s13, $0xD  }
0xe: {  	[tilespmem:s16+$0x810 ss:$0x81] =	vst.msk $0xffff, v2;
	s18 =	sshrl.u32 s14, $0x3;
	s31 =	sand.u32 $0x7, s14;
	s17 =	sadd.s32 s2, s17  }
0xf: {  	[tilespmem:s16+$0x1020 ss:$0x81] =	vst.msk $0xffff, v0;
	s18 =	sand.u32 $0xF, s18;
	s14 =	sshll.u32 s31, $0x12;
	s13 =	sadd.s32 s13, s17  }
0x10: {  	[tilespmem:s16+$0x0 ss:$0x81] =	vst.msk $0xffff, v1;
	s14 =	sor.u32 $0x400, s14;
	s13 =	sadd.s32 s18, s13  }
0x11: {  	[hbm4b:s13+s14] =	stream.strided.scatter [tilespmem:s15], [sflag:$0x2], $0x2000, s9, s14, $0x20;
	[tilespmem:$0x8080] =	vst v63  }
.LBB1_5:
0x12: {  	s15 =	sadd.s32 $0x4, s10  }
0x13: {  	s13 =	sadd.s32 $0x400, s11;
	s17 =	smov.u32 s11;
	p2 =	sgt.s32 s15, $0xC7  }
0x14: {  	s17 =	smov.u32 @p2 s13  }
0x15: {  	s15 =	smov.u32 @p2 s7;
	p2 =	sgt.s32 s17, $0x3FF  }
0x16: {  	s17 =	smov.u32 @p2 s3;
	p2 =	sne.s32 s12, s8  }
.Ltmp1:
0x17: {  	p1 =	slt.u32 s12, $0x2;
	(pc) =	sbr.rel @!p2 .LBB1_6-.Ltmp1, $4  }
0x18: {  	s16 =	simm.s32 @!p1 $0x2  }
0x19: {  	s14 =	smov.u32 s11;
	p0 =	por !p0, !p0;
	_ =	swait.ge @!p1 [sflag:s16], $0x2000  }
0x1a: {  	s13 =	smov.u32 s10;
	[sflag:s16] =	ssyncset.done @!p1 $0x0;
	s10 =	smov.u32 s15  }
0x1b: {  	s12 =	sadd.s32 $0x1, s12;
	[sflag:s16] =	ssyncadd.s32 @!p1 $0xFFFFE000;
	s11 =	smov.u32 s17  }
.LBB1_1:
0x1c: {  	p1 =	sge.u32 s12, s5  }
0x1d: {  	s15 =	sand.u32 @!p1 $0x1FFFFFF, s10  }
0x1e: {  	s16 =	smulhi.u32 @!p1 $0x147AE15, s15;
	_ =	sdelay $0x1  }
0x1f: {  	s16 =	smul.u32 @!p1 $0xC8, s16  }
0x20: {  	s17 =	sxor.u32 @!p1 $0xFFFFFFFF, s12;
	s18 =	smul.u32 @!p1 $0xC80, s11  }
0x21: {  	s31 =	sadd.s32 $0xFFFFFFFF, s12;
	s17 =	sshll.u32 @!p1 s17, $0xD;
	s15 =	ssub.s32 @!p1 s15, s16  }
0x22: {  	s16 =	sand.u32 @!p1 $0x2000, s17;
	s17 =	sadd.s32 @!p1 s6, s18;
	s15 =	sshll.u32 @!p1 s15, $0x4  }
0x23: {  	s18 =	simm.s32 @!p1 $0x6400;
	s15 =	sadd.s32 @!p1 s15, s17;
	s17 =	simm.s32 @!p1 $0x40  }
0x24: {  	[tilespmem:s16], [sflag:$0x1] =	stream.strided.gather @!p1 [hbm4b:s15+s17], $0x2000, s18, s17, $0x38;
	[tilespmem:$0x8080] =	vst v63  }
0x25: {  	p1 =	sge.u32 s31, s5  }
.Ltmp2:
0x26: {  	_ = 	snop;
	(pc) =	sbr.rel @p1 .LBB1_5-.Ltmp2, $1  }
0x27: {  	_ =	sdelay $0x3  }
0x28: {  	s15 =	simm.s32 $0x1  }
0x29: {  	_ =	swait.ge [sflag:s4], $0x2000;
	s15 =	simm.s32 @!p0 $0x0  }
0x2a: {  	[sflag:s4] =	ssyncset.done $0x0;
	s16 =	sshll.u32 s15, $0xD  }
0x2b: {  	[sflag:s4] =	ssyncadd.s32 $0xFFFFE000;
	s19 =	sor.u32 $0x20, s16  }
0x2c: {  	s15 =	smul.u32 $0x8100, s15;
	v3 =	vld [tilespmem:s19+$0x10]  }
0x2d: {  	s30 =	sand.u32 $0x1, s12;
	v2 =	vld [tilespmem:s19+$0xFFFFFFF0]  }
0x2e: {  	s16 =	smul.u32 $0x8100, s30;
	s15 =	sshrl.u32 s15, $0x2;
	v0 =	vld [tilespmem:s19+$0x0]  }
0x2f: {  	v1 =	vld [tilespmem:s19+$0xFFFFFFE0];
	s17 =	sor.u32 $0x4000, s15  }
0x30: {  	s31 =	sshrl.u32 s16, $0x2;
	s16 =	sadd.s32 $0x0, s17  }
0x31: {  	s18 =	simm.s32 $0x4;
	s19 =	sadd.s32 $0x40, s19;
	s15 =	sor.u32 $0x4000, s31;
	[tilespmem:s16+$0x1830 ss:$0x81] =	vst.msk $0xffff, v3  }
.LBB1_3:
0x32: {  	v3 =	vld [tilespmem:s19+$0x10];
	p1 =	sne.s32 s18, $0x1FC;
	[tilespmem:s16+$0x810 ss:$0x81] =	vst.msk $0xffff, v2;
	s20 =	smov.u32 s18;
	s18 =	sadd.s32 $0x4, s18  }
.Ltmp3:
0x33: {  	v2 =	vld [tilespmem:s19+$0xFFFFFFF0];
	[tilespmem:s16+$0x1020 ss:$0x81] =	vst.msk $0xffff, v0;
	(pc) =	sbr.rel @p1 .LBB1_3-.Ltmp3, $4  }
0x34: {  	v0 =	vld [tilespmem:s19+$0x0];
	[tilespmem:s16+$0x0 ss:$0x81] =	vst.msk $0xffff, v1  }
0x35: {  	s16 =	sshra.s32 s20, $0x2;
	v1 =	vld [tilespmem:s19+$0xFFFFFFE0]  }
0x36: {  	s16 =	sadd.s32 s16, s17  }
0x37: {  	s19 =	sadd.s32 $0x40, s19;
	[tilespmem:s16+$0x1830 ss:$0x81] =	vst.msk $0xffff, v3  }
.Ltmp4:
0x38: {  	_ = 	snop;
	(pc) =	sbr.rel .LBB1_4-.Ltmp4, $1  }
0x39: {  	_ =	sdelay $0x3  }
.LBB1_6:
0x3a: {  	_ =	sfence.sel $0x180000  }
0x3b: {  	s2 =	simm.s32 $0x1;
	[bflag:$0x0] =	sbarrier.arrive $0xFFFF  }
0x3c: {  	s31 =	simm.s32 $0x2;
	[sflag:s2] =	ssyncpa.u1 $0x1  }
0x3d: {  	[sflag:s31] =	ssyncpa.u1 $0x1  }
0x3e: {  	p0 =	sne.s32 s0, $0x0;
	_ =	strace $0x9000004A  }
0x3f: {  	s0 =	sadd.s32 @!p0 $0x100000, s1;
	[bflag:$0x2] =	sbarrier.arrive $0xFFFF  }
0x40: {  	[sflag:s0] =	ssyncadd.tile.s32 @!p0 $0x1;
	_ =	shalt  }
.Lfunc_end1:
_tile_overlayer_lowered:
.L_overlay_start_2:
0x41: {  	(tag) =	ssettag $0x2  }
0x42: {  	s0 =	rddreg [dreg:$0x0];
	s2 =	stileid.u32  }
0x43: {  	s1 =	rddreg [dreg:$0x1];
	p0 =	sne.s32 s2, $0x0  }
0x44: {  	s3 =	rddreg [dreg:$0x2];
	[bflag:$0x3] =	sbarrier.arrive $0xFFFF;
	s2 =	simm.s32 @!p0 $0x1C01  }
0x45: {  	[timem:s3], [sflag:s2] =	dma.local @!p0 [hbm:s0], s1  }
0x46: {  	s0 =	simm.s32 @!p0 $0x1  }
0x47: {  	_ =	swait.ge @!p0 [sflag:s0], s1  }
0x48: {  	s1 =	ssub.s32 @!p0 $0x0, s1;
	[sflag:s0] =	ssyncset.done @!p0 $0x0  }
0x49: {  	[sflag:s0] =	ssyncadd.s32 @!p0 s1  }
0x4a: {  	[bflag:$0x3] =	sbarrier.arrive $0xFFFF  }
0x4b: {  	_ =	shalt  }

// kernel: wte_wpe_lookup.3.cloned.1.call-start
scs
__scs_entry_jumppad:
0x0: {  	(pc) =	sbr.rel $0x88, $3  }
0x1: {  	(tag) =	ssettag $0x0;
	lr =	simm.s32 $0x1  }
0x2: {  	[smem:$0x3F9E] =	sst lr;
	_ =	strace $0xD0000000  }
0x3: {  	_ = 	snop  }
0x4: {  	_ = 	snop  }
0x5: {  	_ = 	snop  }
0x6: {  	_ = 	snop  }
0x7: {  	_ = 	snop  }
__scs_overlays_trampoline_lowered:
0x8: {  	[smem:$0x3FAD] =	sst s0  }
0x9: {  	[smem:$0x3FAE] =	sst s1  }
0xa: {  	[smem:$0x3FAF] =	sst s2  }
0xb: {  	[smem:$0x3FB0] =	sst s3  }
0xc: {  	[smem:$0x3FB1] =	sst s4  }
0xd: {  	[smem:$0x3FB2] =	sst s5  }
0xe: {  	[smem:$0x3FB3] =	sst s6  }
0xf: {  	[smem:$0x3FB4] =	sst s7  }
0x10: {  	[smem:$0x3FB5] =	sst s8  }
0x11: {  	[smem:$0x3FB6] =	sst s9;
	s0 =	simm.s32 @!p0 $0x0  }
0x12: {  	s1 =	sld [smem:$0x3F9C];
	s0 =	simm.s32 @p0 $0x1  }
0x13: {  	[smem:$0x3FB7] =	sst s0;
	s0 =	simm.s32 @!p1 $0x0  }
0x14: {  	s2 =	sld [smem:$0x3F9B];
	s0 =	simm.s32 @p1 $0x1  }
0x15: {  	[smem:$0x3FB8] =	sst s0;
	s0 =	simm.s32 @!p2 $0x0  }
0x16: {  	s3 =	sld [smem:$0x3FDB];
	s0 =	simm.s32 @p2 $0x1  }
0x17: {  	s4 =	simm.s32 $0x1BF5;
	[smem:$0x3FBA] =	sst s0  }
0x18: {  	s0 =	sld [smem:$0x3F9D];
	_ =	swait.ge [sflag:s4], $0x0  }
0x19: {  	s7 =	sld [smem:$0x3F9E]  }
0x1a: {  	s8 =	sadd.s32 $0xFFFFE003, lr  }
0x1b: {  	s9 =	sadd.s32 $0xFFFFFEF7, lr;
	s5 =	simm.s32 $0xFFFFFFFF;
	p2 =	slt.u32 s8, $0xFFFFF086  }
0x1c: {  	p1 =	slt.u32 s9, $0xF7A;
	s5 =	simm.s32 @!p2 $0x0  }
0x1d: {  	s5 =	simm.s32 @p1 $0x1;
	p0 =	seq.s32 s7, s2  }
0x1e: {  	s7 =	smul.u32 @!p0 $0xF7A, s2;
	p2 =	seq.s32 @!p0 s5, $0x0  }
0x1f: {  	s9 =	smul.u32 $0xF7A, s1;
	s8 =	simm.s32 @!p0 $0x1BF5;
	p2 =	por !p2, p0  }
0x20: {  	[sflag:s8] =	ssyncset.s32 @!p0 $0xFFFFF086;
	s6 =	sadd.s32 @!p0 s3, s7;
	s7 =	simm.s32 @!p0 $0x108  }
0x21: {  	s3 =	sadd.s32 s3, s9;
	s6 =	sadd.s32 @!p0 $0x88, s6;
	s7 =	simm.s32 @p2 $0x1082  }
0x22: {  	[simem:s7], [sflag:s8] =	dma.local @!p0 [hbm:s6], $0xF7A  }
0x23: {  	s9 =	sor.u32 $0xD0000000, s2;
	s6 =	simm.s32 $0x108;
	_ =	swait.ge @!p0 [sflag:s8], $0x0  }
0x24: {  	s3 =	sadd.s32 $0x88, s3;
	s6 =	simm.s32 @!p1 $0x1082;
	[sflag:s4] =	ssyncset.s32 $0xFFFFF086  }
0x25: {  	[simem:s6], [sflag:s4] =	dma.local [hbm:s3], $0xF7A  }
0x26: {  	[smem:$0x3F9E] =	sst s1;
	(tag) =	ssettag s2;
	_ =	strace s9  }
0x27: {  	s1 =	sld [smem:$0x3FAE]  }
0x28: {  	s2 =	sld [smem:$0x3FAF]  }
0x29: {  	s4 =	sld [smem:$0x3FB1]  }
0x2a: {  	p0 =	seq.s32 s5, $0x0;
	s5 =	sld [smem:$0x3FB2]  }
0x2b: {  	s6 =	sld [smem:$0x3FB3]  }
0x2c: {  	s7 =	sld [smem:$0x3FB4]  }
0x2d: {  	s3 =	simm.s32 $0x108;
	s8 =	sld [smem:$0x3FB5]  }
0x2e: {  	s3 =	simm.s32 @!p0 $0x1082;
	s9 =	sld [smem:$0x3FB6]  }
0x2f: {  	lr =	sadd.s32 s0, s3;
	s0 =	sld [smem:$0x3FAD]  }
0x30: {  	s3 =	sld [smem:$0x3FB0]  }
0x31: {  	[smem:$0x3FB9] =	sst s10  }
0x32: {  	s10 =	sld [smem:$0x3FB7];
	_ =	sdelay $0x3  }
0x33: {  	p0 =	seq.s32 s10, $0x1;
	s10 =	sld [smem:$0x3FB9];
	_ =	sdelay $0x3  }
0x34: {  	[smem:$0x3FB9] =	sst s10  }
0x35: {  	s10 =	sld [smem:$0x3FB8];
	_ =	sdelay $0x3  }
0x36: {  	p1 =	seq.s32 s10, $0x1;
	s10 =	sld [smem:$0x3FB9];
	_ =	sdelay $0x3  }
0x37: {  	[smem:$0x3FB9] =	sst s10  }
0x38: {  	s10 =	sld [smem:$0x3FBA]  }
0x39: {  	_ = 	snop;
	(pc) =	sbr.ind lr, $3  }
0x3a: {  	_ = 	snop  }
0x3b: {  	_ = 	snop  }
0x3c: {  	p2 =	seq.s32 s10, $0x1;
	s10 =	sld [smem:$0x3FB9]  }
0x3d: {  	_ =	shalt  }
0x3e: {  	_ =	shalt  }
0x3f: {  	_ =	shalt  }
0x40: {  	_ =	shalt  }
0x41: {  	_ =	shalt  }
0x42: {  	_ =	shalt  }
0x43: {  	_ =	shalt  }
0x44: {  	_ =	shalt  }
0x45: {  	_ =	shalt  }
0x46: {  	_ =	shalt  }
0x47: {  	_ =	shalt  }
0x48: {  	_ =	shalt  }
0x49: {  	_ =	shalt  }
0x4a: {  	_ =	shalt  }
0x4b: {  	_ =	shalt  }
0x4c: {  	_ =	shalt  }
0x4d: {  	_ =	shalt  }
0x4e: {  	_ =	shalt  }
0x4f: {  	_ =	shalt  }
0x50: {  	_ =	shalt  }
0x51: {  	_ =	shalt  }
0x52: {  	_ =	shalt  }
0x53: {  	_ =	shalt  }
0x54: {  	_ =	shalt  }
0x55: {  	_ =	shalt  }
0x56: {  	_ =	shalt  }
0x57: {  	_ =	shalt  }
0x58: {  	_ =	shalt  }
0x59: {  	_ =	shalt  }
0x5a: {  	_ =	shalt  }
0x5b: {  	_ =	shalt  }
0x5c: {  	_ =	shalt  }
0x5d: {  	_ =	shalt  }
0x5e: {  	_ =	shalt  }
0x5f: {  	_ =	shalt  }
0x60: {  	_ =	shalt  }
0x61: {  	_ =	shalt  }
0x62: {  	_ =	shalt  }
0x63: {  	_ =	shalt  }
0x64: {  	_ =	shalt  }
0x65: {  	_ =	shalt  }
0x66: {  	_ =	shalt  }
0x67: {  	_ =	shalt  }
0x68: {  	_ =	shalt  }
0x69: {  	_ =	shalt  }
0x6a: {  	_ =	shalt  }
0x6b: {  	_ =	shalt  }
0x6c: {  	_ =	shalt  }
0x6d: {  	_ =	shalt  }
0x6e: {  	_ =	shalt  }
0x6f: {  	_ =	shalt  }
0x70: {  	_ =	shalt  }
0x71: {  	_ =	shalt  }
0x72: {  	_ =	shalt  }
0x73: {  	_ =	shalt  }
0x74: {  	_ =	shalt  }
0x75: {  	_ =	shalt  }
0x76: {  	_ =	shalt  }
0x77: {  	_ =	shalt  }
0x78: {  	_ =	shalt  }
0x79: {  	_ =	shalt  }
0x7a: {  	_ =	shalt  }
0x7b: {  	_ =	shalt  }
0x7c: {  	_ =	shalt  }
0x7d: {  	_ =	shalt  }
0x7e: {  	_ =	shalt  }
0x7f: {  	_ =	shalt  }
0x80: {  	_ =	shalt  }
0x81: {  	_ =	shalt  }
0x82: {  	_ =	shalt  }
0x83: {  	_ =	shalt  }
0x84: {  	_ =	shalt  }
0x85: {  	_ =	shalt  }
0x86: {  	_ =	shalt  }
0x87: {  	_ =	shalt  }
.Lfunc_end0:
.L_simem_size_0:
called_computation.1_lowered:
.L_overlay_start_0:
0x88: {  	s2 =	sld [smem:$0x3FD9]  }
0x89: {  	s3 =	sld [smem:$0x3FFE];
	_ =	sdelay $0x1  }
0x8a: {  	s1 =	srdreg.scid  }
0x8b: {  	s0 =	sand.u32 $0x1, s1  }
0x8c: {  	s17 =	sshll.u32 s0, $0xA;
	s2 =	sadd.s32 s3, s2  }
0x8d: {  	s2 =	sadd.s32 s2, s17  }
0x8e: {  	[smem:$0x3FC5] =	sst s2  }
0x8f: {  	_ = 	snop  }
0x90: {  	s2 =	sld [smem:$0x3FD0];
	(tm) =	ssettm $0x1  }
0x91: {  	s18 =	sld [smem:$0x3FFB];
	_ =	sdelay $0x3  }
0x92: {  	_ =	strace s18  }
0x93: {  	s3 =	sld [smem:$0x3FFC];
	_ =	sdelay $0x3  }
0x94: {  	_ =	strace s3  }
0x95: {  	s3 =	sld [smem:$0x3FFD];
	_ =	sdelay $0x3  }
0x96: {  	_ =	strace s3  }
0x97: {  	_ =	strace $0x8FFFFFFF  }
0x98: {  	s19 =	sld [smem:$0x3FDB];
	_ =	sdelay $0x1  }
0x99: {  	s4 =	simm.s32 $_scs_section_size  }
0x9a: {  	s5 =	simm.s32 $_size__tile_overlayer_lowered;
	s6 =	simm.s32 $_tile_overlayer_lowered  }
0x9b: {  	s22 =	simm.s32 $0x1BFF;
	s21 =	sshll.u32 s6, $0x1;
	s3 =	sadd.s32 s4, s19  }
0x9c: {  	s7 =	simm.s32 $0x0;
	s20 =	sshll.u32 s5, $0x1;
	s5 =	sadd.s32 s21, s3  }
0x9d: {  	[timem:s7], [sflag:s22] =	dma.local [hbm:s5], s20  }
0x9e: {  	_ =	swait.ge [sflag:s22], s20  }
0x9f: {  	s4 =	ssub.s32 $0x0, s20;
	[sflag:s22] =	ssyncset.done $0x0  }
0xa0: {  	[sflag:s22] =	ssyncadd.s32 s4;
	_ =	sdelay $0x1  }
0xa1: {  	s23 =	simm.s32 $0x1B8B  }
0xa2: {  	_ =	swait.ge [sflag:s23], $0x1  }
0xa3: {  	[sflag:s23] =	ssyncset.done $0x0  }
0xa4: {  	s25 =	simm.s32 $0x1B8E;
	s24 =	sld [smem:$0x3FFE];
	[sflag:s23] =	ssyncadd.s32 $0xFFFFFFFF  }
0xa5: {  	s26 =	simm.s32 $execute0_lowered;
	[smem:$0x3FD2] =	sst s25  }
0xa6: {  	s5 =	sshll.u32 s26, $0x1;
	_ =	strace $0x80000046;
	[dreg:$0x1] =	wrdreg $0xFFFFFFFF  }
0xa7: {  	s28 =	simm.s32 $_size_execute0_lowered;
	s3 =	sadd.s32 s3, s5;
	[dreg:$0x0] =	wrdreg $0x0  }
0xa8: {  	s5 =	sshll.u32 s28, $0x1;
	[dreg:$0x2] =	wrdreg s3  }
0xa9: {  	[dreg:$0x3] =	wrdreg s5  }
0xaa: {  	[dreg:$0x4] =	wrdreg $0xC0  }
0xab: {  	_ =	task [dreg:s7], $0x5FFFF  }
0xac: {  	[dreg:$0x1] =	wrdreg $0xFFFFFFFF  }
0xad: {  	[dreg:$0x0] =	wrdreg $0x60  }
0xae: {  	[dreg:$0x2] =	wrdreg s24  }
0xaf: {  	[dreg:$0x3] =	wrdreg s2  }
0xb0: {  	[dreg:$0x4] =	wrdreg $0x9  }
0xb1: {  	_ =	task.clear_ibuf [dreg:s7], $0x5FFFF;
	_ =	strace $0x90000046  }
0xb2: {  	s29 =	simm.s32 $0x9;
	_ =	strace $0x80000048  }
0xb3: {  	_ =	swait.ge [sflag:s29], $0x1  }
0xb4: {  	[sflag:s29] =	ssyncadd.s32 $0xFFFFFFFF  }
0xb5: {  	_ =	strace $0x90000048  }
0xb6: {  	_ =	sfence  }
0xb7: {  	s30 =	sld [smem:$0x0];
	_ =	sdelay $0x2  }
0xb8: {  	s31 =	sshll.u32 s1, $0xD;
	s1 =	sshrl.u32 s1, $0x2  }
0xb9: {  	s3 =	sand.u32 $0x4000, s31;
	s1 =	sadd.s32 s1, s30  }
0xba: {  	s0 =	sor.u32 s3, s0;
	s1 =	sshll.u32 s1, $0x11  }
0xbb: {  	s0 =	sor.u32 s1, s0  }
0xbc: {  	s0 =	sadd.s32 $0x8F2B, s0  }
0xbd: {  	[sflag:s0] =	ssyncadd.remote.s32 $0x1  }
0xbe: {  	_ =	sfence.sel $0xFFFF  }
0xbf: {  	[dreg:$0x0] =	wrdreg $0xFFFFFFFF;
	(pc) =	sbr.abs _section_cstart, $3  }
0xc0: {  	[dreg:$0x1] =	wrdreg $0xFFFFFFFF  }
0xc1: {  	_ =	task.clear_ibuf [dreg:s7], $0x2FFFF;
	_ =	strace $0x9FFFFFFF  }
0xc2: {  	(tm) =	ssettm $0x7FFFFFFF  }
0xc3: {  	_ =	shalt  }
tec
execute0_lowered:
.L_overlay_start_1:
0x0: {  	(tag) =	ssettag $0x1  }
0x1: {  	s0 =	srdreg.scid;
	s1 =	stileid.u32  }
0x2: {  	s0 =	sand.u32 $0x1, s0;
	s1 =	sshll.u32 s1, $0x1  }
0x3: {  	s3 =	rddreg [dreg:$0x0];
	s2 =	sor.u32 s0, s1;
	s0 =	ssub.s32 $0x2, s0  }
0x4: {  	s16 =	simm.s32 $0x0;
	s4 =	smul.u32 $0x1900, s2;
	s5 =	sshrl.u32 s0, $0x1  }
0x5: {  	[smem:$0x7FF] =	sst s16;
	s6 =	smul.u32 $0x320, s2;
	s0 =	ssub.s32 s0, s5  }
0x6: {  	s3 =	sadd.s32 $0xE00, s3;
	s25 =	smul.u32 $0xC800, s2;
	[smem:$0x7FD] =	sst s0  }
0x7: {  	s21 =	sor.u32 $0xC8, s4;
	s22 =	sadd.s32 s3, s6;
	s24 =	sadd.s32 $0x190, s4  }
0x8: {  	[smem:$0x7E8] =	sst s25;
	s1 =	sadd.s32 $0x258, s4;
	s2 =	sadd.s32 $0x320, s4  }
0x9: {  	s6 =	sadd.s32 $0x3E8, s4;
	s13 =	sadd.s32 $0x4B0, s4;
	[smem:$0x7EA] =	sst s21  }
0xa: {  	s11 =	sadd.s32 $0x578, s4;
	s12 =	sadd.s32 $0x640, s4;
	[dreg:$0x3] =	wrdreg s22  }
0xb: {  	s29 =	sadd.s32 $0x1068, s4;
	s28 =	sadd.s32 $0x11F8, s4;
	[smem:$0x7EC] =	sst s24  }
0xc: {  	s30 =	sadd.s32 $0x1388, s4;
	s31 =	sadd.s32 $0x1450, s4;
	[smem:$0x7ED] =	sst s1  }
0xd: {  	s23 =	sshrl.u32 s21, $0x3;
	s26 =	sshrl.u32 s24, $0x3;
	[smem:$0x7F0] =	sst s2  }
0xe: {  	s5 =	sshrl.u32 s2, $0x3;
	[smem:$0x7F2] =	sst s6;
	s8 =	sshrl.u32 s6, $0x3  }
0xf: {  	s9 =	sshrl.u32 s13, $0x3;
	s10 =	sshrl.u32 s11, $0x3;
	s0 =	sadd.s32 s3, s23  }
0x10: {  	s15 =	sshrl.u32 s12, $0x3;
	s7 =	sadd.s32 s3, s5;
	[dreg:$0x4] =	wrdreg s0  }
0x11: {  	s14 =	sadd.s32 s3, s10;
	s10 =	sadd.s32 $0x708, s4;
	[dreg:$0x7] =	wrdreg s7  }
0x12: {  	s0 =	sadd.s32 s3, s26;
	[dreg:$0xa] =	wrdreg s14;
	s14 =	sadd.s32 $0x7D0, s4  }
0x13: {  	[dreg:$0x5] =	wrdreg s0;
	s0 =	sshrl.u32 s1, $0x3;
	s18 =	sshrl.u32 s14, $0x3  }
0x14: {  	s17 =	sshrl.u32 s10, $0x3;
	s0 =	sadd.s32 s3, s0;
	s19 =	sadd.s32 s3, s18  }
0x15: {  	s18 =	sadd.s32 $0xAF0, s4;
	[dreg:$0x6] =	wrdreg s0;
	s0 =	sadd.s32 s3, s8  }
0x16: {  	[dreg:$0xd] =	wrdreg s19;
	s19 =	sadd.s32 $0x960, s4;
	s24 =	sshrl.u32 s18, $0x3  }
0x17: {  	[dreg:$0x8] =	wrdreg s0;
	s0 =	sadd.s32 s3, s9;
	s21 =	sshrl.u32 s19, $0x3  }
0x18: {  	s9 =	sshrl.u32 s29, $0x3;
	[dreg:$0x9] =	wrdreg s0;
	s0 =	sadd.s32 s3, s15  }
0x19: {  	s15 =	sadd.s32 $0x898, s4;
	[dreg:$0xb] =	wrdreg s0;
	s0 =	sadd.s32 s3, s17  }
0x1a: {  	s20 =	sshrl.u32 s15, $0x3;
	s17 =	sadd.s32 $0xA28, s4;
	[dreg:$0xc] =	wrdreg s0  }
0x1b: {  	s0 =	sadd.s32 s3, s20;
	s22 =	sshrl.u32 s17, $0x3;
	s20 =	sadd.s32 $0xC80, s4  }
0x1c: {  	[dreg:$0xe] =	wrdreg s0;
	s0 =	sadd.s32 s3, s21;
	s23 =	sadd.s32 s3, s22  }
0x1d: {  	s22 =	sadd.s32 $0xBB8, s4;
	s26 =	sshrl.u32 s20, $0x3;
	[dreg:$0xf] =	wrdreg s0  }
0x1e: {  	s21 =	sadd.s32 $0xD48, s4;
	[dreg:$0x10] =	wrdreg s23;
	s0 =	sadd.s32 s3, s24  }
0x1f: {  	s25 =	sshrl.u32 s22, $0x3;
	s1 =	sadd.s32 s3, s26;
	s2 =	sshrl.u32 s21, $0x3  }
0x20: {  	s23 =	sadd.s32 $0xED8, s4;
	s24 =	sadd.s32 $0xFA0, s4;
	[dreg:$0x11] =	wrdreg s0  }
0x21: {  	s26 =	sadd.s32 $0x1130, s4;
	s0 =	sadd.s32 s3, s25;
	[dreg:$0x13] =	wrdreg s1  }
0x22: {  	s25 =	sadd.s32 $0xE10, s4;
	s6 =	sshrl.u32 s23, $0x3;
	s8 =	sshrl.u32 s24, $0x3  }
0x23: {  	s1 =	sshrl.u32 s26, $0x3;
	[dreg:$0x12] =	wrdreg s0;
	s0 =	sadd.s32 s3, s2  }
0x24: {  	s5 =	sshrl.u32 s25, $0x3;
	s7 =	sadd.s32 s3, s6;
	[dreg:$0x14] =	wrdreg s0  }
0x25: {  	s2 =	sadd.s32 s3, s1;
	s1 =	sshrl.u32 s31, $0x3;
	[dreg:$0x16] =	wrdreg s7  }
0x26: {  	s0 =	sadd.s32 s3, s5;
	[dreg:$0x19] =	wrdreg s2;
	s5 =	sshrl.u32 s28, $0x3  }
0x27: {  	s7 =	sshrl.u32 s30, $0x3;
	[dreg:$0x15] =	wrdreg s0;
	s0 =	sadd.s32 s3, s8  }
0x28: {  	s8 =	sadd.s32 s3, s7;
	s7 =	sadd.s32 $0x16A8, s4;
	[dreg:$0x17] =	wrdreg s0  }
0x29: {  	s0 =	sadd.s32 s3, s9;
	s9 =	sadd.s32 $0x12C0, s4;
	[dreg:$0x1c] =	wrdreg s8  }
0x2a: {  	[dreg:$0x18] =	wrdreg s0;
	s0 =	sadd.s32 s3, s5;
	s6 =	sshrl.u32 s9, $0x3  }
0x2b: {  	s8 =	sadd.s32 $0x15E0, s4;
	[dreg:$0x1a] =	wrdreg s0;
	s0 =	sadd.s32 s3, s6  }
0x2c: {  	s5 =	sshrl.u32 s8, $0x3;
	s6 =	sadd.s32 $0x1518, s4;
	[dreg:$0x1b] =	wrdreg s0  }
0x2d: {  	s0 =	sadd.s32 s3, s1;
	s2 =	sshrl.u32 s6, $0x3;
	s1 =	sadd.s32 s3, s5  }
0x2e: {  	[dreg:$0x1d] =	wrdreg s0;
	s0 =	sadd.s32 s3, s2;
	s2 =	sshrl.u32 s7, $0x3  }
0x2f: {  	[dreg:$0x1e] =	wrdreg s0;
	s0 =	sadd.s32 s3, s2;
	s2 =	sadd.s32 $0x1770, s4  }
0x30: {  	s5 =	sadd.s32 $0x1838, s4;
	[smem:$0x7E5] =	sst s0;
	s0 =	sshrl.u32 s2, $0x3  }
0x31: {  	[dreg:$0x1f] =	wrdreg s1;
	s1 =	sshrl.u32 s5, $0x3;
	s0 =	sadd.s32 s3, s0  }
0x32: {  	s3 =	sadd.s32 s3, s1;
	[smem:$0x7E6] =	sst s0  }
0x33: {  	[smem:$0x7E7] =	sst s3  }
0x34: {  	s4 =	rddreg [dreg:$0x1];
	_ =	strace $0x80000047  }
0x35: {  	s1 =	sld [smem:$0x7E8]  }
0x36: {  	s10 =	sshll.u32 s10, $0x3;
	s18 =	sshll.u32 s18, $0x3  }
0x37: {  	s17 =	sshll.u32 s17, $0x3;
	s20 =	sshll.u32 s20, $0x3;
	s3 =	sld [smem:$0x7EA]  }
0x38: {  	s21 =	sshll.u32 s21, $0x3;
	s0 =	sadd.s32 s4, s1;
	s1 =	sld [smem:$0x7EC]  }
0x39: {  	s23 =	sshll.u32 s23, $0x3;
	s24 =	sshll.u32 s24, $0x3;
	[smem:$0x7E9] =	sst s0  }
0x3a: {  	s26 =	sshll.u32 s26, $0x3;
	s0 =	sshll.u32 s3, $0x3;
	s3 =	sld [smem:$0x7ED]  }
0x3b: {  	s20 =	sadd.s32 s4, s20;
	s21 =	sadd.s32 s4, s21;
	s0 =	sadd.s32 s4, s0  }
0x3c: {  	s23 =	sadd.s32 s4, s23;
	[smem:$0x7EB] =	sst s0;
	s0 =	sshll.u32 s1, $0x3  }
0x3d: {  	s1 =	sshll.u32 s3, $0x3;
	s0 =	sadd.s32 s4, s0;
	s3 =	sld [smem:$0x7F0]  }
0x3e: {  	s24 =	sadd.s32 s4, s24;
	[smem:$0x7EE] =	sst s0;
	s1 =	sadd.s32 s4, s1  }
0x3f: {  	s26 =	sadd.s32 s4, s26;
	s2 =	sshll.u32 s2, $0x3;
	[smem:$0x7EF] =	sst s1  }
0x40: {  	s1 =	sld [smem:$0x7F2];
	s0 =	sshll.u32 s3, $0x3;
	s3 =	sshll.u32 s13, $0x3  }
0x41: {  	s0 =	sadd.s32 s4, s0;
	s13 =	sadd.s32 s4, s3;
	s3 =	sshll.u32 s12, $0x3  }
0x42: {  	s12 =	sshll.u32 s14, $0x3;
	s14 =	sshll.u32 s19, $0x3;
	s19 =	sshll.u32 s22, $0x3  }
0x43: {  	s22 =	sshll.u32 s25, $0x3;
	s25 =	sshll.u32 s29, $0x3;
	[smem:$0x7F1] =	sst s0  }
0x44: {  	s0 =	sshll.u32 s1, $0x3;
	[smem:$0x7F4] =	sst s13;
	s1 =	sshll.u32 s11, $0x3  }
0x45: {  	s11 =	sadd.s32 s4, s10;
	s13 =	sshll.u32 s15, $0x3;
	s15 =	sadd.s32 s4, s14  }
0x46: {  	s19 =	sadd.s32 s4, s19;
	s22 =	sadd.s32 s4, s22;
	s25 =	sadd.s32 s4, s25  }
0x47: {  	s10 =	sshll.u32 s31, $0x3;
	s14 =	sshll.u32 s5, $0x3;
	[smem:$0x7F7] =	sst s11  }
0x48: {  	s0 =	sadd.s32 s4, s0;
	[smem:$0x7FA] =	sst s15;
	s11 =	sshll.u32 s6, $0x3  }
0x49: {  	s31 =	sadd.s32 s4, s10;
	s5 =	sadd.s32 s4, s14;
	s15 =	rddreg [dreg:$0x0]  }
0x4a: {  	s10 =	simm.s32 $0xC8;
	s14 =	simm.s32 $0x2;
	[smem:$0x7F3] =	sst s0  }
0x4b: {  	s0 =	sadd.s32 s4, s1;
	s1 =	sshll.u32 s28, $0x3;
	s6 =	sadd.s32 $0xF43200, s15  }
0x4c: {  	[smem:$0x7F5] =	sst s0;
	s0 =	sadd.s32 s4, s3;
	s3 =	sshll.u32 s9, $0x3  }
0x4d: {  	s28 =	sadd.s32 s4, s1;
	s9 =	sshll.u32 s30, $0x3;
	s1 =	sadd.s32 s4, s11  }
0x4e: {  	s11 =	simm.s32 $0x190;
	[smem:$0x7F6] =	sst s0;
	s0 =	sadd.s32 s4, s12  }
0x4f: {  	s29 =	sadd.s32 s4, s3;
	[smem:$0x7F8] =	sst s0;
	s0 =	sadd.s32 s4, s13  }
0x50: {  	s30 =	sadd.s32 s4, s9;
	[smem:$0x7F9] =	sst s0;
	s0 =	sadd.s32 s4, s17  }
0x51: {  	s12 =	sshll.u32 s8, $0x3;
	s9 =	simm.s32 $0x3;
	[smem:$0x7FB] =	sst s0  }
0x52: {  	s13 =	sshll.u32 s7, $0x3;
	s0 =	sadd.s32 s4, s18;
	s18 =	sld [smem:$0x7FD]  }
0x53: {  	s7 =	sadd.s32 $0x7200, s15;
	s15 =	simm.s32 $0x0;
	s17 =	sadd.s32 s4, s12  }
0x54: {  	s3 =	sadd.s32 s4, s13;
	s12 =	simm.s32 $0x3390;
	s13 =	simm.s32 $0x1  }
0x55: {  	[smem:$0x7FC] =	sst s0;
	s0 =	sadd.s32 s4, s2;
	s8 =	smax.u32 s18, $0x1  }
.LBB2_1:
0x56: {  	s2 =	simm.s32 $0x6590  }
0x57: {  	[tilespmem:s2], [sflag:$0x3] =	stream.linear.gather [hbm4b:s7+s16], $0x3200, $0x38;
	[tilespmem:$0x9790] =	vst v63  }
0x58: {  	_ =	swait.ge [sflag:s9], $0x3200  }
0x59: {  	[sflag:s9] =	ssyncset.done $0x0  }
0x5a: {  	s4 =	rddreg [dreg:$0x3];
	[sflag:s9] =	ssyncadd.s32 $0xFFFFCE00  }
0x5b: {  	[tilespmem:s16], [sflag:$0x3] =	stream.linear.gather [hbm4b:s4+s16], $0xC8, $0x38;
	[tilespmem:$0x9790] =	vst v63  }
0x5c: {  	_ =	swait.ge [sflag:s9], $0xC8  }
0x5d: {  	[sflag:s9] =	ssyncset.done $0x0  }
0x5e: {  	[sflag:s9] =	ssyncadd.s32 $0xFFFFFF38  }
0x5f: {  	[tilespmem:s11], [sflag:$0x1] =	stream.indirect.gather [hbm4b:s6+s10], $0x40, s16, s10, $0xb8;
	[tilespmem:$0x9790] =	vst v63  }
0x60: {  	s18 =	rddreg [dreg:$0x4]  }
0x61: {  	[tilespmem:s10], [sflag:$0x3] =	stream.linear.gather [hbm4b:s18+s16], $0xC8, $0x38;
	[tilespmem:$0x9790] =	vst v63  }
0x62: {  	_ =	swait.ge [sflag:s9], $0xC8  }
0x63: {  	[sflag:s9] =	ssyncset.done $0x0  }
0x64: {  	[sflag:s9] =	ssyncadd.s32 $0xFFFFFF38  }
0x65: {  	[tilespmem:s12], [sflag:$0x2] =	stream.indirect.gather [hbm4b:s6+s10], $0x40, s10, s10, $0xb8;
	[tilespmem:$0x9790] =	vst v63  }
0x66: {  	_ =	swait.ge [sflag:s13], $0x3200  }
0x67: {  	[sflag:s13] =	ssyncset.done $0x0  }
0x68: {  	s2 =	simm.s32 $0x0;
	[sflag:s13] =	ssyncadd.s32 $0xFFFFCE00  }
0x69: {  	v5 =	vld [tilespmem:s2+$0x6590]  }
0x6a: {  	v6 =	vld [tilespmem:s2+$0x65A0]  }
0x6b: {  	v1 =	vld [tilespmem:s2+$0x65B0]  }
0x6c: {  	v0 =	vld [tilespmem:s2+$0x65C0]  }
0x6d: {  	v2 =	vld [tilespmem:s2+$0x190]  }
0x6e: {  	v4 =	vld [tilespmem:s2+$0x1A0]  }
0x6f: {  	s4 =	simm.s32 $0x100;
	v3 =	vld [tilespmem:s2+$0x1B0]  }
.LBB2_2:
0x70: {  	s18 =	sshra.s32 s4, $0x2;
	p0 =	sne.s32 s4, $0xC700;
	v7 =	vld [tilespmem:s2+$0x1C0];
	v8 =	vmov v1  }
0x71: {  	v9 =	vld [tilespmem:s18+$0x6590];
	v10 =	vmov v0  }
0x72: {  	v11 =	vld [tilespmem:s18+$0x65A0];
	v2 =	vadd.f32 v5, v2  }
.Ltmp0:
0x73: {  	v1 =	vld [tilespmem:s18+$0x65B0];
	v4 =	vadd.f32 v6, v4;
	(pc) =	sbr.rel @p0 .LBB2_2-.Ltmp0, $4  }
0x74: {  	v0 =	vld [tilespmem:s18+$0x65C0];
	[tilespmem:s2+$0x190] =	vst v2;
	v3 =	vadd.f32 v8, v3  }
0x75: {  	v2 =	vld [tilespmem:s18+$0x190];
	[tilespmem:s2+$0x1A0] =	vst v4;
	v7 =	vadd.f32 v10, v7  }
0x76: {  	v4 =	vld [tilespmem:s18+$0x1A0];
	[tilespmem:s2+$0x1B0] =	vst v3;
	v5 =	vmov v9  }
0x77: {  	s4 =	sadd.s32 $0x100, s4;
	v3 =	vld [tilespmem:s18+$0x1B0];
	[tilespmem:s2+$0x1C0] =	vst v7;
	v6 =	vmov v11;
	s2 =	smov.u32 s18  }
0x78: {  	v7 =	vld [tilespmem:s2+$0x1C0];
	_ =	sdelay $0x1  }
0x79: {  	v2 =	vadd.f32 v5, v2  }
0x7a: {  	v4 =	vadd.f32 v6, v4  }
0x7b: {  	[tilespmem:s2+$0x190] =	vst v2;
	v1 =	vadd.f32 v1, v3  }
0x7c: {  	s4 =	sld [smem:$0x7E9];
	[tilespmem:s2+$0x1A0] =	vst v4;
	v0 =	vadd.f32 v0, v7  }
0x7d: {  	[tilespmem:s2+$0x1B0] =	vst v1  }
0x7e: {  	[tilespmem:s2+$0x1C0] =	vst v0;
	s2 =	simm.s32 $0x0  }
0x7f: {  	[hbm4b:s4+s2] =	stream.linear.scatter [tilespmem:s11], [sflag:$0x3], $0x3200, $0x38;
	[tilespmem:$0x9790] =	vst v63  }
0x80: {  	_ =	swait.ge [sflag:s9], $0x3200  }
0x81: {  	[sflag:s9] =	ssyncset.done $0x0  }
0x82: {  	s18 =	rddreg [dreg:$0x5];
	[sflag:s9] =	ssyncadd.s32 $0xFFFFCE00  }
0x83: {  	[tilespmem:s2], [sflag:$0x3] =	stream.linear.gather [hbm4b:s18+s2], $0xC8, $0x38;
	[tilespmem:$0x9790] =	vst v63  }
0x84: {  	_ =	swait.ge [sflag:s9], $0xC8  }
0x85: {  	[sflag:s9] =	ssyncset.done $0x0  }
0x86: {  	[sflag:s9] =	ssyncadd.s32 $0xFFFFFF38  }
0x87: {  	[tilespmem:s11], [sflag:$0x1] =	stream.indirect.gather [hbm4b:s6+s10], $0x40, s2, s10, $0xb8;
	[tilespmem:$0x9790] =	vst v63  }
0x88: {  	_ =	swait.ge [sflag:s14], $0x3200  }
0x89: {  	[sflag:s14] =	ssyncset.done $0x0  }
0x8a: {  	s2 =	simm.s32 $0x0;
	[sflag:s14] =	ssyncadd.s32 $0xFFFFCE00  }
0x8b: {  	v5 =	vld [tilespmem:s2+$0x6590]  }
0x8c: {  	v6 =	vld [tilespmem:s2+$0x65A0]  }
0x8d: {  	v1 =	vld [tilespmem:s2+$0x65B0]  }
0x8e: {  	v0 =	vld [tilespmem:s2+$0x65C0]  }
0x8f: {  	v2 =	vld [tilespmem:s2+$0x3390]  }
0x90: {  	v4 =	vld [tilespmem:s2+$0x33A0]  }
0x91: {  	s4 =	simm.s32 $0x100;
	v3 =	vld [tilespmem:s2+$0x33B0]  }
.LBB2_4:
0x92: {  	s18 =	sshra.s32 s4, $0x2;
	p0 =	sne.s32 s4, $0xC700;
	v7 =	vld [tilespmem:s2+$0x33C0];
	v8 =	vmov v1  }
0x93: {  	v9 =	vld [tilespmem:s18+$0x6590];
	v10 =	vmov v0  }
0x94: {  	v11 =	vld [tilespmem:s18+$0x65A0];
	v2 =	vadd.f32 v5, v2  }
.Ltmp1:
0x95: {  	v1 =	vld [tilespmem:s18+$0x65B0];
	v4 =	vadd.f32 v6, v4;
	(pc) =	sbr.rel @p0 .LBB2_4-.Ltmp1, $4  }
0x96: {  	v0 =	vld [tilespmem:s18+$0x65C0];
	[tilespmem:s2+$0x3390] =	vst v2;
	v3 =	vadd.f32 v8, v3  }
0x97: {  	v2 =	vld [tilespmem:s18+$0x3390];
	[tilespmem:s2+$0x33A0] =	vst v4;
	v7 =	vadd.f32 v10, v7  }
0x98: {  	v4 =	vld [tilespmem:s18+$0x33A0];
	[tilespmem:s2+$0x33B0] =	vst v3;
	v5 =	vmov v9  }
0x99: {  	s4 =	sadd.s32 $0x100, s4;
	v3 =	vld [tilespmem:s18+$0x33B0];
	[tilespmem:s2+$0x33C0] =	vst v7;
	v6 =	vmov v11;
	s2 =	smov.u32 s18  }
0x9a: {  	v7 =	vld [tilespmem:s2+$0x33C0];
	_ =	sdelay $0x1  }
0x9b: {  	v2 =	vadd.f32 v5, v2  }
0x9c: {  	v4 =	vadd.f32 v6, v4  }
0x9d: {  	[tilespmem:s2+$0x3390] =	vst v2;
	v1 =	vadd.f32 v1, v3  }
0x9e: {  	s4 =	sld [smem:$0x7EB];
	[tilespmem:s2+$0x33A0] =	vst v4;
	v0 =	vadd.f32 v0, v7  }
0x9f: {  	[tilespmem:s2+$0x33B0] =	vst v1  }
0xa0: {  	[tilespmem:s2+$0x33C0] =	vst v0;
	s2 =	simm.s32 $0x0  }
0xa1: {  	[hbm4b:s4+s2] =	stream.linear.scatter [tilespmem:s12], [sflag:$0x3], $0x3200, $0x38;
	[tilespmem:$0x9790] =	vst v63  }
0xa2: {  	_ =	swait.ge [sflag:s9], $0x3200  }
0xa3: {  	[sflag:s9] =	ssyncset.done $0x0  }
0xa4: {  	s18 =	rddreg [dreg:$0x6];
	[sflag:s9] =	ssyncadd.s32 $0xFFFFCE00  }
0xa5: {  	[tilespmem:s10], [sflag:$0x3] =	stream.linear.gather [hbm4b:s18+s2], $0xC8, $0x38;
	[tilespmem:$0x9790] =	vst v63  }
0xa6: {  	_ =	swait.ge [sflag:s9], $0xC8  }
0xa7: {  	[sflag:s9] =	ssyncset.done $0x0  }
0xa8: {  	[sflag:s9] =	ssyncadd.s32 $0xFFFFFF38  }
0xa9: {  	[tilespmem:s12], [sflag:$0x2] =	stream.indirect.gather [hbm4b:s6+s10], $0x40, s10, s10, $0xb8;
	[tilespmem:$0x9790] =	vst v63  }
0xaa: {  	_ =	swait.ge [sflag:s13], $0x3200  }
0xab: {  	[sflag:s13] =	ssyncset.done $0x0  }
0xac: {  	s2 =	simm.s32 $0x0;
	[sflag:s13] =	ssyncadd.s32 $0xFFFFCE00  }
0xad: {  	v5 =	vld [tilespmem:s2+$0x6590]  }
0xae: {  	v6 =	vld [tilespmem:s2+$0x65A0]  }
0xaf: {  	v1 =	vld [tilespmem:s2+$0x65B0]  }
0xb0: {  	v0 =	vld [tilespmem:s2+$0x65C0]  }
0xb1: {  	v2 =	vld [tilespmem:s2+$0x190]  }
0xb2: {  	v4 =	vld [tilespmem:s2+$0x1A0]  }
0xb3: {  	s4 =	simm.s32 $0x100;
	v3 =	vld [tilespmem:s2+$0x1B0]  }
.LBB2_6:
0xb4: {  	s18 =	sshra.s32 s4, $0x2;
	p0 =	sne.s32 s4, $0xC700;
	v7 =	vld [tilespmem:s2+$0x1C0];
	v8 =	vmov v1  }
0xb5: {  	v9 =	vld [tilespmem:s18+$0x6590];
	v10 =	vmov v0  }
0xb6: {  	v11 =	vld [tilespmem:s18+$0x65A0];
	v2 =	vadd.f32 v5, v2  }
.Ltmp2:
0xb7: {  	v1 =	vld [tilespmem:s18+$0x65B0];
	v4 =	vadd.f32 v6, v4;
	(pc) =	sbr.rel @p0 .LBB2_6-.Ltmp2, $4  }
0xb8: {  	v0 =	vld [tilespmem:s18+$0x65C0];
	[tilespmem:s2+$0x190] =	vst v2;
	v3 =	vadd.f32 v8, v3  }
0xb9: {  	v2 =	vld [tilespmem:s18+$0x190];
	[tilespmem:s2+$0x1A0] =	vst v4;
	v7 =	vadd.f32 v10, v7  }
0xba: {  	v4 =	vld [tilespmem:s18+$0x1A0];
	[tilespmem:s2+$0x1B0] =	vst v3;
	v5 =	vmov v9  }
0xbb: {  	s4 =	sadd.s32 $0x100, s4;
	v3 =	vld [tilespmem:s18+$0x1B0];
	[tilespmem:s2+$0x1C0] =	vst v7;
	v6 =	vmov v11;
	s2 =	smov.u32 s18  }
0xbc: {  	v7 =	vld [tilespmem:s2+$0x1C0];
	_ =	sdelay $0x1  }
0xbd: {  	v2 =	vadd.f32 v5, v2  }
0xbe: {  	v4 =	vadd.f32 v6, v4  }
0xbf: {  	[tilespmem:s2+$0x190] =	vst v2;
	v1 =	vadd.f32 v1, v3  }
0xc0: {  	s4 =	sld [smem:$0x7EE];
	[tilespmem:s2+$0x1A0] =	vst v4;
	v0 =	vadd.f32 v0, v7  }
0xc1: {  	[tilespmem:s2+$0x1B0] =	vst v1  }
0xc2: {  	[tilespmem:s2+$0x1C0] =	vst v0;
	s2 =	simm.s32 $0x0  }
0xc3: {  	[hbm4b:s4+s2] =	stream.linear.scatter [tilespmem:s11], [sflag:$0x3], $0x3200, $0x38;
	[tilespmem:$0x9790] =	vst v63  }
0xc4: {  	_ =	swait.ge [sflag:s9], $0x3200  }
0xc5: {  	[sflag:s9] =	ssyncset.done $0x0  }
0xc6: {  	s18 =	rddreg [dreg:$0x7];
	[sflag:s9] =	ssyncadd.s32 $0xFFFFCE00  }
0xc7: {  	[tilespmem:s2], [sflag:$0x3] =	stream.linear.gather [hbm4b:s18+s2], $0xC8, $0x38;
	[tilespmem:$0x9790] =	vst v63  }
0xc8: {  	_ =	swait.ge [sflag:s9], $0xC8  }
0xc9: {  	[sflag:s9] =	ssyncset.done $0x0  }
0xca: {  	[sflag:s9] =	ssyncadd.s32 $0xFFFFFF38  }
0xcb: {  	[tilespmem:s11], [sflag:$0x1] =	stream.indirect.gather [hbm4b:s6+s10], $0x40, s2, s10, $0xb8;
	[tilespmem:$0x9790] =	vst v63  }
0xcc: {  	_ =	swait.ge [sflag:s14], $0x3200  }
0xcd: {  	[sflag:s14] =	ssyncset.done $0x0  }
0xce: {  	s2 =	simm.s32 $0x0;
	[sflag:s14] =	ssyncadd.s32 $0xFFFFCE00  }
0xcf: {  	v5 =	vld [tilespmem:s2+$0x6590]  }
0xd0: {  	v6 =	vld [tilespmem:s2+$0x65A0]  }
0xd1: {  	v1 =	vld [tilespmem:s2+$0x65B0]  }
0xd2: {  	v0 =	vld [tilespmem:s2+$0x65C0]  }
0xd3: {  	v2 =	vld [tilespmem:s2+$0x3390]  }
0xd4: {  	v4 =	vld [tilespmem:s2+$0x33A0]  }
0xd5: {  	s4 =	simm.s32 $0x100;
	v3 =	vld [tilespmem:s2+$0x33B0]  }
.LBB2_8:
0xd6: {  	s18 =	sshra.s32 s4, $0x2;
	p0 =	sne.s32 s4, $0xC700;
	v7 =	vld [tilespmem:s2+$0x33C0];
	v8 =	vmov v1  }
0xd7: {  	v9 =	vld [tilespmem:s18+$0x6590];
	v10 =	vmov v0  }
0xd8: {  	v11 =	vld [tilespmem:s18+$0x65A0];
	v2 =	vadd.f32 v5, v2  }
.Ltmp3:
0xd9: {  	v1 =	vld [tilespmem:s18+$0x65B0];
	v4 =	vadd.f32 v6, v4;
	(pc) =	sbr.rel @p0 .LBB2_8-.Ltmp3, $4  }
0xda: {  	v0 =	vld [tilespmem:s18+$0x65C0];
	[tilespmem:s2+$0x3390] =	vst v2;
	v3 =	vadd.f32 v8, v3  }
0xdb: {  	v2 =	vld [tilespmem:s18+$0x3390];
	[tilespmem:s2+$0x33A0] =	vst v4;
	v7 =	vadd.f32 v10, v7  }
0xdc: {  	v4 =	vld [tilespmem:s18+$0x33A0];
	[tilespmem:s2+$0x33B0] =	vst v3;
	v5 =	vmov v9  }
0xdd: {  	s4 =	sadd.s32 $0x100, s4;
	v3 =	vld [tilespmem:s18+$0x33B0];
	[tilespmem:s2+$0x33C0] =	vst v7;
	v6 =	vmov v11;
	s2 =	smov.u32 s18  }
0xde: {  	v7 =	vld [tilespmem:s2+$0x33C0];
	_ =	sdelay $0x1  }
0xdf: {  	v2 =	vadd.f32 v5, v2  }
0xe0: {  	v4 =	vadd.f32 v6, v4  }
0xe1: {  	[tilespmem:s2+$0x3390] =	vst v2;
	v1 =	vadd.f32 v1, v3  }
0xe2: {  	s4 =	sld [smem:$0x7EF];
	[tilespmem:s2+$0x33A0] =	vst v4;
	v0 =	vadd.f32 v0, v7  }
0xe3: {  	[tilespmem:s2+$0x33B0] =	vst v1  }
0xe4: {  	[tilespmem:s2+$0x33C0] =	vst v0;
	s2 =	simm.s32 $0x0  }
0xe5: {  	[hbm4b:s4+s2] =	stream.linear.scatter [tilespmem:s12], [sflag:$0x3], $0x3200, $0x38;
	[tilespmem:$0x9790] =	vst v63  }
0xe6: {  	_ =	swait.ge [sflag:s9], $0x3200  }
0xe7: {  	[sflag:s9] =	ssyncset.done $0x0  }
0xe8: {  	s18 =	rddreg [dreg:$0x8];
	[sflag:s9] =	ssyncadd.s32 $0xFFFFCE00  }
0xe9: {  	[tilespmem:s10], [sflag:$0x3] =	stream.linear.gather [hbm4b:s18+s2], $0xC8, $0x38;
	[tilespmem:$0x9790] =	vst v63  }
0xea: {  	_ =	swait.ge [sflag:s9], $0xC8  }
0xeb: {  	[sflag:s9] =	ssyncset.done $0x0  }
0xec: {  	[sflag:s9] =	ssyncadd.s32 $0xFFFFFF38  }
0xed: {  	[tilespmem:s12], [sflag:$0x2] =	stream.indirect.gather [hbm4b:s6+s10], $0x40, s10, s10, $0xb8;
	[tilespmem:$0x9790] =	vst v63  }
0xee: {  	_ =	swait.ge [sflag:s13], $0x3200  }
0xef: {  	[sflag:s13] =	ssyncset.done $0x0  }
0xf0: {  	s2 =	simm.s32 $0x0;
	[sflag:s13] =	ssyncadd.s32 $0xFFFFCE00  }
0xf1: {  	v5 =	vld [tilespmem:s2+$0x6590]  }
0xf2: {  	v6 =	vld [tilespmem:s2+$0x65A0]  }
0xf3: {  	v1 =	vld [tilespmem:s2+$0x65B0]  }
0xf4: {  	v0 =	vld [tilespmem:s2+$0x65C0]  }
0xf5: {  	v2 =	vld [tilespmem:s2+$0x190]  }
0xf6: {  	v4 =	vld [tilespmem:s2+$0x1A0]  }
0xf7: {  	s4 =	simm.s32 $0x100;
	v3 =	vld [tilespmem:s2+$0x1B0]  }
.LBB2_10:
0xf8: {  	s18 =	sshra.s32 s4, $0x2;
	p0 =	sne.s32 s4, $0xC700;
	v7 =	vld [tilespmem:s2+$0x1C0];
	v8 =	vmov v1  }
0xf9: {  	v9 =	vld [tilespmem:s18+$0x6590];
	v10 =	vmov v0  }
0xfa: {  	v11 =	vld [tilespmem:s18+$0x65A0];
	v2 =	vadd.f32 v5, v2  }
.Ltmp4:
0xfb: {  	v1 =	vld [tilespmem:s18+$0x65B0];
	v4 =	vadd.f32 v6, v4;
	(pc) =	sbr.rel @p0 .LBB2_10-.Ltmp4, $4  }
0xfc: {  	v0 =	vld [tilespmem:s18+$0x65C0];
	[tilespmem:s2+$0x190] =	vst v2;
	v3 =	vadd.f32 v8, v3  }
0xfd: {  	v2 =	vld [tilespmem:s18+$0x190];
	[tilespmem:s2+$0x1A0] =	vst v4;
	v7 =	vadd.f32 v10, v7  }
0xfe: {  	v4 =	vld [tilespmem:s18+$0x1A0];
	[tilespmem:s2+$0x1B0] =	vst v3;
	v5 =	vmov v9  }
0xff: {  	s4 =	sadd.s32 $0x100, s4;
	v3 =	vld [tilespmem:s18+$0x1B0];
	[tilespmem:s2+$0x1C0] =	vst v7;
	v6 =	vmov v11;
	s2 =	smov.u32 s18  }
0x100: {  	v7 =	vld [tilespmem:s2+$0x1C0];
	_ =	sdelay $0x1  }
0x101: {  	v2 =	vadd.f32 v5, v2  }
0x102: {  	v4 =	vadd.f32 v6, v4  }
0x103: {  	[tilespmem:s2+$0x190] =	vst v2;
	v1 =	vadd.f32 v1, v3  }
0x104: {  	s4 =	sld [smem:$0x7F1];
	[tilespmem:s2+$0x1A0] =	vst v4;
	v0 =	vadd.f32 v0, v7  }
0x105: {  	[tilespmem:s2+$0x1B0] =	vst v1  }
0x106: {  	[tilespmem:s2+$0x1C0] =	vst v0;
	s2 =	simm.s32 $0x0  }
0x107: {  	[hbm4b:s4+s2] =	stream.linear.scatter [tilespmem:s11], [sflag:$0x3], $0x3200, $0x38;
	[tilespmem:$0x9790] =	vst v63  }
0x108: {  	_ =	swait.ge [sflag:s9], $0x3200  }
0x109: {  	[sflag:s9] =	ssyncset.done $0x0  }
0x10a: {  	s18 =	rddreg [dreg:$0x9];
	[sflag:s9] =	ssyncadd.s32 $0xFFFFCE00  }
0x10b: {  	[tilespmem:s2], [sflag:$0x3] =	stream.linear.gather [hbm4b:s18+s2], $0xC8, $0x38;
	[tilespmem:$0x9790] =	vst v63  }
0x10c: {  	_ =	swait.ge [sflag:s9], $0xC8  }
0x10d: {  	[sflag:s9] =	ssyncset.done $0x0  }
0x10e: {  	[sflag:s9] =	ssyncadd.s32 $0xFFFFFF38  }
0x10f: {  	[tilespmem:s11], [sflag:$0x1] =	stream.indirect.gather [hbm4b:s6+s10], $0x40, s2, s10, $0xb8;
	[tilespmem:$0x9790] =	vst v63  }
0x110: {  	_ =	swait.ge [sflag:s14], $0x3200  }
0x111: {  	[sflag:s14] =	ssyncset.done $0x0  }
0x112: {  	s2 =	simm.s32 $0x0;
	[sflag:s14] =	ssyncadd.s32 $0xFFFFCE00  }
0x113: {  	v5 =	vld [tilespmem:s2+$0x6590]  }
0x114: {  	v6 =	vld [tilespmem:s2+$0x65A0]  }
0x115: {  	v1 =	vld [tilespmem:s2+$0x65B0]  }
0x116: {  	v0 =	vld [tilespmem:s2+$0x65C0]  }
0x117: {  	v2 =	vld [tilespmem:s2+$0x3390]  }
0x118: {  	v4 =	vld [tilespmem:s2+$0x33A0]  }
0x119: {  	s4 =	simm.s32 $0x100;
	v3 =	vld [tilespmem:s2+$0x33B0]  }
.LBB2_12:
0x11a: {  	s18 =	sshra.s32 s4, $0x2;
	p0 =	sne.s32 s4, $0xC700;
	v7 =	vld [tilespmem:s2+$0x33C0];
	v8 =	vmov v1  }
0x11b: {  	v9 =	vld [tilespmem:s18+$0x6590];
	v10 =	vmov v0  }
0x11c: {  	v11 =	vld [tilespmem:s18+$0x65A0];
	v2 =	vadd.f32 v5, v2  }
.Ltmp5:
0x11d: {  	v1 =	vld [tilespmem:s18+$0x65B0];
	v4 =	vadd.f32 v6, v4;
	(pc) =	sbr.rel @p0 .LBB2_12-.Ltmp5, $4  }
0x11e: {  	v0 =	vld [tilespmem:s18+$0x65C0];
	[tilespmem:s2+$0x3390] =	vst v2;
	v3 =	vadd.f32 v8, v3  }
0x11f: {  	v2 =	vld [tilespmem:s18+$0x3390];
	[tilespmem:s2+$0x33A0] =	vst v4;
	v7 =	vadd.f32 v10, v7  }
0x120: {  	v4 =	vld [tilespmem:s18+$0x33A0];
	[tilespmem:s2+$0x33B0] =	vst v3;
	v5 =	vmov v9  }
0x121: {  	s4 =	sadd.s32 $0x100, s4;
	v3 =	vld [tilespmem:s18+$0x33B0];
	[tilespmem:s2+$0x33C0] =	vst v7;
	v6 =	vmov v11;
	s2 =	smov.u32 s18  }
0x122: {  	v7 =	vld [tilespmem:s2+$0x33C0];
	_ =	sdelay $0x1  }
0x123: {  	v2 =	vadd.f32 v5, v2  }
0x124: {  	v4 =	vadd.f32 v6, v4  }
0x125: {  	[tilespmem:s2+$0x3390] =	vst v2;
	v1 =	vadd.f32 v1, v3  }
0x126: {  	s4 =	sld [smem:$0x7F3];
	[tilespmem:s2+$0x33A0] =	vst v4;
	v0 =	vadd.f32 v0, v7  }
0x127: {  	[tilespmem:s2+$0x33B0] =	vst v1  }
0x128: {  	[tilespmem:s2+$0x33C0] =	vst v0;
	s2 =	simm.s32 $0x0  }
0x129: {  	[hbm4b:s4+s2] =	stream.linear.scatter [tilespmem:s12], [sflag:$0x3], $0x3200, $0x38;
	[tilespmem:$0x9790] =	vst v63  }
0x12a: {  	_ =	swait.ge [sflag:s9], $0x3200  }
0x12b: {  	[sflag:s9] =	ssyncset.done $0x0  }
0x12c: {  	s18 =	rddreg [dreg:$0xa];
	[sflag:s9] =	ssyncadd.s32 $0xFFFFCE00  }
0x12d: {  	[tilespmem:s10], [sflag:$0x3] =	stream.linear.gather [hbm4b:s18+s2], $0xC8, $0x38;
	[tilespmem:$0x9790] =	vst v63  }
0x12e: {  	_ =	swait.ge [sflag:s9], $0xC8  }
0x12f: {  	[sflag:s9] =	ssyncset.done $0x0  }
0x130: {  	[sflag:s9] =	ssyncadd.s32 $0xFFFFFF38  }
0x131: {  	[tilespmem:s12], [sflag:$0x2] =	stream.indirect.gather [hbm4b:s6+s10], $0x40, s10, s10, $0xb8;
	[tilespmem:$0x9790] =	vst v63  }
0x132: {  	_ =	swait.ge [sflag:s13], $0x3200  }
0x133: {  	[sflag:s13] =	ssyncset.done $0x0  }
0x134: {  	s2 =	simm.s32 $0x0;
	[sflag:s13] =	ssyncadd.s32 $0xFFFFCE00  }
0x135: {  	v5 =	vld [tilespmem:s2+$0x6590]  }
0x136: {  	v6 =	vld [tilespmem:s2+$0x65A0]  }
0x137: {  	v1 =	vld [tilespmem:s2+$0x65B0]  }
0x138: {  	v0 =	vld [tilespmem:s2+$0x65C0]  }
0x139: {  	v2 =	vld [tilespmem:s2+$0x190]  }
0x13a: {  	v4 =	vld [tilespmem:s2+$0x1A0]  }
0x13b: {  	s4 =	simm.s32 $0x100;
	v3 =	vld [tilespmem:s2+$0x1B0]  }
.LBB2_14:
0x13c: {  	s18 =	sshra.s32 s4, $0x2;
	p0 =	sne.s32 s4, $0xC700;
	v7 =	vld [tilespmem:s2+$0x1C0];
	v8 =	vmov v1  }
0x13d: {  	v9 =	vld [tilespmem:s18+$0x6590];
	v10 =	vmov v0  }
0x13e: {  	v11 =	vld [tilespmem:s18+$0x65A0];
	v2 =	vadd.f32 v5, v2  }
.Ltmp6:
0x13f: {  	v1 =	vld [tilespmem:s18+$0x65B0];
	v4 =	vadd.f32 v6, v4;
	(pc) =	sbr.rel @p0 .LBB2_14-.Ltmp6, $4  }
0x140: {  	v0 =	vld [tilespmem:s18+$0x65C0];
	[tilespmem:s2+$0x190] =	vst v2;
	v3 =	vadd.f32 v8, v3  }
0x141: {  	v2 =	vld [tilespmem:s18+$0x190];
	[tilespmem:s2+$0x1A0] =	vst v4;
	v7 =	vadd.f32 v10, v7  }
0x142: {  	v4 =	vld [tilespmem:s18+$0x1A0];
	[tilespmem:s2+$0x1B0] =	vst v3;
	v5 =	vmov v9  }
0x143: {  	s4 =	sadd.s32 $0x100, s4;
	v3 =	vld [tilespmem:s18+$0x1B0];
	[tilespmem:s2+$0x1C0] =	vst v7;
	v6 =	vmov v11;
	s2 =	smov.u32 s18  }
0x144: {  	v7 =	vld [tilespmem:s2+$0x1C0];
	_ =	sdelay $0x1  }
0x145: {  	v2 =	vadd.f32 v5, v2  }
0x146: {  	v4 =	vadd.f32 v6, v4  }
0x147: {  	[tilespmem:s2+$0x190] =	vst v2;
	v1 =	vadd.f32 v1, v3  }
0x148: {  	s4 =	sld [smem:$0x7F4];
	[tilespmem:s2+$0x1A0] =	vst v4;
	v0 =	vadd.f32 v0, v7  }
0x149: {  	[tilespmem:s2+$0x1B0] =	vst v1  }
0x14a: {  	[tilespmem:s2+$0x1C0] =	vst v0;
	s2 =	simm.s32 $0x0  }
0x14b: {  	[hbm4b:s4+s2] =	stream.linear.scatter [tilespmem:s11], [sflag:$0x3], $0x3200, $0x38;
	[tilespmem:$0x9790] =	vst v63  }
0x14c: {  	_ =	swait.ge [sflag:s9], $0x3200  }
0x14d: {  	[sflag:s9] =	ssyncset.done $0x0  }
0x14e: {  	s18 =	rddreg [dreg:$0xb];
	[sflag:s9] =	ssyncadd.s32 $0xFFFFCE00  }
0x14f: {  	[tilespmem:s2], [sflag:$0x3] =	stream.linear.gather [hbm4b:s18+s2], $0xC8, $0x38;
	[tilespmem:$0x9790] =	vst v63  }
0x150: {  	_ =	swait.ge [sflag:s9], $0xC8  }
0x151: {  	[sflag:s9] =	ssyncset.done $0x0  }
0x152: {  	[sflag:s9] =	ssyncadd.s32 $0xFFFFFF38  }
0x153: {  	[tilespmem:s11], [sflag:$0x1] =	stream.indirect.gather [hbm4b:s6+s10], $0x40, s2, s10, $0xb8;
	[tilespmem:$0x9790] =	vst v63  }
0x154: {  	_ =	swait.ge [sflag:s14], $0x3200  }
0x155: {  	[sflag:s14] =	ssyncset.done $0x0  }
0x156: {  	s2 =	simm.s32 $0x0;
	[sflag:s14] =	ssyncadd.s32 $0xFFFFCE00  }
0x157: {  	v5 =	vld [tilespmem:s2+$0x6590]  }
0x158: {  	v6 =	vld [tilespmem:s2+$0x65A0]  }
0x159: {  	v1 =	vld [tilespmem:s2+$0x65B0]  }
0x15a: {  	v0 =	vld [tilespmem:s2+$0x65C0]  }
0x15b: {  	v2 =	vld [tilespmem:s2+$0x3390]  }
0x15c: {  	v4 =	vld [tilespmem:s2+$0x33A0]  }
0x15d: {  	s4 =	simm.s32 $0x100;
	v3 =	vld [tilespmem:s2+$0x33B0]  }
.LBB2_16:
0x15e: {  	s18 =	sshra.s32 s4, $0x2;
	p0 =	sne.s32 s4, $0xC700;
	v7 =	vld [tilespmem:s2+$0x33C0];
	v8 =	vmov v1  }
0x15f: {  	v9 =	vld [tilespmem:s18+$0x6590];
	v10 =	vmov v0  }
0x160: {  	v11 =	vld [tilespmem:s18+$0x65A0];
	v2 =	vadd.f32 v5, v2  }
.Ltmp7:
0x161: {  	v1 =	vld [tilespmem:s18+$0x65B0];
	v4 =	vadd.f32 v6, v4;
	(pc) =	sbr.rel @p0 .LBB2_16-.Ltmp7, $4  }
0x162: {  	v0 =	vld [tilespmem:s18+$0x65C0];
	[tilespmem:s2+$0x3390] =	vst v2;
	v3 =	vadd.f32 v8, v3  }
0x163: {  	v2 =	vld [tilespmem:s18+$0x3390];
	[tilespmem:s2+$0x33A0] =	vst v4;
	v7 =	vadd.f32 v10, v7  }
0x164: {  	v4 =	vld [tilespmem:s18+$0x33A0];
	[tilespmem:s2+$0x33B0] =	vst v3;
	v5 =	vmov v9  }
0x165: {  	s4 =	sadd.s32 $0x100, s4;
	v3 =	vld [tilespmem:s18+$0x33B0];
	[tilespmem:s2+$0x33C0] =	vst v7;
	v6 =	vmov v11;
	s2 =	smov.u32 s18  }
0x166: {  	v7 =	vld [tilespmem:s2+$0x33C0];
	_ =	sdelay $0x1  }
0x167: {  	v2 =	vadd.f32 v5, v2  }
0x168: {  	v4 =	vadd.f32 v6, v4  }
0x169: {  	[tilespmem:s2+$0x3390] =	vst v2;
	v1 =	vadd.f32 v1, v3  }
0x16a: {  	s4 =	sld [smem:$0x7F5];
	[tilespmem:s2+$0x33A0] =	vst v4;
	v0 =	vadd.f32 v0, v7  }
0x16b: {  	[tilespmem:s2+$0x33B0] =	vst v1  }
0x16c: {  	[tilespmem:s2+$0x33C0] =	vst v0;
	s2 =	simm.s32 $0x0  }
0x16d: {  	[hbm4b:s4+s2] =	stream.linear.scatter [tilespmem:s12], [sflag:$0x3], $0x3200, $0x38;
	[tilespmem:$0x9790] =	vst v63  }
0x16e: {  	_ =	swait.ge [sflag:s9], $0x3200  }
0x16f: {  	[sflag:s9] =	ssyncset.done $0x0  }
0x170: {  	s18 =	rddreg [dreg:$0xc];
	[sflag:s9] =	ssyncadd.s32 $0xFFFFCE00  }
0x171: {  	[tilespmem:s10], [sflag:$0x3] =	stream.linear.gather [hbm4b:s18+s2], $0xC8, $0x38;
	[tilespmem:$0x9790] =	vst v63  }
0x172: {  	_ =	swait.ge [sflag:s9], $0xC8  }
0x173: {  	[sflag:s9] =	ssyncset.done $0x0  }
0x174: {  	[sflag:s9] =	ssyncadd.s32 $0xFFFFFF38  }
0x175: {  	[tilespmem:s12], [sflag:$0x2] =	stream.indirect.gather [hbm4b:s6+s10], $0x40, s10, s10, $0xb8;
	[tilespmem:$0x9790] =	vst v63  }
0x176: {  	_ =	swait.ge [sflag:s13], $0x3200  }
0x177: {  	[sflag:s13] =	ssyncset.done $0x0  }
0x178: {  	s2 =	simm.s32 $0x0;
	[sflag:s13] =	ssyncadd.s32 $0xFFFFCE00  }
0x179: {  	v5 =	vld [tilespmem:s2+$0x6590]  }
0x17a: {  	v6 =	vld [tilespmem:s2+$0x65A0]  }
0x17b: {  	v1 =	vld [tilespmem:s2+$0x65B0]  }
0x17c: {  	v0 =	vld [tilespmem:s2+$0x65C0]  }
0x17d: {  	v2 =	vld [tilespmem:s2+$0x190]  }
0x17e: {  	v4 =	vld [tilespmem:s2+$0x1A0]  }
0x17f: {  	s4 =	simm.s32 $0x100;
	v3 =	vld [tilespmem:s2+$0x1B0]  }
.LBB2_18:
0x180: {  	s18 =	sshra.s32 s4, $0x2;
	p0 =	sne.s32 s4, $0xC700;
	v7 =	vld [tilespmem:s2+$0x1C0];
	v8 =	vmov v1  }
0x181: {  	v9 =	vld [tilespmem:s18+$0x6590];
	v10 =	vmov v0  }
0x182: {  	v11 =	vld [tilespmem:s18+$0x65A0];
	v2 =	vadd.f32 v5, v2  }
.Ltmp8:
0x183: {  	v1 =	vld [tilespmem:s18+$0x65B0];
	v4 =	vadd.f32 v6, v4;
	(pc) =	sbr.rel @p0 .LBB2_18-.Ltmp8, $4  }
0x184: {  	v0 =	vld [tilespmem:s18+$0x65C0];
	[tilespmem:s2+$0x190] =	vst v2;
	v3 =	vadd.f32 v8, v3  }
0x185: {  	v2 =	vld [tilespmem:s18+$0x190];
	[tilespmem:s2+$0x1A0] =	vst v4;
	v7 =	vadd.f32 v10, v7  }
0x186: {  	v4 =	vld [tilespmem:s18+$0x1A0];
	[tilespmem:s2+$0x1B0] =	vst v3;
	v5 =	vmov v9  }
0x187: {  	s4 =	sadd.s32 $0x100, s4;
	v3 =	vld [tilespmem:s18+$0x1B0];
	[tilespmem:s2+$0x1C0] =	vst v7;
	v6 =	vmov v11;
	s2 =	smov.u32 s18  }
0x188: {  	v7 =	vld [tilespmem:s2+$0x1C0];
	_ =	sdelay $0x1  }
0x189: {  	v2 =	vadd.f32 v5, v2  }
0x18a: {  	v4 =	vadd.f32 v6, v4  }
0x18b: {  	[tilespmem:s2+$0x190] =	vst v2;
	v1 =	vadd.f32 v1, v3  }
0x18c: {  	s4 =	sld [smem:$0x7F6];
	[tilespmem:s2+$0x1A0] =	vst v4;
	v0 =	vadd.f32 v0, v7  }
0x18d: {  	[tilespmem:s2+$0x1B0] =	vst v1  }
0x18e: {  	[tilespmem:s2+$0x1C0] =	vst v0;
	s2 =	simm.s32 $0x0  }
0x18f: {  	[hbm4b:s4+s2] =	stream.linear.scatter [tilespmem:s11], [sflag:$0x3], $0x3200, $0x38;
	[tilespmem:$0x9790] =	vst v63  }
0x190: {  	_ =	swait.ge [sflag:s9], $0x3200  }
0x191: {  	[sflag:s9] =	ssyncset.done $0x0  }
0x192: {  	s18 =	rddreg [dreg:$0xd];
	[sflag:s9] =	ssyncadd.s32 $0xFFFFCE00  }
0x193: {  	[tilespmem:s2], [sflag:$0x3] =	stream.linear.gather [hbm4b:s18+s2], $0xC8, $0x38;
	[tilespmem:$0x9790] =	vst v63  }
0x194: {  	_ =	swait.ge [sflag:s9], $0xC8  }
0x195: {  	[sflag:s9] =	ssyncset.done $0x0  }
0x196: {  	[sflag:s9] =	ssyncadd.s32 $0xFFFFFF38  }
0x197: {  	[tilespmem:s11], [sflag:$0x1] =	stream.indirect.gather [hbm4b:s6+s10], $0x40, s2, s10, $0xb8;
	[tilespmem:$0x9790] =	vst v63  }
0x198: {  	_ =	swait.ge [sflag:s14], $0x3200  }
0x199: {  	[sflag:s14] =	ssyncset.done $0x0  }
0x19a: {  	s2 =	simm.s32 $0x0;
	[sflag:s14] =	ssyncadd.s32 $0xFFFFCE00  }
0x19b: {  	v5 =	vld [tilespmem:s2+$0x6590]  }
0x19c: {  	v6 =	vld [tilespmem:s2+$0x65A0]  }
0x19d: {  	v1 =	vld [tilespmem:s2+$0x65B0]  }
0x19e: {  	v0 =	vld [tilespmem:s2+$0x65C0]  }
0x19f: {  	v2 =	vld [tilespmem:s2+$0x3390]  }
0x1a0: {  	v4 =	vld [tilespmem:s2+$0x33A0]  }
0x1a1: {  	s4 =	simm.s32 $0x100;
	v3 =	vld [tilespmem:s2+$0x33B0]  }
.LBB2_20:
0x1a2: {  	s18 =	sshra.s32 s4, $0x2;
	p0 =	sne.s32 s4, $0xC700;
	v7 =	vld [tilespmem:s2+$0x33C0];
	v8 =	vmov v1  }
0x1a3: {  	v9 =	vld [tilespmem:s18+$0x6590];
	v10 =	vmov v0  }
0x1a4: {  	v11 =	vld [tilespmem:s18+$0x65A0];
	v2 =	vadd.f32 v5, v2  }
.Ltmp9:
0x1a5: {  	v1 =	vld [tilespmem:s18+$0x65B0];
	v4 =	vadd.f32 v6, v4;
	(pc) =	sbr.rel @p0 .LBB2_20-.Ltmp9, $4  }
0x1a6: {  	v0 =	vld [tilespmem:s18+$0x65C0];
	[tilespmem:s2+$0x3390] =	vst v2;
	v3 =	vadd.f32 v8, v3  }
0x1a7: {  	v2 =	vld [tilespmem:s18+$0x3390];
	[tilespmem:s2+$0x33A0] =	vst v4;
	v7 =	vadd.f32 v10, v7  }
0x1a8: {  	v4 =	vld [tilespmem:s18+$0x33A0];
	[tilespmem:s2+$0x33B0] =	vst v3;
	v5 =	vmov v9  }
0x1a9: {  	s4 =	sadd.s32 $0x100, s4;
	v3 =	vld [tilespmem:s18+$0x33B0];
	[tilespmem:s2+$0x33C0] =	vst v7;
	v6 =	vmov v11;
	s2 =	smov.u32 s18  }
0x1aa: {  	v7 =	vld [tilespmem:s2+$0x33C0];
	_ =	sdelay $0x1  }
0x1ab: {  	v2 =	vadd.f32 v5, v2  }
0x1ac: {  	v4 =	vadd.f32 v6, v4  }
0x1ad: {  	[tilespmem:s2+$0x3390] =	vst v2;
	v1 =	vadd.f32 v1, v3  }
0x1ae: {  	s4 =	sld [smem:$0x7F7];
	[tilespmem:s2+$0x33A0] =	vst v4;
	v0 =	vadd.f32 v0, v7  }
0x1af: {  	[tilespmem:s2+$0x33B0] =	vst v1  }
0x1b0: {  	[tilespmem:s2+$0x33C0] =	vst v0;
	s2 =	simm.s32 $0x0  }
0x1b1: {  	[hbm4b:s4+s2] =	stream.linear.scatter [tilespmem:s12], [sflag:$0x3], $0x3200, $0x38;
	[tilespmem:$0x9790] =	vst v63  }
0x1b2: {  	_ =	swait.ge [sflag:s9], $0x3200  }
0x1b3: {  	[sflag:s9] =	ssyncset.done $0x0  }
0x1b4: {  	s18 =	rddreg [dreg:$0xe];
	[sflag:s9] =	ssyncadd.s32 $0xFFFFCE00  }
0x1b5: {  	[tilespmem:s10], [sflag:$0x3] =	stream.linear.gather [hbm4b:s18+s2], $0xC8, $0x38;
	[tilespmem:$0x9790] =	vst v63  }
0x1b6: {  	_ =	swait.ge [sflag:s9], $0xC8  }
0x1b7: {  	[sflag:s9] =	ssyncset.done $0x0  }
0x1b8: {  	[sflag:s9] =	ssyncadd.s32 $0xFFFFFF38  }
0x1b9: {  	[tilespmem:s12], [sflag:$0x2] =	stream.indirect.gather [hbm4b:s6+s10], $0x40, s10, s10, $0xb8;
	[tilespmem:$0x9790] =	vst v63  }
0x1ba: {  	_ =	swait.ge [sflag:s13], $0x3200  }
0x1bb: {  	[sflag:s13] =	ssyncset.done $0x0  }
0x1bc: {  	s2 =	simm.s32 $0x0;
	[sflag:s13] =	ssyncadd.s32 $0xFFFFCE00  }
0x1bd: {  	v5 =	vld [tilespmem:s2+$0x6590]  }
0x1be: {  	v6 =	vld [tilespmem:s2+$0x65A0]  }
0x1bf: {  	v1 =	vld [tilespmem:s2+$0x65B0]  }
0x1c0: {  	v0 =	vld [tilespmem:s2+$0x65C0]  }
0x1c1: {  	v2 =	vld [tilespmem:s2+$0x190]  }
0x1c2: {  	v4 =	vld [tilespmem:s2+$0x1A0]  }
0x1c3: {  	s4 =	simm.s32 $0x100;
	v3 =	vld [tilespmem:s2+$0x1B0]  }
.LBB2_22:
0x1c4: {  	s18 =	sshra.s32 s4, $0x2;
	p0 =	sne.s32 s4, $0xC700;
	v7 =	vld [tilespmem:s2+$0x1C0];
	v8 =	vmov v1  }
0x1c5: {  	v9 =	vld [tilespmem:s18+$0x6590];
	v10 =	vmov v0  }
0x1c6: {  	v11 =	vld [tilespmem:s18+$0x65A0];
	v2 =	vadd.f32 v5, v2  }
.Ltmp10:
0x1c7: {  	v1 =	vld [tilespmem:s18+$0x65B0];
	v4 =	vadd.f32 v6, v4;
	(pc) =	sbr.rel @p0 .LBB2_22-.Ltmp10, $4  }
0x1c8: {  	v0 =	vld [tilespmem:s18+$0x65C0];
	[tilespmem:s2+$0x190] =	vst v2;
	v3 =	vadd.f32 v8, v3  }
0x1c9: {  	v2 =	vld [tilespmem:s18+$0x190];
	[tilespmem:s2+$0x1A0] =	vst v4;
	v7 =	vadd.f32 v10, v7  }
0x1ca: {  	v4 =	vld [tilespmem:s18+$0x1A0];
	[tilespmem:s2+$0x1B0] =	vst v3;
	v5 =	vmov v9  }
0x1cb: {  	s4 =	sadd.s32 $0x100, s4;
	v3 =	vld [tilespmem:s18+$0x1B0];
	[tilespmem:s2+$0x1C0] =	vst v7;
	v6 =	vmov v11;
	s2 =	smov.u32 s18  }
0x1cc: {  	v7 =	vld [tilespmem:s2+$0x1C0];
	_ =	sdelay $0x1  }
0x1cd: {  	v2 =	vadd.f32 v5, v2  }
0x1ce: {  	v4 =	vadd.f32 v6, v4  }
0x1cf: {  	[tilespmem:s2+$0x190] =	vst v2;
	v1 =	vadd.f32 v1, v3  }
0x1d0: {  	s4 =	sld [smem:$0x7F8];
	[tilespmem:s2+$0x1A0] =	vst v4;
	v0 =	vadd.f32 v0, v7  }
0x1d1: {  	[tilespmem:s2+$0x1B0] =	vst v1  }
0x1d2: {  	[tilespmem:s2+$0x1C0] =	vst v0;
	s2 =	simm.s32 $0x0  }
0x1d3: {  	[hbm4b:s4+s2] =	stream.linear.scatter [tilespmem:s11], [sflag:$0x3], $0x3200, $0x38;
	[tilespmem:$0x9790] =	vst v63  }
0x1d4: {  	_ =	swait.ge [sflag:s9], $0x3200  }
0x1d5: {  	[sflag:s9] =	ssyncset.done $0x0  }
0x1d6: {  	s18 =	rddreg [dreg:$0xf];
	[sflag:s9] =	ssyncadd.s32 $0xFFFFCE00  }
0x1d7: {  	[tilespmem:s2], [sflag:$0x3] =	stream.linear.gather [hbm4b:s18+s2], $0xC8, $0x38;
	[tilespmem:$0x9790] =	vst v63  }
0x1d8: {  	_ =	swait.ge [sflag:s9], $0xC8  }
0x1d9: {  	[sflag:s9] =	ssyncset.done $0x0  }
0x1da: {  	[sflag:s9] =	ssyncadd.s32 $0xFFFFFF38  }
0x1db: {  	[tilespmem:s11], [sflag:$0x1] =	stream.indirect.gather [hbm4b:s6+s10], $0x40, s2, s10, $0xb8;
	[tilespmem:$0x9790] =	vst v63  }
0x1dc: {  	_ =	swait.ge [sflag:s14], $0x3200  }
0x1dd: {  	[sflag:s14] =	ssyncset.done $0x0  }
0x1de: {  	s2 =	simm.s32 $0x0;
	[sflag:s14] =	ssyncadd.s32 $0xFFFFCE00  }
0x1df: {  	v5 =	vld [tilespmem:s2+$0x6590]  }
0x1e0: {  	v6 =	vld [tilespmem:s2+$0x65A0]  }
0x1e1: {  	v1 =	vld [tilespmem:s2+$0x65B0]  }
0x1e2: {  	v0 =	vld [tilespmem:s2+$0x65C0]  }
0x1e3: {  	v2 =	vld [tilespmem:s2+$0x3390]  }
0x1e4: {  	v4 =	vld [tilespmem:s2+$0x33A0]  }
0x1e5: {  	s4 =	simm.s32 $0x100;
	v3 =	vld [tilespmem:s2+$0x33B0]  }
.LBB2_24:
0x1e6: {  	s18 =	sshra.s32 s4, $0x2;
	p0 =	sne.s32 s4, $0xC700;
	v7 =	vld [tilespmem:s2+$0x33C0];
	v8 =	vmov v1  }
0x1e7: {  	v9 =	vld [tilespmem:s18+$0x6590];
	v10 =	vmov v0  }
0x1e8: {  	v11 =	vld [tilespmem:s18+$0x65A0];
	v2 =	vadd.f32 v5, v2  }
.Ltmp11:
0x1e9: {  	v1 =	vld [tilespmem:s18+$0x65B0];
	v4 =	vadd.f32 v6, v4;
	(pc) =	sbr.rel @p0 .LBB2_24-.Ltmp11, $4  }
0x1ea: {  	v0 =	vld [tilespmem:s18+$0x65C0];
	[tilespmem:s2+$0x3390] =	vst v2;
	v3 =	vadd.f32 v8, v3  }
0x1eb: {  	v2 =	vld [tilespmem:s18+$0x3390];
	[tilespmem:s2+$0x33A0] =	vst v4;
	v7 =	vadd.f32 v10, v7  }
0x1ec: {  	v4 =	vld [tilespmem:s18+$0x33A0];
	[tilespmem:s2+$0x33B0] =	vst v3;
	v5 =	vmov v9  }
0x1ed: {  	s4 =	sadd.s32 $0x100, s4;
	v3 =	vld [tilespmem:s18+$0x33B0];
	[tilespmem:s2+$0x33C0] =	vst v7;
	v6 =	vmov v11;
	s2 =	smov.u32 s18  }
0x1ee: {  	v7 =	vld [tilespmem:s2+$0x33C0];
	_ =	sdelay $0x1  }
0x1ef: {  	v2 =	vadd.f32 v5, v2  }
0x1f0: {  	v4 =	vadd.f32 v6, v4  }
0x1f1: {  	[tilespmem:s2+$0x3390] =	vst v2;
	v1 =	vadd.f32 v1, v3  }
0x1f2: {  	s4 =	sld [smem:$0x7F9];
	[tilespmem:s2+$0x33A0] =	vst v4;
	v0 =	vadd.f32 v0, v7  }
0x1f3: {  	[tilespmem:s2+$0x33B0] =	vst v1  }
0x1f4: {  	[tilespmem:s2+$0x33C0] =	vst v0;
	s2 =	simm.s32 $0x0  }
0x1f5: {  	[hbm4b:s4+s2] =	stream.linear.scatter [tilespmem:s12], [sflag:$0x3], $0x3200, $0x38;
	[tilespmem:$0x9790] =	vst v63  }
0x1f6: {  	_ =	swait.ge [sflag:s9], $0x3200  }
0x1f7: {  	[sflag:s9] =	ssyncset.done $0x0  }
0x1f8: {  	s18 =	rddreg [dreg:$0x10];
	[sflag:s9] =	ssyncadd.s32 $0xFFFFCE00  }
0x1f9: {  	[tilespmem:s10], [sflag:$0x3] =	stream.linear.gather [hbm4b:s18+s2], $0xC8, $0x38;
	[tilespmem:$0x9790] =	vst v63  }
0x1fa: {  	_ =	swait.ge [sflag:s9], $0xC8  }
0x1fb: {  	[sflag:s9] =	ssyncset.done $0x0  }
0x1fc: {  	[sflag:s9] =	ssyncadd.s32 $0xFFFFFF38  }
0x1fd: {  	[tilespmem:s12], [sflag:$0x2] =	stream.indirect.gather [hbm4b:s6+s10], $0x40, s10, s10, $0xb8;
	[tilespmem:$0x9790] =	vst v63  }
0x1fe: {  	_ =	swait.ge [sflag:s13], $0x3200  }
0x1ff: {  	[sflag:s13] =	ssyncset.done $0x0  }
0x200: {  	s2 =	simm.s32 $0x0;
	[sflag:s13] =	ssyncadd.s32 $0xFFFFCE00  }
0x201: {  	v5 =	vld [tilespmem:s2+$0x6590]  }
0x202: {  	v6 =	vld [tilespmem:s2+$0x65A0]  }
0x203: {  	v1 =	vld [tilespmem:s2+$0x65B0]  }
0x204: {  	v0 =	vld [tilespmem:s2+$0x65C0]  }
0x205: {  	v2 =	vld [tilespmem:s2+$0x190]  }
0x206: {  	v4 =	vld [tilespmem:s2+$0x1A0]  }
0x207: {  	s4 =	simm.s32 $0x100;
	v3 =	vld [tilespmem:s2+$0x1B0]  }
.LBB2_26:
0x208: {  	s18 =	sshra.s32 s4, $0x2;
	p0 =	sne.s32 s4, $0xC700;
	v7 =	vld [tilespmem:s2+$0x1C0];
	v8 =	vmov v1  }
0x209: {  	v9 =	vld [tilespmem:s18+$0x6590];
	v10 =	vmov v0  }
0x20a: {  	v11 =	vld [tilespmem:s18+$0x65A0];
	v2 =	vadd.f32 v5, v2  }
.Ltmp12:
0x20b: {  	v1 =	vld [tilespmem:s18+$0x65B0];
	v4 =	vadd.f32 v6, v4;
	(pc) =	sbr.rel @p0 .LBB2_26-.Ltmp12, $4  }
0x20c: {  	v0 =	vld [tilespmem:s18+$0x65C0];
	[tilespmem:s2+$0x190] =	vst v2;
	v3 =	vadd.f32 v8, v3  }
0x20d: {  	v2 =	vld [tilespmem:s18+$0x190];
	[tilespmem:s2+$0x1A0] =	vst v4;
	v7 =	vadd.f32 v10, v7  }
0x20e: {  	v4 =	vld [tilespmem:s18+$0x1A0];
	[tilespmem:s2+$0x1B0] =	vst v3;
	v5 =	vmov v9  }
0x20f: {  	s4 =	sadd.s32 $0x100, s4;
	v3 =	vld [tilespmem:s18+$0x1B0];
	[tilespmem:s2+$0x1C0] =	vst v7;
	v6 =	vmov v11;
	s2 =	smov.u32 s18  }
0x210: {  	v7 =	vld [tilespmem:s2+$0x1C0];
	_ =	sdelay $0x1  }
0x211: {  	v2 =	vadd.f32 v5, v2  }
0x212: {  	v4 =	vadd.f32 v6, v4  }
0x213: {  	[tilespmem:s2+$0x190] =	vst v2;
	v1 =	vadd.f32 v1, v3  }
0x214: {  	s4 =	sld [smem:$0x7FA];
	[tilespmem:s2+$0x1A0] =	vst v4;
	v0 =	vadd.f32 v0, v7  }
0x215: {  	[tilespmem:s2+$0x1B0] =	vst v1  }
0x216: {  	[tilespmem:s2+$0x1C0] =	vst v0;
	s2 =	simm.s32 $0x0  }
0x217: {  	[hbm4b:s4+s2] =	stream.linear.scatter [tilespmem:s11], [sflag:$0x3], $0x3200, $0x38;
	[tilespmem:$0x9790] =	vst v63  }
0x218: {  	_ =	swait.ge [sflag:s9], $0x3200  }
0x219: {  	[sflag:s9] =	ssyncset.done $0x0  }
0x21a: {  	s18 =	rddreg [dreg:$0x11];
	[sflag:s9] =	ssyncadd.s32 $0xFFFFCE00  }
0x21b: {  	[tilespmem:s2], [sflag:$0x3] =	stream.linear.gather [hbm4b:s18+s2], $0xC8, $0x38;
	[tilespmem:$0x9790] =	vst v63  }
0x21c: {  	_ =	swait.ge [sflag:s9], $0xC8  }
0x21d: {  	[sflag:s9] =	ssyncset.done $0x0  }
0x21e: {  	[sflag:s9] =	ssyncadd.s32 $0xFFFFFF38  }
0x21f: {  	[tilespmem:s11], [sflag:$0x1] =	stream.indirect.gather [hbm4b:s6+s10], $0x40, s2, s10, $0xb8;
	[tilespmem:$0x9790] =	vst v63  }
0x220: {  	_ =	swait.ge [sflag:s14], $0x3200  }
0x221: {  	[sflag:s14] =	ssyncset.done $0x0  }
0x222: {  	s2 =	simm.s32 $0x0;
	[sflag:s14] =	ssyncadd.s32 $0xFFFFCE00  }
0x223: {  	v5 =	vld [tilespmem:s2+$0x6590]  }
0x224: {  	v6 =	vld [tilespmem:s2+$0x65A0]  }
0x225: {  	v1 =	vld [tilespmem:s2+$0x65B0]  }
0x226: {  	v0 =	vld [tilespmem:s2+$0x65C0]  }
0x227: {  	v2 =	vld [tilespmem:s2+$0x3390]  }
0x228: {  	v4 =	vld [tilespmem:s2+$0x33A0]  }
0x229: {  	s4 =	simm.s32 $0x100;
	v3 =	vld [tilespmem:s2+$0x33B0]  }
.LBB2_28:
0x22a: {  	s18 =	sshra.s32 s4, $0x2;
	p0 =	sne.s32 s4, $0xC700;
	v7 =	vld [tilespmem:s2+$0x33C0];
	v8 =	vmov v1  }
0x22b: {  	v9 =	vld [tilespmem:s18+$0x6590];
	v10 =	vmov v0  }
0x22c: {  	v11 =	vld [tilespmem:s18+$0x65A0];
	v2 =	vadd.f32 v5, v2  }
.Ltmp13:
0x22d: {  	v1 =	vld [tilespmem:s18+$0x65B0];
	v4 =	vadd.f32 v6, v4;
	(pc) =	sbr.rel @p0 .LBB2_28-.Ltmp13, $4  }
0x22e: {  	v0 =	vld [tilespmem:s18+$0x65C0];
	[tilespmem:s2+$0x3390] =	vst v2;
	v3 =	vadd.f32 v8, v3  }
0x22f: {  	v2 =	vld [tilespmem:s18+$0x3390];
	[tilespmem:s2+$0x33A0] =	vst v4;
	v7 =	vadd.f32 v10, v7  }
0x230: {  	v4 =	vld [tilespmem:s18+$0x33A0];
	[tilespmem:s2+$0x33B0] =	vst v3;
	v5 =	vmov v9  }
0x231: {  	s4 =	sadd.s32 $0x100, s4;
	v3 =	vld [tilespmem:s18+$0x33B0];
	[tilespmem:s2+$0x33C0] =	vst v7;
	v6 =	vmov v11;
	s2 =	smov.u32 s18  }
0x232: {  	v7 =	vld [tilespmem:s2+$0x33C0];
	_ =	sdelay $0x1  }
0x233: {  	v2 =	vadd.f32 v5, v2  }
0x234: {  	v4 =	vadd.f32 v6, v4  }
0x235: {  	[tilespmem:s2+$0x3390] =	vst v2;
	v1 =	vadd.f32 v1, v3  }
0x236: {  	s4 =	sld [smem:$0x7FB];
	[tilespmem:s2+$0x33A0] =	vst v4;
	v0 =	vadd.f32 v0, v7  }
0x237: {  	[tilespmem:s2+$0x33B0] =	vst v1  }
0x238: {  	[tilespmem:s2+$0x33C0] =	vst v0;
	s2 =	simm.s32 $0x0  }
0x239: {  	[hbm4b:s4+s2] =	stream.linear.scatter [tilespmem:s12], [sflag:$0x3], $0x3200, $0x38;
	[tilespmem:$0x9790] =	vst v63  }
0x23a: {  	_ =	swait.ge [sflag:s9], $0x3200  }
0x23b: {  	[sflag:s9] =	ssyncset.done $0x0  }
0x23c: {  	s18 =	rddreg [dreg:$0x12];
	[sflag:s9] =	ssyncadd.s32 $0xFFFFCE00  }
0x23d: {  	[tilespmem:s10], [sflag:$0x3] =	stream.linear.gather [hbm4b:s18+s2], $0xC8, $0x38;
	[tilespmem:$0x9790] =	vst v63  }
0x23e: {  	_ =	swait.ge [sflag:s9], $0xC8  }
0x23f: {  	[sflag:s9] =	ssyncset.done $0x0  }
0x240: {  	[sflag:s9] =	ssyncadd.s32 $0xFFFFFF38  }
0x241: {  	[tilespmem:s12], [sflag:$0x2] =	stream.indirect.gather [hbm4b:s6+s10], $0x40, s10, s10, $0xb8;
	[tilespmem:$0x9790] =	vst v63  }
0x242: {  	_ =	swait.ge [sflag:s13], $0x3200  }
0x243: {  	[sflag:s13] =	ssyncset.done $0x0  }
0x244: {  	s2 =	simm.s32 $0x0;
	[sflag:s13] =	ssyncadd.s32 $0xFFFFCE00  }
0x245: {  	v5 =	vld [tilespmem:s2+$0x6590]  }
0x246: {  	v6 =	vld [tilespmem:s2+$0x65A0]  }
0x247: {  	v1 =	vld [tilespmem:s2+$0x65B0]  }
0x248: {  	v0 =	vld [tilespmem:s2+$0x65C0]  }
0x249: {  	v2 =	vld [tilespmem:s2+$0x190]  }
0x24a: {  	v4 =	vld [tilespmem:s2+$0x1A0]  }
0x24b: {  	s4 =	simm.s32 $0x100;
	v3 =	vld [tilespmem:s2+$0x1B0]  }
.LBB2_30:
0x24c: {  	s18 =	sshra.s32 s4, $0x2;
	p0 =	sne.s32 s4, $0xC700;
	v7 =	vld [tilespmem:s2+$0x1C0];
	v8 =	vmov v1  }
0x24d: {  	v9 =	vld [tilespmem:s18+$0x6590];
	v10 =	vmov v0  }
0x24e: {  	v11 =	vld [tilespmem:s18+$0x65A0];
	v2 =	vadd.f32 v5, v2  }
.Ltmp14:
0x24f: {  	v1 =	vld [tilespmem:s18+$0x65B0];
	v4 =	vadd.f32 v6, v4;
	(pc) =	sbr.rel @p0 .LBB2_30-.Ltmp14, $4  }
0x250: {  	v0 =	vld [tilespmem:s18+$0x65C0];
	[tilespmem:s2+$0x190] =	vst v2;
	v3 =	vadd.f32 v8, v3  }
0x251: {  	v2 =	vld [tilespmem:s18+$0x190];
	[tilespmem:s2+$0x1A0] =	vst v4;
	v7 =	vadd.f32 v10, v7  }
0x252: {  	v4 =	vld [tilespmem:s18+$0x1A0];
	[tilespmem:s2+$0x1B0] =	vst v3;
	v5 =	vmov v9  }
0x253: {  	s4 =	sadd.s32 $0x100, s4;
	v3 =	vld [tilespmem:s18+$0x1B0];
	[tilespmem:s2+$0x1C0] =	vst v7;
	v6 =	vmov v11;
	s2 =	smov.u32 s18  }
0x254: {  	v7 =	vld [tilespmem:s2+$0x1C0];
	_ =	sdelay $0x1  }
0x255: {  	v2 =	vadd.f32 v5, v2  }
0x256: {  	v4 =	vadd.f32 v6, v4  }
0x257: {  	[tilespmem:s2+$0x190] =	vst v2;
	v1 =	vadd.f32 v1, v3  }
0x258: {  	s4 =	sld [smem:$0x7FC];
	[tilespmem:s2+$0x1A0] =	vst v4;
	v0 =	vadd.f32 v0, v7  }
0x259: {  	[tilespmem:s2+$0x1B0] =	vst v1  }
0x25a: {  	[tilespmem:s2+$0x1C0] =	vst v0;
	s2 =	simm.s32 $0x0  }
0x25b: {  	[hbm4b:s4+s2] =	stream.linear.scatter [tilespmem:s11], [sflag:$0x3], $0x3200, $0x38;
	[tilespmem:$0x9790] =	vst v63  }
0x25c: {  	_ =	swait.ge [sflag:s9], $0x3200  }
0x25d: {  	[sflag:s9] =	ssyncset.done $0x0  }
0x25e: {  	s18 =	rddreg [dreg:$0x13];
	[sflag:s9] =	ssyncadd.s32 $0xFFFFCE00  }
0x25f: {  	[tilespmem:s2], [sflag:$0x3] =	stream.linear.gather [hbm4b:s18+s2], $0xC8, $0x38;
	[tilespmem:$0x9790] =	vst v63  }
0x260: {  	_ =	swait.ge [sflag:s9], $0xC8  }
0x261: {  	[sflag:s9] =	ssyncset.done $0x0  }
0x262: {  	[sflag:s9] =	ssyncadd.s32 $0xFFFFFF38  }
0x263: {  	[tilespmem:s11], [sflag:$0x1] =	stream.indirect.gather [hbm4b:s6+s10], $0x40, s2, s10, $0xb8;
	[tilespmem:$0x9790] =	vst v63  }
0x264: {  	_ =	swait.ge [sflag:s14], $0x3200  }
0x265: {  	[sflag:s14] =	ssyncset.done $0x0  }
0x266: {  	s2 =	simm.s32 $0x0;
	[sflag:s14] =	ssyncadd.s32 $0xFFFFCE00  }
0x267: {  	v5 =	vld [tilespmem:s2+$0x6590]  }
0x268: {  	v6 =	vld [tilespmem:s2+$0x65A0]  }
0x269: {  	v1 =	vld [tilespmem:s2+$0x65B0]  }
0x26a: {  	v0 =	vld [tilespmem:s2+$0x65C0]  }
0x26b: {  	v2 =	vld [tilespmem:s2+$0x3390]  }
0x26c: {  	v4 =	vld [tilespmem:s2+$0x33A0]  }
0x26d: {  	s4 =	simm.s32 $0x100;
	v3 =	vld [tilespmem:s2+$0x33B0]  }
.LBB2_32:
0x26e: {  	s18 =	sshra.s32 s4, $0x2;
	p0 =	sne.s32 s4, $0xC700;
	v7 =	vld [tilespmem:s2+$0x33C0];
	v8 =	vmov v1  }
0x26f: {  	v9 =	vld [tilespmem:s18+$0x6590];
	v10 =	vmov v0  }
0x270: {  	v11 =	vld [tilespmem:s18+$0x65A0];
	v2 =	vadd.f32 v5, v2  }
.Ltmp15:
0x271: {  	v1 =	vld [tilespmem:s18+$0x65B0];
	v4 =	vadd.f32 v6, v4;
	(pc) =	sbr.rel @p0 .LBB2_32-.Ltmp15, $4  }
0x272: {  	v0 =	vld [tilespmem:s18+$0x65C0];
	[tilespmem:s2+$0x3390] =	vst v2;
	v3 =	vadd.f32 v8, v3  }
0x273: {  	v2 =	vld [tilespmem:s18+$0x3390];
	[tilespmem:s2+$0x33A0] =	vst v4;
	v7 =	vadd.f32 v10, v7  }
0x274: {  	v4 =	vld [tilespmem:s18+$0x33A0];
	[tilespmem:s2+$0x33B0] =	vst v3;
	v5 =	vmov v9  }
0x275: {  	s4 =	sadd.s32 $0x100, s4;
	v3 =	vld [tilespmem:s18+$0x33B0];
	[tilespmem:s2+$0x33C0] =	vst v7;
	v6 =	vmov v11;
	s2 =	smov.u32 s18  }
0x276: {  	v7 =	vld [tilespmem:s2+$0x33C0];
	_ =	sdelay $0x1  }
0x277: {  	v2 =	vadd.f32 v5, v2  }
0x278: {  	v4 =	vadd.f32 v6, v4  }
0x279: {  	[tilespmem:s2+$0x3390] =	vst v2;
	v1 =	vadd.f32 v1, v3  }
0x27a: {  	[tilespmem:s2+$0x33A0] =	vst v4;
	v0 =	vadd.f32 v0, v7  }
0x27b: {  	[tilespmem:s2+$0x33B0] =	vst v1  }
0x27c: {  	s18 =	simm.s32 $0x0;
	[tilespmem:s2+$0x33C0] =	vst v0  }
0x27d: {  	[hbm4b:s19+s18] =	stream.linear.scatter [tilespmem:s12], [sflag:$0x3], $0x3200, $0x38;
	[tilespmem:$0x9790] =	vst v63  }
0x27e: {  	_ =	swait.ge [sflag:s9], $0x3200  }
0x27f: {  	[sflag:s9] =	ssyncset.done $0x0  }
0x280: {  	s4 =	rddreg [dreg:$0x14];
	[sflag:s9] =	ssyncadd.s32 $0xFFFFCE00  }
0x281: {  	[tilespmem:s10], [sflag:$0x3] =	stream.linear.gather [hbm4b:s4+s18], $0xC8, $0x38;
	[tilespmem:$0x9790] =	vst v63  }
0x282: {  	_ =	swait.ge [sflag:s9], $0xC8  }
0x283: {  	[sflag:s9] =	ssyncset.done $0x0  }
0x284: {  	[sflag:s9] =	ssyncadd.s32 $0xFFFFFF38  }
0x285: {  	[tilespmem:s12], [sflag:$0x2] =	stream.indirect.gather [hbm4b:s6+s10], $0x40, s10, s10, $0xb8;
	[tilespmem:$0x9790] =	vst v63  }
0x286: {  	_ =	swait.ge [sflag:s13], $0x3200  }
0x287: {  	[sflag:s13] =	ssyncset.done $0x0  }
0x288: {  	s2 =	simm.s32 $0x0;
	[sflag:s13] =	ssyncadd.s32 $0xFFFFCE00  }
0x289: {  	v5 =	vld [tilespmem:s2+$0x6590]  }
0x28a: {  	v6 =	vld [tilespmem:s2+$0x65A0]  }
0x28b: {  	v1 =	vld [tilespmem:s2+$0x65B0]  }
0x28c: {  	v0 =	vld [tilespmem:s2+$0x65C0]  }
0x28d: {  	v2 =	vld [tilespmem:s2+$0x190]  }
0x28e: {  	v4 =	vld [tilespmem:s2+$0x1A0]  }
0x28f: {  	s4 =	simm.s32 $0x100;
	v3 =	vld [tilespmem:s2+$0x1B0]  }
.LBB2_34:
0x290: {  	s18 =	sshra.s32 s4, $0x2;
	p0 =	sne.s32 s4, $0xC700;
	v7 =	vld [tilespmem:s2+$0x1C0];
	v8 =	vmov v1  }
0x291: {  	v9 =	vld [tilespmem:s18+$0x6590];
	v10 =	vmov v0  }
0x292: {  	v11 =	vld [tilespmem:s18+$0x65A0];
	v2 =	vadd.f32 v5, v2  }
.Ltmp16:
0x293: {  	v1 =	vld [tilespmem:s18+$0x65B0];
	v4 =	vadd.f32 v6, v4;
	(pc) =	sbr.rel @p0 .LBB2_34-.Ltmp16, $4  }
0x294: {  	v0 =	vld [tilespmem:s18+$0x65C0];
	[tilespmem:s2+$0x190] =	vst v2;
	v3 =	vadd.f32 v8, v3  }
0x295: {  	v2 =	vld [tilespmem:s18+$0x190];
	[tilespmem:s2+$0x1A0] =	vst v4;
	v7 =	vadd.f32 v10, v7  }
0x296: {  	v4 =	vld [tilespmem:s18+$0x1A0];
	[tilespmem:s2+$0x1B0] =	vst v3;
	v5 =	vmov v9  }
0x297: {  	s4 =	sadd.s32 $0x100, s4;
	v3 =	vld [tilespmem:s18+$0x1B0];
	[tilespmem:s2+$0x1C0] =	vst v7;
	v6 =	vmov v11;
	s2 =	smov.u32 s18  }
0x298: {  	v7 =	vld [tilespmem:s2+$0x1C0];
	_ =	sdelay $0x1  }
0x299: {  	v2 =	vadd.f32 v5, v2  }
0x29a: {  	v4 =	vadd.f32 v6, v4  }
0x29b: {  	[tilespmem:s2+$0x190] =	vst v2;
	v1 =	vadd.f32 v1, v3  }
0x29c: {  	[tilespmem:s2+$0x1A0] =	vst v4;
	v0 =	vadd.f32 v0, v7  }
0x29d: {  	[tilespmem:s2+$0x1B0] =	vst v1  }
0x29e: {  	s18 =	simm.s32 $0x0;
	[tilespmem:s2+$0x1C0] =	vst v0  }
0x29f: {  	[hbm4b:s20+s18] =	stream.linear.scatter [tilespmem:s11], [sflag:$0x3], $0x3200, $0x38;
	[tilespmem:$0x9790] =	vst v63  }
0x2a0: {  	_ =	swait.ge [sflag:s9], $0x3200  }
0x2a1: {  	[sflag:s9] =	ssyncset.done $0x0  }
0x2a2: {  	s4 =	rddreg [dreg:$0x15];
	[sflag:s9] =	ssyncadd.s32 $0xFFFFCE00  }
0x2a3: {  	[tilespmem:s18], [sflag:$0x3] =	stream.linear.gather [hbm4b:s4+s18], $0xC8, $0x38;
	[tilespmem:$0x9790] =	vst v63  }
0x2a4: {  	_ =	swait.ge [sflag:s9], $0xC8  }
0x2a5: {  	[sflag:s9] =	ssyncset.done $0x0  }
0x2a6: {  	[sflag:s9] =	ssyncadd.s32 $0xFFFFFF38  }
0x2a7: {  	[tilespmem:s11], [sflag:$0x1] =	stream.indirect.gather [hbm4b:s6+s10], $0x40, s18, s10, $0xb8;
	[tilespmem:$0x9790] =	vst v63  }
0x2a8: {  	_ =	swait.ge [sflag:s14], $0x3200  }
0x2a9: {  	[sflag:s14] =	ssyncset.done $0x0  }
0x2aa: {  	s2 =	simm.s32 $0x0;
	[sflag:s14] =	ssyncadd.s32 $0xFFFFCE00  }
0x2ab: {  	v5 =	vld [tilespmem:s2+$0x6590]  }
0x2ac: {  	v6 =	vld [tilespmem:s2+$0x65A0]  }
0x2ad: {  	v1 =	vld [tilespmem:s2+$0x65B0]  }
0x2ae: {  	v0 =	vld [tilespmem:s2+$0x65C0]  }
0x2af: {  	v2 =	vld [tilespmem:s2+$0x3390]  }
0x2b0: {  	v4 =	vld [tilespmem:s2+$0x33A0]  }
0x2b1: {  	s4 =	simm.s32 $0x100;
	v3 =	vld [tilespmem:s2+$0x33B0]  }
.LBB2_36:
0x2b2: {  	s18 =	sshra.s32 s4, $0x2;
	p0 =	sne.s32 s4, $0xC700;
	v7 =	vld [tilespmem:s2+$0x33C0];
	v8 =	vmov v1  }
0x2b3: {  	v9 =	vld [tilespmem:s18+$0x6590];
	v10 =	vmov v0  }
0x2b4: {  	v11 =	vld [tilespmem:s18+$0x65A0];
	v2 =	vadd.f32 v5, v2  }
.Ltmp17:
0x2b5: {  	v1 =	vld [tilespmem:s18+$0x65B0];
	v4 =	vadd.f32 v6, v4;
	(pc) =	sbr.rel @p0 .LBB2_36-.Ltmp17, $4  }
0x2b6: {  	v0 =	vld [tilespmem:s18+$0x65C0];
	[tilespmem:s2+$0x3390] =	vst v2;
	v3 =	vadd.f32 v8, v3  }
0x2b7: {  	v2 =	vld [tilespmem:s18+$0x3390];
	[tilespmem:s2+$0x33A0] =	vst v4;
	v7 =	vadd.f32 v10, v7  }
0x2b8: {  	v4 =	vld [tilespmem:s18+$0x33A0];
	[tilespmem:s2+$0x33B0] =	vst v3;
	v5 =	vmov v9  }
0x2b9: {  	s4 =	sadd.s32 $0x100, s4;
	v3 =	vld [tilespmem:s18+$0x33B0];
	[tilespmem:s2+$0x33C0] =	vst v7;
	v6 =	vmov v11;
	s2 =	smov.u32 s18  }
0x2ba: {  	v7 =	vld [tilespmem:s2+$0x33C0];
	_ =	sdelay $0x1  }
0x2bb: {  	v2 =	vadd.f32 v5, v2  }
0x2bc: {  	v4 =	vadd.f32 v6, v4  }
0x2bd: {  	[tilespmem:s2+$0x3390] =	vst v2;
	v1 =	vadd.f32 v1, v3  }
0x2be: {  	[tilespmem:s2+$0x33A0] =	vst v4;
	v0 =	vadd.f32 v0, v7  }
0x2bf: {  	[tilespmem:s2+$0x33B0] =	vst v1  }
0x2c0: {  	s18 =	simm.s32 $0x0;
	[tilespmem:s2+$0x33C0] =	vst v0  }
0x2c1: {  	[hbm4b:s21+s18] =	stream.linear.scatter [tilespmem:s12], [sflag:$0x3], $0x3200, $0x38;
	[tilespmem:$0x9790] =	vst v63  }
0x2c2: {  	_ =	swait.ge [sflag:s9], $0x3200  }
0x2c3: {  	[sflag:s9] =	ssyncset.done $0x0  }
0x2c4: {  	s4 =	rddreg [dreg:$0x16];
	[sflag:s9] =	ssyncadd.s32 $0xFFFFCE00  }
0x2c5: {  	[tilespmem:s10], [sflag:$0x3] =	stream.linear.gather [hbm4b:s4+s18], $0xC8, $0x38;
	[tilespmem:$0x9790] =	vst v63  }
0x2c6: {  	_ =	swait.ge [sflag:s9], $0xC8  }
0x2c7: {  	[sflag:s9] =	ssyncset.done $0x0  }
0x2c8: {  	[sflag:s9] =	ssyncadd.s32 $0xFFFFFF38  }
0x2c9: {  	[tilespmem:s12], [sflag:$0x2] =	stream.indirect.gather [hbm4b:s6+s10], $0x40, s10, s10, $0xb8;
	[tilespmem:$0x9790] =	vst v63  }
0x2ca: {  	_ =	swait.ge [sflag:s13], $0x3200  }
0x2cb: {  	[sflag:s13] =	ssyncset.done $0x0  }
0x2cc: {  	s2 =	simm.s32 $0x0;
	[sflag:s13] =	ssyncadd.s32 $0xFFFFCE00  }
0x2cd: {  	v5 =	vld [tilespmem:s2+$0x6590]  }
0x2ce: {  	v6 =	vld [tilespmem:s2+$0x65A0]  }
0x2cf: {  	v1 =	vld [tilespmem:s2+$0x65B0]  }
0x2d0: {  	v0 =	vld [tilespmem:s2+$0x65C0]  }
0x2d1: {  	v2 =	vld [tilespmem:s2+$0x190]  }
0x2d2: {  	v4 =	vld [tilespmem:s2+$0x1A0]  }
0x2d3: {  	s4 =	simm.s32 $0x100;
	v3 =	vld [tilespmem:s2+$0x1B0]  }
.LBB2_38:
0x2d4: {  	s18 =	sshra.s32 s4, $0x2;
	p0 =	sne.s32 s4, $0xC700;
	v7 =	vld [tilespmem:s2+$0x1C0];
	v8 =	vmov v1  }
0x2d5: {  	v9 =	vld [tilespmem:s18+$0x6590];
	v10 =	vmov v0  }
0x2d6: {  	v11 =	vld [tilespmem:s18+$0x65A0];
	v2 =	vadd.f32 v5, v2  }
.Ltmp18:
0x2d7: {  	v1 =	vld [tilespmem:s18+$0x65B0];
	v4 =	vadd.f32 v6, v4;
	(pc) =	sbr.rel @p0 .LBB2_38-.Ltmp18, $4  }
0x2d8: {  	v0 =	vld [tilespmem:s18+$0x65C0];
	[tilespmem:s2+$0x190] =	vst v2;
	v3 =	vadd.f32 v8, v3  }
0x2d9: {  	v2 =	vld [tilespmem:s18+$0x190];
	[tilespmem:s2+$0x1A0] =	vst v4;
	v7 =	vadd.f32 v10, v7  }
0x2da: {  	v4 =	vld [tilespmem:s18+$0x1A0];
	[tilespmem:s2+$0x1B0] =	vst v3;
	v5 =	vmov v9  }
0x2db: {  	s4 =	sadd.s32 $0x100, s4;
	v3 =	vld [tilespmem:s18+$0x1B0];
	[tilespmem:s2+$0x1C0] =	vst v7;
	v6 =	vmov v11;
	s2 =	smov.u32 s18  }
0x2dc: {  	v7 =	vld [tilespmem:s2+$0x1C0];
	_ =	sdelay $0x1  }
0x2dd: {  	v2 =	vadd.f32 v5, v2  }
0x2de: {  	v4 =	vadd.f32 v6, v4  }
0x2df: {  	[tilespmem:s2+$0x190] =	vst v2;
	v1 =	vadd.f32 v1, v3  }
0x2e0: {  	[tilespmem:s2+$0x1A0] =	vst v4;
	v0 =	vadd.f32 v0, v7  }
0x2e1: {  	[tilespmem:s2+$0x1B0] =	vst v1  }
0x2e2: {  	s18 =	simm.s32 $0x0;
	[tilespmem:s2+$0x1C0] =	vst v0  }
0x2e3: {  	[hbm4b:s22+s18] =	stream.linear.scatter [tilespmem:s11], [sflag:$0x3], $0x3200, $0x38;
	[tilespmem:$0x9790] =	vst v63  }
0x2e4: {  	_ =	swait.ge [sflag:s9], $0x3200  }
0x2e5: {  	[sflag:s9] =	ssyncset.done $0x0  }
0x2e6: {  	s4 =	rddreg [dreg:$0x17];
	[sflag:s9] =	ssyncadd.s32 $0xFFFFCE00  }
0x2e7: {  	[tilespmem:s18], [sflag:$0x3] =	stream.linear.gather [hbm4b:s4+s18], $0xC8, $0x38;
	[tilespmem:$0x9790] =	vst v63  }
0x2e8: {  	_ =	swait.ge [sflag:s9], $0xC8  }
0x2e9: {  	[sflag:s9] =	ssyncset.done $0x0  }
0x2ea: {  	[sflag:s9] =	ssyncadd.s32 $0xFFFFFF38  }
0x2eb: {  	[tilespmem:s11], [sflag:$0x1] =	stream.indirect.gather [hbm4b:s6+s10], $0x40, s18, s10, $0xb8;
	[tilespmem:$0x9790] =	vst v63  }
0x2ec: {  	_ =	swait.ge [sflag:s14], $0x3200  }
0x2ed: {  	[sflag:s14] =	ssyncset.done $0x0  }
0x2ee: {  	s2 =	simm.s32 $0x0;
	[sflag:s14] =	ssyncadd.s32 $0xFFFFCE00  }
0x2ef: {  	v5 =	vld [tilespmem:s2+$0x6590]  }
0x2f0: {  	v6 =	vld [tilespmem:s2+$0x65A0]  }
0x2f1: {  	v1 =	vld [tilespmem:s2+$0x65B0]  }
0x2f2: {  	v0 =	vld [tilespmem:s2+$0x65C0]  }
0x2f3: {  	v2 =	vld [tilespmem:s2+$0x3390]  }
0x2f4: {  	v4 =	vld [tilespmem:s2+$0x33A0]  }
0x2f5: {  	s4 =	simm.s32 $0x100;
	v3 =	vld [tilespmem:s2+$0x33B0]  }
.LBB2_40:
0x2f6: {  	s18 =	sshra.s32 s4, $0x2;
	p0 =	sne.s32 s4, $0xC700;
	v7 =	vld [tilespmem:s2+$0x33C0];
	v8 =	vmov v1  }
0x2f7: {  	v9 =	vld [tilespmem:s18+$0x6590];
	v10 =	vmov v0  }
0x2f8: {  	v11 =	vld [tilespmem:s18+$0x65A0];
	v2 =	vadd.f32 v5, v2  }
.Ltmp19:
0x2f9: {  	v1 =	vld [tilespmem:s18+$0x65B0];
	v4 =	vadd.f32 v6, v4;
	(pc) =	sbr.rel @p0 .LBB2_40-.Ltmp19, $4  }
0x2fa: {  	v0 =	vld [tilespmem:s18+$0x65C0];
	[tilespmem:s2+$0x3390] =	vst v2;
	v3 =	vadd.f32 v8, v3  }
0x2fb: {  	v2 =	vld [tilespmem:s18+$0x3390];
	[tilespmem:s2+$0x33A0] =	vst v4;
	v7 =	vadd.f32 v10, v7  }
0x2fc: {  	v4 =	vld [tilespmem:s18+$0x33A0];
	[tilespmem:s2+$0x33B0] =	vst v3;
	v5 =	vmov v9  }
0x2fd: {  	s4 =	sadd.s32 $0x100, s4;
	v3 =	vld [tilespmem:s18+$0x33B0];
	[tilespmem:s2+$0x33C0] =	vst v7;
	v6 =	vmov v11;
	s2 =	smov.u32 s18  }
0x2fe: {  	v7 =	vld [tilespmem:s2+$0x33C0];
	_ =	sdelay $0x1  }
0x2ff: {  	v2 =	vadd.f32 v5, v2  }
0x300: {  	v4 =	vadd.f32 v6, v4  }
0x301: {  	[tilespmem:s2+$0x3390] =	vst v2;
	v1 =	vadd.f32 v1, v3  }
0x302: {  	[tilespmem:s2+$0x33A0] =	vst v4;
	v0 =	vadd.f32 v0, v7  }
0x303: {  	[tilespmem:s2+$0x33B0] =	vst v1  }
0x304: {  	s18 =	simm.s32 $0x0;
	[tilespmem:s2+$0x33C0] =	vst v0  }
0x305: {  	[hbm4b:s23+s18] =	stream.linear.scatter [tilespmem:s12], [sflag:$0x3], $0x3200, $0x38;
	[tilespmem:$0x9790] =	vst v63  }
0x306: {  	_ =	swait.ge [sflag:s9], $0x3200  }
0x307: {  	[sflag:s9] =	ssyncset.done $0x0  }
0x308: {  	s4 =	rddreg [dreg:$0x18];
	[sflag:s9] =	ssyncadd.s32 $0xFFFFCE00  }
0x309: {  	[tilespmem:s10], [sflag:$0x3] =	stream.linear.gather [hbm4b:s4+s18], $0xC8, $0x38;
	[tilespmem:$0x9790] =	vst v63  }
0x30a: {  	_ =	swait.ge [sflag:s9], $0xC8  }
0x30b: {  	[sflag:s9] =	ssyncset.done $0x0  }
0x30c: {  	[sflag:s9] =	ssyncadd.s32 $0xFFFFFF38  }
0x30d: {  	[tilespmem:s12], [sflag:$0x2] =	stream.indirect.gather [hbm4b:s6+s10], $0x40, s10, s10, $0xb8;
	[tilespmem:$0x9790] =	vst v63  }
0x30e: {  	_ =	swait.ge [sflag:s13], $0x3200  }
0x30f: {  	[sflag:s13] =	ssyncset.done $0x0  }
0x310: {  	s2 =	simm.s32 $0x0;
	[sflag:s13] =	ssyncadd.s32 $0xFFFFCE00  }
0x311: {  	v5 =	vld [tilespmem:s2+$0x6590]  }
0x312: {  	v6 =	vld [tilespmem:s2+$0x65A0]  }
0x313: {  	v1 =	vld [tilespmem:s2+$0x65B0]  }
0x314: {  	v0 =	vld [tilespmem:s2+$0x65C0]  }
0x315: {  	v2 =	vld [tilespmem:s2+$0x190]  }
0x316: {  	v4 =	vld [tilespmem:s2+$0x1A0]  }
0x317: {  	s4 =	simm.s32 $0x100;
	v3 =	vld [tilespmem:s2+$0x1B0]  }
.LBB2_42:
0x318: {  	s18 =	sshra.s32 s4, $0x2;
	p0 =	sne.s32 s4, $0xC700;
	v7 =	vld [tilespmem:s2+$0x1C0];
	v8 =	vmov v1  }
0x319: {  	v9 =	vld [tilespmem:s18+$0x6590];
	v10 =	vmov v0  }
0x31a: {  	v11 =	vld [tilespmem:s18+$0x65A0];
	v2 =	vadd.f32 v5, v2  }
.Ltmp20:
0x31b: {  	v1 =	vld [tilespmem:s18+$0x65B0];
	v4 =	vadd.f32 v6, v4;
	(pc) =	sbr.rel @p0 .LBB2_42-.Ltmp20, $4  }
0x31c: {  	v0 =	vld [tilespmem:s18+$0x65C0];
	[tilespmem:s2+$0x190] =	vst v2;
	v3 =	vadd.f32 v8, v3  }
0x31d: {  	v2 =	vld [tilespmem:s18+$0x190];
	[tilespmem:s2+$0x1A0] =	vst v4;
	v7 =	vadd.f32 v10, v7  }
0x31e: {  	v4 =	vld [tilespmem:s18+$0x1A0];
	[tilespmem:s2+$0x1B0] =	vst v3;
	v5 =	vmov v9  }
0x31f: {  	s4 =	sadd.s32 $0x100, s4;
	v3 =	vld [tilespmem:s18+$0x1B0];
	[tilespmem:s2+$0x1C0] =	vst v7;
	v6 =	vmov v11;
	s2 =	smov.u32 s18  }
0x320: {  	v7 =	vld [tilespmem:s2+$0x1C0];
	_ =	sdelay $0x1  }
0x321: {  	v2 =	vadd.f32 v5, v2  }
0x322: {  	v4 =	vadd.f32 v6, v4  }
0x323: {  	[tilespmem:s2+$0x190] =	vst v2;
	v1 =	vadd.f32 v1, v3  }
0x324: {  	[tilespmem:s2+$0x1A0] =	vst v4;
	v0 =	vadd.f32 v0, v7  }
0x325: {  	[tilespmem:s2+$0x1B0] =	vst v1  }
0x326: {  	s18 =	simm.s32 $0x0;
	[tilespmem:s2+$0x1C0] =	vst v0  }
0x327: {  	[hbm4b:s24+s18] =	stream.linear.scatter [tilespmem:s11], [sflag:$0x3], $0x3200, $0x38;
	[tilespmem:$0x9790] =	vst v63  }
0x328: {  	_ =	swait.ge [sflag:s9], $0x3200  }
0x329: {  	[sflag:s9] =	ssyncset.done $0x0  }
0x32a: {  	s4 =	rddreg [dreg:$0x19];
	[sflag:s9] =	ssyncadd.s32 $0xFFFFCE00  }
0x32b: {  	[tilespmem:s18], [sflag:$0x3] =	stream.linear.gather [hbm4b:s4+s18], $0xC8, $0x38;
	[tilespmem:$0x9790] =	vst v63  }
0x32c: {  	_ =	swait.ge [sflag:s9], $0xC8  }
0x32d: {  	[sflag:s9] =	ssyncset.done $0x0  }
0x32e: {  	[sflag:s9] =	ssyncadd.s32 $0xFFFFFF38  }
0x32f: {  	[tilespmem:s11], [sflag:$0x1] =	stream.indirect.gather [hbm4b:s6+s10], $0x40, s18, s10, $0xb8;
	[tilespmem:$0x9790] =	vst v63  }
0x330: {  	_ =	swait.ge [sflag:s14], $0x3200  }
0x331: {  	[sflag:s14] =	ssyncset.done $0x0  }
0x332: {  	s2 =	simm.s32 $0x0;
	[sflag:s14] =	ssyncadd.s32 $0xFFFFCE00  }
0x333: {  	v5 =	vld [tilespmem:s2+$0x6590]  }
0x334: {  	v6 =	vld [tilespmem:s2+$0x65A0]  }
0x335: {  	v1 =	vld [tilespmem:s2+$0x65B0]  }
0x336: {  	v0 =	vld [tilespmem:s2+$0x65C0]  }
0x337: {  	v2 =	vld [tilespmem:s2+$0x3390]  }
0x338: {  	v4 =	vld [tilespmem:s2+$0x33A0]  }
0x339: {  	s4 =	simm.s32 $0x100;
	v3 =	vld [tilespmem:s2+$0x33B0]  }
.LBB2_44:
0x33a: {  	s18 =	sshra.s32 s4, $0x2;
	p0 =	sne.s32 s4, $0xC700;
	v7 =	vld [tilespmem:s2+$0x33C0];
	v8 =	vmov v1  }
0x33b: {  	v9 =	vld [tilespmem:s18+$0x6590];
	v10 =	vmov v0  }
0x33c: {  	v11 =	vld [tilespmem:s18+$0x65A0];
	v2 =	vadd.f32 v5, v2  }
.Ltmp21:
0x33d: {  	v1 =	vld [tilespmem:s18+$0x65B0];
	v4 =	vadd.f32 v6, v4;
	(pc) =	sbr.rel @p0 .LBB2_44-.Ltmp21, $4  }
0x33e: {  	v0 =	vld [tilespmem:s18+$0x65C0];
	[tilespmem:s2+$0x3390] =	vst v2;
	v3 =	vadd.f32 v8, v3  }
0x33f: {  	v2 =	vld [tilespmem:s18+$0x3390];
	[tilespmem:s2+$0x33A0] =	vst v4;
	v7 =	vadd.f32 v10, v7  }
0x340: {  	v4 =	vld [tilespmem:s18+$0x33A0];
	[tilespmem:s2+$0x33B0] =	vst v3;
	v5 =	vmov v9  }
0x341: {  	s4 =	sadd.s32 $0x100, s4;
	v3 =	vld [tilespmem:s18+$0x33B0];
	[tilespmem:s2+$0x33C0] =	vst v7;
	v6 =	vmov v11;
	s2 =	smov.u32 s18  }
0x342: {  	v7 =	vld [tilespmem:s2+$0x33C0];
	_ =	sdelay $0x1  }
0x343: {  	v2 =	vadd.f32 v5, v2  }
0x344: {  	v4 =	vadd.f32 v6, v4  }
0x345: {  	[tilespmem:s2+$0x3390] =	vst v2;
	v1 =	vadd.f32 v1, v3  }
0x346: {  	[tilespmem:s2+$0x33A0] =	vst v4;
	v0 =	vadd.f32 v0, v7  }
0x347: {  	[tilespmem:s2+$0x33B0] =	vst v1  }
0x348: {  	s18 =	simm.s32 $0x0;
	[tilespmem:s2+$0x33C0] =	vst v0  }
0x349: {  	[hbm4b:s25+s18] =	stream.linear.scatter [tilespmem:s12], [sflag:$0x3], $0x3200, $0x38;
	[tilespmem:$0x9790] =	vst v63  }
0x34a: {  	_ =	swait.ge [sflag:s9], $0x3200  }
0x34b: {  	[sflag:s9] =	ssyncset.done $0x0  }
0x34c: {  	s4 =	rddreg [dreg:$0x1a];
	[sflag:s9] =	ssyncadd.s32 $0xFFFFCE00  }
0x34d: {  	[tilespmem:s10], [sflag:$0x3] =	stream.linear.gather [hbm4b:s4+s18], $0xC8, $0x38;
	[tilespmem:$0x9790] =	vst v63  }
0x34e: {  	_ =	swait.ge [sflag:s9], $0xC8  }
0x34f: {  	[sflag:s9] =	ssyncset.done $0x0  }
0x350: {  	[sflag:s9] =	ssyncadd.s32 $0xFFFFFF38  }
0x351: {  	[tilespmem:s12], [sflag:$0x2] =	stream.indirect.gather [hbm4b:s6+s10], $0x40, s10, s10, $0xb8;
	[tilespmem:$0x9790] =	vst v63  }
0x352: {  	_ =	swait.ge [sflag:s13], $0x3200  }
0x353: {  	[sflag:s13] =	ssyncset.done $0x0  }
0x354: {  	s2 =	simm.s32 $0x0;
	[sflag:s13] =	ssyncadd.s32 $0xFFFFCE00  }
0x355: {  	v5 =	vld [tilespmem:s2+$0x6590]  }
0x356: {  	v6 =	vld [tilespmem:s2+$0x65A0]  }
0x357: {  	v1 =	vld [tilespmem:s2+$0x65B0]  }
0x358: {  	v0 =	vld [tilespmem:s2+$0x65C0]  }
0x359: {  	v2 =	vld [tilespmem:s2+$0x190]  }
0x35a: {  	v4 =	vld [tilespmem:s2+$0x1A0]  }
0x35b: {  	s4 =	simm.s32 $0x100;
	v3 =	vld [tilespmem:s2+$0x1B0]  }
.LBB2_46:
0x35c: {  	s18 =	sshra.s32 s4, $0x2;
	p0 =	sne.s32 s4, $0xC700;
	v7 =	vld [tilespmem:s2+$0x1C0];
	v8 =	vmov v1  }
0x35d: {  	v9 =	vld [tilespmem:s18+$0x6590];
	v10 =	vmov v0  }
0x35e: {  	v11 =	vld [tilespmem:s18+$0x65A0];
	v2 =	vadd.f32 v5, v2  }
.Ltmp22:
0x35f: {  	v1 =	vld [tilespmem:s18+$0x65B0];
	v4 =	vadd.f32 v6, v4;
	(pc) =	sbr.rel @p0 .LBB2_46-.Ltmp22, $4  }
0x360: {  	v0 =	vld [tilespmem:s18+$0x65C0];
	[tilespmem:s2+$0x190] =	vst v2;
	v3 =	vadd.f32 v8, v3  }
0x361: {  	v2 =	vld [tilespmem:s18+$0x190];
	[tilespmem:s2+$0x1A0] =	vst v4;
	v7 =	vadd.f32 v10, v7  }
0x362: {  	v4 =	vld [tilespmem:s18+$0x1A0];
	[tilespmem:s2+$0x1B0] =	vst v3;
	v5 =	vmov v9  }
0x363: {  	s4 =	sadd.s32 $0x100, s4;
	v3 =	vld [tilespmem:s18+$0x1B0];
	[tilespmem:s2+$0x1C0] =	vst v7;
	v6 =	vmov v11;
	s2 =	smov.u32 s18  }
0x364: {  	v7 =	vld [tilespmem:s2+$0x1C0];
	_ =	sdelay $0x1  }
0x365: {  	v2 =	vadd.f32 v5, v2  }
0x366: {  	v4 =	vadd.f32 v6, v4  }
0x367: {  	[tilespmem:s2+$0x190] =	vst v2;
	v1 =	vadd.f32 v1, v3  }
0x368: {  	[tilespmem:s2+$0x1A0] =	vst v4;
	v0 =	vadd.f32 v0, v7  }
0x369: {  	[tilespmem:s2+$0x1B0] =	vst v1  }
0x36a: {  	s18 =	simm.s32 $0x0;
	[tilespmem:s2+$0x1C0] =	vst v0  }
0x36b: {  	[hbm4b:s26+s18] =	stream.linear.scatter [tilespmem:s11], [sflag:$0x3], $0x3200, $0x38;
	[tilespmem:$0x9790] =	vst v63  }
0x36c: {  	_ =	swait.ge [sflag:s9], $0x3200  }
0x36d: {  	[sflag:s9] =	ssyncset.done $0x0  }
0x36e: {  	s4 =	rddreg [dreg:$0x1b];
	[sflag:s9] =	ssyncadd.s32 $0xFFFFCE00  }
0x36f: {  	[tilespmem:s18], [sflag:$0x3] =	stream.linear.gather [hbm4b:s4+s18], $0xC8, $0x38;
	[tilespmem:$0x9790] =	vst v63  }
0x370: {  	_ =	swait.ge [sflag:s9], $0xC8  }
0x371: {  	[sflag:s9] =	ssyncset.done $0x0  }
0x372: {  	[sflag:s9] =	ssyncadd.s32 $0xFFFFFF38  }
0x373: {  	[tilespmem:s11], [sflag:$0x1] =	stream.indirect.gather [hbm4b:s6+s10], $0x40, s18, s10, $0xb8;
	[tilespmem:$0x9790] =	vst v63  }
0x374: {  	_ =	swait.ge [sflag:s14], $0x3200  }
0x375: {  	[sflag:s14] =	ssyncset.done $0x0  }
0x376: {  	s2 =	simm.s32 $0x0;
	[sflag:s14] =	ssyncadd.s32 $0xFFFFCE00  }
0x377: {  	v5 =	vld [tilespmem:s2+$0x6590]  }
0x378: {  	v6 =	vld [tilespmem:s2+$0x65A0]  }
0x379: {  	v1 =	vld [tilespmem:s2+$0x65B0]  }
0x37a: {  	v0 =	vld [tilespmem:s2+$0x65C0]  }
0x37b: {  	v2 =	vld [tilespmem:s2+$0x3390]  }
0x37c: {  	v4 =	vld [tilespmem:s2+$0x33A0]  }
0x37d: {  	s4 =	simm.s32 $0x100;
	v3 =	vld [tilespmem:s2+$0x33B0]  }
.LBB2_48:
0x37e: {  	s18 =	sshra.s32 s4, $0x2;
	p0 =	sne.s32 s4, $0xC700;
	v7 =	vld [tilespmem:s2+$0x33C0];
	v8 =	vmov v1  }
0x37f: {  	v9 =	vld [tilespmem:s18+$0x6590];
	v10 =	vmov v0  }
0x380: {  	v11 =	vld [tilespmem:s18+$0x65A0];
	v2 =	vadd.f32 v5, v2  }
.Ltmp23:
0x381: {  	v1 =	vld [tilespmem:s18+$0x65B0];
	v4 =	vadd.f32 v6, v4;
	(pc) =	sbr.rel @p0 .LBB2_48-.Ltmp23, $4  }
0x382: {  	v0 =	vld [tilespmem:s18+$0x65C0];
	[tilespmem:s2+$0x3390] =	vst v2;
	v3 =	vadd.f32 v8, v3  }
0x383: {  	v2 =	vld [tilespmem:s18+$0x3390];
	[tilespmem:s2+$0x33A0] =	vst v4;
	v7 =	vadd.f32 v10, v7  }
0x384: {  	v4 =	vld [tilespmem:s18+$0x33A0];
	[tilespmem:s2+$0x33B0] =	vst v3;
	v5 =	vmov v9  }
0x385: {  	s4 =	sadd.s32 $0x100, s4;
	v3 =	vld [tilespmem:s18+$0x33B0];
	[tilespmem:s2+$0x33C0] =	vst v7;
	v6 =	vmov v11;
	s2 =	smov.u32 s18  }
0x386: {  	v7 =	vld [tilespmem:s2+$0x33C0];
	_ =	sdelay $0x1  }
0x387: {  	v2 =	vadd.f32 v5, v2  }
0x388: {  	v4 =	vadd.f32 v6, v4  }
0x389: {  	[tilespmem:s2+$0x3390] =	vst v2;
	v1 =	vadd.f32 v1, v3  }
0x38a: {  	[tilespmem:s2+$0x33A0] =	vst v4;
	v0 =	vadd.f32 v0, v7  }
0x38b: {  	[tilespmem:s2+$0x33B0] =	vst v1  }
0x38c: {  	s18 =	simm.s32 $0x0;
	[tilespmem:s2+$0x33C0] =	vst v0  }
0x38d: {  	[hbm4b:s28+s18] =	stream.linear.scatter [tilespmem:s12], [sflag:$0x3], $0x3200, $0x38;
	[tilespmem:$0x9790] =	vst v63  }
0x38e: {  	_ =	swait.ge [sflag:s9], $0x3200  }
0x38f: {  	[sflag:s9] =	ssyncset.done $0x0  }
0x390: {  	s4 =	rddreg [dreg:$0x1c];
	[sflag:s9] =	ssyncadd.s32 $0xFFFFCE00  }
0x391: {  	[tilespmem:s10], [sflag:$0x3] =	stream.linear.gather [hbm4b:s4+s18], $0xC8, $0x38;
	[tilespmem:$0x9790] =	vst v63  }
0x392: {  	_ =	swait.ge [sflag:s9], $0xC8  }
0x393: {  	[sflag:s9] =	ssyncset.done $0x0  }
0x394: {  	[sflag:s9] =	ssyncadd.s32 $0xFFFFFF38  }
0x395: {  	[tilespmem:s12], [sflag:$0x2] =	stream.indirect.gather [hbm4b:s6+s10], $0x40, s10, s10, $0xb8;
	[tilespmem:$0x9790] =	vst v63  }
0x396: {  	_ =	swait.ge [sflag:s13], $0x3200  }
0x397: {  	[sflag:s13] =	ssyncset.done $0x0  }
0x398: {  	s2 =	simm.s32 $0x0;
	[sflag:s13] =	ssyncadd.s32 $0xFFFFCE00  }
0x399: {  	v5 =	vld [tilespmem:s2+$0x6590]  }
0x39a: {  	v6 =	vld [tilespmem:s2+$0x65A0]  }
0x39b: {  	v1 =	vld [tilespmem:s2+$0x65B0]  }
0x39c: {  	v0 =	vld [tilespmem:s2+$0x65C0]  }
0x39d: {  	v2 =	vld [tilespmem:s2+$0x190]  }
0x39e: {  	v4 =	vld [tilespmem:s2+$0x1A0]  }
0x39f: {  	s4 =	simm.s32 $0x100;
	v3 =	vld [tilespmem:s2+$0x1B0]  }
.LBB2_50:
0x3a0: {  	s18 =	sshra.s32 s4, $0x2;
	p0 =	sne.s32 s4, $0xC700;
	v7 =	vld [tilespmem:s2+$0x1C0];
	v8 =	vmov v1  }
0x3a1: {  	v9 =	vld [tilespmem:s18+$0x6590];
	v10 =	vmov v0  }
0x3a2: {  	v11 =	vld [tilespmem:s18+$0x65A0];
	v2 =	vadd.f32 v5, v2  }
.Ltmp24:
0x3a3: {  	v1 =	vld [tilespmem:s18+$0x65B0];
	v4 =	vadd.f32 v6, v4;
	(pc) =	sbr.rel @p0 .LBB2_50-.Ltmp24, $4  }
0x3a4: {  	v0 =	vld [tilespmem:s18+$0x65C0];
	[tilespmem:s2+$0x190] =	vst v2;
	v3 =	vadd.f32 v8, v3  }
0x3a5: {  	v2 =	vld [tilespmem:s18+$0x190];
	[tilespmem:s2+$0x1A0] =	vst v4;
	v7 =	vadd.f32 v10, v7  }
0x3a6: {  	v4 =	vld [tilespmem:s18+$0x1A0];
	[tilespmem:s2+$0x1B0] =	vst v3;
	v5 =	vmov v9  }
0x3a7: {  	s4 =	sadd.s32 $0x100, s4;
	v3 =	vld [tilespmem:s18+$0x1B0];
	[tilespmem:s2+$0x1C0] =	vst v7;
	v6 =	vmov v11;
	s2 =	smov.u32 s18  }
0x3a8: {  	v7 =	vld [tilespmem:s2+$0x1C0];
	_ =	sdelay $0x1  }
0x3a9: {  	v2 =	vadd.f32 v5, v2  }
0x3aa: {  	v4 =	vadd.f32 v6, v4  }
0x3ab: {  	[tilespmem:s2+$0x190] =	vst v2;
	v1 =	vadd.f32 v1, v3  }
0x3ac: {  	[tilespmem:s2+$0x1A0] =	vst v4;
	v0 =	vadd.f32 v0, v7  }
0x3ad: {  	[tilespmem:s2+$0x1B0] =	vst v1  }
0x3ae: {  	s18 =	simm.s32 $0x0;
	[tilespmem:s2+$0x1C0] =	vst v0  }
0x3af: {  	[hbm4b:s29+s18] =	stream.linear.scatter [tilespmem:s11], [sflag:$0x3], $0x3200, $0x38;
	[tilespmem:$0x9790] =	vst v63  }
0x3b0: {  	_ =	swait.ge [sflag:s9], $0x3200  }
0x3b1: {  	[sflag:s9] =	ssyncset.done $0x0  }
0x3b2: {  	s4 =	rddreg [dreg:$0x1d];
	[sflag:s9] =	ssyncadd.s32 $0xFFFFCE00  }
0x3b3: {  	[tilespmem:s18], [sflag:$0x3] =	stream.linear.gather [hbm4b:s4+s18], $0xC8, $0x38;
	[tilespmem:$0x9790] =	vst v63  }
0x3b4: {  	_ =	swait.ge [sflag:s9], $0xC8  }
0x3b5: {  	[sflag:s9] =	ssyncset.done $0x0  }
0x3b6: {  	[sflag:s9] =	ssyncadd.s32 $0xFFFFFF38  }
0x3b7: {  	[tilespmem:s11], [sflag:$0x1] =	stream.indirect.gather [hbm4b:s6+s10], $0x40, s18, s10, $0xb8;
	[tilespmem:$0x9790] =	vst v63  }
0x3b8: {  	_ =	swait.ge [sflag:s14], $0x3200  }
0x3b9: {  	[sflag:s14] =	ssyncset.done $0x0  }
0x3ba: {  	s2 =	simm.s32 $0x0;
	[sflag:s14] =	ssyncadd.s32 $0xFFFFCE00  }
0x3bb: {  	v5 =	vld [tilespmem:s2+$0x6590]  }
0x3bc: {  	v6 =	vld [tilespmem:s2+$0x65A0]  }
0x3bd: {  	v1 =	vld [tilespmem:s2+$0x65B0]  }
0x3be: {  	v0 =	vld [tilespmem:s2+$0x65C0]  }
0x3bf: {  	v2 =	vld [tilespmem:s2+$0x3390]  }
0x3c0: {  	v4 =	vld [tilespmem:s2+$0x33A0]  }
0x3c1: {  	s4 =	simm.s32 $0x100;
	v3 =	vld [tilespmem:s2+$0x33B0]  }
.LBB2_52:
0x3c2: {  	s18 =	sshra.s32 s4, $0x2;
	p0 =	sne.s32 s4, $0xC700;
	v7 =	vld [tilespmem:s2+$0x33C0];
	v8 =	vmov v1  }
0x3c3: {  	v9 =	vld [tilespmem:s18+$0x6590];
	v10 =	vmov v0  }
0x3c4: {  	v11 =	vld [tilespmem:s18+$0x65A0];
	v2 =	vadd.f32 v5, v2  }
.Ltmp25:
0x3c5: {  	v1 =	vld [tilespmem:s18+$0x65B0];
	v4 =	vadd.f32 v6, v4;
	(pc) =	sbr.rel @p0 .LBB2_52-.Ltmp25, $4  }
0x3c6: {  	v0 =	vld [tilespmem:s18+$0x65C0];
	[tilespmem:s2+$0x3390] =	vst v2;
	v3 =	vadd.f32 v8, v3  }
0x3c7: {  	v2 =	vld [tilespmem:s18+$0x3390];
	[tilespmem:s2+$0x33A0] =	vst v4;
	v7 =	vadd.f32 v10, v7  }
0x3c8: {  	v4 =	vld [tilespmem:s18+$0x33A0];
	[tilespmem:s2+$0x33B0] =	vst v3;
	v5 =	vmov v9  }
0x3c9: {  	s4 =	sadd.s32 $0x100, s4;
	v3 =	vld [tilespmem:s18+$0x33B0];
	[tilespmem:s2+$0x33C0] =	vst v7;
	v6 =	vmov v11;
	s2 =	smov.u32 s18  }
0x3ca: {  	v7 =	vld [tilespmem:s2+$0x33C0];
	_ =	sdelay $0x1  }
0x3cb: {  	v2 =	vadd.f32 v5, v2  }
0x3cc: {  	v4 =	vadd.f32 v6, v4  }
0x3cd: {  	[tilespmem:s2+$0x3390] =	vst v2;
	v1 =	vadd.f32 v1, v3  }
0x3ce: {  	[tilespmem:s2+$0x33A0] =	vst v4;
	v0 =	vadd.f32 v0, v7  }
0x3cf: {  	[tilespmem:s2+$0x33B0] =	vst v1  }
0x3d0: {  	s18 =	simm.s32 $0x0;
	[tilespmem:s2+$0x33C0] =	vst v0  }
0x3d1: {  	[hbm4b:s30+s18] =	stream.linear.scatter [tilespmem:s12], [sflag:$0x3], $0x3200, $0x38;
	[tilespmem:$0x9790] =	vst v63  }
0x3d2: {  	_ =	swait.ge [sflag:s9], $0x3200  }
0x3d3: {  	[sflag:s9] =	ssyncset.done $0x0  }
0x3d4: {  	s4 =	rddreg [dreg:$0x1e];
	[sflag:s9] =	ssyncadd.s32 $0xFFFFCE00  }
0x3d5: {  	[tilespmem:s10], [sflag:$0x3] =	stream.linear.gather [hbm4b:s4+s18], $0xC8, $0x38;
	[tilespmem:$0x9790] =	vst v63  }
0x3d6: {  	_ =	swait.ge [sflag:s9], $0xC8  }
0x3d7: {  	[sflag:s9] =	ssyncset.done $0x0  }
0x3d8: {  	[sflag:s9] =	ssyncadd.s32 $0xFFFFFF38  }
0x3d9: {  	[tilespmem:s12], [sflag:$0x2] =	stream.indirect.gather [hbm4b:s6+s10], $0x40, s10, s10, $0xb8;
	[tilespmem:$0x9790] =	vst v63  }
0x3da: {  	_ =	swait.ge [sflag:s13], $0x3200  }
0x3db: {  	[sflag:s13] =	ssyncset.done $0x0  }
0x3dc: {  	s2 =	simm.s32 $0x0;
	[sflag:s13] =	ssyncadd.s32 $0xFFFFCE00  }
0x3dd: {  	v5 =	vld [tilespmem:s2+$0x6590]  }
0x3de: {  	v6 =	vld [tilespmem:s2+$0x65A0]  }
0x3df: {  	v1 =	vld [tilespmem:s2+$0x65B0]  }
0x3e0: {  	v0 =	vld [tilespmem:s2+$0x65C0]  }
0x3e1: {  	v2 =	vld [tilespmem:s2+$0x190]  }
0x3e2: {  	v4 =	vld [tilespmem:s2+$0x1A0]  }
0x3e3: {  	s4 =	simm.s32 $0x100;
	v3 =	vld [tilespmem:s2+$0x1B0]  }
.LBB2_54:
0x3e4: {  	s18 =	sshra.s32 s4, $0x2;
	p0 =	sne.s32 s4, $0xC700;
	v7 =	vld [tilespmem:s2+$0x1C0];
	v8 =	vmov v1  }
0x3e5: {  	v9 =	vld [tilespmem:s18+$0x6590];
	v10 =	vmov v0  }
0x3e6: {  	v11 =	vld [tilespmem:s18+$0x65A0];
	v2 =	vadd.f32 v5, v2  }
.Ltmp26:
0x3e7: {  	v1 =	vld [tilespmem:s18+$0x65B0];
	v4 =	vadd.f32 v6, v4;
	(pc) =	sbr.rel @p0 .LBB2_54-.Ltmp26, $4  }
0x3e8: {  	v0 =	vld [tilespmem:s18+$0x65C0];
	[tilespmem:s2+$0x190] =	vst v2;
	v3 =	vadd.f32 v8, v3  }
0x3e9: {  	v2 =	vld [tilespmem:s18+$0x190];
	[tilespmem:s2+$0x1A0] =	vst v4;
	v7 =	vadd.f32 v10, v7  }
0x3ea: {  	v4 =	vld [tilespmem:s18+$0x1A0];
	[tilespmem:s2+$0x1B0] =	vst v3;
	v5 =	vmov v9  }
0x3eb: {  	s4 =	sadd.s32 $0x100, s4;
	v3 =	vld [tilespmem:s18+$0x1B0];
	[tilespmem:s2+$0x1C0] =	vst v7;
	v6 =	vmov v11;
	s2 =	smov.u32 s18  }
0x3ec: {  	v7 =	vld [tilespmem:s2+$0x1C0];
	_ =	sdelay $0x1  }
0x3ed: {  	v2 =	vadd.f32 v5, v2  }
0x3ee: {  	v4 =	vadd.f32 v6, v4  }
0x3ef: {  	[tilespmem:s2+$0x190] =	vst v2;
	v1 =	vadd.f32 v1, v3  }
0x3f0: {  	[tilespmem:s2+$0x1A0] =	vst v4;
	v0 =	vadd.f32 v0, v7  }
0x3f1: {  	[tilespmem:s2+$0x1B0] =	vst v1  }
0x3f2: {  	s18 =	simm.s32 $0x0;
	[tilespmem:s2+$0x1C0] =	vst v0  }
0x3f3: {  	[hbm4b:s31+s18] =	stream.linear.scatter [tilespmem:s11], [sflag:$0x3], $0x3200, $0x38;
	[tilespmem:$0x9790] =	vst v63  }
0x3f4: {  	_ =	swait.ge [sflag:s9], $0x3200  }
0x3f5: {  	[sflag:s9] =	ssyncset.done $0x0  }
0x3f6: {  	s4 =	rddreg [dreg:$0x1f];
	[sflag:s9] =	ssyncadd.s32 $0xFFFFCE00  }
0x3f7: {  	[tilespmem:s18], [sflag:$0x3] =	stream.linear.gather [hbm4b:s4+s18], $0xC8, $0x38;
	[tilespmem:$0x9790] =	vst v63  }
0x3f8: {  	_ =	swait.ge [sflag:s9], $0xC8  }
0x3f9: {  	[sflag:s9] =	ssyncset.done $0x0  }
0x3fa: {  	[sflag:s9] =	ssyncadd.s32 $0xFFFFFF38  }
0x3fb: {  	[tilespmem:s11], [sflag:$0x1] =	stream.indirect.gather [hbm4b:s6+s10], $0x40, s18, s10, $0xb8;
	[tilespmem:$0x9790] =	vst v63  }
0x3fc: {  	_ =	swait.ge [sflag:s14], $0x3200  }
0x3fd: {  	[sflag:s14] =	ssyncset.done $0x0  }
0x3fe: {  	s2 =	simm.s32 $0x0;
	[sflag:s14] =	ssyncadd.s32 $0xFFFFCE00  }
0x3ff: {  	v5 =	vld [tilespmem:s2+$0x6590]  }
0x400: {  	v6 =	vld [tilespmem:s2+$0x65A0]  }
0x401: {  	v1 =	vld [tilespmem:s2+$0x65B0]  }
0x402: {  	v0 =	vld [tilespmem:s2+$0x65C0]  }
0x403: {  	v2 =	vld [tilespmem:s2+$0x3390]  }
0x404: {  	v4 =	vld [tilespmem:s2+$0x33A0]  }
0x405: {  	s4 =	simm.s32 $0x100;
	v3 =	vld [tilespmem:s2+$0x33B0]  }
.LBB2_56:
0x406: {  	s18 =	sshra.s32 s4, $0x2;
	p0 =	sne.s32 s4, $0xC700;
	v7 =	vld [tilespmem:s2+$0x33C0];
	v8 =	vmov v1  }
0x407: {  	v9 =	vld [tilespmem:s18+$0x6590];
	v10 =	vmov v0  }
0x408: {  	v11 =	vld [tilespmem:s18+$0x65A0];
	v2 =	vadd.f32 v5, v2  }
.Ltmp27:
0x409: {  	v1 =	vld [tilespmem:s18+$0x65B0];
	v4 =	vadd.f32 v6, v4;
	(pc) =	sbr.rel @p0 .LBB2_56-.Ltmp27, $4  }
0x40a: {  	v0 =	vld [tilespmem:s18+$0x65C0];
	[tilespmem:s2+$0x3390] =	vst v2;
	v3 =	vadd.f32 v8, v3  }
0x40b: {  	v2 =	vld [tilespmem:s18+$0x3390];
	[tilespmem:s2+$0x33A0] =	vst v4;
	v7 =	vadd.f32 v10, v7  }
0x40c: {  	v4 =	vld [tilespmem:s18+$0x33A0];
	[tilespmem:s2+$0x33B0] =	vst v3;
	v5 =	vmov v9  }
0x40d: {  	s4 =	sadd.s32 $0x100, s4;
	v3 =	vld [tilespmem:s18+$0x33B0];
	[tilespmem:s2+$0x33C0] =	vst v7;
	v6 =	vmov v11;
	s2 =	smov.u32 s18  }
0x40e: {  	v7 =	vld [tilespmem:s2+$0x33C0];
	_ =	sdelay $0x1  }
0x40f: {  	v2 =	vadd.f32 v5, v2  }
0x410: {  	v4 =	vadd.f32 v6, v4  }
0x411: {  	[tilespmem:s2+$0x3390] =	vst v2;
	v1 =	vadd.f32 v1, v3  }
0x412: {  	[tilespmem:s2+$0x33A0] =	vst v4;
	v0 =	vadd.f32 v0, v7  }
0x413: {  	[tilespmem:s2+$0x33B0] =	vst v1  }
0x414: {  	s18 =	simm.s32 $0x0;
	[tilespmem:s2+$0x33C0] =	vst v0  }
0x415: {  	[hbm4b:s1+s18] =	stream.linear.scatter [tilespmem:s12], [sflag:$0x3], $0x3200, $0x38;
	[tilespmem:$0x9790] =	vst v63  }
0x416: {  	_ =	swait.ge [sflag:s9], $0x3200  }
0x417: {  	s4 =	sld [smem:$0x7E5]  }
0x418: {  	[sflag:s9] =	ssyncset.done $0x0  }
0x419: {  	[sflag:s9] =	ssyncadd.s32 $0xFFFFCE00  }
0x41a: {  	[tilespmem:s10], [sflag:$0x3] =	stream.linear.gather [hbm4b:s4+s18], $0xC8, $0x38;
	[tilespmem:$0x9790] =	vst v63  }
0x41b: {  	_ =	swait.ge [sflag:s9], $0xC8  }
0x41c: {  	[sflag:s9] =	ssyncset.done $0x0  }
0x41d: {  	[sflag:s9] =	ssyncadd.s32 $0xFFFFFF38  }
0x41e: {  	[tilespmem:s12], [sflag:$0x2] =	stream.indirect.gather [hbm4b:s6+s10], $0x40, s10, s10, $0xb8;
	[tilespmem:$0x9790] =	vst v63  }
0x41f: {  	_ =	swait.ge [sflag:s13], $0x3200  }
0x420: {  	[sflag:s13] =	ssyncset.done $0x0  }
0x421: {  	s2 =	simm.s32 $0x0;
	[sflag:s13] =	ssyncadd.s32 $0xFFFFCE00  }
0x422: {  	v5 =	vld [tilespmem:s2+$0x6590]  }
0x423: {  	v6 =	vld [tilespmem:s2+$0x65A0]  }
0x424: {  	v1 =	vld [tilespmem:s2+$0x65B0]  }
0x425: {  	v0 =	vld [tilespmem:s2+$0x65C0]  }
0x426: {  	v2 =	vld [tilespmem:s2+$0x190]  }
0x427: {  	v4 =	vld [tilespmem:s2+$0x1A0]  }
0x428: {  	s4 =	simm.s32 $0x100;
	v3 =	vld [tilespmem:s2+$0x1B0]  }
.LBB2_58:
0x429: {  	s18 =	sshra.s32 s4, $0x2;
	p0 =	sne.s32 s4, $0xC700;
	v7 =	vld [tilespmem:s2+$0x1C0];
	v8 =	vmov v1  }
0x42a: {  	v9 =	vld [tilespmem:s18+$0x6590];
	v10 =	vmov v0  }
0x42b: {  	v11 =	vld [tilespmem:s18+$0x65A0];
	v2 =	vadd.f32 v5, v2  }
.Ltmp28:
0x42c: {  	v1 =	vld [tilespmem:s18+$0x65B0];
	v4 =	vadd.f32 v6, v4;
	(pc) =	sbr.rel @p0 .LBB2_58-.Ltmp28, $4  }
0x42d: {  	v0 =	vld [tilespmem:s18+$0x65C0];
	[tilespmem:s2+$0x190] =	vst v2;
	v3 =	vadd.f32 v8, v3  }
0x42e: {  	v2 =	vld [tilespmem:s18+$0x190];
	[tilespmem:s2+$0x1A0] =	vst v4;
	v7 =	vadd.f32 v10, v7  }
0x42f: {  	v4 =	vld [tilespmem:s18+$0x1A0];
	[tilespmem:s2+$0x1B0] =	vst v3;
	v5 =	vmov v9  }
0x430: {  	s4 =	sadd.s32 $0x100, s4;
	v3 =	vld [tilespmem:s18+$0x1B0];
	[tilespmem:s2+$0x1C0] =	vst v7;
	v6 =	vmov v11;
	s2 =	smov.u32 s18  }
0x431: {  	v7 =	vld [tilespmem:s2+$0x1C0];
	_ =	sdelay $0x1  }
0x432: {  	v2 =	vadd.f32 v5, v2  }
0x433: {  	v4 =	vadd.f32 v6, v4  }
0x434: {  	[tilespmem:s2+$0x190] =	vst v2;
	v1 =	vadd.f32 v1, v3  }
0x435: {  	[tilespmem:s2+$0x1A0] =	vst v4;
	v0 =	vadd.f32 v0, v7  }
0x436: {  	[tilespmem:s2+$0x1B0] =	vst v1  }
0x437: {  	s18 =	simm.s32 $0x0;
	[tilespmem:s2+$0x1C0] =	vst v0  }
0x438: {  	[hbm4b:s17+s18] =	stream.linear.scatter [tilespmem:s11], [sflag:$0x3], $0x3200, $0x38;
	[tilespmem:$0x9790] =	vst v63  }
0x439: {  	_ =	swait.ge [sflag:s9], $0x3200  }
0x43a: {  	s4 =	sld [smem:$0x7E6]  }
0x43b: {  	[sflag:s9] =	ssyncset.done $0x0  }
0x43c: {  	[sflag:s9] =	ssyncadd.s32 $0xFFFFCE00  }
0x43d: {  	[tilespmem:s18], [sflag:$0x3] =	stream.linear.gather [hbm4b:s4+s18], $0xC8, $0x38;
	[tilespmem:$0x9790] =	vst v63  }
0x43e: {  	_ =	swait.ge [sflag:s9], $0xC8  }
0x43f: {  	[sflag:s9] =	ssyncset.done $0x0  }
0x440: {  	[sflag:s9] =	ssyncadd.s32 $0xFFFFFF38  }
0x441: {  	[tilespmem:s11], [sflag:$0x1] =	stream.indirect.gather [hbm4b:s6+s10], $0x40, s18, s10, $0xb8;
	[tilespmem:$0x9790] =	vst v63  }
0x442: {  	_ =	swait.ge [sflag:s14], $0x3200  }
0x443: {  	[sflag:s14] =	ssyncset.done $0x0  }
0x444: {  	s2 =	simm.s32 $0x0;
	[sflag:s14] =	ssyncadd.s32 $0xFFFFCE00  }
0x445: {  	v5 =	vld [tilespmem:s2+$0x6590]  }
0x446: {  	v6 =	vld [tilespmem:s2+$0x65A0]  }
0x447: {  	v1 =	vld [tilespmem:s2+$0x65B0]  }
0x448: {  	v0 =	vld [tilespmem:s2+$0x65C0]  }
0x449: {  	v2 =	vld [tilespmem:s2+$0x3390]  }
0x44a: {  	v4 =	vld [tilespmem:s2+$0x33A0]  }
0x44b: {  	s4 =	simm.s32 $0x100;
	v3 =	vld [tilespmem:s2+$0x33B0]  }
.LBB2_60:
0x44c: {  	s18 =	sshra.s32 s4, $0x2;
	p0 =	sne.s32 s4, $0xC700;
	v7 =	vld [tilespmem:s2+$0x33C0];
	v8 =	vmov v1  }
0x44d: {  	v9 =	vld [tilespmem:s18+$0x6590];
	v10 =	vmov v0  }
0x44e: {  	v11 =	vld [tilespmem:s18+$0x65A0];
	v2 =	vadd.f32 v5, v2  }
.Ltmp29:
0x44f: {  	v1 =	vld [tilespmem:s18+$0x65B0];
	v4 =	vadd.f32 v6, v4;
	(pc) =	sbr.rel @p0 .LBB2_60-.Ltmp29, $4  }
0x450: {  	v0 =	vld [tilespmem:s18+$0x65C0];
	[tilespmem:s2+$0x3390] =	vst v2;
	v3 =	vadd.f32 v8, v3  }
0x451: {  	v2 =	vld [tilespmem:s18+$0x3390];
	[tilespmem:s2+$0x33A0] =	vst v4;
	v7 =	vadd.f32 v10, v7  }
0x452: {  	v4 =	vld [tilespmem:s18+$0x33A0];
	[tilespmem:s2+$0x33B0] =	vst v3;
	v5 =	vmov v9  }
0x453: {  	s4 =	sadd.s32 $0x100, s4;
	v3 =	vld [tilespmem:s18+$0x33B0];
	[tilespmem:s2+$0x33C0] =	vst v7;
	v6 =	vmov v11;
	s2 =	smov.u32 s18  }
0x454: {  	v7 =	vld [tilespmem:s2+$0x33C0];
	_ =	sdelay $0x1  }
0x455: {  	v2 =	vadd.f32 v5, v2  }
0x456: {  	v4 =	vadd.f32 v6, v4  }
0x457: {  	[tilespmem:s2+$0x3390] =	vst v2;
	v1 =	vadd.f32 v1, v3  }
0x458: {  	[tilespmem:s2+$0x33A0] =	vst v4;
	v0 =	vadd.f32 v0, v7  }
0x459: {  	[tilespmem:s2+$0x33B0] =	vst v1  }
0x45a: {  	s18 =	simm.s32 $0x0;
	[tilespmem:s2+$0x33C0] =	vst v0  }
0x45b: {  	[hbm4b:s3+s18] =	stream.linear.scatter [tilespmem:s12], [sflag:$0x3], $0x3200, $0x38;
	[tilespmem:$0x9790] =	vst v63  }
0x45c: {  	_ =	swait.ge [sflag:s9], $0x3200  }
0x45d: {  	s4 =	sld [smem:$0x7E7]  }
0x45e: {  	[sflag:s9] =	ssyncset.done $0x0  }
0x45f: {  	[sflag:s9] =	ssyncadd.s32 $0xFFFFCE00  }
0x460: {  	[tilespmem:s10], [sflag:$0x3] =	stream.linear.gather [hbm4b:s4+s18], $0xC8, $0x38;
	[tilespmem:$0x9790] =	vst v63  }
0x461: {  	_ =	swait.ge [sflag:s9], $0xC8  }
0x462: {  	[sflag:s9] =	ssyncset.done $0x0  }
0x463: {  	[sflag:s9] =	ssyncadd.s32 $0xFFFFFF38  }
0x464: {  	[tilespmem:s12], [sflag:$0x2] =	stream.indirect.gather [hbm4b:s6+s10], $0x40, s10, s10, $0xb8;
	[tilespmem:$0x9790] =	vst v63  }
0x465: {  	_ =	swait.ge [sflag:s13], $0x3200  }
0x466: {  	[sflag:s13] =	ssyncset.done $0x0  }
0x467: {  	s2 =	simm.s32 $0x0;
	[sflag:s13] =	ssyncadd.s32 $0xFFFFCE00  }
0x468: {  	v5 =	vld [tilespmem:s2+$0x6590]  }
0x469: {  	v6 =	vld [tilespmem:s2+$0x65A0]  }
0x46a: {  	v1 =	vld [tilespmem:s2+$0x65B0]  }
0x46b: {  	v0 =	vld [tilespmem:s2+$0x65C0]  }
0x46c: {  	v2 =	vld [tilespmem:s2+$0x190]  }
0x46d: {  	v4 =	vld [tilespmem:s2+$0x1A0]  }
0x46e: {  	s4 =	simm.s32 $0x100;
	v3 =	vld [tilespmem:s2+$0x1B0]  }
.LBB2_62:
0x46f: {  	s18 =	sshra.s32 s4, $0x2;
	p0 =	sne.s32 s4, $0xC700;
	v7 =	vld [tilespmem:s2+$0x1C0];
	v8 =	vmov v1  }
0x470: {  	v9 =	vld [tilespmem:s18+$0x6590];
	v10 =	vmov v0  }
0x471: {  	v11 =	vld [tilespmem:s18+$0x65A0];
	v2 =	vadd.f32 v5, v2  }
.Ltmp30:
0x472: {  	v1 =	vld [tilespmem:s18+$0x65B0];
	v4 =	vadd.f32 v6, v4;
	(pc) =	sbr.rel @p0 .LBB2_62-.Ltmp30, $4  }
0x473: {  	v0 =	vld [tilespmem:s18+$0x65C0];
	[tilespmem:s2+$0x190] =	vst v2;
	v3 =	vadd.f32 v8, v3  }
0x474: {  	v2 =	vld [tilespmem:s18+$0x190];
	[tilespmem:s2+$0x1A0] =	vst v4;
	v7 =	vadd.f32 v10, v7  }
0x475: {  	v4 =	vld [tilespmem:s18+$0x1A0];
	[tilespmem:s2+$0x1B0] =	vst v3;
	v5 =	vmov v9  }
0x476: {  	s4 =	sadd.s32 $0x100, s4;
	v3 =	vld [tilespmem:s18+$0x1B0];
	[tilespmem:s2+$0x1C0] =	vst v7;
	v6 =	vmov v11;
	s2 =	smov.u32 s18  }
0x477: {  	v7 =	vld [tilespmem:s2+$0x1C0];
	_ =	sdelay $0x1  }
0x478: {  	v2 =	vadd.f32 v5, v2  }
0x479: {  	v4 =	vadd.f32 v6, v4  }
0x47a: {  	[tilespmem:s2+$0x190] =	vst v2;
	v1 =	vadd.f32 v1, v3  }
0x47b: {  	[tilespmem:s2+$0x1A0] =	vst v4;
	v0 =	vadd.f32 v0, v7  }
0x47c: {  	[tilespmem:s2+$0x1B0] =	vst v1  }
0x47d: {  	s18 =	simm.s32 $0x0;
	[tilespmem:s2+$0x1C0] =	vst v0  }
0x47e: {  	[hbm4b:s0+s18] =	stream.linear.scatter [tilespmem:s11], [sflag:$0x3], $0x3200, $0x38;
	[tilespmem:$0x9790] =	vst v63  }
0x47f: {  	_ =	swait.ge [sflag:s9], $0x3200  }
0x480: {  	[sflag:s9] =	ssyncset.done $0x0  }
0x481: {  	[sflag:s9] =	ssyncadd.s32 $0xFFFFCE00  }
0x482: {  	_ =	swait.ge [sflag:s14], $0x3200  }
0x483: {  	[sflag:s14] =	ssyncset.done $0x0  }
0x484: {  	s2 =	simm.s32 $0x0;
	[sflag:s14] =	ssyncadd.s32 $0xFFFFCE00  }
0x485: {  	v5 =	vld [tilespmem:s2+$0x6590]  }
0x486: {  	v6 =	vld [tilespmem:s2+$0x65A0]  }
0x487: {  	v1 =	vld [tilespmem:s2+$0x65B0]  }
0x488: {  	v0 =	vld [tilespmem:s2+$0x65C0]  }
0x489: {  	v2 =	vld [tilespmem:s2+$0x3390]  }
0x48a: {  	v4 =	vld [tilespmem:s2+$0x33A0]  }
0x48b: {  	s4 =	simm.s32 $0x100;
	v3 =	vld [tilespmem:s2+$0x33B0]  }
.LBB2_64:
0x48c: {  	s18 =	sshra.s32 s4, $0x2;
	p0 =	sne.s32 s4, $0xC700;
	v7 =	vld [tilespmem:s2+$0x33C0];
	v8 =	vmov v1  }
0x48d: {  	v9 =	vld [tilespmem:s18+$0x6590];
	v10 =	vmov v0  }
0x48e: {  	v11 =	vld [tilespmem:s18+$0x65A0];
	v2 =	vadd.f32 v5, v2  }
.Ltmp31:
0x48f: {  	v1 =	vld [tilespmem:s18+$0x65B0];
	v4 =	vadd.f32 v6, v4;
	(pc) =	sbr.rel @p0 .LBB2_64-.Ltmp31, $4  }
0x490: {  	v0 =	vld [tilespmem:s18+$0x65C0];
	[tilespmem:s2+$0x3390] =	vst v2;
	v3 =	vadd.f32 v8, v3  }
0x491: {  	v2 =	vld [tilespmem:s18+$0x3390];
	[tilespmem:s2+$0x33A0] =	vst v4;
	v7 =	vadd.f32 v10, v7  }
0x492: {  	v4 =	vld [tilespmem:s18+$0x33A0];
	[tilespmem:s2+$0x33B0] =	vst v3;
	v5 =	vmov v9  }
0x493: {  	s4 =	sadd.s32 $0x100, s4;
	v3 =	vld [tilespmem:s18+$0x33B0];
	[tilespmem:s2+$0x33C0] =	vst v7;
	v6 =	vmov v11;
	s2 =	smov.u32 s18  }
0x494: {  	v7 =	vld [tilespmem:s2+$0x33C0];
	_ =	sdelay $0x1  }
0x495: {  	v2 =	vadd.f32 v5, v2  }
0x496: {  	v4 =	vadd.f32 v6, v4  }
0x497: {  	[tilespmem:s2+$0x3390] =	vst v2;
	v1 =	vadd.f32 v1, v3  }
0x498: {  	s15 =	sadd.s32 $0x1, s15;
	[tilespmem:s2+$0x33A0] =	vst v4;
	v0 =	vadd.f32 v0, v7  }
0x499: {  	p0 =	sne.s32 s15, s8;
	[tilespmem:s2+$0x33B0] =	vst v1  }
.Ltmp32:
0x49a: {  	[tilespmem:s2+$0x33C0] =	vst v0;
	(pc) =	sbr.rel @p0 .LBB2_1-.Ltmp32, $4  }
0x49b: {  	[hbm4b:s5+s16] =	stream.linear.scatter [tilespmem:s12], [sflag:$0x3], $0x3200, $0x38;
	[tilespmem:$0x9790] =	vst v63  }
0x49c: {  	_ =	swait.ge [sflag:s9], $0x3200  }
0x49d: {  	[sflag:s9] =	ssyncset.done $0x0  }
0x49e: {  	[sflag:s9] =	ssyncadd.s32 $0xFFFFCE00  }
0x49f: {  	_ =	sfence.sel $0x180000  }
0x4a0: {  	[bflag:$0x0] =	sbarrier.arrive $0xFFFF  }
0x4a1: {  	_ =	strace $0x90000047  }
0x4a2: {  	s0 =	stileid.u32;
	[bflag:$0x2] =	sbarrier.arrive $0xFFFF  }
0x4a3: {  	p0 =	sne.s32 s0, $0x0;
	s0 =	rddreg [dreg:$0x2]  }
0x4a4: {  	s0 =	sadd.s32 @!p0 $0x100000, s0  }
0x4a5: {  	[sflag:s0] =	ssyncadd.tile.s32 @!p0 $0x1;
	_ =	shalt  }
.Lfunc_end2:
_tile_overlayer_lowered:
.L_overlay_start_2:
0x4a6: {  	(tag) =	ssettag $0x2  }
0x4a7: {  	s0 =	rddreg [dreg:$0x0];
	s2 =	stileid.u32  }
0x4a8: {  	s1 =	rddreg [dreg:$0x1];
	p0 =	sne.s32 s2, $0x0  }
0x4a9: {  	s3 =	rddreg [dreg:$0x2];
	[bflag:$0x3] =	sbarrier.arrive $0xFFFF;
	s2 =	simm.s32 @!p0 $0x1C03  }
0x4aa: {  	[timem:s3], [sflag:s2] =	dma.local @!p0 [hbm:s0], s1  }
0x4ab: {  	s0 =	simm.s32 @!p0 $0x3  }
0x4ac: {  	_ =	swait.ge @!p0 [sflag:s0], s1  }
0x4ad: {  	s1 =	ssub.s32 @!p0 $0x0, s1;
	[sflag:s0] =	ssyncset.done @!p0 $0x0  }
0x4ae: {  	[sflag:s0] =	ssyncadd.s32 @!p0 s1  }
0x4af: {  	[bflag:$0x3] =	sbarrier.arrive $0xFFFF  }
0x4b0: {  	_ =	shalt  }

</sc_bundles>
